<compile_context>
chip_gen: v7x
topology: tpu7x:2x2x1
jax: 0.10.2.dev20260603
libtpu: 0.0.44.dev20260713+nightly
codegen_flags: <defaults>
</compile_context>

<pallas_src>
import functools

import jax
import jax.numpy as jnp
from jax import lax
from jax.experimental import pallas as pl
from jax.experimental.pallas import tpu as pltpu
from jax.experimental.pallas import tpu_sc as plsc

_N_NODES = 10000
_N_EDGES = 320000
_OUT = 128
_NUM_LAYERS = 3

_NC, _NS = 2, 16
_NW = _NC * _NS
_EPW = _N_EDGES // _NW
_CH = 80
_NCH = _EPW // _CH
_DG = 25
_NG = _NCH // _DG
_NPAD = 10240
_RPS = _NPAD // _NS
_NWC = _RPS // _CH


def _seg_body(m_hbm, src_hbm, dst_hbm, out_hbm,
              srcs_v, dstg_v, rows_a, rows_b, acc_sh, sem_a, sem_b, sem_d):
    cid = lax.axis_index("c")
    sid = lax.axis_index("s")
    wid = cid * _NS + sid

    pltpu.make_async_copy(src_hbm.at[wid], srcs_v, sem_a).start()

    def zrow(i, carry):
        for j in range(_OUT // 16):
            rows_a[i, pl.ds(j * 16, 16)] = jnp.zeros((16,), jnp.float32)
        return carry
    lax.fori_loop(0, _CH, zrow, 0)

    def zcp(z, carry):
        pltpu.make_async_copy(
            rows_a, acc_sh.at[pl.ds(sid * _RPS + z * _CH, _CH)],
            sem_b).start()
        return carry
    lax.fori_loop(0, _NWC, zcp, 0)

    def zwait(z, carry):
        pltpu.make_async_copy(
            rows_a, acc_sh.at[pl.ds(sid * _RPS + z * _CH, _CH)],
            sem_b).wait()
        return carry
    lax.fori_loop(0, _NWC, zwait, 0)
    pltpu.make_async_copy(src_hbm.at[wid], srcs_v, sem_a).wait()
    pltpu.sync_copy(dst_hbm.at[wid, 0], dstg_v.at[pl.ds(0, _DG)])
    pltpu.make_async_copy(dst_hbm.at[wid, 1], dstg_v.at[pl.ds(_DG, _DG)],
                          sem_d).start()
    plsc.subcore_barrier()

    def load_dst_group(c):
        g = c // _DG

        @pl.when(jnp.logical_and(c % _DG == 0, g > 0))
        def _():
            pltpu.make_async_copy(
                dst_hbm.at[wid, g],
                dstg_v.at[pl.ds((g % 2) * _DG, _DG)], sem_d).wait()

            @pl.when(g + 1 < _NG)
            def _():
                pltpu.make_async_copy(
                    dst_hbm.at[wid, g + 1],
                    dstg_v.at[pl.ds(((g + 1) % 2) * _DG, _DG)],
                    sem_d).start()

    def gather_start(c, buf, sem):
        pltpu.make_async_copy(m_hbm.at[srcs_v.at[c]], buf, sem).start()

    def gather_wait(c, buf, sem):
        pltpu.make_async_copy(m_hbm.at[srcs_v.at[c]], buf, sem).wait()

    def scatter(c, buf):
        row = (c // _DG % 2) * _DG + c % _DG
        pltpu.sync_copy(buf, acc_sh.at[dstg_v.at[row]], add=True)

    gather_start(0, rows_a, sem_a)

    def pair(kk, carry):
        c0 = kk * 2
        gather_start(c0 + 1, rows_b, sem_b)
        load_dst_group(c0)
        gather_wait(c0, rows_a, sem_a)
        scatter(c0, rows_a)
        gather_start(c0 + 2, rows_a, sem_a)
        load_dst_group(c0 + 1)
        gather_wait(c0 + 1, rows_b, sem_b)
        scatter(c0 + 1, rows_b)
        return carry
    lax.fori_loop(0, (_NCH - 3) // 2, pair, 0)

    gather_start(_NCH - 2, rows_b, sem_b)
    gather_wait(_NCH - 3, rows_a, sem_a)
    scatter(_NCH - 3, rows_a)
    gather_start(_NCH - 1, rows_a, sem_a)
    load_dst_group(_NCH - 1)
    gather_wait(_NCH - 2, rows_b, sem_b)
    scatter(_NCH - 2, rows_b)
    gather_wait(_NCH - 1, rows_a, sem_a)
    scatter(_NCH - 1, rows_a)
    plsc.subcore_barrier()

    def wout(z, carry):
        r0 = sid * _RPS + z * _CH
        pltpu.sync_copy(acc_sh.at[pl.ds(r0, _CH)],
                        out_hbm.at[cid, pl.ds(r0, _CH)])
        return carry
    lax.fori_loop(0, _NWC, wout, 0)


_seg_sum = functools.partial(
    pl.kernel,
    out_type=jax.ShapeDtypeStruct((_NC, _NPAD, _OUT), jnp.float32),
    mesh=plsc.VectorSubcoreMesh(core_axis_name="c", subcore_axis_name="s"),
    scratch_types=[
        pltpu.VMEM((_NCH, _CH), jnp.int32),
        pltpu.VMEM((2 * _DG, _CH), jnp.int32),
        pltpu.VMEM((_CH, _OUT), jnp.float32),
        pltpu.VMEM((_CH, _OUT), jnp.float32),
        pltpu.VMEM_SHARED((_NPAD, _OUT), jnp.float32),
        pltpu.SemaphoreType.DMA,
        pltpu.SemaphoreType.DMA,
        pltpu.SemaphoreType.DMA,
    ],
)(_seg_body)


_R = 2000


def _mm_body(x_ref, w_ref, o_ref):
    o_ref[...] = jnp.dot(x_ref[...], w_ref[...],
                         preferred_element_type=jnp.float32)


def _matmul(x, w):
    return pl.pallas_call(
        _mm_body,
        grid=(_N_NODES // _R,),
        in_specs=[pl.BlockSpec((_R, _OUT), lambda i: (i, 0)),
                  pl.BlockSpec((_OUT, _OUT), lambda i: (0, 0))],
        out_specs=pl.BlockSpec((_R, _OUT), lambda i: (i, 0)),
        out_shape=jax.ShapeDtypeStruct((_N_NODES, _OUT), jnp.float32),
    )(x, w)


def _gru_math(parts_ref, h, wihT, whhT, bih, bhh):
    agg = parts_ref[0] + parts_ref[1]
    gi = jnp.dot(agg, wihT, preferred_element_type=jnp.float32) + bih
    gh = jnp.dot(h, whhT, preferred_element_type=jnp.float32) + bhh
    r = jax.nn.sigmoid(gi[:, :_OUT] + gh[:, :_OUT])
    z = jax.nn.sigmoid(gi[:, _OUT:2 * _OUT] + gh[:, _OUT:2 * _OUT])
    n = jnp.tanh(gi[:, 2 * _OUT:] + r * gh[:, 2 * _OUT:])
    return (1.0 - z) * n + z * h


def _gru_mid_body(parts_ref, h_ref, wihT_ref, whhT_ref, bih_ref,
                  bhh_ref, wn_ref, hnew_ref, mnext_ref):
    hnew = _gru_math(parts_ref, h_ref[...], wihT_ref[...],
                     whhT_ref[...], bih_ref[...], bhh_ref[...])
    hnew_ref[...] = hnew
    mnext_ref[...] = jnp.dot(hnew, wn_ref[...],
                             preferred_element_type=jnp.float32)


def _gru_last_body(parts_ref, h_ref, wihT_ref, whhT_ref, bih_ref,
                   bhh_ref, linT_ref, lb_ref, out_ref):
    hnew = _gru_math(parts_ref, h_ref[...], wihT_ref[...],
                     whhT_ref[...], bih_ref[...], bhh_ref[...])
    out_ref[...] = jnp.dot(jax.nn.relu(hnew), linT_ref[...],
                           preferred_element_type=jnp.float32) + lb_ref[...]


def _row_spec():
    return pl.BlockSpec((_R, _OUT), lambda i: (i, 0))


def _parts_spec():
    return pl.BlockSpec((_NC, _R, _OUT), lambda i: (0, i, 0))


def _full_spec(r, c):
    return pl.BlockSpec((r, c), lambda i: (0, 0))


def _gru_mid(parts, h, wihT, whhT, bih, bhh, wn):
    return pl.pallas_call(
        _gru_mid_body,
        grid=(_N_NODES // _R,),
        in_specs=[_parts_spec(), _row_spec(),
                  _full_spec(_OUT, 3 * _OUT), _full_spec(_OUT, 3 * _OUT),
                  _full_spec(1, 3 * _OUT), _full_spec(1, 3 * _OUT),
                  _full_spec(_OUT, _OUT)],
        out_specs=[_row_spec(), _row_spec()],
        out_shape=[jax.ShapeDtypeStruct((_N_NODES, _OUT), jnp.float32),
                   jax.ShapeDtypeStruct((_N_NODES, _OUT), jnp.float32)],
    )(parts, h, wihT, whhT, bih, bhh, wn)


def _gru_last(parts, h, wihT, whhT, bih, bhh, linT, lb):
    return pl.pallas_call(
        _gru_last_body,
        grid=(_N_NODES // _R,),
        in_specs=[_parts_spec(), _row_spec(),
                  _full_spec(_OUT, 3 * _OUT), _full_spec(_OUT, 3 * _OUT),
                  _full_spec(1, 3 * _OUT), _full_spec(1, 3 * _OUT),
                  _full_spec(_OUT, _OUT), _full_spec(1, _OUT)],
        out_specs=_row_spec(),
        out_shape=jax.ShapeDtypeStruct((_N_NODES, _OUT), jnp.float32),
    )(parts, h, wihT, whhT, bih, bhh, linT, lb)


def kernel(x, edge_index, conv_weight, w_ih, w_hh, b_ih, b_hh, lin_w, lin_b):
    ei = edge_index.astype(jnp.int32)
    src = ei[0].reshape(_NW, _NCH, _CH)
    dst = ei[1].reshape(_NW, _NG, _DG, _CH)
    wihT = w_ih.T
    whhT = w_hh.T
    bih = b_ih.reshape(1, 3 * _OUT)
    bhh = b_hh.reshape(1, 3 * _OUT)
    linT = lin_w.T
    lb = lin_b.reshape(1, _OUT)

    h = x
    m = _matmul(x, conv_weight[0])
    out = None
    for i in range(_NUM_LAYERS):
        parts = _seg_sum(m, src, dst)
        if i < _NUM_LAYERS - 1:
            h, m = _gru_mid(parts, h, wihT, whhT, bih, bhh,
                            conv_weight[i + 1])
        else:
            out = _gru_last(parts, h, wihT, whhT, bih, bhh, linT, lb)
    return out

# --- scband reference (transcript-rebuilt; emitter-appended) ---
"""Pipeline reference for scband-ggnn-32779190403505 (READ-ONLY COPY).

The authoritative reference and input builder live on the scoring server;
editing this copy changes nothing except your own understanding.
"""

import jax, jax.numpy as jnp
import numpy as np

N_NODES = 10000
N_EDGES = 320000
OUT = 128
NUM_LAYERS = 3


def setup_inputs(seed: int = 0) -> dict:
    key = jax.random.key(seed)
    ks = jax.random.split(key, 10)
    x = jax.random.normal(ks[0], (N_NODES, OUT), dtype=jnp.float32)
    edge_index = jax.random.randint(ks[1], (2, N_EDGES), 0, N_NODES, dtype=jnp.int64)
    s = 1.0 / np.sqrt(OUT)
    conv_weight = jax.random.uniform(ks[2], (NUM_LAYERS, OUT, OUT), dtype=jnp.float32, minval=-s, maxval=s)
    w_ih = jax.random.uniform(ks[3], (3 * OUT, OUT), dtype=jnp.float32, minval=-s, maxval=s)
    w_hh = jax.random.uniform(ks[4], (3 * OUT, OUT), dtype=jnp.float32, minval=-s, maxval=s)
    b_ih = jax.random.uniform(ks[5], (3 * OUT,), dtype=jnp.float32, minval=-s, maxval=s)
    b_hh = jax.random.uniform(ks[6], (3 * OUT,), dtype=jnp.float32, minval=-s, maxval=s)
    lin_w = jax.random.uniform(ks[7], (OUT, OUT), dtype=jnp.float32, minval=-s, maxval=s)
    lin_b = jax.random.uniform(ks[8], (OUT,), dtype=jnp.float32, minval=-s, maxval=s)
    return {"x": x, "edge_index": edge_index, "conv_weight": conv_weight,
            "w_ih": w_ih, "w_hh": w_hh, "b_ih": b_ih, "b_hh": b_hh,
            "lin_w": lin_w, "lin_b": lin_b}


def _gru_cell(m, h, w_ih, w_hh, b_ih, b_hh):
    gi = m @ w_ih.T + b_ih
    gh = h @ w_hh.T + b_hh
    i_r, i_z, i_n = jnp.split(gi, 3, axis=-1)
    h_r, h_z, h_n = jnp.split(gh, 3, axis=-1)
    r = jax.nn.sigmoid(i_r + h_r)
    z = jax.nn.sigmoid(i_z + h_z)
    n = jnp.tanh(i_n + r * h_n)
    return (1.0 - z) * n + z * h


def reference(x, edge_index, conv_weight, w_ih, w_hh, b_ih, b_hh, lin_w, lin_b):
    src = edge_index[0]
    dst = edge_index[1]
    h = x  # in_channels == out_channels, no padding needed
    for i in range(NUM_LAYERS):
        m = h @ conv_weight[i]
        # message: m[src]; aggregate: scatter-add at dst (source_to_target flow)
        agg = jax.ops.segment_sum(jnp.take(m, src, axis=0), dst, num_segments=N_NODES)
        h = _gru_cell(agg, h, w_ih, w_hh, b_ih, b_hh)
    h = jax.nn.relu(h)
    out = h @ lin_w.T + lin_b
    return out

if __name__ == "__main__":
    import jax
    _d = setup_inputs()
    print(jax.jit(kernel)(*tuple(_d.values())))

</pallas_src>

<mosaic_0001>
#map = affine_map<(d0, d1) -> (0, 0)>
#map1 = affine_map<(d0, d1) -> (0, 0, 0)>
#map2 = affine_map<(d0, d1) -> (0, 0, 0, 0)>
module attributes {stable_mosaic.version = 14 : i64} {
  func.func @_seg_body(%arg0: i32, %arg1: i32, %arg2: memref<10000x128xf32, #tpu.memory_space<hbm>>, %arg3: memref<32x125x80xi32, #tpu.memory_space<hbm>>, %arg4: memref<32x5x25x80xi32, #tpu.memory_space<hbm>>, %arg5: memref<2x10240x128xf32, #tpu.memory_space<hbm>>, %arg6: memref<125x80xi32, #tpu.memory_space<vmem>>, %arg7: memref<50x80xi32, #tpu.memory_space<vmem>>, %arg8: memref<80x128xf32, #tpu.memory_space<vmem>>, %arg9: memref<80x128xf32, #tpu.memory_space<vmem>>, %arg10: memref<10240x128xf32, #tpu.memory_space<vmem_shared>>, %arg11: memref<!tpu.dma_semaphore, #tpu.memory_space<semaphore_mem>>, %arg12: memref<!tpu.dma_semaphore, #tpu.memory_space<semaphore_mem>>, %arg13: memref<!tpu.dma_semaphore, #tpu.memory_space<semaphore_mem>>) attributes {dimension_semantics = [#tpu.dimension_semantics<core_parallel>, #tpu.dimension_semantics<subcore_parallel>], iteration_bounds = array<i64: 2, 16>, scalar_prefetch = 0 : i64, scratch_operands = 8 : i64, tpu.core_type = #tpu.core_type<sc_vector_subcore>, window_params = [{transform_indices = #map}, {transform_indices = #map1}, {transform_indices = #map2}, {transform_indices = #map1}]} {
    %mul3A = arith.constant 16 : i32
    %mul3A_0 = arith.muli %arg0, %mul3A : i32
    %add3A = arith.addi %mul3A_0, %arg1 : i32
    %dma_start3A = arith.constant 0 : i32
    %dma_start3A_1 = arith.constant 0 : i32
    %dma_start3A_2 = tpu.memref_slice %arg3[%add3A, %dma_start3A, %dma_start3A_1] : memref<32x125x80xi32, #tpu.memory_space<hbm>> -> memref<1x125x80xi32, #tpu.memory_space<hbm>>
    %dma_start3A_3 = tpu.memref_squeeze %dma_start3A_2 : memref<1x125x80xi32, #tpu.memory_space<hbm>> -> memref<125x80xi32, #tpu.memory_space<hbm>>
    %dma_start3A_4 = arith.constant 0 : i32
    %dma_start3A_5 = arith.constant 0 : i32
    %dma_start3A_6 = tpu.memref_slice %arg3[%add3A, %dma_start3A_4, %dma_start3A_5] : memref<32x125x80xi32, #tpu.memory_space<hbm>> -> memref<1x125x80xi32, #tpu.memory_space<hbm>>
    %dma_start3A_7 = tpu.memref_squeeze %dma_start3A_6 : memref<1x125x80xi32, #tpu.memory_space<hbm>> -> memref<125x80xi32, #tpu.memory_space<hbm>>
    tpu.enqueue_dma source(%dma_start3A_7 : memref<125x80xi32, #tpu.memory_space<hbm>>) target(%arg6 : memref<125x80xi32, #tpu.memory_space<vmem>>) target_semaphore(%arg11 : memref<!tpu.dma_semaphore, #tpu.memory_space<semaphore_mem>>)
    %scan3A = arith.constant 0 : i32
    %scan3A_8 = arith.constant 0 : i32
    %scan3A_9 = arith.constant 80 : i32
    %scan3A_10 = arith.addi %scan3A_8, %scan3A_9 : i32
    %scan3A_11 = arith.constant 1 : i32
    scf.for %scan3A_108 = %scan3A_8 to %scan3A_10 step %scan3A_11  : i32 {
      %broadcast_in_dim3A = arith.constant 0.000000e+00 : f32
      %broadcast_in_dim3A_109 = vector.broadcast %broadcast_in_dim3A : f32 to vector<16xf32>
      %swap3A = arith.index_cast %scan3A_108 : i32 to index
      %swap3A_110 = arith.constant 0 : index
      %swap3A_111 = tpu.vector_load %arg8[%swap3A, %swap3A_110] {strides = array<i32>} : memref<80x128xf32, #tpu.memory_space<vmem>>, vector<1x16xf32>,
      %swap3A_112 = vector.shape_cast %swap3A_111 : vector<1x16xf32> to vector<16xf32>
      %swap3A_113 = vector.shape_cast %broadcast_in_dim3A_109 : vector<16xf32> to vector<1x16xf32>
      tpu.vector_store %arg8[%swap3A, %swap3A_110], %swap3A_113 {strides = array<i32>} : memref<80x128xf32, #tpu.memory_space<vmem>>, vector<1x16xf32>,
      %broadcast_in_dim3A_114 = arith.constant 0.000000e+00 : f32
      %broadcast_in_dim3A_115 = vector.broadcast %broadcast_in_dim3A_114 : f32 to vector<16xf32>
      %swap3A_116 = arith.index_cast %scan3A_108 : i32 to index
      %swap3A_117 = arith.constant 16 : index
      %swap3A_118 = tpu.vector_load %arg8[%swap3A_116, %swap3A_117] {strides = array<i32>} : memref<80x128xf32, #tpu.memory_space<vmem>>, vector<1x16xf32>,
      %swap3A_119 = vector.shape_cast %swap3A_118 : vector<1x16xf32> to vector<16xf32>
      %swap3A_120 = vector.shape_cast %broadcast_in_dim3A_115 : vector<16xf32> to vector<1x16xf32>
      tpu.vector_store %arg8[%swap3A_116, %swap3A_117], %swap3A_120 {strides = array<i32>} : memref<80x128xf32, #tpu.memory_space<vmem>>, vector<1x16xf32>,
      %broadcast_in_dim3A_121 = arith.constant 0.000000e+00 : f32
      %broadcast_in_dim3A_122 = vector.broadcast %broadcast_in_dim3A_121 : f32 to vector<16xf32>
      %swap3A_123 = arith.index_cast %scan3A_108 : i32 to index
      %swap3A_124 = arith.constant 32 : index
      %swap3A_125 = tpu.vector_load %arg8[%swap3A_123, %swap3A_124] {strides = array<i32>} : memref<80x128xf32, #tpu.memory_space<vmem>>, vector<1x16xf32>,
      %swap3A_126 = vector.shape_cast %swap3A_125 : vector<1x16xf32> to vector<16xf32>
      %swap3A_127 = vector.shape_cast %broadcast_in_dim3A_122 : vector<16xf32> to vector<1x16xf32>
      tpu.vector_store %arg8[%swap3A_123, %swap3A_124], %swap3A_127 {strides = array<i32>} : memref<80x128xf32, #tpu.memory_space<vmem>>, vector<1x16xf32>,
      %broadcast_in_dim3A_128 = arith.constant 0.000000e+00 : f32
      %broadcast_in_dim3A_129 = vector.broadcast %broadcast_in_dim3A_128 : f32 to vector<16xf32>
      %swap3A_130 = arith.index_cast %scan3A_108 : i32 to index
      %swap3A_131 = arith.constant 48 : index
      %swap3A_132 = tpu.vector_load %arg8[%swap3A_130, %swap3A_131] {strides = array<i32>} : memref<80x128xf32, #tpu.memory_space<vmem>>, vector<1x16xf32>,
      %swap3A_133 = vector.shape_cast %swap3A_132 : vector<1x16xf32> to vector<16xf32>
      %swap3A_134 = vector.shape_cast %broadcast_in_dim3A_129 : vector<16xf32> to vector<1x16xf32>
      tpu.vector_store %arg8[%swap3A_130, %swap3A_131], %swap3A_134 {strides = array<i32>} : memref<80x128xf32, #tpu.memory_space<vmem>>, vector<1x16xf32>,
      %broadcast_in_dim3A_135 = arith.constant 0.000000e+00 : f32
      %broadcast_in_dim3A_136 = vector.broadcast %broadcast_in_dim3A_135 : f32 to vector<16xf32>
      %swap3A_137 = arith.index_cast %scan3A_108 : i32 to index
      %swap3A_138 = arith.constant 64 : index
      %swap3A_139 = tpu.vector_load %arg8[%swap3A_137, %swap3A_138] {strides = array<i32>} : memref<80x128xf32, #tpu.memory_space<vmem>>, vector<1x16xf32>,
      %swap3A_140 = vector.shape_cast %swap3A_139 : vector<1x16xf32> to vector<16xf32>
      %swap3A_141 = vector.shape_cast %broadcast_in_dim3A_136 : vector<16xf32> to vector<1x16xf32>
      tpu.vector_store %arg8[%swap3A_137, %swap3A_138], %swap3A_141 {strides = array<i32>} : memref<80x128xf32, #tpu.memory_space<vmem>>, vector<1x16xf32>,
      %broadcast_in_dim3A_142 = arith.constant 0.000000e+00 : f32
      %broadcast_in_dim3A_143 = vector.broadcast %broadcast_in_dim3A_142 : f32 to vector<16xf32>
      %swap3A_144 = arith.index_cast %scan3A_108 : i32 to index
      %swap3A_145 = arith.constant 80 : index
      %swap3A_146 = tpu.vector_load %arg8[%swap3A_144, %swap3A_145] {strides = array<i32>} : memref<80x128xf32, #tpu.memory_space<vmem>>, vector<1x16xf32>,
      %swap3A_147 = vector.shape_cast %swap3A_146 : vector<1x16xf32> to vector<16xf32>
      %swap3A_148 = vector.shape_cast %broadcast_in_dim3A_143 : vector<16xf32> to vector<1x16xf32>
      tpu.vector_store %arg8[%swap3A_144, %swap3A_145], %swap3A_148 {strides = array<i32>} : memref<80x128xf32, #tpu.memory_space<vmem>>, vector<1x16xf32>,
      %broadcast_in_dim3A_149 = arith.constant 0.000000e+00 : f32
      %broadcast_in_dim3A_150 = vector.broadcast %broadcast_in_dim3A_149 : f32 to vector<16xf32>
      %swap3A_151 = arith.index_cast %scan3A_108 : i32 to index
      %swap3A_152 = arith.constant 96 : index
      %swap3A_153 = tpu.vector_load %arg8[%swap3A_151, %swap3A_152] {strides = array<i32>} : memref<80x128xf32, #tpu.memory_space<vmem>>, vector<1x16xf32>,
      %swap3A_154 = vector.shape_cast %swap3A_153 : vector<1x16xf32> to vector<16xf32>
      %swap3A_155 = vector.shape_cast %broadcast_in_dim3A_150 : vector<16xf32> to vector<1x16xf32>
      tpu.vector_store %arg8[%swap3A_151, %swap3A_152], %swap3A_155 {strides = array<i32>} : memref<80x128xf32, #tpu.memory_space<vmem>>, vector<1x16xf32>,
      %broadcast_in_dim3A_156 = arith.constant 0.000000e+00 : f32
      %broadcast_in_dim3A_157 = vector.broadcast %broadcast_in_dim3A_156 : f32 to vector<16xf32>
      %swap3A_158 = arith.index_cast %scan3A_108 : i32 to index
      %swap3A_159 = arith.constant 112 : index
      %swap3A_160 = tpu.vector_load %arg8[%swap3A_158, %swap3A_159] {strides = array<i32>} : memref<80x128xf32, #tpu.memory_space<vmem>>, vector<1x16xf32>,
      %swap3A_161 = vector.shape_cast %swap3A_160 : vector<1x16xf32> to vector<16xf32>
      %swap3A_162 = vector.shape_cast %broadcast_in_dim3A_157 : vector<16xf32> to vector<1x16xf32>
      tpu.vector_store %arg8[%swap3A_158, %swap3A_159], %swap3A_162 {strides = array<i32>} : memref<80x128xf32, #tpu.memory_space<vmem>>, vector<1x16xf32>,
    }
    %scan3A_12 = arith.constant 80 : i32
    %scan3A_13 = arith.constant 0 : i32
    %scan3A_14 = arith.constant 0 : i32
    %scan3A_15 = arith.constant 8 : i32
    %scan3A_16 = arith.addi %scan3A_14, %scan3A_15 : i32
    %scan3A_17 = arith.constant 1 : i32
    scf.for %scan3A_108 = %scan3A_14 to %scan3A_16 step %scan3A_17  : i32 {
      %mul3A_109 = arith.constant 640 : i32
      %mul3A_110 = arith.muli %arg1, %mul3A_109 : i32
      %mul3A_111 = arith.constant 80 : i32
      %mul3A_112 = arith.muli %scan3A_108, %mul3A_111 : i32
      %add3A_113 = arith.addi %mul3A_110, %mul3A_112 : i32
      %dma_start3A_114 = arith.constant 0 : i32
      %dma_start3A_115 = tpu.memref_slice %arg10[%add3A_113, %dma_start3A_114] : memref<10240x128xf32, #tpu.memory_space<vmem_shared>> -> memref<80x128xf32, #tpu.memory_space<vmem_shared>>
      %dma_start3A_116 = arith.constant 0 : i32
      %dma_start3A_117 = tpu.memref_slice %arg10[%add3A_113, %dma_start3A_116] : memref<10240x128xf32, #tpu.memory_space<vmem_shared>> -> memref<80x128xf32, #tpu.memory_space<vmem_shared>>
      tpu.enqueue_dma source(%arg8 : memref<80x128xf32, #tpu.memory_space<vmem>>) target(%dma_start3A_117 : memref<80x128xf32, #tpu.memory_space<vmem_shared>>) target_semaphore(%arg12 : memref<!tpu.dma_semaphore, #tpu.memory_space<semaphore_mem>>)
    }
    %scan3A_18 = arith.constant 8 : i32
    %scan3A_19 = arith.constant 0 : i32
    %scan3A_20 = arith.constant 0 : i32
    %scan3A_21 = arith.constant 8 : i32
    %scan3A_22 = arith.addi %scan3A_20, %scan3A_21 : i32
    %scan3A_23 = arith.constant 1 : i32
    scf.for %scan3A_108 = %scan3A_20 to %scan3A_22 step %scan3A_23  : i32 {
      %mul3A_109 = arith.constant 640 : i32
      %mul3A_110 = arith.muli %arg1, %mul3A_109 : i32
      %mul3A_111 = arith.constant 80 : i32
      %mul3A_112 = arith.muli %scan3A_108, %mul3A_111 : i32
      %add3A_113 = arith.addi %mul3A_110, %mul3A_112 : i32
      %dma_wait3A_114 = arith.constant 0 : i32
      %dma_wait3A_115 = tpu.memref_slice %arg10[%add3A_113, %dma_wait3A_114] : memref<10240x128xf32, #tpu.memory_space<vmem_shared>> -> memref<80x128xf32, #tpu.memory_space<vmem_shared>>
      %dma_wait3A_116 = arith.constant 0 : i32
      %dma_wait3A_117 = tpu.memref_slice %arg10[%add3A_113, %dma_wait3A_116] : memref<10240x128xf32, #tpu.memory_space<vmem_shared>> -> memref<80x128xf32, #tpu.memory_space<vmem_shared>>
      tpu.wait_dma2 semaphore(%arg12 : memref<!tpu.dma_semaphore, #tpu.memory_space<semaphore_mem>>) src(%arg8 : memref<80x128xf32, #tpu.memory_space<vmem>>) dst(%dma_wait3A_117 : memref<80x128xf32, #tpu.memory_space<vmem_shared>>)
    }
    %scan3A_24 = arith.constant 8 : i32
    %dma_wait3A = arith.constant 0 : i32
    %dma_wait3A_25 = arith.constant 0 : i32
    %dma_wait3A_26 = tpu.memref_slice %arg3[%add3A, %dma_wait3A, %dma_wait3A_25] : memref<32x125x80xi32, #tpu.memory_space<hbm>> -> memref<1x125x80xi32, #tpu.memory_space<hbm>>
    %dma_wait3A_27 = tpu.memref_squeeze %dma_wait3A_26 : memref<1x125x80xi32, #tpu.memory_space<hbm>> -> memref<125x80xi32, #tpu.memory_space<hbm>>
    %dma_wait3A_28 = arith.constant 0 : i32
    %dma_wait3A_29 = arith.constant 0 : i32
    %dma_wait3A_30 = tpu.memref_slice %arg3[%add3A, %dma_wait3A_28, %dma_wait3A_29] : memref<32x125x80xi32, #tpu.memory_space<hbm>> -> memref<1x125x80xi32, #tpu.memory_space<hbm>>
    %dma_wait3A_31 = tpu.memref_squeeze %dma_wait3A_30 : memref<1x125x80xi32, #tpu.memory_space<hbm>> -> memref<125x80xi32, #tpu.memory_space<hbm>>
    tpu.wait_dma2 semaphore(%arg11 : memref<!tpu.dma_semaphore, #tpu.memory_space<semaphore_mem>>) src(%dma_wait3A_31 : memref<125x80xi32, #tpu.memory_space<hbm>>) dst(%arg6 : memref<125x80xi32, #tpu.memory_space<vmem>>)
    %run_scoped3A = arith.constant 0 : i32
    "tpu.region"() ({
      %run_scoped3A_108 = tpu.sem_alloc : memref<!tpu.dma_semaphore, #tpu.memory_space<semaphore_mem>>
      %dma_start3A_109 = arith.constant 0 : i32
      %dma_start3A_110 = arith.constant 0 : i32
      %dma_start3A_111 = tpu.memref_slice %arg7[%dma_start3A_109, %dma_start3A_110] : memref<50x80xi32, #tpu.memory_space<vmem>> -> memref<25x80xi32, #tpu.memory_space<vmem>>
      %dma_start3A_112 = arith.constant 0 : i32
      %dma_start3A_113 = arith.constant 0 : i32
      %dma_start3A_114 = tpu.memref_slice %arg4[%add3A, %run_scoped3A, %dma_start3A_112, %dma_start3A_113] : memref<32x5x25x80xi32, #tpu.memory_space<hbm>> -> memref<1x1x25x80xi32, #tpu.memory_space<hbm>>
      %dma_start3A_115 = tpu.memref_squeeze %dma_start3A_114 : memref<1x1x25x80xi32, #tpu.memory_space<hbm>> -> memref<25x80xi32, #tpu.memory_space<hbm>>
      %dma_start3A_116 = arith.constant 0 : i32
      %dma_start3A_117 = arith.constant 0 : i32
      %dma_start3A_118 = tpu.memref_slice %arg7[%dma_start3A_116, %dma_start3A_117] : memref<50x80xi32, #tpu.memory_space<vmem>> -> memref<25x80xi32, #tpu.memory_space<vmem>>
      %dma_start3A_119 = arith.constant 0 : i32
      %dma_start3A_120 = arith.constant 0 : i32
      %dma_start3A_121 = tpu.memref_slice %arg4[%add3A, %run_scoped3A, %dma_start3A_119, %dma_start3A_120] : memref<32x5x25x80xi32, #tpu.memory_space<hbm>> -> memref<1x1x25x80xi32, #tpu.memory_space<hbm>>
      %dma_start3A_122 = tpu.memref_squeeze %dma_start3A_121 : memref<1x1x25x80xi32, #tpu.memory_space<hbm>> -> memref<25x80xi32, #tpu.memory_space<hbm>>
      tpu.enqueue_dma source(%dma_start3A_122 : memref<25x80xi32, #tpu.memory_space<hbm>>) target(%dma_start3A_118 : memref<25x80xi32, #tpu.memory_space<vmem>>) target_semaphore(%run_scoped3A_108 : memref<!tpu.dma_semaphore, #tpu.memory_space<semaphore_mem>>)
      %dma_wait3A_123 = arith.constant 0 : i32
      %dma_wait3A_124 = arith.constant 0 : i32
      %dma_wait3A_125 = tpu.memref_slice %arg7[%dma_wait3A_123, %dma_wait3A_124] : memref<50x80xi32, #tpu.memory_space<vmem>> -> memref<25x80xi32, #tpu.memory_space<vmem>>
      %dma_wait3A_126 = arith.constant 0 : i32
      %dma_wait3A_127 = arith.constant 0 : i32
      %dma_wait3A_128 = tpu.memref_slice %arg4[%add3A, %run_scoped3A, %dma_wait3A_126, %dma_wait3A_127] : memref<32x5x25x80xi32, #tpu.memory_space<hbm>> -> memref<1x1x25x80xi32, #tpu.memory_space<hbm>>
      %dma_wait3A_129 = tpu.memref_squeeze %dma_wait3A_128 : memref<1x1x25x80xi32, #tpu.memory_space<hbm>> -> memref<25x80xi32, #tpu.memory_space<hbm>>
      %dma_wait3A_130 = arith.constant 0 : i32
      %dma_wait3A_131 = arith.constant 0 : i32
      %dma_wait3A_132 = tpu.memref_slice %arg7[%dma_wait3A_130, %dma_wait3A_131] : memref<50x80xi32, #tpu.memory_space<vmem>> -> memref<25x80xi32, #tpu.memory_space<vmem>>
      %dma_wait3A_133 = arith.constant 0 : i32
      %dma_wait3A_134 = arith.constant 0 : i32
      %dma_wait3A_135 = tpu.memref_slice %arg4[%add3A, %run_scoped3A, %dma_wait3A_133, %dma_wait3A_134] : memref<32x5x25x80xi32, #tpu.memory_space<hbm>> -> memref<1x1x25x80xi32, #tpu.memory_space<hbm>>
      %dma_wait3A_136 = tpu.memref_squeeze %dma_wait3A_135 : memref<1x1x25x80xi32, #tpu.memory_space<hbm>> -> memref<25x80xi32, #tpu.memory_space<hbm>>
      tpu.wait_dma2 semaphore(%run_scoped3A_108 : memref<!tpu.dma_semaphore, #tpu.memory_space<semaphore_mem>>) src(%dma_wait3A_136 : memref<25x80xi32, #tpu.memory_space<hbm>>) dst(%dma_wait3A_132 : memref<25x80xi32, #tpu.memory_space<vmem>>)
      tpu.yield
    }) : () -> ()
    %dma_start3A_32 = arith.constant 1 : i32
    %dma_start3A_33 = arith.constant 25 : i32
    %dma_start3A_34 = arith.constant 0 : i32
    %dma_start3A_35 = tpu.memref_slice %arg7[%dma_start3A_33, %dma_start3A_34] : memref<50x80xi32, #tpu.memory_space<vmem>> -> memref<25x80xi32, #tpu.memory_space<vmem>>
    %dma_start3A_36 = arith.constant 0 : i32
    %dma_start3A_37 = arith.constant 0 : i32
    %dma_start3A_38 = tpu.memref_slice %arg4[%add3A, %dma_start3A_32, %dma_start3A_36, %dma_start3A_37] : memref<32x5x25x80xi32, #tpu.memory_space<hbm>> -> memref<1x1x25x80xi32, #tpu.memory_space<hbm>>
    %dma_start3A_39 = tpu.memref_squeeze %dma_start3A_38 : memref<1x1x25x80xi32, #tpu.memory_space<hbm>> -> memref<25x80xi32, #tpu.memory_space<hbm>>
    %dma_start3A_40 = arith.constant 25 : i32
    %dma_start3A_41 = arith.constant 0 : i32
    %dma_start3A_42 = tpu.memref_slice %arg7[%dma_start3A_40, %dma_start3A_41] : memref<50x80xi32, #tpu.memory_space<vmem>> -> memref<25x80xi32, #tpu.memory_space<vmem>>
    %dma_start3A_43 = arith.constant 0 : i32
    %dma_start3A_44 = arith.constant 0 : i32
    %dma_start3A_45 = tpu.memref_slice %arg4[%add3A, %dma_start3A_32, %dma_start3A_43, %dma_start3A_44] : memref<32x5x25x80xi32, #tpu.memory_space<hbm>> -> memref<1x1x25x80xi32, #tpu.memory_space<hbm>>
    %dma_start3A_46 = tpu.memref_squeeze %dma_start3A_45 : memref<1x1x25x80xi32, #tpu.memory_space<hbm>> -> memref<25x80xi32, #tpu.memory_space<hbm>>
    tpu.enqueue_dma source(%dma_start3A_46 : memref<25x80xi32, #tpu.memory_space<hbm>>) target(%dma_start3A_42 : memref<25x80xi32, #tpu.memory_space<vmem>>) target_semaphore(%arg13 : memref<!tpu.dma_semaphore, #tpu.memory_space<semaphore_mem>>)
    %barrier3A = arith.constant 0 : index
    tpu.barrier barrier_id(%barrier3A)
    %dma_start3A_47 = arith.constant 0 : i32
    %dma_start3A_48 = arith.constant 0 : i32
    %dma_start3A_49 = tpu.memref_slice %arg6[%dma_start3A_47, %dma_start3A_48] : memref<125x80xi32, #tpu.memory_space<vmem>> -> memref<1x80xi32, #tpu.memory_space<vmem>>
    %dma_start3A_50 = tpu.memref_squeeze %dma_start3A_49 : memref<1x80xi32, #tpu.memory_space<vmem>> -> memref<80xi32, #tpu.memory_space<vmem>>
    %dma_start3A_51 = arith.constant 0 : i32
    %dma_start3A_52 = arith.constant 0 : i32
    %dma_start3A_53 = tpu.memref_slice %arg2[%dma_start3A_51, %dma_start3A_52] : memref<10000x128xf32, #tpu.memory_space<hbm>> -> memref<10000x128xf32, #tpu.memory_space<hbm>>
    tpu.enqueue_indirect_dma source(%dma_start3A_53 : memref<10000x128xf32, #tpu.memory_space<hbm>>) target(%arg8 : memref<80x128xf32, #tpu.memory_space<vmem>>) offsets(%dma_start3A_50 : memref<80xi32, #tpu.memory_space<vmem>>) semaphore(%arg11 : memref<!tpu.dma_semaphore, #tpu.memory_space<semaphore_mem>>)
    %scan3A_54 = arith.constant 0 : i32
    %scan3A_55 = arith.constant 0 : i32
    %scan3A_56 = arith.constant 61 : i32
    %scan3A_57 = arith.addi %scan3A_55, %scan3A_56 : i32
    %scan3A_58 = arith.constant 1 : i32
    scf.for %scan3A_108 = %scan3A_55 to %scan3A_57 step %scan3A_58  : i32 {
      %mul3A_109 = arith.constant 2 : i32
      %mul3A_110 = arith.muli %scan3A_108, %mul3A_109 : i32
      %add3A_111 = arith.constant 1 : i32
      %add3A_112 = arith.addi %mul3A_110, %add3A_111 : i32
      %dma_start3A_113 = arith.constant 0 : i32
      %dma_start3A_114 = tpu.memref_slice %arg6[%add3A_112, %dma_start3A_113] : memref<125x80xi32, #tpu.memory_space<vmem>> -> memref<1x80xi32, #tpu.memory_space<vmem>>
      %dma_start3A_115 = tpu.memref_squeeze %dma_start3A_114 : memref<1x80xi32, #tpu.memory_space<vmem>> -> memref<80xi32, #tpu.memory_space<vmem>>
      %dma_start3A_116 = arith.constant 0 : i32
      %dma_start3A_117 = arith.constant 0 : i32
      %dma_start3A_118 = tpu.memref_slice %arg2[%dma_start3A_116, %dma_start3A_117] : memref<10000x128xf32, #tpu.memory_space<hbm>> -> memref<10000x128xf32, #tpu.memory_space<hbm>>
      tpu.enqueue_indirect_dma source(%dma_start3A_118 : memref<10000x128xf32, #tpu.memory_space<hbm>>) target(%arg9 : memref<80x128xf32, #tpu.memory_space<vmem>>) offsets(%dma_start3A_115 : memref<80xi32, #tpu.memory_space<vmem>>) semaphore(%arg12 : memref<!tpu.dma_semaphore, #tpu.memory_space<semaphore_mem>>)
      %jit3A = arith.constant 25 : i32
      %div3A = arith.divsi %mul3A_110, %jit3A : i32
      %sign3A = arith.constant 0 : i32
      %sign3A_119 = arith.cmpi sgt, %mul3A_110, %sign3A : i32
      %sign3A_120 = arith.extui %sign3A_119 : i1 to i32
      %sign3A_121 = arith.constant 0 : i32
      %sign3A_122 = arith.cmpi slt, %mul3A_110, %sign3A_121 : i32
      %sign3A_123 = arith.extui %sign3A_122 : i1 to i32
      %sign3A_124 = arith.subi %sign3A_120, %sign3A_123 : i32
      %sign3A_125 = arith.constant 0 : i32
      %sign3A_126 = arith.cmpi sgt, %jit3A, %sign3A_125 : i32
      %sign3A_127 = arith.extui %sign3A_126 : i1 to i32
      %sign3A_128 = arith.constant 0 : i32
      %sign3A_129 = arith.cmpi slt, %jit3A, %sign3A_128 : i32
      %sign3A_130 = arith.extui %sign3A_129 : i1 to i32
      %sign3A_131 = arith.subi %sign3A_127, %sign3A_130 : i32
      %ne3A = arith.cmpi ne, %sign3A_124, %sign3A_131 : i32
      %rem3A = arith.remsi %mul3A_110, %jit3A : i32
      %ne3A_132 = arith.constant 0 : i32
      %ne3A_133 = arith.cmpi ne, %rem3A, %ne3A_132 : i32
      %and3A_134 = arith.andi %ne3A, %ne3A_133 : i1
      %sub3A = arith.constant 1 : i32
      %sub3A_135 = arith.subi %div3A, %sub3A : i32
      %select_n3A = arith.select %and3A_134, %sub3A_135, %div3A : i32
      %jit3A_136 = arith.constant 25 : i32
      %eq3A = arith.constant 0 : i32
      %eq3A_137 = arith.cmpi eq, %jit3A_136, %eq3A : i32
      %jit3A_138 = arith.constant 1 : i32
      %select_n3A_139 = arith.select %eq3A_137, %jit3A_138, %jit3A_136 : i32
      %rem3A_140 = arith.remsi %mul3A_110, %select_n3A_139 : i32
      %ne3A_141 = arith.constant 0 : i32
      %ne3A_142 = arith.cmpi ne, %rem3A_140, %ne3A_141 : i32
      %lt3A = arith.constant 0 : i32
      %lt3A_143 = arith.cmpi slt, %rem3A_140, %lt3A : i32
      %lt3A_144 = arith.constant 0 : i32
      %lt3A_145 = arith.cmpi slt, %select_n3A_139, %lt3A_144 : i32
      %ne3A_146 = arith.xori %lt3A_143, %lt3A_145 : i1
      %and3A_147 = arith.andi %ne3A_146, %ne3A_142 : i1
      %add3A_148 = arith.addi %rem3A_140, %select_n3A_139 : i32
      %select_n3A_149 = arith.select %and3A_147, %add3A_148, %rem3A_140 : i32
      %eq3A_150 = arith.constant 0 : i32
      %eq3A_151 = arith.cmpi eq, %select_n3A_149, %eq3A_150 : i32
      %gt3A = arith.constant 0 : i32
      %gt3A_152 = arith.cmpi sgt, %select_n3A, %gt3A : i32
      %and3A_153 = arith.andi %eq3A_151, %gt3A_152 : i1
      %convert_element_type3A_154 = arith.extui %and3A_153 : i1 to i32
      %cond3A_155 = arith.constant 0 : i32
      %cond3A_156 = arith.cmpi ne, %convert_element_type3A_154, %cond3A_155 : i32
      scf.if %cond3A_156 {
        %jit3A_349 = arith.constant 2 : i32
        %eq3A_350 = arith.constant 0 : i32
        %eq3A_351 = arith.cmpi eq, %jit3A_349, %eq3A_350 : i32
        %jit3A_352 = arith.constant 1 : i32
        %select_n3A_353 = arith.select %eq3A_351, %jit3A_352, %jit3A_349 : i32
        %rem3A_354 = arith.remsi %select_n3A, %select_n3A_353 : i32
        %ne3A_355 = arith.constant 0 : i32
        %ne3A_356 = arith.cmpi ne, %rem3A_354, %ne3A_355 : i32
        %lt3A_357 = arith.constant 0 : i32
        %lt3A_358 = arith.cmpi slt, %rem3A_354, %lt3A_357 : i32
        %lt3A_359 = arith.constant 0 : i32
        %lt3A_360 = arith.cmpi slt, %select_n3A_353, %lt3A_359 : i32
        %ne3A_361 = arith.xori %lt3A_358, %lt3A_360 : i1
        %and3A_362 = arith.andi %ne3A_361, %ne3A_356 : i1
        %add3A_363 = arith.addi %rem3A_354, %select_n3A_353 : i32
        %select_n3A_364 = arith.select %and3A_362, %add3A_363, %rem3A_354 : i32
        %mul3A_365 = arith.constant 25 : i32
        %mul3A_366 = arith.muli %select_n3A_364, %mul3A_365 : i32
        %dma_wait3A_367 = arith.constant 0 : i32
        %dma_wait3A_368 = tpu.memref_slice %arg7[%mul3A_366, %dma_wait3A_367] : memref<50x80xi32, #tpu.memory_space<vmem>> -> memref<25x80xi32, #tpu.memory_space<vmem>>
        %dma_wait3A_369 = arith.constant 0 : i32
        %dma_wait3A_370 = arith.constant 0 : i32
        %dma_wait3A_371 = tpu.memref_slice %arg4[%add3A, %select_n3A, %dma_wait3A_369, %dma_wait3A_370] : memref<32x5x25x80xi32, #tpu.memory_space<hbm>> -> memref<1x1x25x80xi32, #tpu.memory_space<hbm>>
        %dma_wait3A_372 = tpu.memref_squeeze %dma_wait3A_371 : memref<1x1x25x80xi32, #tpu.memory_space<hbm>> -> memref<25x80xi32, #tpu.memory_space<hbm>>
        %dma_wait3A_373 = arith.constant 0 : i32
        %dma_wait3A_374 = tpu.memref_slice %arg7[%mul3A_366, %dma_wait3A_373] : memref<50x80xi32, #tpu.memory_space<vmem>> -> memref<25x80xi32, #tpu.memory_space<vmem>>
        %dma_wait3A_375 = arith.constant 0 : i32
        %dma_wait3A_376 = arith.constant 0 : i32
        %dma_wait3A_377 = tpu.memref_slice %arg4[%add3A, %select_n3A, %dma_wait3A_375, %dma_wait3A_376] : memref<32x5x25x80xi32, #tpu.memory_space<hbm>> -> memref<1x1x25x80xi32, #tpu.memory_space<hbm>>
        %dma_wait3A_378 = tpu.memref_squeeze %dma_wait3A_377 : memref<1x1x25x80xi32, #tpu.memory_space<hbm>> -> memref<25x80xi32, #tpu.memory_space<hbm>>
        tpu.wait_dma2 semaphore(%arg13 : memref<!tpu.dma_semaphore, #tpu.memory_space<semaphore_mem>>) src(%dma_wait3A_378 : memref<25x80xi32, #tpu.memory_space<hbm>>) dst(%dma_wait3A_374 : memref<25x80xi32, #tpu.memory_space<vmem>>)
        %add3A_379 = arith.constant 1 : i32
        %add3A_380 = arith.addi %select_n3A, %add3A_379 : i32
        %lt3A_381 = arith.constant 5 : i32
        %lt3A_382 = arith.cmpi slt, %add3A_380, %lt3A_381 : i32
        %convert_element_type3A_383 = arith.extui %lt3A_382 : i1 to i32
        %cond3A_384 = arith.constant 0 : i32
        %cond3A_385 = arith.cmpi ne, %convert_element_type3A_383, %cond3A_384 : i32
        scf.if %cond3A_385 {
          %add3A_386 = arith.constant 1 : i32
          %add3A_387 = arith.addi %select_n3A, %add3A_386 : i32
          %add3A_388 = arith.constant 1 : i32
          %add3A_389 = arith.addi %select_n3A, %add3A_388 : i32
          %jit3A_390 = arith.constant 2 : i32
          %eq3A_391 = arith.constant 0 : i32
          %eq3A_392 = arith.cmpi eq, %jit3A_390, %eq3A_391 : i32
          %jit3A_393 = arith.constant 1 : i32
          %select_n3A_394 = arith.select %eq3A_392, %jit3A_393, %jit3A_390 : i32
          %rem3A_395 = arith.remsi %add3A_389, %select_n3A_394 : i32
          %ne3A_396 = arith.constant 0 : i32
          %ne3A_397 = arith.cmpi ne, %rem3A_395, %ne3A_396 : i32
          %lt3A_398 = arith.constant 0 : i32
          %lt3A_399 = arith.cmpi slt, %rem3A_395, %lt3A_398 : i32
          %lt3A_400 = arith.constant 0 : i32
          %lt3A_401 = arith.cmpi slt, %select_n3A_394, %lt3A_400 : i32
          %ne3A_402 = arith.xori %lt3A_399, %lt3A_401 : i1
          %and3A_403 = arith.andi %ne3A_402, %ne3A_397 : i1
          %add3A_404 = arith.addi %rem3A_395, %select_n3A_394 : i32
          %select_n3A_405 = arith.select %and3A_403, %add3A_404, %rem3A_395 : i32
          %mul3A_406 = arith.constant 25 : i32
          %mul3A_407 = arith.muli %select_n3A_405, %mul3A_406 : i32
          %dma_start3A_408 = arith.constant 0 : i32
          %dma_start3A_409 = tpu.memref_slice %arg7[%mul3A_407, %dma_start3A_408] : memref<50x80xi32, #tpu.memory_space<vmem>> -> memref<25x80xi32, #tpu.memory_space<vmem>>
          %dma_start3A_410 = arith.constant 0 : i32
          %dma_start3A_411 = arith.constant 0 : i32
          %dma_start3A_412 = tpu.memref_slice %arg4[%add3A, %add3A_387, %dma_start3A_410, %dma_start3A_411] : memref<32x5x25x80xi32, #tpu.memory_space<hbm>> -> memref<1x1x25x80xi32, #tpu.memory_space<hbm>>
          %dma_start3A_413 = tpu.memref_squeeze %dma_start3A_412 : memref<1x1x25x80xi32, #tpu.memory_space<hbm>> -> memref<25x80xi32, #tpu.memory_space<hbm>>
          %dma_start3A_414 = arith.constant 0 : i32
          %dma_start3A_415 = tpu.memref_slice %arg7[%mul3A_407, %dma_start3A_414] : memref<50x80xi32, #tpu.memory_space<vmem>> -> memref<25x80xi32, #tpu.memory_space<vmem>>
          %dma_start3A_416 = arith.constant 0 : i32
          %dma_start3A_417 = arith.constant 0 : i32
          %dma_start3A_418 = tpu.memref_slice %arg4[%add3A, %add3A_387, %dma_start3A_416, %dma_start3A_417] : memref<32x5x25x80xi32, #tpu.memory_space<hbm>> -> memref<1x1x25x80xi32, #tpu.memory_space<hbm>>
          %dma_start3A_419 = tpu.memref_squeeze %dma_start3A_418 : memref<1x1x25x80xi32, #tpu.memory_space<hbm>> -> memref<25x80xi32, #tpu.memory_space<hbm>>
          tpu.enqueue_dma source(%dma_start3A_419 : memref<25x80xi32, #tpu.memory_space<hbm>>) target(%dma_start3A_415 : memref<25x80xi32, #tpu.memory_space<vmem>>) target_semaphore(%arg13 : memref<!tpu.dma_semaphore, #tpu.memory_space<semaphore_mem>>)
        } else {
        }
      } else {
      }
      %dma_wait3A_157 = arith.constant 0 : i32
      %dma_wait3A_158 = tpu.memref_slice %arg6[%mul3A_110, %dma_wait3A_157] : memref<125x80xi32, #tpu.memory_space<vmem>> -> memref<1x80xi32, #tpu.memory_space<vmem>>
      %dma_wait3A_159 = tpu.memref_squeeze %dma_wait3A_158 : memref<1x80xi32, #tpu.memory_space<vmem>> -> memref<80xi32, #tpu.memory_space<vmem>>
      %dma_wait3A_160 = arith.constant 0 : i32
      %dma_wait3A_161 = arith.constant 0 : i32
      %dma_wait3A_162 = tpu.memref_slice %arg2[%dma_wait3A_160, %dma_wait3A_161] : memref<10000x128xf32, #tpu.memory_space<hbm>> -> memref<10000x128xf32, #tpu.memory_space<hbm>>
      tpu.wait_indirect_dma semaphore(%arg11 : memref<!tpu.dma_semaphore, #tpu.memory_space<semaphore_mem>>) src(%dma_wait3A_162 : memref<10000x128xf32, #tpu.memory_space<hbm>>) dst(%arg8 : memref<80x128xf32, #tpu.memory_space<vmem>>)
      %jit3A_163 = arith.constant 25 : i32
      %div3A_164 = arith.divsi %mul3A_110, %jit3A_163 : i32
      %sign3A_165 = arith.constant 0 : i32
      %sign3A_166 = arith.cmpi sgt, %mul3A_110, %sign3A_165 : i32
      %sign3A_167 = arith.extui %sign3A_166 : i1 to i32
      %sign3A_168 = arith.constant 0 : i32
      %sign3A_169 = arith.cmpi slt, %mul3A_110, %sign3A_168 : i32
      %sign3A_170 = arith.extui %sign3A_169 : i1 to i32
      %sign3A_171 = arith.subi %sign3A_167, %sign3A_170 : i32
      %sign3A_172 = arith.constant 0 : i32
      %sign3A_173 = arith.cmpi sgt, %jit3A_163, %sign3A_172 : i32
      %sign3A_174 = arith.extui %sign3A_173 : i1 to i32
      %sign3A_175 = arith.constant 0 : i32
      %sign3A_176 = arith.cmpi slt, %jit3A_163, %sign3A_175 : i32
      %sign3A_177 = arith.extui %sign3A_176 : i1 to i32
      %sign3A_178 = arith.subi %sign3A_174, %sign3A_177 : i32
      %ne3A_179 = arith.cmpi ne, %sign3A_171, %sign3A_178 : i32
      %rem3A_180 = arith.remsi %mul3A_110, %jit3A_163 : i32
      %ne3A_181 = arith.constant 0 : i32
      %ne3A_182 = arith.cmpi ne, %rem3A_180, %ne3A_181 : i32
      %and3A_183 = arith.andi %ne3A_179, %ne3A_182 : i1
      %sub3A_184 = arith.constant 1 : i32
      %sub3A_185 = arith.subi %div3A_164, %sub3A_184 : i32
      %select_n3A_186 = arith.select %and3A_183, %sub3A_185, %div3A_164 : i32
      %jit3A_187 = arith.constant 2 : i32
      %eq3A_188 = arith.constant 0 : i32
      %eq3A_189 = arith.cmpi eq, %jit3A_187, %eq3A_188 : i32
      %jit3A_190 = arith.constant 1 : i32
      %select_n3A_191 = arith.select %eq3A_189, %jit3A_190, %jit3A_187 : i32
      %rem3A_192 = arith.remsi %select_n3A_186, %select_n3A_191 : i32
      %ne3A_193 = arith.constant 0 : i32
      %ne3A_194 = arith.cmpi ne, %rem3A_192, %ne3A_193 : i32
      %lt3A_195 = arith.constant 0 : i32
      %lt3A_196 = arith.cmpi slt, %rem3A_192, %lt3A_195 : i32
      %lt3A_197 = arith.constant 0 : i32
      %lt3A_198 = arith.cmpi slt, %select_n3A_191, %lt3A_197 : i32
      %ne3A_199 = arith.xori %lt3A_196, %lt3A_198 : i1
      %and3A_200 = arith.andi %ne3A_199, %ne3A_194 : i1
      %add3A_201 = arith.addi %rem3A_192, %select_n3A_191 : i32
      %select_n3A_202 = arith.select %and3A_200, %add3A_201, %rem3A_192 : i32
      %mul3A_203 = arith.constant 25 : i32
      %mul3A_204 = arith.muli %select_n3A_202, %mul3A_203 : i32
      %jit3A_205 = arith.constant 25 : i32
      %eq3A_206 = arith.constant 0 : i32
      %eq3A_207 = arith.cmpi eq, %jit3A_205, %eq3A_206 : i32
      %jit3A_208 = arith.constant 1 : i32
      %select_n3A_209 = arith.select %eq3A_207, %jit3A_208, %jit3A_205 : i32
      %rem3A_210 = arith.remsi %mul3A_110, %select_n3A_209 : i32
      %ne3A_211 = arith.constant 0 : i32
      %ne3A_212 = arith.cmpi ne, %rem3A_210, %ne3A_211 : i32
      %lt3A_213 = arith.constant 0 : i32
      %lt3A_214 = arith.cmpi slt, %rem3A_210, %lt3A_213 : i32
      %lt3A_215 = arith.constant 0 : i32
      %lt3A_216 = arith.cmpi slt, %select_n3A_209, %lt3A_215 : i32
      %ne3A_217 = arith.xori %lt3A_214, %lt3A_216 : i1
      %and3A_218 = arith.andi %ne3A_217, %ne3A_212 : i1
      %add3A_219 = arith.addi %rem3A_210, %select_n3A_209 : i32
      %select_n3A_220 = arith.select %and3A_218, %add3A_219, %rem3A_210 : i32
      %add3A_221 = arith.addi %mul3A_204, %select_n3A_220 : i32
      "tpu.region"() ({
        %run_scoped3A_349 = tpu.sem_alloc : memref<!tpu.dma_semaphore, #tpu.memory_space<semaphore_mem>>
        %dma_start3A_350 = arith.constant 0 : i32
        %dma_start3A_351 = tpu.memref_slice %arg7[%add3A_221, %dma_start3A_350] : memref<50x80xi32, #tpu.memory_space<vmem>> -> memref<1x80xi32, #tpu.memory_space<vmem>>
        %dma_start3A_352 = tpu.memref_squeeze %dma_start3A_351 : memref<1x80xi32, #tpu.memory_space<vmem>> -> memref<80xi32, #tpu.memory_space<vmem>>
        %dma_start3A_353 = arith.constant 0 : i32
        %dma_start3A_354 = arith.constant 0 : i32
        %dma_start3A_355 = tpu.memref_slice %arg10[%dma_start3A_353, %dma_start3A_354] : memref<10240x128xf32, #tpu.memory_space<vmem_shared>> -> memref<10240x128xf32, #tpu.memory_space<vmem_shared>>
        tpu.enqueue_indirect_dma source(%arg8 : memref<80x128xf32, #tpu.memory_space<vmem>>) target(%dma_start3A_355 : memref<10240x128xf32, #tpu.memory_space<vmem_shared>>) offsets(%dma_start3A_352 : memref<80xi32, #tpu.memory_space<vmem>>) semaphore(%run_scoped3A_349 : memref<!tpu.dma_semaphore, #tpu.memory_space<semaphore_mem>>) {add = true}
        %dma_wait3A_356 = arith.constant 0 : i32
        %dma_wait3A_357 = tpu.memref_slice %arg7[%add3A_221, %dma_wait3A_356] : memref<50x80xi32, #tpu.memory_space<vmem>> -> memref<1x80xi32, #tpu.memory_space<vmem>>
        %dma_wait3A_358 = tpu.memref_squeeze %dma_wait3A_357 : memref<1x80xi32, #tpu.memory_space<vmem>> -> memref<80xi32, #tpu.memory_space<vmem>>
        %dma_wait3A_359 = arith.constant 0 : i32
        %dma_wait3A_360 = arith.constant 0 : i32
        %dma_wait3A_361 = tpu.memref_slice %arg10[%dma_wait3A_359, %dma_wait3A_360] : memref<10240x128xf32, #tpu.memory_space<vmem_shared>> -> memref<10240x128xf32, #tpu.memory_space<vmem_shared>>
        tpu.wait_indirect_dma semaphore(%run_scoped3A_349 : memref<!tpu.dma_semaphore, #tpu.memory_space<semaphore_mem>>) src(%arg8 : memref<80x128xf32, #tpu.memory_space<vmem>>) dst(%dma_wait3A_361 : memref<10240x128xf32, #tpu.memory_space<vmem_shared>>)
        tpu.yield
      }) : () -> ()
      %add3A_222 = arith.constant 2 : i32
      %add3A_223 = arith.addi %mul3A_110, %add3A_222 : i32
      %dma_start3A_224 = arith.constant 0 : i32
      %dma_start3A_225 = tpu.memref_slice %arg6[%add3A_223, %dma_start3A_224] : memref<125x80xi32, #tpu.memory_space<vmem>> -> memref<1x80xi32, #tpu.memory_space<vmem>>
      %dma_start3A_226 = tpu.memref_squeeze %dma_start3A_225 : memref<1x80xi32, #tpu.memory_space<vmem>> -> memref<80xi32, #tpu.memory_space<vmem>>
      %dma_start3A_227 = arith.constant 0 : i32
      %dma_start3A_228 = arith.constant 0 : i32
      %dma_start3A_229 = tpu.memref_slice %arg2[%dma_start3A_227, %dma_start3A_228] : memref<10000x128xf32, #tpu.memory_space<hbm>> -> memref<10000x128xf32, #tpu.memory_space<hbm>>
      tpu.enqueue_indirect_dma source(%dma_start3A_229 : memref<10000x128xf32, #tpu.memory_space<hbm>>) target(%arg8 : memref<80x128xf32, #tpu.memory_space<vmem>>) offsets(%dma_start3A_226 : memref<80xi32, #tpu.memory_space<vmem>>) semaphore(%arg11 : memref<!tpu.dma_semaphore, #tpu.memory_space<semaphore_mem>>)
      %add3A_230 = arith.constant 1 : i32
      %add3A_231 = arith.addi %mul3A_110, %add3A_230 : i32
      %jit3A_232 = arith.constant 25 : i32
      %div3A_233 = arith.divsi %add3A_231, %jit3A_232 : i32
      %sign3A_234 = arith.constant 0 : i32
      %sign3A_235 = arith.cmpi sgt, %add3A_231, %sign3A_234 : i32
      %sign3A_236 = arith.extui %sign3A_235 : i1 to i32
      %sign3A_237 = arith.constant 0 : i32
      %sign3A_238 = arith.cmpi slt, %add3A_231, %sign3A_237 : i32
      %sign3A_239 = arith.extui %sign3A_238 : i1 to i32
      %sign3A_240 = arith.subi %sign3A_236, %sign3A_239 : i32
      %sign3A_241 = arith.constant 0 : i32
      %sign3A_242 = arith.cmpi sgt, %jit3A_232, %sign3A_241 : i32
      %sign3A_243 = arith.extui %sign3A_242 : i1 to i32
      %sign3A_244 = arith.constant 0 : i32
      %sign3A_245 = arith.cmpi slt, %jit3A_232, %sign3A_244 : i32
      %sign3A_246 = arith.extui %sign3A_245 : i1 to i32
      %sign3A_247 = arith.subi %sign3A_243, %sign3A_246 : i32
      %ne3A_248 = arith.cmpi ne, %sign3A_240, %sign3A_247 : i32
      %rem3A_249 = arith.remsi %add3A_231, %jit3A_232 : i32
      %ne3A_250 = arith.constant 0 : i32
      %ne3A_251 = arith.cmpi ne, %rem3A_249, %ne3A_250 : i32
      %and3A_252 = arith.andi %ne3A_248, %ne3A_251 : i1
      %sub3A_253 = arith.constant 1 : i32
      %sub3A_254 = arith.subi %div3A_233, %sub3A_253 : i32
      %select_n3A_255 = arith.select %and3A_252, %sub3A_254, %div3A_233 : i32
      %jit3A_256 = arith.constant 25 : i32
      %eq3A_257 = arith.constant 0 : i32
      %eq3A_258 = arith.cmpi eq, %jit3A_256, %eq3A_257 : i32
      %jit3A_259 = arith.constant 1 : i32
      %select_n3A_260 = arith.select %eq3A_258, %jit3A_259, %jit3A_256 : i32
      %rem3A_261 = arith.remsi %add3A_231, %select_n3A_260 : i32
      %ne3A_262 = arith.constant 0 : i32
      %ne3A_263 = arith.cmpi ne, %rem3A_261, %ne3A_262 : i32
      %lt3A_264 = arith.constant 0 : i32
      %lt3A_265 = arith.cmpi slt, %rem3A_261, %lt3A_264 : i32
      %lt3A_266 = arith.constant 0 : i32
      %lt3A_267 = arith.cmpi slt, %select_n3A_260, %lt3A_266 : i32
      %ne3A_268 = arith.xori %lt3A_265, %lt3A_267 : i1
      %and3A_269 = arith.andi %ne3A_268, %ne3A_263 : i1
      %add3A_270 = arith.addi %rem3A_261, %select_n3A_260 : i32
      %select_n3A_271 = arith.select %and3A_269, %add3A_270, %rem3A_261 : i32
      %eq3A_272 = arith.constant 0 : i32
      %eq3A_273 = arith.cmpi eq, %select_n3A_271, %eq3A_272 : i32
      %gt3A_274 = arith.constant 0 : i32
      %gt3A_275 = arith.cmpi sgt, %select_n3A_255, %gt3A_274 : i32
      %and3A_276 = arith.andi %eq3A_273, %gt3A_275 : i1
      %convert_element_type3A_277 = arith.extui %and3A_276 : i1 to i32
      %cond3A_278 = arith.constant 0 : i32
      %cond3A_279 = arith.cmpi ne, %convert_element_type3A_277, %cond3A_278 : i32
      scf.if %cond3A_279 {
        %jit3A_349 = arith.constant 2 : i32
        %eq3A_350 = arith.constant 0 : i32
        %eq3A_351 = arith.cmpi eq, %jit3A_349, %eq3A_350 : i32
        %jit3A_352 = arith.constant 1 : i32
        %select_n3A_353 = arith.select %eq3A_351, %jit3A_352, %jit3A_349 : i32
        %rem3A_354 = arith.remsi %select_n3A_255, %select_n3A_353 : i32
        %ne3A_355 = arith.constant 0 : i32
        %ne3A_356 = arith.cmpi ne, %rem3A_354, %ne3A_355 : i32
        %lt3A_357 = arith.constant 0 : i32
        %lt3A_358 = arith.cmpi slt, %rem3A_354, %lt3A_357 : i32
        %lt3A_359 = arith.constant 0 : i32
        %lt3A_360 = arith.cmpi slt, %select_n3A_353, %lt3A_359 : i32
        %ne3A_361 = arith.xori %lt3A_358, %lt3A_360 : i1
        %and3A_362 = arith.andi %ne3A_361, %ne3A_356 : i1
        %add3A_363 = arith.addi %rem3A_354, %select_n3A_353 : i32
        %select_n3A_364 = arith.select %and3A_362, %add3A_363, %rem3A_354 : i32
        %mul3A_365 = arith.constant 25 : i32
        %mul3A_366 = arith.muli %select_n3A_364, %mul3A_365 : i32
        %dma_wait3A_367 = arith.constant 0 : i32
        %dma_wait3A_368 = tpu.memref_slice %arg7[%mul3A_366, %dma_wait3A_367] : memref<50x80xi32, #tpu.memory_space<vmem>> -> memref<25x80xi32, #tpu.memory_space<vmem>>
        %dma_wait3A_369 = arith.constant 0 : i32
        %dma_wait3A_370 = arith.constant 0 : i32
        %dma_wait3A_371 = tpu.memref_slice %arg4[%add3A, %select_n3A_255, %dma_wait3A_369, %dma_wait3A_370] : memref<32x5x25x80xi32, #tpu.memory_space<hbm>> -> memref<1x1x25x80xi32, #tpu.memory_space<hbm>>
        %dma_wait3A_372 = tpu.memref_squeeze %dma_wait3A_371 : memref<1x1x25x80xi32, #tpu.memory_space<hbm>> -> memref<25x80xi32, #tpu.memory_space<hbm>>
        %dma_wait3A_373 = arith.constant 0 : i32
        %dma_wait3A_374 = tpu.memref_slice %arg7[%mul3A_366, %dma_wait3A_373] : memref<50x80xi32, #tpu.memory_space<vmem>> -> memref<25x80xi32, #tpu.memory_space<vmem>>
        %dma_wait3A_375 = arith.constant 0 : i32
        %dma_wait3A_376 = arith.constant 0 : i32
        %dma_wait3A_377 = tpu.memref_slice %arg4[%add3A, %select_n3A_255, %dma_wait3A_375, %dma_wait3A_376] : memref<32x5x25x80xi32, #tpu.memory_space<hbm>> -> memref<1x1x25x80xi32, #tpu.memory_space<hbm>>
        %dma_wait3A_378 = tpu.memref_squeeze %dma_wait3A_377 : memref<1x1x25x80xi32, #tpu.memory_space<hbm>> -> memref<25x80xi32, #tpu.memory_space<hbm>>
        tpu.wait_dma2 semaphore(%arg13 : memref<!tpu.dma_semaphore, #tpu.memory_space<semaphore_mem>>) src(%dma_wait3A_378 : memref<25x80xi32, #tpu.memory_space<hbm>>) dst(%dma_wait3A_374 : memref<25x80xi32, #tpu.memory_space<vmem>>)
        %add3A_379 = arith.constant 1 : i32
        %add3A_380 = arith.addi %select_n3A_255, %add3A_379 : i32
        %lt3A_381 = arith.constant 5 : i32
        %lt3A_382 = arith.cmpi slt, %add3A_380, %lt3A_381 : i32
        %convert_element_type3A_383 = arith.extui %lt3A_382 : i1 to i32
        %cond3A_384 = arith.constant 0 : i32
        %cond3A_385 = arith.cmpi ne, %convert_element_type3A_383, %cond3A_384 : i32
        scf.if %cond3A_385 {
          %add3A_386 = arith.constant 1 : i32
          %add3A_387 = arith.addi %select_n3A_255, %add3A_386 : i32
          %add3A_388 = arith.constant 1 : i32
          %add3A_389 = arith.addi %select_n3A_255, %add3A_388 : i32
          %jit3A_390 = arith.constant 2 : i32
          %eq3A_391 = arith.constant 0 : i32
          %eq3A_392 = arith.cmpi eq, %jit3A_390, %eq3A_391 : i32
          %jit3A_393 = arith.constant 1 : i32
          %select_n3A_394 = arith.select %eq3A_392, %jit3A_393, %jit3A_390 : i32
          %rem3A_395 = arith.remsi %add3A_389, %select_n3A_394 : i32
          %ne3A_396 = arith.constant 0 : i32
          %ne3A_397 = arith.cmpi ne, %rem3A_395, %ne3A_396 : i32
          %lt3A_398 = arith.constant 0 : i32
          %lt3A_399 = arith.cmpi slt, %rem3A_395, %lt3A_398 : i32
          %lt3A_400 = arith.constant 0 : i32
          %lt3A_401 = arith.cmpi slt, %select_n3A_394, %lt3A_400 : i32
          %ne3A_402 = arith.xori %lt3A_399, %lt3A_401 : i1
          %and3A_403 = arith.andi %ne3A_402, %ne3A_397 : i1
          %add3A_404 = arith.addi %rem3A_395, %select_n3A_394 : i32
          %select_n3A_405 = arith.select %and3A_403, %add3A_404, %rem3A_395 : i32
          %mul3A_406 = arith.constant 25 : i32
          %mul3A_407 = arith.muli %select_n3A_405, %mul3A_406 : i32
          %dma_start3A_408 = arith.constant 0 : i32
          %dma_start3A_409 = tpu.memref_slice %arg7[%mul3A_407, %dma_start3A_408] : memref<50x80xi32, #tpu.memory_space<vmem>> -> memref<25x80xi32, #tpu.memory_space<vmem>>
          %dma_start3A_410 = arith.constant 0 : i32
          %dma_start3A_411 = arith.constant 0 : i32
          %dma_start3A_412 = tpu.memref_slice %arg4[%add3A, %add3A_387, %dma_start3A_410, %dma_start3A_411] : memref<32x5x25x80xi32, #tpu.memory_space<hbm>> -> memref<1x1x25x80xi32, #tpu.memory_space<hbm>>
          %dma_start3A_413 = tpu.memref_squeeze %dma_start3A_412 : memref<1x1x25x80xi32, #tpu.memory_space<hbm>> -> memref<25x80xi32, #tpu.memory_space<hbm>>
          %dma_start3A_414 = arith.constant 0 : i32
          %dma_start3A_415 = tpu.memref_slice %arg7[%mul3A_407, %dma_start3A_414] : memref<50x80xi32, #tpu.memory_space<vmem>> -> memref<25x80xi32, #tpu.memory_space<vmem>>
          %dma_start3A_416 = arith.constant 0 : i32
          %dma_start3A_417 = arith.constant 0 : i32
          %dma_start3A_418 = tpu.memref_slice %arg4[%add3A, %add3A_387, %dma_start3A_416, %dma_start3A_417] : memref<32x5x25x80xi32, #tpu.memory_space<hbm>> -> memref<1x1x25x80xi32, #tpu.memory_space<hbm>>
          %dma_start3A_419 = tpu.memref_squeeze %dma_start3A_418 : memref<1x1x25x80xi32, #tpu.memory_space<hbm>> -> memref<25x80xi32, #tpu.memory_space<hbm>>
          tpu.enqueue_dma source(%dma_start3A_419 : memref<25x80xi32, #tpu.memory_space<hbm>>) target(%dma_start3A_415 : memref<25x80xi32, #tpu.memory_space<vmem>>) target_semaphore(%arg13 : memref<!tpu.dma_semaphore, #tpu.memory_space<semaphore_mem>>)
        } else {
        }
      } else {
      }
      %add3A_280 = arith.constant 1 : i32
      %add3A_281 = arith.addi %mul3A_110, %add3A_280 : i32
      %dma_wait3A_282 = arith.constant 0 : i32
      %dma_wait3A_283 = tpu.memref_slice %arg6[%add3A_281, %dma_wait3A_282] : memref<125x80xi32, #tpu.memory_space<vmem>> -> memref<1x80xi32, #tpu.memory_space<vmem>>
      %dma_wait3A_284 = tpu.memref_squeeze %dma_wait3A_283 : memref<1x80xi32, #tpu.memory_space<vmem>> -> memref<80xi32, #tpu.memory_space<vmem>>
      %dma_wait3A_285 = arith.constant 0 : i32
      %dma_wait3A_286 = arith.constant 0 : i32
      %dma_wait3A_287 = tpu.memref_slice %arg2[%dma_wait3A_285, %dma_wait3A_286] : memref<10000x128xf32, #tpu.memory_space<hbm>> -> memref<10000x128xf32, #tpu.memory_space<hbm>>
      tpu.wait_indirect_dma semaphore(%arg12 : memref<!tpu.dma_semaphore, #tpu.memory_space<semaphore_mem>>) src(%dma_wait3A_287 : memref<10000x128xf32, #tpu.memory_space<hbm>>) dst(%arg9 : memref<80x128xf32, #tpu.memory_space<vmem>>)
      %add3A_288 = arith.constant 1 : i32
      %add3A_289 = arith.addi %mul3A_110, %add3A_288 : i32
      %jit3A_290 = arith.constant 25 : i32
      %div3A_291 = arith.divsi %add3A_289, %jit3A_290 : i32
      %sign3A_292 = arith.constant 0 : i32
      %sign3A_293 = arith.cmpi sgt, %add3A_289, %sign3A_292 : i32
      %sign3A_294 = arith.extui %sign3A_293 : i1 to i32
      %sign3A_295 = arith.constant 0 : i32
      %sign3A_296 = arith.cmpi slt, %add3A_289, %sign3A_295 : i32
      %sign3A_297 = arith.extui %sign3A_296 : i1 to i32
      %sign3A_298 = arith.subi %sign3A_294, %sign3A_297 : i32
      %sign3A_299 = arith.constant 0 : i32
      %sign3A_300 = arith.cmpi sgt, %jit3A_290, %sign3A_299 : i32
      %sign3A_301 = arith.extui %sign3A_300 : i1 to i32
      %sign3A_302 = arith.constant 0 : i32
      %sign3A_303 = arith.cmpi slt, %jit3A_290, %sign3A_302 : i32
      %sign3A_304 = arith.extui %sign3A_303 : i1 to i32
      %sign3A_305 = arith.subi %sign3A_301, %sign3A_304 : i32
      %ne3A_306 = arith.cmpi ne, %sign3A_298, %sign3A_305 : i32
      %rem3A_307 = arith.remsi %add3A_289, %jit3A_290 : i32
      %ne3A_308 = arith.constant 0 : i32
      %ne3A_309 = arith.cmpi ne, %rem3A_307, %ne3A_308 : i32
      %and3A_310 = arith.andi %ne3A_306, %ne3A_309 : i1
      %sub3A_311 = arith.constant 1 : i32
      %sub3A_312 = arith.subi %div3A_291, %sub3A_311 : i32
      %select_n3A_313 = arith.select %and3A_310, %sub3A_312, %div3A_291 : i32
      %jit3A_314 = arith.constant 2 : i32
      %eq3A_315 = arith.constant 0 : i32
      %eq3A_316 = arith.cmpi eq, %jit3A_314, %eq3A_315 : i32
      %jit3A_317 = arith.constant 1 : i32
      %select_n3A_318 = arith.select %eq3A_316, %jit3A_317, %jit3A_314 : i32
      %rem3A_319 = arith.remsi %select_n3A_313, %select_n3A_318 : i32
      %ne3A_320 = arith.constant 0 : i32
      %ne3A_321 = arith.cmpi ne, %rem3A_319, %ne3A_320 : i32
      %lt3A_322 = arith.constant 0 : i32
      %lt3A_323 = arith.cmpi slt, %rem3A_319, %lt3A_322 : i32
      %lt3A_324 = arith.constant 0 : i32
      %lt3A_325 = arith.cmpi slt, %select_n3A_318, %lt3A_324 : i32
      %ne3A_326 = arith.xori %lt3A_323, %lt3A_325 : i1
      %and3A_327 = arith.andi %ne3A_326, %ne3A_321 : i1
      %add3A_328 = arith.addi %rem3A_319, %select_n3A_318 : i32
      %select_n3A_329 = arith.select %and3A_327, %add3A_328, %rem3A_319 : i32
      %mul3A_330 = arith.constant 25 : i32
      %mul3A_331 = arith.muli %select_n3A_329, %mul3A_330 : i32
      %jit3A_332 = arith.constant 25 : i32
      %eq3A_333 = arith.constant 0 : i32
      %eq3A_334 = arith.cmpi eq, %jit3A_332, %eq3A_333 : i32
      %jit3A_335 = arith.constant 1 : i32
      %select_n3A_336 = arith.select %eq3A_334, %jit3A_335, %jit3A_332 : i32
      %rem3A_337 = arith.remsi %add3A_289, %select_n3A_336 : i32
      %ne3A_338 = arith.constant 0 : i32
      %ne3A_339 = arith.cmpi ne, %rem3A_337, %ne3A_338 : i32
      %lt3A_340 = arith.constant 0 : i32
      %lt3A_341 = arith.cmpi slt, %rem3A_337, %lt3A_340 : i32
      %lt3A_342 = arith.constant 0 : i32
      %lt3A_343 = arith.cmpi slt, %select_n3A_336, %lt3A_342 : i32
      %ne3A_344 = arith.xori %lt3A_341, %lt3A_343 : i1
      %and3A_345 = arith.andi %ne3A_344, %ne3A_339 : i1
      %add3A_346 = arith.addi %rem3A_337, %select_n3A_336 : i32
      %select_n3A_347 = arith.select %and3A_345, %add3A_346, %rem3A_337 : i32
      %add3A_348 = arith.addi %mul3A_331, %select_n3A_347 : i32
      "tpu.region"() ({
        %run_scoped3A_349 = tpu.sem_alloc : memref<!tpu.dma_semaphore, #tpu.memory_space<semaphore_mem>>
        %dma_start3A_350 = arith.constant 0 : i32
        %dma_start3A_351 = tpu.memref_slice %arg7[%add3A_348, %dma_start3A_350] : memref<50x80xi32, #tpu.memory_space<vmem>> -> memref<1x80xi32, #tpu.memory_space<vmem>>
        %dma_start3A_352 = tpu.memref_squeeze %dma_start3A_351 : memref<1x80xi32, #tpu.memory_space<vmem>> -> memref<80xi32, #tpu.memory_space<vmem>>
        %dma_start3A_353 = arith.constant 0 : i32
        %dma_start3A_354 = arith.constant 0 : i32
        %dma_start3A_355 = tpu.memref_slice %arg10[%dma_start3A_353, %dma_start3A_354] : memref<10240x128xf32, #tpu.memory_space<vmem_shared>> -> memref<10240x128xf32, #tpu.memory_space<vmem_shared>>
        tpu.enqueue_indirect_dma source(%arg9 : memref<80x128xf32, #tpu.memory_space<vmem>>) target(%dma_start3A_355 : memref<10240x128xf32, #tpu.memory_space<vmem_shared>>) offsets(%dma_start3A_352 : memref<80xi32, #tpu.memory_space<vmem>>) semaphore(%run_scoped3A_349 : memref<!tpu.dma_semaphore, #tpu.memory_space<semaphore_mem>>) {add = true}
        %dma_wait3A_356 = arith.constant 0 : i32
        %dma_wait3A_357 = tpu.memref_slice %arg7[%add3A_348, %dma_wait3A_356] : memref<50x80xi32, #tpu.memory_space<vmem>> -> memref<1x80xi32, #tpu.memory_space<vmem>>
        %dma_wait3A_358 = tpu.memref_squeeze %dma_wait3A_357 : memref<1x80xi32, #tpu.memory_space<vmem>> -> memref<80xi32, #tpu.memory_space<vmem>>
        %dma_wait3A_359 = arith.constant 0 : i32
        %dma_wait3A_360 = arith.constant 0 : i32
        %dma_wait3A_361 = tpu.memref_slice %arg10[%dma_wait3A_359, %dma_wait3A_360] : memref<10240x128xf32, #tpu.memory_space<vmem_shared>> -> memref<10240x128xf32, #tpu.memory_space<vmem_shared>>
        tpu.wait_indirect_dma semaphore(%run_scoped3A_349 : memref<!tpu.dma_semaphore, #tpu.memory_space<semaphore_mem>>) src(%arg9 : memref<80x128xf32, #tpu.memory_space<vmem>>) dst(%dma_wait3A_361 : memref<10240x128xf32, #tpu.memory_space<vmem_shared>>)
        tpu.yield
      }) : () -> ()
    }
    %scan3A_59 = arith.constant 61 : i32
    %dma_start3A_60 = arith.constant 123 : i32
    %dma_start3A_61 = arith.constant 0 : i32
    %dma_start3A_62 = tpu.memref_slice %arg6[%dma_start3A_60, %dma_start3A_61] : memref<125x80xi32, #tpu.memory_space<vmem>> -> memref<1x80xi32, #tpu.memory_space<vmem>>
    %dma_start3A_63 = tpu.memref_squeeze %dma_start3A_62 : memref<1x80xi32, #tpu.memory_space<vmem>> -> memref<80xi32, #tpu.memory_space<vmem>>
    %dma_start3A_64 = arith.constant 0 : i32
    %dma_start3A_65 = arith.constant 0 : i32
    %dma_start3A_66 = tpu.memref_slice %arg2[%dma_start3A_64, %dma_start3A_65] : memref<10000x128xf32, #tpu.memory_space<hbm>> -> memref<10000x128xf32, #tpu.memory_space<hbm>>
    tpu.enqueue_indirect_dma source(%dma_start3A_66 : memref<10000x128xf32, #tpu.memory_space<hbm>>) target(%arg9 : memref<80x128xf32, #tpu.memory_space<vmem>>) offsets(%dma_start3A_63 : memref<80xi32, #tpu.memory_space<vmem>>) semaphore(%arg12 : memref<!tpu.dma_semaphore, #tpu.memory_space<semaphore_mem>>)
    %dma_wait3A_67 = arith.constant 122 : i32
    %dma_wait3A_68 = arith.constant 0 : i32
    %dma_wait3A_69 = tpu.memref_slice %arg6[%dma_wait3A_67, %dma_wait3A_68] : memref<125x80xi32, #tpu.memory_space<vmem>> -> memref<1x80xi32, #tpu.memory_space<vmem>>
    %dma_wait3A_70 = tpu.memref_squeeze %dma_wait3A_69 : memref<1x80xi32, #tpu.memory_space<vmem>> -> memref<80xi32, #tpu.memory_space<vmem>>
    %dma_wait3A_71 = arith.constant 0 : i32
    %dma_wait3A_72 = arith.constant 0 : i32
    %dma_wait3A_73 = tpu.memref_slice %arg2[%dma_wait3A_71, %dma_wait3A_72] : memref<10000x128xf32, #tpu.memory_space<hbm>> -> memref<10000x128xf32, #tpu.memory_space<hbm>>
    tpu.wait_indirect_dma semaphore(%arg11 : memref<!tpu.dma_semaphore, #tpu.memory_space<semaphore_mem>>) src(%dma_wait3A_73 : memref<10000x128xf32, #tpu.memory_space<hbm>>) dst(%arg8 : memref<80x128xf32, #tpu.memory_space<vmem>>)
    %run_scoped3A_74 = arith.constant 22 : i32
    "tpu.region"() ({
      %run_scoped3A_108 = tpu.sem_alloc : memref<!tpu.dma_semaphore, #tpu.memory_space<semaphore_mem>>
      %dma_start3A_109 = arith.constant 0 : i32
      %dma_start3A_110 = tpu.memref_slice %arg7[%run_scoped3A_74, %dma_start3A_109] : memref<50x80xi32, #tpu.memory_space<vmem>> -> memref<1x80xi32, #tpu.memory_space<vmem>>
      %dma_start3A_111 = tpu.memref_squeeze %dma_start3A_110 : memref<1x80xi32, #tpu.memory_space<vmem>> -> memref<80xi32, #tpu.memory_space<vmem>>
      %dma_start3A_112 = arith.constant 0 : i32
      %dma_start3A_113 = arith.constant 0 : i32
      %dma_start3A_114 = tpu.memref_slice %arg10[%dma_start3A_112, %dma_start3A_113] : memref<10240x128xf32, #tpu.memory_space<vmem_shared>> -> memref<10240x128xf32, #tpu.memory_space<vmem_shared>>
      tpu.enqueue_indirect_dma source(%arg8 : memref<80x128xf32, #tpu.memory_space<vmem>>) target(%dma_start3A_114 : memref<10240x128xf32, #tpu.memory_space<vmem_shared>>) offsets(%dma_start3A_111 : memref<80xi32, #tpu.memory_space<vmem>>) semaphore(%run_scoped3A_108 : memref<!tpu.dma_semaphore, #tpu.memory_space<semaphore_mem>>) {add = true}
      %dma_wait3A_115 = arith.constant 0 : i32
      %dma_wait3A_116 = tpu.memref_slice %arg7[%run_scoped3A_74, %dma_wait3A_115] : memref<50x80xi32, #tpu.memory_space<vmem>> -> memref<1x80xi32, #tpu.memory_space<vmem>>
      %dma_wait3A_117 = tpu.memref_squeeze %dma_wait3A_116 : memref<1x80xi32, #tpu.memory_space<vmem>> -> memref<80xi32, #tpu.memory_space<vmem>>
      %dma_wait3A_118 = arith.constant 0 : i32
      %dma_wait3A_119 = arith.constant 0 : i32
      %dma_wait3A_120 = tpu.memref_slice %arg10[%dma_wait3A_118, %dma_wait3A_119] : memref<10240x128xf32, #tpu.memory_space<vmem_shared>> -> memref<10240x128xf32, #tpu.memory_space<vmem_shared>>
      tpu.wait_indirect_dma semaphore(%run_scoped3A_108 : memref<!tpu.dma_semaphore, #tpu.memory_space<semaphore_mem>>) src(%arg8 : memref<80x128xf32, #tpu.memory_space<vmem>>) dst(%dma_wait3A_120 : memref<10240x128xf32, #tpu.memory_space<vmem_shared>>)
      tpu.yield
    }) : () -> ()
    %dma_start3A_75 = arith.constant 124 : i32
    %dma_start3A_76 = arith.constant 0 : i32
    %dma_start3A_77 = tpu.memref_slice %arg6[%dma_start3A_75, %dma_start3A_76] : memref<125x80xi32, #tpu.memory_space<vmem>> -> memref<1x80xi32, #tpu.memory_space<vmem>>
    %dma_start3A_78 = tpu.memref_squeeze %dma_start3A_77 : memref<1x80xi32, #tpu.memory_space<vmem>> -> memref<80xi32, #tpu.memory_space<vmem>>
    %dma_start3A_79 = arith.constant 0 : i32
    %dma_start3A_80 = arith.constant 0 : i32
    %dma_start3A_81 = tpu.memref_slice %arg2[%dma_start3A_79, %dma_start3A_80] : memref<10000x128xf32, #tpu.memory_space<hbm>> -> memref<10000x128xf32, #tpu.memory_space<hbm>>
    tpu.enqueue_indirect_dma source(%dma_start3A_81 : memref<10000x128xf32, #tpu.memory_space<hbm>>) target(%arg8 : memref<80x128xf32, #tpu.memory_space<vmem>>) offsets(%dma_start3A_78 : memref<80xi32, #tpu.memory_space<vmem>>) semaphore(%arg11 : memref<!tpu.dma_semaphore, #tpu.memory_space<semaphore_mem>>)
    %and3A = arith.constant false
    %and3A_82 = arith.constant true
    %and3A_83 = arith.andi %and3A, %and3A_82 : i1
    %convert_element_type3A = arith.extui %and3A_83 : i1 to i32
    %cond3A = arith.constant 0 : i32
    %cond3A_84 = arith.cmpi ne, %convert_element_type3A, %cond3A : i32
    scf.if %cond3A_84 {
      %dma_wait3A_108 = arith.constant 4 : i32
      %dma_wait3A_109 = arith.constant 0 : i32
      %dma_wait3A_110 = arith.constant 0 : i32
      %dma_wait3A_111 = tpu.memref_slice %arg7[%dma_wait3A_109, %dma_wait3A_110] : memref<50x80xi32, #tpu.memory_space<vmem>> -> memref<25x80xi32, #tpu.memory_space<vmem>>
      %dma_wait3A_112 = arith.constant 0 : i32
      %dma_wait3A_113 = arith.constant 0 : i32
      %dma_wait3A_114 = tpu.memref_slice %arg4[%add3A, %dma_wait3A_108, %dma_wait3A_112, %dma_wait3A_113] : memref<32x5x25x80xi32, #tpu.memory_space<hbm>> -> memref<1x1x25x80xi32, #tpu.memory_space<hbm>>
      %dma_wait3A_115 = tpu.memref_squeeze %dma_wait3A_114 : memref<1x1x25x80xi32, #tpu.memory_space<hbm>> -> memref<25x80xi32, #tpu.memory_space<hbm>>
      %dma_wait3A_116 = arith.constant 0 : i32
      %dma_wait3A_117 = arith.constant 0 : i32
      %dma_wait3A_118 = tpu.memref_slice %arg7[%dma_wait3A_116, %dma_wait3A_117] : memref<50x80xi32, #tpu.memory_space<vmem>> -> memref<25x80xi32, #tpu.memory_space<vmem>>
      %dma_wait3A_119 = arith.constant 0 : i32
      %dma_wait3A_120 = arith.constant 0 : i32
      %dma_wait3A_121 = tpu.memref_slice %arg4[%add3A, %dma_wait3A_108, %dma_wait3A_119, %dma_wait3A_120] : memref<32x5x25x80xi32, #tpu.memory_space<hbm>> -> memref<1x1x25x80xi32, #tpu.memory_space<hbm>>
      %dma_wait3A_122 = tpu.memref_squeeze %dma_wait3A_121 : memref<1x1x25x80xi32, #tpu.memory_space<hbm>> -> memref<25x80xi32, #tpu.memory_space<hbm>>
      tpu.wait_dma2 semaphore(%arg13 : memref<!tpu.dma_semaphore, #tpu.memory_space<semaphore_mem>>) src(%dma_wait3A_122 : memref<25x80xi32, #tpu.memory_space<hbm>>) dst(%dma_wait3A_118 : memref<25x80xi32, #tpu.memory_space<vmem>>)
    } else {
    }
    %dma_wait3A_85 = arith.constant 123 : i32
    %dma_wait3A_86 = arith.constant 0 : i32
    %dma_wait3A_87 = tpu.memref_slice %arg6[%dma_wait3A_85, %dma_wait3A_86] : memref<125x80xi32, #tpu.memory_space<vmem>> -> memref<1x80xi32, #tpu.memory_space<vmem>>
    %dma_wait3A_88 = tpu.memref_squeeze %dma_wait3A_87 : memref<1x80xi32, #tpu.memory_space<vmem>> -> memref<80xi32, #tpu.memory_space<vmem>>
    %dma_wait3A_89 = arith.constant 0 : i32
    %dma_wait3A_90 = arith.constant 0 : i32
    %dma_wait3A_91 = tpu.memref_slice %arg2[%dma_wait3A_89, %dma_wait3A_90] : memref<10000x128xf32, #tpu.memory_space<hbm>> -> memref<10000x128xf32, #tpu.memory_space<hbm>>
    tpu.wait_indirect_dma semaphore(%arg12 : memref<!tpu.dma_semaphore, #tpu.memory_space<semaphore_mem>>) src(%dma_wait3A_91 : memref<10000x128xf32, #tpu.memory_space<hbm>>) dst(%arg9 : memref<80x128xf32, #tpu.memory_space<vmem>>)
    %run_scoped3A_92 = arith.constant 23 : i32
    "tpu.region"() ({
      %run_scoped3A_108 = tpu.sem_alloc : memref<!tpu.dma_semaphore, #tpu.memory_space<semaphore_mem>>
      %dma_start3A_109 = arith.constant 0 : i32
      %dma_start3A_110 = tpu.memref_slice %arg7[%run_scoped3A_92, %dma_start3A_109] : memref<50x80xi32, #tpu.memory_space<vmem>> -> memref<1x80xi32, #tpu.memory_space<vmem>>
      %dma_start3A_111 = tpu.memref_squeeze %dma_start3A_110 : memref<1x80xi32, #tpu.memory_space<vmem>> -> memref<80xi32, #tpu.memory_space<vmem>>
      %dma_start3A_112 = arith.constant 0 : i32
      %dma_start3A_113 = arith.constant 0 : i32
      %dma_start3A_114 = tpu.memref_slice %arg10[%dma_start3A_112, %dma_start3A_113] : memref<10240x128xf32, #tpu.memory_space<vmem_shared>> -> memref<10240x128xf32, #tpu.memory_space<vmem_shared>>
      tpu.enqueue_indirect_dma source(%arg9 : memref<80x128xf32, #tpu.memory_space<vmem>>) target(%dma_start3A_114 : memref<10240x128xf32, #tpu.memory_space<vmem_shared>>) offsets(%dma_start3A_111 : memref<80xi32, #tpu.memory_space<vmem>>) semaphore(%run_scoped3A_108 : memref<!tpu.dma_semaphore, #tpu.memory_space<semaphore_mem>>) {add = true}
      %dma_wait3A_115 = arith.constant 0 : i32
      %dma_wait3A_116 = tpu.memref_slice %arg7[%run_scoped3A_92, %dma_wait3A_115] : memref<50x80xi32, #tpu.memory_space<vmem>> -> memref<1x80xi32, #tpu.memory_space<vmem>>
      %dma_wait3A_117 = tpu.memref_squeeze %dma_wait3A_116 : memref<1x80xi32, #tpu.memory_space<vmem>> -> memref<80xi32, #tpu.memory_space<vmem>>
      %dma_wait3A_118 = arith.constant 0 : i32
      %dma_wait3A_119 = arith.constant 0 : i32
      %dma_wait3A_120 = tpu.memref_slice %arg10[%dma_wait3A_118, %dma_wait3A_119] : memref<10240x128xf32, #tpu.memory_space<vmem_shared>> -> memref<10240x128xf32, #tpu.memory_space<vmem_shared>>
      tpu.wait_indirect_dma semaphore(%run_scoped3A_108 : memref<!tpu.dma_semaphore, #tpu.memory_space<semaphore_mem>>) src(%arg9 : memref<80x128xf32, #tpu.memory_space<vmem>>) dst(%dma_wait3A_120 : memref<10240x128xf32, #tpu.memory_space<vmem_shared>>)
      tpu.yield
    }) : () -> ()
    %dma_wait3A_93 = arith.constant 124 : i32
    %dma_wait3A_94 = arith.constant 0 : i32
    %dma_wait3A_95 = tpu.memref_slice %arg6[%dma_wait3A_93, %dma_wait3A_94] : memref<125x80xi32, #tpu.memory_space<vmem>> -> memref<1x80xi32, #tpu.memory_space<vmem>>
    %dma_wait3A_96 = tpu.memref_squeeze %dma_wait3A_95 : memref<1x80xi32, #tpu.memory_space<vmem>> -> memref<80xi32, #tpu.memory_space<vmem>>
    %dma_wait3A_97 = arith.constant 0 : i32
    %dma_wait3A_98 = arith.constant 0 : i32
    %dma_wait3A_99 = tpu.memref_slice %arg2[%dma_wait3A_97, %dma_wait3A_98] : memref<10000x128xf32, #tpu.memory_space<hbm>> -> memref<10000x128xf32, #tpu.memory_space<hbm>>
    tpu.wait_indirect_dma semaphore(%arg11 : memref<!tpu.dma_semaphore, #tpu.memory_space<semaphore_mem>>) src(%dma_wait3A_99 : memref<10000x128xf32, #tpu.memory_space<hbm>>) dst(%arg8 : memref<80x128xf32, #tpu.memory_space<vmem>>)
    %run_scoped3A_100 = arith.constant 24 : i32
    "tpu.region"() ({
      %run_scoped3A_108 = tpu.sem_alloc : memref<!tpu.dma_semaphore, #tpu.memory_space<semaphore_mem>>
      %dma_start3A_109 = arith.constant 0 : i32
      %dma_start3A_110 = tpu.memref_slice %arg7[%run_scoped3A_100, %dma_start3A_109] : memref<50x80xi32, #tpu.memory_space<vmem>> -> memref<1x80xi32, #tpu.memory_space<vmem>>
      %dma_start3A_111 = tpu.memref_squeeze %dma_start3A_110 : memref<1x80xi32, #tpu.memory_space<vmem>> -> memref<80xi32, #tpu.memory_space<vmem>>
      %dma_start3A_112 = arith.constant 0 : i32
      %dma_start3A_113 = arith.constant 0 : i32
      %dma_start3A_114 = tpu.memref_slice %arg10[%dma_start3A_112, %dma_start3A_113] : memref<10240x128xf32, #tpu.memory_space<vmem_shared>> -> memref<10240x128xf32, #tpu.memory_space<vmem_shared>>
      tpu.enqueue_indirect_dma source(%arg8 : memref<80x128xf32, #tpu.memory_space<vmem>>) target(%dma_start3A_114 : memref<10240x128xf32, #tpu.memory_space<vmem_shared>>) offsets(%dma_start3A_111 : memref<80xi32, #tpu.memory_space<vmem>>) semaphore(%run_scoped3A_108 : memref<!tpu.dma_semaphore, #tpu.memory_space<semaphore_mem>>) {add = true}
      %dma_wait3A_115 = arith.constant 0 : i32
      %dma_wait3A_116 = tpu.memref_slice %arg7[%run_scoped3A_100, %dma_wait3A_115] : memref<50x80xi32, #tpu.memory_space<vmem>> -> memref<1x80xi32, #tpu.memory_space<vmem>>
      %dma_wait3A_117 = tpu.memref_squeeze %dma_wait3A_116 : memref<1x80xi32, #tpu.memory_space<vmem>> -> memref<80xi32, #tpu.memory_space<vmem>>
      %dma_wait3A_118 = arith.constant 0 : i32
      %dma_wait3A_119 = arith.constant 0 : i32
      %dma_wait3A_120 = tpu.memref_slice %arg10[%dma_wait3A_118, %dma_wait3A_119] : memref<10240x128xf32, #tpu.memory_space<vmem_shared>> -> memref<10240x128xf32, #tpu.memory_space<vmem_shared>>
      tpu.wait_indirect_dma semaphore(%run_scoped3A_108 : memref<!tpu.dma_semaphore, #tpu.memory_space<semaphore_mem>>) src(%arg8 : memref<80x128xf32, #tpu.memory_space<vmem>>) dst(%dma_wait3A_120 : memref<10240x128xf32, #tpu.memory_space<vmem_shared>>)
      tpu.yield
    }) : () -> ()
    %barrier3A_101 = arith.constant 0 : index
    tpu.barrier barrier_id(%barrier3A_101)
    %scan3A_102 = arith.constant 0 : i32
    %scan3A_103 = arith.constant 0 : i32
    %scan3A_104 = arith.constant 8 : i32
    %scan3A_105 = arith.addi %scan3A_103, %scan3A_104 : i32
    %scan3A_106 = arith.constant 1 : i32
    scf.for %scan3A_108 = %scan3A_103 to %scan3A_105 step %scan3A_106  : i32 {
      %mul3A_109 = arith.constant 640 : i32
      %mul3A_110 = arith.muli %arg1, %mul3A_109 : i32
      %mul3A_111 = arith.constant 80 : i32
      %mul3A_112 = arith.muli %scan3A_108, %mul3A_111 : i32
      %add3A_113 = arith.addi %mul3A_110, %mul3A_112 : i32
      "tpu.region"() ({
        %run_scoped3A_114 = tpu.sem_alloc : memref<!tpu.dma_semaphore, #tpu.memory_space<semaphore_mem>>
        %dma_start3A_115 = arith.constant 0 : i32
        %dma_start3A_116 = tpu.memref_slice %arg5[%arg0, %add3A_113, %dma_start3A_115] : memref<2x10240x128xf32, #tpu.memory_space<hbm>> -> memref<1x80x128xf32, #tpu.memory_space<hbm>>
        %dma_start3A_117 = tpu.memref_squeeze %dma_start3A_116 : memref<1x80x128xf32, #tpu.memory_space<hbm>> -> memref<80x128xf32, #tpu.memory_space<hbm>>
        %dma_start3A_118 = arith.constant 0 : i32
        %dma_start3A_119 = tpu.memref_slice %arg10[%add3A_113, %dma_start3A_118] : memref<10240x128xf32, #tpu.memory_space<vmem_shared>> -> memref<80x128xf32, #tpu.memory_space<vmem_shared>>
        tpu.enqueue_dma source(%dma_start3A_119 : memref<80x128xf32, #tpu.memory_space<vmem_shared>>) target(%dma_start3A_117 : memref<80x128xf32, #tpu.memory_space<hbm>>) target_semaphore(%run_scoped3A_114 : memref<!tpu.dma_semaphore, #tpu.memory_space<semaphore_mem>>)
        %dma_wait3A_120 = arith.constant 0 : i32
        %dma_wait3A_121 = tpu.memref_slice %arg5[%arg0, %add3A_113, %dma_wait3A_120] : memref<2x10240x128xf32, #tpu.memory_space<hbm>> -> memref<1x80x128xf32, #tpu.memory_space<hbm>>
        %dma_wait3A_122 = tpu.memref_squeeze %dma_wait3A_121 : memref<1x80x128xf32, #tpu.memory_space<hbm>> -> memref<80x128xf32, #tpu.memory_space<hbm>>
        %dma_wait3A_123 = arith.constant 0 : i32
        %dma_wait3A_124 = tpu.memref_slice %arg10[%add3A_113, %dma_wait3A_123] : memref<10240x128xf32, #tpu.memory_space<vmem_shared>> -> memref<80x128xf32, #tpu.memory_space<vmem_shared>>
        tpu.wait_dma2 semaphore(%run_scoped3A_114 : memref<!tpu.dma_semaphore, #tpu.memory_space<semaphore_mem>>) src(%dma_wait3A_124 : memref<80x128xf32, #tpu.memory_space<vmem_shared>>) dst(%dma_wait3A_122 : memref<80x128xf32, #tpu.memory_space<hbm>>)
        tpu.yield
      }) : () -> ()
    }
    %scan3A_107 = arith.constant 8 : i32
    return
  }
}

#map = affine_map<(d0, d1) -> (0, 0)>
#map1 = affine_map<(d0, d1) -> (0, 0, 0)>
#map2 = affine_map<(d0, d1) -> (0, 0, 0, 0)>
module attributes {stable_mosaic.version = 14 : i64} {
  func.func @_seg_body(%arg0: i32, %arg1: i32, %arg2: memref<10000x128xf32, #tpu.memory_space<hbm>>, %arg3: memref<32x125x80xi32, #tpu.memory_space<hbm>>, %arg4: memref<32x5x25x80xi32, #tpu.memory_space<hbm>>, %arg5: memref<2x10240x128xf32, #tpu.memory_space<hbm>>, %arg6: memref<125x80xi32, #tpu.memory_space<vmem>>, %arg7: memref<50x80xi32, #tpu.memory_space<vmem>>, %arg8: memref<80x128xf32, #tpu.memory_space<vmem>>, %arg9: memref<80x128xf32, #tpu.memory_space<vmem>>, %arg10: memref<10240x128xf32, #tpu.memory_space<vmem_shared>>, %arg11: memref<!tpu.dma_semaphore, #tpu.memory_space<semaphore_mem>>, %arg12: memref<!tpu.dma_semaphore, #tpu.memory_space<semaphore_mem>>, %arg13: memref<!tpu.dma_semaphore, #tpu.memory_space<semaphore_mem>>) attributes {dimension_semantics = [#tpu.dimension_semantics<core_parallel>, #tpu.dimension_semantics<subcore_parallel>], iteration_bounds = array<i64: 2, 16>, scalar_prefetch = 0 : i64, scratch_operands = 8 : i64, tpu.core_type = #tpu.core_type<sc_vector_subcore>, window_params = [{transform_indices = #map}, {transform_indices = #map1}, {transform_indices = #map2}, {transform_indices = #map1}]} {
    %mul3A = arith.constant 16 : i32
    %mul3A_0 = arith.muli %arg0, %mul3A : i32
    %add3A = arith.addi %mul3A_0, %arg1 : i32
    %dma_start3A = arith.constant 0 : i32
    %dma_start3A_1 = arith.constant 0 : i32
    %dma_start3A_2 = tpu.memref_slice %arg3[%add3A, %dma_start3A, %dma_start3A_1] : memref<32x125x80xi32, #tpu.memory_space<hbm>> -> memref<1x125x80xi32, #tpu.memory_space<hbm>>
    %dma_start3A_3 = tpu.memref_squeeze %dma_start3A_2 : memref<1x125x80xi32, #tpu.memory_space<hbm>> -> memref<125x80xi32, #tpu.memory_space<hbm>>
    %dma_start3A_4 = arith.constant 0 : i32
    %dma_start3A_5 = arith.constant 0 : i32
    %dma_start3A_6 = tpu.memref_slice %arg3[%add3A, %dma_start3A_4, %dma_start3A_5] : memref<32x125x80xi32, #tpu.memory_space<hbm>> -> memref<1x125x80xi32, #tpu.memory_space<hbm>>
    %dma_start3A_7 = tpu.memref_squeeze %dma_start3A_6 : memref<1x125x80xi32, #tpu.memory_space<hbm>> -> memref<125x80xi32, #tpu.memory_space<hbm>>
    tpu.enqueue_dma source(%dma_start3A_7 : memref<125x80xi32, #tpu.memory_space<hbm>>) target(%arg6 : memref<125x80xi32, #tpu.memory_space<vmem>>) target_semaphore(%arg11 : memref<!tpu.dma_semaphore, #tpu.memory_space<semaphore_mem>>)
    %scan3A = arith.constant 0 : i32
    %scan3A_8 = arith.constant 0 : i32
    %scan3A_9 = arith.constant 80 : i32
    %scan3A_10 = arith.addi %scan3A_8, %scan3A_9 : i32
    %scan3A_11 = arith.constant 1 : i32
    scf.for %scan3A_108 = %scan3A_8 to %scan3A_10 step %scan3A_11  : i32 {
      %broadcast_in_dim3A = arith.constant 0.000000e+00 : f32
      %broadcast_in_dim3A_109 = vector.broadcast %broadcast_in_dim3A : f32 to vector<16xf32>
      %swap3A = arith.index_cast %scan3A_108 : i32 to index
      %swap3A_110 = arith.constant 0 : index
      %swap3A_111 = tpu.vector_load %arg8[%swap3A, %swap3A_110] {strides = array<i32>} : memref<80x128xf32, #tpu.memory_space<vmem>>, vector<1x16xf32>,
      %swap3A_112 = vector.shape_cast %swap3A_111 : vector<1x16xf32> to vector<16xf32>
      %swap3A_113 = vector.shape_cast %broadcast_in_dim3A_109 : vector<16xf32> to vector<1x16xf32>
      tpu.vector_store %arg8[%swap3A, %swap3A_110], %swap3A_113 {strides = array<i32>} : memref<80x128xf32, #tpu.memory_space<vmem>>, vector<1x16xf32>,
      %broadcast_in_dim3A_114 = arith.constant 0.000000e+00 : f32
      %broadcast_in_dim3A_115 = vector.broadcast %broadcast_in_dim3A_114 : f32 to vector<16xf32>
      %swap3A_116 = arith.index_cast %scan3A_108 : i32 to index
      %swap3A_117 = arith.constant 16 : index
      %swap3A_118 = tpu.vector_load %arg8[%swap3A_116, %swap3A_117] {strides = array<i32>} : memref<80x128xf32, #tpu.memory_space<vmem>>, vector<1x16xf32>,
      %swap3A_119 = vector.shape_cast %swap3A_118 : vector<1x16xf32> to vector<16xf32>
      %swap3A_120 = vector.shape_cast %broadcast_in_dim3A_115 : vector<16xf32> to vector<1x16xf32>
      tpu.vector_store %arg8[%swap3A_116, %swap3A_117], %swap3A_120 {strides = array<i32>} : memref<80x128xf32, #tpu.memory_space<vmem>>, vector<1x16xf32>,
      %broadcast_in_dim3A_121 = arith.constant 0.000000e+00 : f32
      %broadcast_in_dim3A_122 = vector.broadcast %broadcast_in_dim3A_121 : f32 to vector<16xf32>
      %swap3A_123 = arith.index_cast %scan3A_108 : i32 to index
      %swap3A_124 = arith.constant 32 : index
      %swap3A_125 = tpu.vector_load %arg8[%swap3A_123, %swap3A_124] {strides = array<i32>} : memref<80x128xf32, #tpu.memory_space<vmem>>, vector<1x16xf32>,
      %swap3A_126 = vector.shape_cast %swap3A_125 : vector<1x16xf32> to vector<16xf32>
      %swap3A_127 = vector.shape_cast %broadcast_in_dim3A_122 : vector<16xf32> to vector<1x16xf32>
      tpu.vector_store %arg8[%swap3A_123, %swap3A_124], %swap3A_127 {strides = array<i32>} : memref<80x128xf32, #tpu.memory_space<vmem>>, vector<1x16xf32>,
      %broadcast_in_dim3A_128 = arith.constant 0.000000e+00 : f32
      %broadcast_in_dim3A_129 = vector.broadcast %broadcast_in_dim3A_128 : f32 to vector<16xf32>
      %swap3A_130 = arith.index_cast %scan3A_108 : i32 to index
      %swap3A_131 = arith.constant 48 : index
      %swap3A_132 = tpu.vector_load %arg8[%swap3A_130, %swap3A_131] {strides = array<i32>} : memref<80x128xf32, #tpu.memory_space<vmem>>, vector<1x16xf32>,
      %swap3A_133 = vector.shape_cast %swap3A_132 : vector<1x16xf32> to vector<16xf32>
      %swap3A_134 = vector.shape_cast %broadcast_in_dim3A_129 : vector<16xf32> to vector<1x16xf32>
      tpu.vector_store %arg8[%swap3A_130, %swap3A_131], %swap3A_134 {strides = array<i32>} : memref<80x128xf32, #tpu.memory_space<vmem>>, vector<1x16xf32>,
      %broadcast_in_dim3A_135 = arith.constant 0.000000e+00 : f32
      %broadcast_in_dim3A_136 = vector.broadcast %broadcast_in_dim3A_135 : f32 to vector<16xf32>
      %swap3A_137 = arith.index_cast %scan3A_108 : i32 to index
      %swap3A_138 = arith.constant 64 : index
      %swap3A_139 = tpu.vector_load %arg8[%swap3A_137, %swap3A_138] {strides = array<i32>} : memref<80x128xf32, #tpu.memory_space<vmem>>, vector<1x16xf32>,
      %swap3A_140 = vector.shape_cast %swap3A_139 : vector<1x16xf32> to vector<16xf32>
      %swap3A_141 = vector.shape_cast %broadcast_in_dim3A_136 : vector<16xf32> to vector<1x16xf32>
      tpu.vector_store %arg8[%swap3A_137, %swap3A_138], %swap3A_141 {strides = array<i32>} : memref<80x128xf32, #tpu.memory_space<vmem>>, vector<1x16xf32>,
      %broadcast_in_dim3A_142 = arith.constant 0.000000e+00 : f32
      %broadcast_in_dim3A_143 = vector.broadcast %broadcast_in_dim3A_142 : f32 to vector<16xf32>
      %swap3A_144 = arith.index_cast %scan3A_108 : i32 to index
      %swap3A_145 = arith.constant 80 : index
      %swap3A_146 = tpu.vector_load %arg8[%swap3A_144, %swap3A_145] {strides = array<i32>} : memref<80x128xf32, #tpu.memory_space<vmem>>, vector<1x16xf32>,
      %swap3A_147 = vector.shape_cast %swap3A_146 : vector<1x16xf32> to vector<16xf32>
      %swap3A_148 = vector.shape_cast %broadcast_in_dim3A_143 : vector<16xf32> to vector<1x16xf32>
      tpu.vector_store %arg8[%swap3A_144, %swap3A_145], %swap3A_148 {strides = array<i32>} : memref<80x128xf32, #tpu.memory_space<vmem>>, vector<1x16xf32>,
      %broadcast_in_dim3A_149 = arith.constant 0.000000e+00 : f32
      %broadcast_in_dim3A_150 = vector.broadcast %broadcast_in_dim3A_149 : f32 to vector<16xf32>
      %swap3A_151 = arith.index_cast %scan3A_108 : i32 to index
      %swap3A_152 = arith.constant 96 : index
      %swap3A_153 = tpu.vector_load %arg8[%swap3A_151, %swap3A_152] {strides = array<i32>} : memref<80x128xf32, #tpu.memory_space<vmem>>, vector<1x16xf32>,
      %swap3A_154 = vector.shape_cast %swap3A_153 : vector<1x16xf32> to vector<16xf32>
      %swap3A_155 = vector.shape_cast %broadcast_in_dim3A_150 : vector<16xf32> to vector<1x16xf32>
      tpu.vector_store %arg8[%swap3A_151, %swap3A_152], %swap3A_155 {strides = array<i32>} : memref<80x128xf32, #tpu.memory_space<vmem>>, vector<1x16xf32>,
      %broadcast_in_dim3A_156 = arith.constant 0.000000e+00 : f32
      %broadcast_in_dim3A_157 = vector.broadcast %broadcast_in_dim3A_156 : f32 to vector<16xf32>
      %swap3A_158 = arith.index_cast %scan3A_108 : i32 to index
      %swap3A_159 = arith.constant 112 : index
      %swap3A_160 = tpu.vector_load %arg8[%swap3A_158, %swap3A_159] {strides = array<i32>} : memref<80x128xf32, #tpu.memory_space<vmem>>, vector<1x16xf32>,
      %swap3A_161 = vector.shape_cast %swap3A_160 : vector<1x16xf32> to vector<16xf32>
      %swap3A_162 = vector.shape_cast %broadcast_in_dim3A_157 : vector<16xf32> to vector<1x16xf32>
      tpu.vector_store %arg8[%swap3A_158, %swap3A_159], %swap3A_162 {strides = array<i32>} : memref<80x128xf32, #tpu.memory_space<vmem>>, vector<1x16xf32>,
    }
    %scan3A_12 = arith.constant 80 : i32
    %scan3A_13 = arith.constant 0 : i32
    %scan3A_14 = arith.constant 0 : i32
    %scan3A_15 = arith.constant 8 : i32
    %scan3A_16 = arith.addi %scan3A_14, %scan3A_15 : i32
    %scan3A_17 = arith.constant 1 : i32
    scf.for %scan3A_108 = %scan3A_14 to %scan3A_16 step %scan3A_17  : i32 {
      %mul3A_109 = arith.constant 640 : i32
      %mul3A_110 = arith.muli %arg1, %mul3A_109 : i32
      %mul3A_111 = arith.constant 80 : i32
      %mul3A_112 = arith.muli %scan3A_108, %mul3A_111 : i32
      %add3A_113 = arith.addi %mul3A_110, %mul3A_112 : i32
      %dma_start3A_114 = arith.constant 0 : i32
      %dma_start3A_115 = tpu.memref_slice %arg10[%add3A_113, %dma_start3A_114] : memref<10240x128xf32, #tpu.memory_space<vmem_shared>> -> memref<80x128xf32, #tpu.memory_space<vmem_shared>>
      %dma_start3A_116 = arith.constant 0 : i32
      %dma_start3A_117 = tpu.memref_slice %arg10[%add3A_113, %dma_start3A_116] : memref<10240x128xf32, #tpu.memory_space<vmem_shared>> -> memref<80x128xf32, #tpu.memory_space<vmem_shared>>
      tpu.enqueue_dma source(%arg8 : memref<80x128xf32, #tpu.memory_space<vmem>>) target(%dma_start3A_117 : memref<80x128xf32, #tpu.memory_space<vmem_shared>>) target_semaphore(%arg12 : memref<!tpu.dma_semaphore, #tpu.memory_space<semaphore_mem>>)
    }
    %scan3A_18 = arith.constant 8 : i32
    %scan3A_19 = arith.constant 0 : i32
    %scan3A_20 = arith.constant 0 : i32
    %scan3A_21 = arith.constant 8 : i32
    %scan3A_22 = arith.addi %scan3A_20, %scan3A_21 : i32
    %scan3A_23 = arith.constant 1 : i32
    scf.for %scan3A_108 = %scan3A_20 to %scan3A_22 step %scan3A_23  : i32 {
      %mul3A_109 = arith.constant 640 : i32
      %mul3A_110 = arith.muli %arg1, %mul3A_109 : i32
      %mul3A_111 = arith.constant 80 : i32
      %mul3A_112 = arith.muli %scan3A_108, %mul3A_111 : i32
      %add3A_113 = arith.addi %mul3A_110, %mul3A_112 : i32
      %dma_wait3A_114 = arith.constant 0 : i32
      %dma_wait3A_115 = tpu.memref_slice %arg10[%add3A_113, %dma_wait3A_114] : memref<10240x128xf32, #tpu.memory_space<vmem_shared>> -> memref<80x128xf32, #tpu.memory_space<vmem_shared>>
      %dma_wait3A_116 = arith.constant 0 : i32
      %dma_wait3A_117 = tpu.memref_slice %arg10[%add3A_113, %dma_wait3A_116] : memref<10240x128xf32, #tpu.memory_space<vmem_shared>> -> memref<80x128xf32, #tpu.memory_space<vmem_shared>>
      tpu.wait_dma2 semaphore(%arg12 : memref<!tpu.dma_semaphore, #tpu.memory_space<semaphore_mem>>) src(%arg8 : memref<80x128xf32, #tpu.memory_space<vmem>>) dst(%dma_wait3A_117 : memref<80x128xf32, #tpu.memory_space<vmem_shared>>)
    }
    %scan3A_24 = arith.constant 8 : i32
    %dma_wait3A = arith.constant 0 : i32
    %dma_wait3A_25 = arith.constant 0 : i32
    %dma_wait3A_26 = tpu.memref_slice %arg3[%add3A, %dma_wait3A, %dma_wait3A_25] : memref<32x125x80xi32, #tpu.memory_space<hbm>> -> memref<1x125x80xi32, #tpu.memory_space<hbm>>
    %dma_wait3A_27 = tpu.memref_squeeze %dma_wait3A_26 : memref<1x125x80xi32, #tpu.memory_space<hbm>> -> memref<125x80xi32, #tpu.memory_space<hbm>>
    %dma_wait3A_28 = arith.constant 0 : i32
    %dma_wait3A_29 = arith.constant 0 : i32
    %dma_wait3A_30 = tpu.memref_slice %arg3[%add3A, %dma_wait3A_28, %dma_wait3A_29] : memref<32x125x80xi32, #tpu.memory_space<hbm>> -> memref<1x125x80xi32, #tpu.memory_space<hbm>>
    %dma_wait3A_31 = tpu.memref_squeeze %dma_wait3A_30 : memref<1x125x80xi32, #tpu.memory_space<hbm>> -> memref<125x80xi32, #tpu.memory_space<hbm>>
    tpu.wait_dma2 semaphore(%arg11 : memref<!tpu.dma_semaphore, #tpu.memory_space<semaphore_mem>>) src(%dma_wait3A_31 : memref<125x80xi32, #tpu.memory_space<hbm>>) dst(%arg6 : memref<125x80xi32, #tpu.memory_space<vmem>>)
    %run_scoped3A = arith.constant 0 : i32
    "tpu.region"() ({
      %run_scoped3A_108 = tpu.sem_alloc : memref<!tpu.dma_semaphore, #tpu.memory_space<semaphore_mem>>
      %dma_start3A_109 = arith.constant 0 : i32
      %dma_start3A_110 = arith.constant 0 : i32
      %dma_start3A_111 = tpu.memref_slice %arg7[%dma_start3A_109, %dma_start3A_110] : memref<50x80xi32, #tpu.memory_space<vmem>> -> memref<25x80xi32, #tpu.memory_space<vmem>>
      %dma_start3A_112 = arith.constant 0 : i32
      %dma_start3A_113 = arith.constant 0 : i32
      %dma_start3A_114 = tpu.memref_slice %arg4[%add3A, %run_scoped3A, %dma_start3A_112, %dma_start3A_113] : memref<32x5x25x80xi32, #tpu.memory_space<hbm>> -> memref<1x1x25x80xi32, #tpu.memory_space<hbm>>
      %dma_start3A_115 = tpu.memref_squeeze %dma_start3A_114 : memref<1x1x25x80xi32, #tpu.memory_space<hbm>> -> memref<25x80xi32, #tpu.memory_space<hbm>>
      %dma_start3A_116 = arith.constant 0 : i32
      %dma_start3A_117 = arith.constant 0 : i32
      %dma_start3A_118 = tpu.memref_slice %arg7[%dma_start3A_116, %dma_start3A_117] : memref<50x80xi32, #tpu.memory_space<vmem>> -> memref<25x80xi32, #tpu.memory_space<vmem>>
      %dma_start3A_119 = arith.constant 0 : i32
      %dma_start3A_120 = arith.constant 0 : i32
      %dma_start3A_121 = tpu.memref_slice %arg4[%add3A, %run_scoped3A, %dma_start3A_119, %dma_start3A_120] : memref<32x5x25x80xi32, #tpu.memory_space<hbm>> -> memref<1x1x25x80xi32, #tpu.memory_space<hbm>>
      %dma_start3A_122 = tpu.memref_squeeze %dma_start3A_121 : memref<1x1x25x80xi32, #tpu.memory_space<hbm>> -> memref<25x80xi32, #tpu.memory_space<hbm>>
      tpu.enqueue_dma source(%dma_start3A_122 : memref<25x80xi32, #tpu.memory_space<hbm>>) target(%dma_start3A_118 : memref<25x80xi32, #tpu.memory_space<vmem>>) target_semaphore(%run_scoped3A_108 : memref<!tpu.dma_semaphore, #tpu.memory_space<semaphore_mem>>)
      %dma_wait3A_123 = arith.constant 0 : i32
      %dma_wait3A_124 = arith.constant 0 : i32
      %dma_wait3A_125 = tpu.memref_slice %arg7[%dma_wait3A_123, %dma_wait3A_124] : memref<50x80xi32, #tpu.memory_space<vmem>> -> memref<25x80xi32, #tpu.memory_space<vmem>>
      %dma_wait3A_126 = arith.constant 0 : i32
      %dma_wait3A_127 = arith.constant 0 : i32
      %dma_wait3A_128 = tpu.memref_slice %arg4[%add3A, %run_scoped3A, %dma_wait3A_126, %dma_wait3A_127] : memref<32x5x25x80xi32, #tpu.memory_space<hbm>> -> memref<1x1x25x80xi32, #tpu.memory_space<hbm>>
      %dma_wait3A_129 = tpu.memref_squeeze %dma_wait3A_128 : memref<1x1x25x80xi32, #tpu.memory_space<hbm>> -> memref<25x80xi32, #tpu.memory_space<hbm>>
      %dma_wait3A_130 = arith.constant 0 : i32
      %dma_wait3A_131 = arith.constant 0 : i32
      %dma_wait3A_132 = tpu.memref_slice %arg7[%dma_wait3A_130, %dma_wait3A_131] : memref<50x80xi32, #tpu.memory_space<vmem>> -> memref<25x80xi32, #tpu.memory_space<vmem>>
      %dma_wait3A_133 = arith.constant 0 : i32
      %dma_wait3A_134 = arith.constant 0 : i32
      %dma_wait3A_135 = tpu.memref_slice %arg4[%add3A, %run_scoped3A, %dma_wait3A_133, %dma_wait3A_134] : memref<32x5x25x80xi32, #tpu.memory_space<hbm>> -> memref<1x1x25x80xi32, #tpu.memory_space<hbm>>
      %dma_wait3A_136 = tpu.memref_squeeze %dma_wait3A_135 : memref<1x1x25x80xi32, #tpu.memory_space<hbm>> -> memref<25x80xi32, #tpu.memory_space<hbm>>
      tpu.wait_dma2 semaphore(%run_scoped3A_108 : memref<!tpu.dma_semaphore, #tpu.memory_space<semaphore_mem>>) src(%dma_wait3A_136 : memref<25x80xi32, #tpu.memory_space<hbm>>) dst(%dma_wait3A_132 : memref<25x80xi32, #tpu.memory_space<vmem>>)
      tpu.yield
    }) : () -> ()
    %dma_start3A_32 = arith.constant 1 : i32
    %dma_start3A_33 = arith.constant 25 : i32
    %dma_start3A_34 = arith.constant 0 : i32
    %dma_start3A_35 = tpu.memref_slice %arg7[%dma_start3A_33, %dma_start3A_34] : memref<50x80xi32, #tpu.memory_space<vmem>> -> memref<25x80xi32, #tpu.memory_space<vmem>>
    %dma_start3A_36 = arith.constant 0 : i32
    %dma_start3A_37 = arith.constant 0 : i32
    %dma_start3A_38 = tpu.memref_slice %arg4[%add3A, %dma_start3A_32, %dma_start3A_36, %dma_start3A_37] : memref<32x5x25x80xi32, #tpu.memory_space<hbm>> -> memref<1x1x25x80xi32, #tpu.memory_space<hbm>>
    %dma_start3A_39 = tpu.memref_squeeze %dma_start3A_38 : memref<1x1x25x80xi32, #tpu.memory_space<hbm>> -> memref<25x80xi32, #tpu.memory_space<hbm>>
    %dma_start3A_40 = arith.constant 25 : i32
    %dma_start3A_41 = arith.constant 0 : i32
    %dma_start3A_42 = tpu.memref_slice %arg7[%dma_start3A_40, %dma_start3A_41] : memref<50x80xi32, #tpu.memory_space<vmem>> -> memref<25x80xi32, #tpu.memory_space<vmem>>
    %dma_start3A_43 = arith.constant 0 : i32
    %dma_start3A_44 = arith.constant 0 : i32
    %dma_start3A_45 = tpu.memref_slice %arg4[%add3A, %dma_start3A_32, %dma_start3A_43, %dma_start3A_44] : memref<32x5x25x80xi32, #tpu.memory_space<hbm>> -> memref<1x1x25x80xi32, #tpu.memory_space<hbm>>
    %dma_start3A_46 = tpu.memref_squeeze %dma_start3A_45 : memref<1x1x25x80xi32, #tpu.memory_space<hbm>> -> memref<25x80xi32, #tpu.memory_space<hbm>>
    tpu.enqueue_dma source(%dma_start3A_46 : memref<25x80xi32, #tpu.memory_space<hbm>>) target(%dma_start3A_42 : memref<25x80xi32, #tpu.memory_space<vmem>>) target_semaphore(%arg13 : memref<!tpu.dma_semaphore, #tpu.memory_space<semaphore_mem>>)
    %barrier3A = arith.constant 0 : index
    tpu.barrier barrier_id(%barrier3A)
    %dma_start3A_47 = arith.constant 0 : i32
    %dma_start3A_48 = arith.constant 0 : i32
    %dma_start3A_49 = tpu.memref_slice %arg6[%dma_start3A_47, %dma_start3A_48] : memref<125x80xi32, #tpu.memory_space<vmem>> -> memref<1x80xi32, #tpu.memory_space<vmem>>
    %dma_start3A_50 = tpu.memref_squeeze %dma_start3A_49 : memref<1x80xi32, #tpu.memory_space<vmem>> -> memref<80xi32, #tpu.memory_space<vmem>>
    %dma_start3A_51 = arith.constant 0 : i32
    %dma_start3A_52 = arith.constant 0 : i32
    %dma_start3A_53 = tpu.memref_slice %arg2[%dma_start3A_51, %dma_start3A_52] : memref<10000x128xf32, #tpu.memory_space<hbm>> -> memref<10000x128xf32, #tpu.memory_space<hbm>>
    tpu.enqueue_indirect_dma source(%dma_start3A_53 : memref<10000x128xf32, #tpu.memory_space<hbm>>) target(%arg8 : memref<80x128xf32, #tpu.memory_space<vmem>>) offsets(%dma_start3A_50 : memref<80xi32, #tpu.memory_space<vmem>>) semaphore(%arg11 : memref<!tpu.dma_semaphore, #tpu.memory_space<semaphore_mem>>)
    %scan3A_54 = arith.constant 0 : i32
    %scan3A_55 = arith.constant 0 : i32
    %scan3A_56 = arith.constant 61 : i32
    %scan3A_57 = arith.addi %scan3A_55, %scan3A_56 : i32
    %scan3A_58 = arith.constant 1 : i32
    scf.for %scan3A_108 = %scan3A_55 to %scan3A_57 step %scan3A_58  : i32 {
      %mul3A_109 = arith.constant 2 : i32
      %mul3A_110 = arith.muli %scan3A_108, %mul3A_109 : i32
      %add3A_111 = arith.constant 1 : i32
      %add3A_112 = arith.addi %mul3A_110, %add3A_111 : i32
      %dma_start3A_113 = arith.constant 0 : i32
      %dma_start3A_114 = tpu.memref_slice %arg6[%add3A_112, %dma_start3A_113] : memref<125x80xi32, #tpu.memory_space<vmem>> -> memref<1x80xi32, #tpu.memory_space<vmem>>
      %dma_start3A_115 = tpu.memref_squeeze %dma_start3A_114 : memref<1x80xi32, #tpu.memory_space<vmem>> -> memref<80xi32, #tpu.memory_space<vmem>>
      %dma_start3A_116 = arith.constant 0 : i32
      %dma_start3A_117 = arith.constant 0 : i32
      %dma_start3A_118 = tpu.memref_slice %arg2[%dma_start3A_116, %dma_start3A_117] : memref<10000x128xf32, #tpu.memory_space<hbm>> -> memref<10000x128xf32, #tpu.memory_space<hbm>>
      tpu.enqueue_indirect_dma source(%dma_start3A_118 : memref<10000x128xf32, #tpu.memory_space<hbm>>) target(%arg9 : memref<80x128xf32, #tpu.memory_space<vmem>>) offsets(%dma_start3A_115 : memref<80xi32, #tpu.memory_space<vmem>>) semaphore(%arg12 : memref<!tpu.dma_semaphore, #tpu.memory_space<semaphore_mem>>)
      %jit3A = arith.constant 25 : i32
      %div3A = arith.divsi %mul3A_110, %jit3A : i32
      %sign3A = arith.constant 0 : i32
      %sign3A_119 = arith.cmpi sgt, %mul3A_110, %sign3A : i32
      %sign3A_120 = arith.extui %sign3A_119 : i1 to i32
      %sign3A_121 = arith.constant 0 : i32
      %sign3A_122 = arith.cmpi slt, %mul3A_110, %sign3A_121 : i32
      %sign3A_123 = arith.extui %sign3A_122 : i1 to i32
      %sign3A_124 = arith.subi %sign3A_120, %sign3A_123 : i32
      %sign3A_125 = arith.constant 0 : i32
      %sign3A_126 = arith.cmpi sgt, %jit3A, %sign3A_125 : i32
      %sign3A_127 = arith.extui %sign3A_126 : i1 to i32
      %sign3A_128 = arith.constant 0 : i32
      %sign3A_129 = arith.cmpi slt, %jit3A, %sign3A_128 : i32
      %sign3A_130 = arith.extui %sign3A_129 : i1 to i32
      %sign3A_131 = arith.subi %sign3A_127, %sign3A_130 : i32
      %ne3A = arith.cmpi ne, %sign3A_124, %sign3A_131 : i32
      %rem3A = arith.remsi %mul3A_110, %jit3A : i32
      %ne3A_132 = arith.constant 0 : i32
      %ne3A_133 = arith.cmpi ne, %rem3A, %ne3A_132 : i32
      %and3A_134 = arith.andi %ne3A, %ne3A_133 : i1
      %sub3A = arith.constant 1 : i32
      %sub3A_135 = arith.subi %div3A, %sub3A : i32
      %select_n3A = arith.select %and3A_134, %sub3A_135, %div3A : i32
      %jit3A_136 = arith.constant 25 : i32
      %eq3A = arith.constant 0 : i32
      %eq3A_137 = arith.cmpi eq, %jit3A_136, %eq3A : i32
      %jit3A_138 = arith.constant 1 : i32
      %select_n3A_139 = arith.select %eq3A_137, %jit3A_138, %jit3A_136 : i32
      %rem3A_140 = arith.remsi %mul3A_110, %select_n3A_139 : i32
      %ne3A_141 = arith.constant 0 : i32
      %ne3A_142 = arith.cmpi ne, %rem3A_140, %ne3A_141 : i32
      %lt3A = arith.constant 0 : i32
      %lt3A_143 = arith.cmpi slt, %rem3A_140, %lt3A : i32
      %lt3A_144 = arith.constant 0 : i32
      %lt3A_145 = arith.cmpi slt, %select_n3A_139, %lt3A_144 : i32
      %ne3A_146 = arith.xori %lt3A_143, %lt3A_145 : i1
      %and3A_147 = arith.andi %ne3A_146, %ne3A_142 : i1
      %add3A_148 = arith.addi %rem3A_140, %select_n3A_139 : i32
      %select_n3A_149 = arith.select %and3A_147, %add3A_148, %rem3A_140 : i32
      %eq3A_150 = arith.constant 0 : i32
      %eq3A_151 = arith.cmpi eq, %select_n3A_149, %eq3A_150 : i32
      %gt3A = arith.constant 0 : i32
      %gt3A_152 = arith.cmpi sgt, %select_n3A, %gt3A : i32
      %and3A_153 = arith.andi %eq3A_151, %gt3A_152 : i1
      %convert_element_type3A_154 = arith.extui %and3A_153 : i1 to i32
      %cond3A_155 = arith.constant 0 : i32
      %cond3A_156 = arith.cmpi ne, %convert_element_type3A_154, %cond3A_155 : i32
      scf.if %cond3A_156 {
        %jit3A_349 = arith.constant 2 : i32
        %eq3A_350 = arith.constant 0 : i32
        %eq3A_351 = arith.cmpi eq, %jit3A_349, %eq3A_350 : i32
        %jit3A_352 = arith.constant 1 : i32
        %select_n3A_353 = arith.select %eq3A_351, %jit3A_352, %jit3A_349 : i32
        %rem3A_354 = arith.remsi %select_n3A, %select_n3A_353 : i32
        %ne3A_355 = arith.constant 0 : i32
        %ne3A_356 = arith.cmpi ne, %rem3A_354, %ne3A_355 : i32
        %lt3A_357 = arith.constant 0 : i32
        %lt3A_358 = arith.cmpi slt, %rem3A_354, %lt3A_357 : i32
        %lt3A_359 = arith.constant 0 : i32
        %lt3A_360 = arith.cmpi slt, %select_n3A_353, %lt3A_359 : i32
        %ne3A_361 = arith.xori %lt3A_358, %lt3A_360 : i1
        %and3A_362 = arith.andi %ne3A_361, %ne3A_356 : i1
        %add3A_363 = arith.addi %rem3A_354, %select_n3A_353 : i32
        %select_n3A_364 = arith.select %and3A_362, %add3A_363, %rem3A_354 : i32
        %mul3A_365 = arith.constant 25 : i32
        %mul3A_366 = arith.muli %select_n3A_364, %mul3A_365 : i32
        %dma_wait3A_367 = arith.constant 0 : i32
        %dma_wait3A_368 = tpu.memref_slice %arg7[%mul3A_366, %dma_wait3A_367] : memref<50x80xi32, #tpu.memory_space<vmem>> -> memref<25x80xi32, #tpu.memory_space<vmem>>
        %dma_wait3A_369 = arith.constant 0 : i32
        %dma_wait3A_370 = arith.constant 0 : i32
        %dma_wait3A_371 = tpu.memref_slice %arg4[%add3A, %select_n3A, %dma_wait3A_369, %dma_wait3A_370] : memref<32x5x25x80xi32, #tpu.memory_space<hbm>> -> memref<1x1x25x80xi32, #tpu.memory_space<hbm>>
        %dma_wait3A_372 = tpu.memref_squeeze %dma_wait3A_371 : memref<1x1x25x80xi32, #tpu.memory_space<hbm>> -> memref<25x80xi32, #tpu.memory_space<hbm>>
        %dma_wait3A_373 = arith.constant 0 : i32
        %dma_wait3A_374 = tpu.memref_slice %arg7[%mul3A_366, %dma_wait3A_373] : memref<50x80xi32, #tpu.memory_space<vmem>> -> memref<25x80xi32, #tpu.memory_space<vmem>>
        %dma_wait3A_375 = arith.constant 0 : i32
        %dma_wait3A_376 = arith.constant 0 : i32
        %dma_wait3A_377 = tpu.memref_slice %arg4[%add3A, %select_n3A, %dma_wait3A_375, %dma_wait3A_376] : memref<32x5x25x80xi32, #tpu.memory_space<hbm>> -> memref<1x1x25x80xi32, #tpu.memory_space<hbm>>
        %dma_wait3A_378 = tpu.memref_squeeze %dma_wait3A_377 : memref<1x1x25x80xi32, #tpu.memory_space<hbm>> -> memref<25x80xi32, #tpu.memory_space<hbm>>
        tpu.wait_dma2 semaphore(%arg13 : memref<!tpu.dma_semaphore, #tpu.memory_space<semaphore_mem>>) src(%dma_wait3A_378 : memref<25x80xi32, #tpu.memory_space<hbm>>) dst(%dma_wait3A_374 : memref<25x80xi32, #tpu.memory_space<vmem>>)
        %add3A_379 = arith.constant 1 : i32
        %add3A_380 = arith.addi %select_n3A, %add3A_379 : i32
        %lt3A_381 = arith.constant 5 : i32
        %lt3A_382 = arith.cmpi slt, %add3A_380, %lt3A_381 : i32
        %convert_element_type3A_383 = arith.extui %lt3A_382 : i1 to i32
        %cond3A_384 = arith.constant 0 : i32
        %cond3A_385 = arith.cmpi ne, %convert_element_type3A_383, %cond3A_384 : i32
        scf.if %cond3A_385 {
          %add3A_386 = arith.constant 1 : i32
          %add3A_387 = arith.addi %select_n3A, %add3A_386 : i32
          %add3A_388 = arith.constant 1 : i32
          %add3A_389 = arith.addi %select_n3A, %add3A_388 : i32
          %jit3A_390 = arith.constant 2 : i32
          %eq3A_391 = arith.constant 0 : i32
          %eq3A_392 = arith.cmpi eq, %jit3A_390, %eq3A_391 : i32
          %jit3A_393 = arith.constant 1 : i32
          %select_n3A_394 = arith.select %eq3A_392, %jit3A_393, %jit3A_390 : i32
          %rem3A_395 = arith.remsi %add3A_389, %select_n3A_394 : i32
          %ne3A_396 = arith.constant 0 : i32
          %ne3A_397 = arith.cmpi ne, %rem3A_395, %ne3A_396 : i32
          %lt3A_398 = arith.constant 0 : i32
          %lt3A_399 = arith.cmpi slt, %rem3A_395, %lt3A_398 : i32
          %lt3A_400 = arith.constant 0 : i32
          %lt3A_401 = arith.cmpi slt, %select_n3A_394, %lt3A_400 : i32
          %ne3A_402 = arith.xori %lt3A_399, %lt3A_401 : i1
          %and3A_403 = arith.andi %ne3A_402, %ne3A_397 : i1
          %add3A_404 = arith.addi %rem3A_395, %select_n3A_394 : i32
          %select_n3A_405 = arith.select %and3A_403, %add3A_404, %rem3A_395 : i32
          %mul3A_406 = arith.constant 25 : i32
          %mul3A_407 = arith.muli %select_n3A_405, %mul3A_406 : i32
          %dma_start3A_408 = arith.constant 0 : i32
          %dma_start3A_409 = tpu.memref_slice %arg7[%mul3A_407, %dma_start3A_408] : memref<50x80xi32, #tpu.memory_space<vmem>> -> memref<25x80xi32, #tpu.memory_space<vmem>>
          %dma_start3A_410 = arith.constant 0 : i32
          %dma_start3A_411 = arith.constant 0 : i32
          %dma_start3A_412 = tpu.memref_slice %arg4[%add3A, %add3A_387, %dma_start3A_410, %dma_start3A_411] : memref<32x5x25x80xi32, #tpu.memory_space<hbm>> -> memref<1x1x25x80xi32, #tpu.memory_space<hbm>>
          %dma_start3A_413 = tpu.memref_squeeze %dma_start3A_412 : memref<1x1x25x80xi32, #tpu.memory_space<hbm>> -> memref<25x80xi32, #tpu.memory_space<hbm>>
          %dma_start3A_414 = arith.constant 0 : i32
          %dma_start3A_415 = tpu.memref_slice %arg7[%mul3A_407, %dma_start3A_414] : memref<50x80xi32, #tpu.memory_space<vmem>> -> memref<25x80xi32, #tpu.memory_space<vmem>>
          %dma_start3A_416 = arith.constant 0 : i32
          %dma_start3A_417 = arith.constant 0 : i32
          %dma_start3A_418 = tpu.memref_slice %arg4[%add3A, %add3A_387, %dma_start3A_416, %dma_start3A_417] : memref<32x5x25x80xi32, #tpu.memory_space<hbm>> -> memref<1x1x25x80xi32, #tpu.memory_space<hbm>>
          %dma_start3A_419 = tpu.memref_squeeze %dma_start3A_418 : memref<1x1x25x80xi32, #tpu.memory_space<hbm>> -> memref<25x80xi32, #tpu.memory_space<hbm>>
          tpu.enqueue_dma source(%dma_start3A_419 : memref<25x80xi32, #tpu.memory_space<hbm>>) target(%dma_start3A_415 : memref<25x80xi32, #tpu.memory_space<vmem>>) target_semaphore(%arg13 : memref<!tpu.dma_semaphore, #tpu.memory_space<semaphore_mem>>)
        } else {
        }
      } else {
      }
      %dma_wait3A_157 = arith.constant 0 : i32
      %dma_wait3A_158 = tpu.memref_slice %arg6[%mul3A_110, %dma_wait3A_157] : memref<125x80xi32, #tpu.memory_space<vmem>> -> memref<1x80xi32, #tpu.memory_space<vmem>>
      %dma_wait3A_159 = tpu.memref_squeeze %dma_wait3A_158 : memref<1x80xi32, #tpu.memory_space<vmem>> -> memref<80xi32, #tpu.memory_space<vmem>>
      %dma_wait3A_160 = arith.constant 0 : i32
      %dma_wait3A_161 = arith.constant 0 : i32
      %dma_wait3A_162 = tpu.memref_slice %arg2[%dma_wait3A_160, %dma_wait3A_161] : memref<10000x128xf32, #tpu.memory_space<hbm>> -> memref<10000x128xf32, #tpu.memory_space<hbm>>
      tpu.wait_indirect_dma semaphore(%arg11 : memref<!tpu.dma_semaphore, #tpu.memory_space<semaphore_mem>>) src(%dma_wait3A_162 : memref<10000x128xf32, #tpu.memory_space<hbm>>) dst(%arg8 : memref<80x128xf32, #tpu.memory_space<vmem>>)
      %jit3A_163 = arith.constant 25 : i32
      %div3A_164 = arith.divsi %mul3A_110, %jit3A_163 : i32
      %sign3A_165 = arith.constant 0 : i32
      %sign3A_166 = arith.cmpi sgt, %mul3A_110, %sign3A_165 : i32
      %sign3A_167 = arith.extui %sign3A_166 : i1 to i32
      %sign3A_168 = arith.constant 0 : i32
      %sign3A_169 = arith.cmpi slt, %mul3A_110, %sign3A_168 : i32
      %sign3A_170 = arith.extui %sign3A_169 : i1 to i32
      %sign3A_171 = arith.subi %sign3A_167, %sign3A_170 : i32
      %sign3A_172 = arith.constant 0 : i32
      %sign3A_173 = arith.cmpi sgt, %jit3A_163, %sign3A_172 : i32
      %sign3A_174 = arith.extui %sign3A_173 : i1 to i32
      %sign3A_175 = arith.constant 0 : i32
      %sign3A_176 = arith.cmpi slt, %jit3A_163, %sign3A_175 : i32
      %sign3A_177 = arith.extui %sign3A_176 : i1 to i32
      %sign3A_178 = arith.subi %sign3A_174, %sign3A_177 : i32
      %ne3A_179 = arith.cmpi ne, %sign3A_171, %sign3A_178 : i32
      %rem3A_180 = arith.remsi %mul3A_110, %jit3A_163 : i32
      %ne3A_181 = arith.constant 0 : i32
      %ne3A_182 = arith.cmpi ne, %rem3A_180, %ne3A_181 : i32
      %and3A_183 = arith.andi %ne3A_179, %ne3A_182 : i1
      %sub3A_184 = arith.constant 1 : i32
      %sub3A_185 = arith.subi %div3A_164, %sub3A_184 : i32
      %select_n3A_186 = arith.select %and3A_183, %sub3A_185, %div3A_164 : i32
      %jit3A_187 = arith.constant 2 : i32
      %eq3A_188 = arith.constant 0 : i32
      %eq3A_189 = arith.cmpi eq, %jit3A_187, %eq3A_188 : i32
      %jit3A_190 = arith.constant 1 : i32
      %select_n3A_191 = arith.select %eq3A_189, %jit3A_190, %jit3A_187 : i32
      %rem3A_192 = arith.remsi %select_n3A_186, %select_n3A_191 : i32
      %ne3A_193 = arith.constant 0 : i32
      %ne3A_194 = arith.cmpi ne, %rem3A_192, %ne3A_193 : i32
      %lt3A_195 = arith.constant 0 : i32
      %lt3A_196 = arith.cmpi slt, %rem3A_192, %lt3A_195 : i32
      %lt3A_197 = arith.constant 0 : i32
      %lt3A_198 = arith.cmpi slt, %select_n3A_191, %lt3A_197 : i32
      %ne3A_199 = arith.xori %lt3A_196, %lt3A_198 : i1
      %and3A_200 = arith.andi %ne3A_199, %ne3A_194 : i1
      %add3A_201 = arith.addi %rem3A_192, %select_n3A_191 : i32
      %select_n3A_202 = arith.select %and3A_200, %add3A_201, %rem3A_192 : i32
      %mul3A_203 = arith.constant 25 : i32
      %mul3A_204 = arith.muli %select_n3A_202, %mul3A_203 : i32
      %jit3A_205 = arith.constant 25 : i32
      %eq3A_206 = arith.constant 0 : i32
      %eq3A_207 = arith.cmpi eq, %jit3A_205, %eq3A_206 : i32
      %jit3A_208 = arith.constant 1 : i32
      %select_n3A_209 = arith.select %eq3A_207, %jit3A_208, %jit3A_205 : i32
      %rem3A_210 = arith.remsi %mul3A_110, %select_n3A_209 : i32
      %ne3A_211 = arith.constant 0 : i32
      %ne3A_212 = arith.cmpi ne, %rem3A_210, %ne3A_211 : i32
      %lt3A_213 = arith.constant 0 : i32
      %lt3A_214 = arith.cmpi slt, %rem3A_210, %lt3A_213 : i32
      %lt3A_215 = arith.constant 0 : i32
      %lt3A_216 = arith.cmpi slt, %select_n3A_209, %lt3A_215 : i32
      %ne3A_217 = arith.xori %lt3A_214, %lt3A_216 : i1
      %and3A_218 = arith.andi %ne3A_217, %ne3A_212 : i1
      %add3A_219 = arith.addi %rem3A_210, %select_n3A_209 : i32
      %select_n3A_220 = arith.select %and3A_218, %add3A_219, %rem3A_210 : i32
      %add3A_221 = arith.addi %mul3A_204, %select_n3A_220 : i32
      "tpu.region"() ({
        %run_scoped3A_349 = tpu.sem_alloc : memref<!tpu.dma_semaphore, #tpu.memory_space<semaphore_mem>>
        %dma_start3A_350 = arith.constant 0 : i32
        %dma_start3A_351 = tpu.memref_slice %arg7[%add3A_221, %dma_start3A_350] : memref<50x80xi32, #tpu.memory_space<vmem>> -> memref<1x80xi32, #tpu.memory_space<vmem>>
        %dma_start3A_352 = tpu.memref_squeeze %dma_start3A_351 : memref<1x80xi32, #tpu.memory_space<vmem>> -> memref<80xi32, #tpu.memory_space<vmem>>
        %dma_start3A_353 = arith.constant 0 : i32
        %dma_start3A_354 = arith.constant 0 : i32
        %dma_start3A_355 = tpu.memref_slice %arg10[%dma_start3A_353, %dma_start3A_354] : memref<10240x128xf32, #tpu.memory_space<vmem_shared>> -> memref<10240x128xf32, #tpu.memory_space<vmem_shared>>
        tpu.enqueue_indirect_dma source(%arg8 : memref<80x128xf32, #tpu.memory_space<vmem>>) target(%dma_start3A_355 : memref<10240x128xf32, #tpu.memory_space<vmem_shared>>) offsets(%dma_start3A_352 : memref<80xi32, #tpu.memory_space<vmem>>) semaphore(%run_scoped3A_349 : memref<!tpu.dma_semaphore, #tpu.memory_space<semaphore_mem>>) {add = true}
        %dma_wait3A_356 = arith.constant 0 : i32
        %dma_wait3A_357 = tpu.memref_slice %arg7[%add3A_221, %dma_wait3A_356] : memref<50x80xi32, #tpu.memory_space<vmem>> -> memref<1x80xi32, #tpu.memory_space<vmem>>
        %dma_wait3A_358 = tpu.memref_squeeze %dma_wait3A_357 : memref<1x80xi32, #tpu.memory_space<vmem>> -> memref<80xi32, #tpu.memory_space<vmem>>
        %dma_wait3A_359 = arith.constant 0 : i32
        %dma_wait3A_360 = arith.constant 0 : i32
        %dma_wait3A_361 = tpu.memref_slice %arg10[%dma_wait3A_359, %dma_wait3A_360] : memref<10240x128xf32, #tpu.memory_space<vmem_shared>> -> memref<10240x128xf32, #tpu.memory_space<vmem_shared>>
        tpu.wait_indirect_dma semaphore(%run_scoped3A_349 : memref<!tpu.dma_semaphore, #tpu.memory_space<semaphore_mem>>) src(%arg8 : memref<80x128xf32, #tpu.memory_space<vmem>>) dst(%dma_wait3A_361 : memref<10240x128xf32, #tpu.memory_space<vmem_shared>>)
        tpu.yield
      }) : () -> ()
      %add3A_222 = arith.constant 2 : i32
      %add3A_223 = arith.addi %mul3A_110, %add3A_222 : i32
      %dma_start3A_224 = arith.constant 0 : i32
      %dma_start3A_225 = tpu.memref_slice %arg6[%add3A_223, %dma_start3A_224] : memref<125x80xi32, #tpu.memory_space<vmem>> -> memref<1x80xi32, #tpu.memory_space<vmem>>
      %dma_start3A_226 = tpu.memref_squeeze %dma_start3A_225 : memref<1x80xi32, #tpu.memory_space<vmem>> -> memref<80xi32, #tpu.memory_space<vmem>>
      %dma_start3A_227 = arith.constant 0 : i32
      %dma_start3A_228 = arith.constant 0 : i32
      %dma_start3A_229 = tpu.memref_slice %arg2[%dma_start3A_227, %dma_start3A_228] : memref<10000x128xf32, #tpu.memory_space<hbm>> -> memref<10000x128xf32, #tpu.memory_space<hbm>>
      tpu.enqueue_indirect_dma source(%dma_start3A_229 : memref<10000x128xf32, #tpu.memory_space<hbm>>) target(%arg8 : memref<80x128xf32, #tpu.memory_space<vmem>>) offsets(%dma_start3A_226 : memref<80xi32, #tpu.memory_space<vmem>>) semaphore(%arg11 : memref<!tpu.dma_semaphore, #tpu.memory_space<semaphore_mem>>)
      %add3A_230 = arith.constant 1 : i32
      %add3A_231 = arith.addi %mul3A_110, %add3A_230 : i32
      %jit3A_232 = arith.constant 25 : i32
      %div3A_233 = arith.divsi %add3A_231, %jit3A_232 : i32
      %sign3A_234 = arith.constant 0 : i32
      %sign3A_235 = arith.cmpi sgt, %add3A_231, %sign3A_234 : i32
      %sign3A_236 = arith.extui %sign3A_235 : i1 to i32
      %sign3A_237 = arith.constant 0 : i32
      %sign3A_238 = arith.cmpi slt, %add3A_231, %sign3A_237 : i32
      %sign3A_239 = arith.extui %sign3A_238 : i1 to i32
      %sign3A_240 = arith.subi %sign3A_236, %sign3A_239 : i32
      %sign3A_241 = arith.constant 0 : i32
      %sign3A_242 = arith.cmpi sgt, %jit3A_232, %sign3A_241 : i32
      %sign3A_243 = arith.extui %sign3A_242 : i1 to i32
      %sign3A_244 = arith.constant 0 : i32
      %sign3A_245 = arith.cmpi slt, %jit3A_232, %sign3A_244 : i32
      %sign3A_246 = arith.extui %sign3A_245 : i1 to i32
      %sign3A_247 = arith.subi %sign3A_243, %sign3A_246 : i32
      %ne3A_248 = arith.cmpi ne, %sign3A_240, %sign3A_247 : i32
      %rem3A_249 = arith.remsi %add3A_231, %jit3A_232 : i32
      %ne3A_250 = arith.constant 0 : i32
      %ne3A_251 = arith.cmpi ne, %rem3A_249, %ne3A_250 : i32
      %and3A_252 = arith.andi %ne3A_248, %ne3A_251 : i1
      %sub3A_253 = arith.constant 1 : i32
      %sub3A_254 = arith.subi %div3A_233, %sub3A_253 : i32
      %select_n3A_255 = arith.select %and3A_252, %sub3A_254, %div3A_233 : i32
      %jit3A_256 = arith.constant 25 : i32
      %eq3A_257 = arith.constant 0 : i32
      %eq3A_258 = arith.cmpi eq, %jit3A_256, %eq3A_257 : i32
      %jit3A_259 = arith.constant 1 : i32
      %select_n3A_260 = arith.select %eq3A_258, %jit3A_259, %jit3A_256 : i32
      %rem3A_261 = arith.remsi %add3A_231, %select_n3A_260 : i32
      %ne3A_262 = arith.constant 0 : i32
      %ne3A_263 = arith.cmpi ne, %rem3A_261, %ne3A_262 : i32
      %lt3A_264 = arith.constant 0 : i32
      %lt3A_265 = arith.cmpi slt, %rem3A_261, %lt3A_264 : i32
      %lt3A_266 = arith.constant 0 : i32
      %lt3A_267 = arith.cmpi slt, %select_n3A_260, %lt3A_266 : i32
      %ne3A_268 = arith.xori %lt3A_265, %lt3A_267 : i1
      %and3A_269 = arith.andi %ne3A_268, %ne3A_263 : i1
      %add3A_270 = arith.addi %rem3A_261, %select_n3A_260 : i32
      %select_n3A_271 = arith.select %and3A_269, %add3A_270, %rem3A_261 : i32
      %eq3A_272 = arith.constant 0 : i32
      %eq3A_273 = arith.cmpi eq, %select_n3A_271, %eq3A_272 : i32
      %gt3A_274 = arith.constant 0 : i32
      %gt3A_275 = arith.cmpi sgt, %select_n3A_255, %gt3A_274 : i32
      %and3A_276 = arith.andi %eq3A_273, %gt3A_275 : i1
      %convert_element_type3A_277 = arith.extui %and3A_276 : i1 to i32
      %cond3A_278 = arith.constant 0 : i32
      %cond3A_279 = arith.cmpi ne, %convert_element_type3A_277, %cond3A_278 : i32
      scf.if %cond3A_279 {
        %jit3A_349 = arith.constant 2 : i32
        %eq3A_350 = arith.constant 0 : i32
        %eq3A_351 = arith.cmpi eq, %jit3A_349, %eq3A_350 : i32
        %jit3A_352 = arith.constant 1 : i32
        %select_n3A_353 = arith.select %eq3A_351, %jit3A_352, %jit3A_349 : i32
        %rem3A_354 = arith.remsi %select_n3A_255, %select_n3A_353 : i32
        %ne3A_355 = arith.constant 0 : i32
        %ne3A_356 = arith.cmpi ne, %rem3A_354, %ne3A_355 : i32
        %lt3A_357 = arith.constant 0 : i32
        %lt3A_358 = arith.cmpi slt, %rem3A_354, %lt3A_357 : i32
        %lt3A_359 = arith.constant 0 : i32
        %lt3A_360 = arith.cmpi slt, %select_n3A_353, %lt3A_359 : i32
        %ne3A_361 = arith.xori %lt3A_358, %lt3A_360 : i1
        %and3A_362 = arith.andi %ne3A_361, %ne3A_356 : i1
        %add3A_363 = arith.addi %rem3A_354, %select_n3A_353 : i32
        %select_n3A_364 = arith.select %and3A_362, %add3A_363, %rem3A_354 : i32
        %mul3A_365 = arith.constant 25 : i32
        %mul3A_366 = arith.muli %select_n3A_364, %mul3A_365 : i32
        %dma_wait3A_367 = arith.constant 0 : i32
        %dma_wait3A_368 = tpu.memref_slice %arg7[%mul3A_366, %dma_wait3A_367] : memref<50x80xi32, #tpu.memory_space<vmem>> -> memref<25x80xi32, #tpu.memory_space<vmem>>
        %dma_wait3A_369 = arith.constant 0 : i32
        %dma_wait3A_370 = arith.constant 0 : i32
        %dma_wait3A_371 = tpu.memref_slice %arg4[%add3A, %select_n3A_255, %dma_wait3A_369, %dma_wait3A_370] : memref<32x5x25x80xi32, #tpu.memory_space<hbm>> -> memref<1x1x25x80xi32, #tpu.memory_space<hbm>>
        %dma_wait3A_372 = tpu.memref_squeeze %dma_wait3A_371 : memref<1x1x25x80xi32, #tpu.memory_space<hbm>> -> memref<25x80xi32, #tpu.memory_space<hbm>>
        %dma_wait3A_373 = arith.constant 0 : i32
        %dma_wait3A_374 = tpu.memref_slice %arg7[%mul3A_366, %dma_wait3A_373] : memref<50x80xi32, #tpu.memory_space<vmem>> -> memref<25x80xi32, #tpu.memory_space<vmem>>
        %dma_wait3A_375 = arith.constant 0 : i32
        %dma_wait3A_376 = arith.constant 0 : i32
        %dma_wait3A_377 = tpu.memref_slice %arg4[%add3A, %select_n3A_255, %dma_wait3A_375, %dma_wait3A_376] : memref<32x5x25x80xi32, #tpu.memory_space<hbm>> -> memref<1x1x25x80xi32, #tpu.memory_space<hbm>>
        %dma_wait3A_378 = tpu.memref_squeeze %dma_wait3A_377 : memref<1x1x25x80xi32, #tpu.memory_space<hbm>> -> memref<25x80xi32, #tpu.memory_space<hbm>>
        tpu.wait_dma2 semaphore(%arg13 : memref<!tpu.dma_semaphore, #tpu.memory_space<semaphore_mem>>) src(%dma_wait3A_378 : memref<25x80xi32, #tpu.memory_space<hbm>>) dst(%dma_wait3A_374 : memref<25x80xi32, #tpu.memory_space<vmem>>)
        %add3A_379 = arith.constant 1 : i32
        %add3A_380 = arith.addi %select_n3A_255, %add3A_379 : i32
        %lt3A_381 = arith.constant 5 : i32
        %lt3A_382 = arith.cmpi slt, %add3A_380, %lt3A_381 : i32
        %convert_element_type3A_383 = arith.extui %lt3A_382 : i1 to i32
        %cond3A_384 = arith.constant 0 : i32
        %cond3A_385 = arith.cmpi ne, %convert_element_type3A_383, %cond3A_384 : i32
        scf.if %cond3A_385 {
          %add3A_386 = arith.constant 1 : i32
          %add3A_387 = arith.addi %select_n3A_255, %add3A_386 : i32
          %add3A_388 = arith.constant 1 : i32
          %add3A_389 = arith.addi %select_n3A_255, %add3A_388 : i32
          %jit3A_390 = arith.constant 2 : i32
          %eq3A_391 = arith.constant 0 : i32
          %eq3A_392 = arith.cmpi eq, %jit3A_390, %eq3A_391 : i32
          %jit3A_393 = arith.constant 1 : i32
          %select_n3A_394 = arith.select %eq3A_392, %jit3A_393, %jit3A_390 : i32
          %rem3A_395 = arith.remsi %add3A_389, %select_n3A_394 : i32
          %ne3A_396 = arith.constant 0 : i32
          %ne3A_397 = arith.cmpi ne, %rem3A_395, %ne3A_396 : i32
          %lt3A_398 = arith.constant 0 : i32
          %lt3A_399 = arith.cmpi slt, %rem3A_395, %lt3A_398 : i32
          %lt3A_400 = arith.constant 0 : i32
          %lt3A_401 = arith.cmpi slt, %select_n3A_394, %lt3A_400 : i32
          %ne3A_402 = arith.xori %lt3A_399, %lt3A_401 : i1
          %and3A_403 = arith.andi %ne3A_402, %ne3A_397 : i1
          %add3A_404 = arith.addi %rem3A_395, %select_n3A_394 : i32
          %select_n3A_405 = arith.select %and3A_403, %add3A_404, %rem3A_395 : i32
          %mul3A_406 = arith.constant 25 : i32
          %mul3A_407 = arith.muli %select_n3A_405, %mul3A_406 : i32
          %dma_start3A_408 = arith.constant 0 : i32
          %dma_start3A_409 = tpu.memref_slice %arg7[%mul3A_407, %dma_start3A_408] : memref<50x80xi32, #tpu.memory_space<vmem>> -> memref<25x80xi32, #tpu.memory_space<vmem>>
          %dma_start3A_410 = arith.constant 0 : i32
          %dma_start3A_411 = arith.constant 0 : i32
          %dma_start3A_412 = tpu.memref_slice %arg4[%add3A, %add3A_387, %dma_start3A_410, %dma_start3A_411] : memref<32x5x25x80xi32, #tpu.memory_space<hbm>> -> memref<1x1x25x80xi32, #tpu.memory_space<hbm>>
          %dma_start3A_413 = tpu.memref_squeeze %dma_start3A_412 : memref<1x1x25x80xi32, #tpu.memory_space<hbm>> -> memref<25x80xi32, #tpu.memory_space<hbm>>
          %dma_start3A_414 = arith.constant 0 : i32
          %dma_start3A_415 = tpu.memref_slice %arg7[%mul3A_407, %dma_start3A_414] : memref<50x80xi32, #tpu.memory_space<vmem>> -> memref<25x80xi32, #tpu.memory_space<vmem>>
          %dma_start3A_416 = arith.constant 0 : i32
          %dma_start3A_417 = arith.constant 0 : i32
          %dma_start3A_418 = tpu.memref_slice %arg4[%add3A, %add3A_387, %dma_start3A_416, %dma_start3A_417] : memref<32x5x25x80xi32, #tpu.memory_space<hbm>> -> memref<1x1x25x80xi32, #tpu.memory_space<hbm>>
          %dma_start3A_419 = tpu.memref_squeeze %dma_start3A_418 : memref<1x1x25x80xi32, #tpu.memory_space<hbm>> -> memref<25x80xi32, #tpu.memory_space<hbm>>
          tpu.enqueue_dma source(%dma_start3A_419 : memref<25x80xi32, #tpu.memory_space<hbm>>) target(%dma_start3A_415 : memref<25x80xi32, #tpu.memory_space<vmem>>) target_semaphore(%arg13 : memref<!tpu.dma_semaphore, #tpu.memory_space<semaphore_mem>>)
        } else {
        }
      } else {
      }
      %add3A_280 = arith.constant 1 : i32
      %add3A_281 = arith.addi %mul3A_110, %add3A_280 : i32
      %dma_wait3A_282 = arith.constant 0 : i32
      %dma_wait3A_283 = tpu.memref_slice %arg6[%add3A_281, %dma_wait3A_282] : memref<125x80xi32, #tpu.memory_space<vmem>> -> memref<1x80xi32, #tpu.memory_space<vmem>>
      %dma_wait3A_284 = tpu.memref_squeeze %dma_wait3A_283 : memref<1x80xi32, #tpu.memory_space<vmem>> -> memref<80xi32, #tpu.memory_space<vmem>>
      %dma_wait3A_285 = arith.constant 0 : i32
      %dma_wait3A_286 = arith.constant 0 : i32
      %dma_wait3A_287 = tpu.memref_slice %arg2[%dma_wait3A_285, %dma_wait3A_286] : memref<10000x128xf32, #tpu.memory_space<hbm>> -> memref<10000x128xf32, #tpu.memory_space<hbm>>
      tpu.wait_indirect_dma semaphore(%arg12 : memref<!tpu.dma_semaphore, #tpu.memory_space<semaphore_mem>>) src(%dma_wait3A_287 : memref<10000x128xf32, #tpu.memory_space<hbm>>) dst(%arg9 : memref<80x128xf32, #tpu.memory_space<vmem>>)
      %add3A_288 = arith.constant 1 : i32
      %add3A_289 = arith.addi %mul3A_110, %add3A_288 : i32
      %jit3A_290 = arith.constant 25 : i32
      %div3A_291 = arith.divsi %add3A_289, %jit3A_290 : i32
      %sign3A_292 = arith.constant 0 : i32
      %sign3A_293 = arith.cmpi sgt, %add3A_289, %sign3A_292 : i32
      %sign3A_294 = arith.extui %sign3A_293 : i1 to i32
      %sign3A_295 = arith.constant 0 : i32
      %sign3A_296 = arith.cmpi slt, %add3A_289, %sign3A_295 : i32
      %sign3A_297 = arith.extui %sign3A_296 : i1 to i32
      %sign3A_298 = arith.subi %sign3A_294, %sign3A_297 : i32
      %sign3A_299 = arith.constant 0 : i32
      %sign3A_300 = arith.cmpi sgt, %jit3A_290, %sign3A_299 : i32
      %sign3A_301 = arith.extui %sign3A_300 : i1 to i32
      %sign3A_302 = arith.constant 0 : i32
      %sign3A_303 = arith.cmpi slt, %jit3A_290, %sign3A_302 : i32
      %sign3A_304 = arith.extui %sign3A_303 : i1 to i32
      %sign3A_305 = arith.subi %sign3A_301, %sign3A_304 : i32
      %ne3A_306 = arith.cmpi ne, %sign3A_298, %sign3A_305 : i32
      %rem3A_307 = arith.remsi %add3A_289, %jit3A_290 : i32
      %ne3A_308 = arith.constant 0 : i32
      %ne3A_309 = arith.cmpi ne, %rem3A_307, %ne3A_308 : i32
      %and3A_310 = arith.andi %ne3A_306, %ne3A_309 : i1
      %sub3A_311 = arith.constant 1 : i32
      %sub3A_312 = arith.subi %div3A_291, %sub3A_311 : i32
      %select_n3A_313 = arith.select %and3A_310, %sub3A_312, %div3A_291 : i32
      %jit3A_314 = arith.constant 2 : i32
      %eq3A_315 = arith.constant 0 : i32
      %eq3A_316 = arith.cmpi eq, %jit3A_314, %eq3A_315 : i32
      %jit3A_317 = arith.constant 1 : i32
      %select_n3A_318 = arith.select %eq3A_316, %jit3A_317, %jit3A_314 : i32
      %rem3A_319 = arith.remsi %select_n3A_313, %select_n3A_318 : i32
      %ne3A_320 = arith.constant 0 : i32
      %ne3A_321 = arith.cmpi ne, %rem3A_319, %ne3A_320 : i32
      %lt3A_322 = arith.constant 0 : i32
      %lt3A_323 = arith.cmpi slt, %rem3A_319, %lt3A_322 : i32
      %lt3A_324 = arith.constant 0 : i32
      %lt3A_325 = arith.cmpi slt, %select_n3A_318, %lt3A_324 : i32
      %ne3A_326 = arith.xori %lt3A_323, %lt3A_325 : i1
      %and3A_327 = arith.andi %ne3A_326, %ne3A_321 : i1
      %add3A_328 = arith.addi %rem3A_319, %select_n3A_318 : i32
      %select_n3A_329 = arith.select %and3A_327, %add3A_328, %rem3A_319 : i32
      %mul3A_330 = arith.constant 25 : i32
      %mul3A_331 = arith.muli %select_n3A_329, %mul3A_330 : i32
      %jit3A_332 = arith.constant 25 : i32
      %eq3A_333 = arith.constant 0 : i32
      %eq3A_334 = arith.cmpi eq, %jit3A_332, %eq3A_333 : i32
      %jit3A_335 = arith.constant 1 : i32
      %select_n3A_336 = arith.select %eq3A_334, %jit3A_335, %jit3A_332 : i32
      %rem3A_337 = arith.remsi %add3A_289, %select_n3A_336 : i32
      %ne3A_338 = arith.constant 0 : i32
      %ne3A_339 = arith.cmpi ne, %rem3A_337, %ne3A_338 : i32
      %lt3A_340 = arith.constant 0 : i32
      %lt3A_341 = arith.cmpi slt, %rem3A_337, %lt3A_340 : i32
      %lt3A_342 = arith.constant 0 : i32
      %lt3A_343 = arith.cmpi slt, %select_n3A_336, %lt3A_342 : i32
      %ne3A_344 = arith.xori %lt3A_341, %lt3A_343 : i1
      %and3A_345 = arith.andi %ne3A_344, %ne3A_339 : i1
      %add3A_346 = arith.addi %rem3A_337, %select_n3A_336 : i32
      %select_n3A_347 = arith.select %and3A_345, %add3A_346, %rem3A_337 : i32
      %add3A_348 = arith.addi %mul3A_331, %select_n3A_347 : i32
      "tpu.region"() ({
        %run_scoped3A_349 = tpu.sem_alloc : memref<!tpu.dma_semaphore, #tpu.memory_space<semaphore_mem>>
        %dma_start3A_350 = arith.constant 0 : i32
        %dma_start3A_351 = tpu.memref_slice %arg7[%add3A_348, %dma_start3A_350] : memref<50x80xi32, #tpu.memory_space<vmem>> -> memref<1x80xi32, #tpu.memory_space<vmem>>
        %dma_start3A_352 = tpu.memref_squeeze %dma_start3A_351 : memref<1x80xi32, #tpu.memory_space<vmem>> -> memref<80xi32, #tpu.memory_space<vmem>>
        %dma_start3A_353 = arith.constant 0 : i32
        %dma_start3A_354 = arith.constant 0 : i32
        %dma_start3A_355 = tpu.memref_slice %arg10[%dma_start3A_353, %dma_start3A_354] : memref<10240x128xf32, #tpu.memory_space<vmem_shared>> -> memref<10240x128xf32, #tpu.memory_space<vmem_shared>>
        tpu.enqueue_indirect_dma source(%arg9 : memref<80x128xf32, #tpu.memory_space<vmem>>) target(%dma_start3A_355 : memref<10240x128xf32, #tpu.memory_space<vmem_shared>>) offsets(%dma_start3A_352 : memref<80xi32, #tpu.memory_space<vmem>>) semaphore(%run_scoped3A_349 : memref<!tpu.dma_semaphore, #tpu.memory_space<semaphore_mem>>) {add = true}
        %dma_wait3A_356 = arith.constant 0 : i32
        %dma_wait3A_357 = tpu.memref_slice %arg7[%add3A_348, %dma_wait3A_356] : memref<50x80xi32, #tpu.memory_space<vmem>> -> memref<1x80xi32, #tpu.memory_space<vmem>>
        %dma_wait3A_358 = tpu.memref_squeeze %dma_wait3A_357 : memref<1x80xi32, #tpu.memory_space<vmem>> -> memref<80xi32, #tpu.memory_space<vmem>>
        %dma_wait3A_359 = arith.constant 0 : i32
        %dma_wait3A_360 = arith.constant 0 : i32
        %dma_wait3A_361 = tpu.memref_slice %arg10[%dma_wait3A_359, %dma_wait3A_360] : memref<10240x128xf32, #tpu.memory_space<vmem_shared>> -> memref<10240x128xf32, #tpu.memory_space<vmem_shared>>
        tpu.wait_indirect_dma semaphore(%run_scoped3A_349 : memref<!tpu.dma_semaphore, #tpu.memory_space<semaphore_mem>>) src(%arg9 : memref<80x128xf32, #tpu.memory_space<vmem>>) dst(%dma_wait3A_361 : memref<10240x128xf32, #tpu.memory_space<vmem_shared>>)
        tpu.yield
      }) : () -> ()
    }
    %scan3A_59 = arith.constant 61 : i32
    %dma_start3A_60 = arith.constant 123 : i32
    %dma_start3A_61 = arith.constant 0 : i32
    %dma_start3A_62 = tpu.memref_slice %arg6[%dma_start3A_60, %dma_start3A_61] : memref<125x80xi32, #tpu.memory_space<vmem>> -> memref<1x80xi32, #tpu.memory_space<vmem>>
    %dma_start3A_63 = tpu.memref_squeeze %dma_start3A_62 : memref<1x80xi32, #tpu.memory_space<vmem>> -> memref<80xi32, #tpu.memory_space<vmem>>
    %dma_start3A_64 = arith.constant 0 : i32
    %dma_start3A_65 = arith.constant 0 : i32
    %dma_start3A_66 = tpu.memref_slice %arg2[%dma_start3A_64, %dma_start3A_65] : memref<10000x128xf32, #tpu.memory_space<hbm>> -> memref<10000x128xf32, #tpu.memory_space<hbm>>
    tpu.enqueue_indirect_dma source(%dma_start3A_66 : memref<10000x128xf32, #tpu.memory_space<hbm>>) target(%arg9 : memref<80x128xf32, #tpu.memory_space<vmem>>) offsets(%dma_start3A_63 : memref<80xi32, #tpu.memory_space<vmem>>) semaphore(%arg12 : memref<!tpu.dma_semaphore, #tpu.memory_space<semaphore_mem>>)
    %dma_wait3A_67 = arith.constant 122 : i32
    %dma_wait3A_68 = arith.constant 0 : i32
    %dma_wait3A_69 = tpu.memref_slice %arg6[%dma_wait3A_67, %dma_wait3A_68] : memref<125x80xi32, #tpu.memory_space<vmem>> -> memref<1x80xi32, #tpu.memory_space<vmem>>
    %dma_wait3A_70 = tpu.memref_squeeze %dma_wait3A_69 : memref<1x80xi32, #tpu.memory_space<vmem>> -> memref<80xi32, #tpu.memory_space<vmem>>
    %dma_wait3A_71 = arith.constant 0 : i32
    %dma_wait3A_72 = arith.constant 0 : i32
    %dma_wait3A_73 = tpu.memref_slice %arg2[%dma_wait3A_71, %dma_wait3A_72] : memref<10000x128xf32, #tpu.memory_space<hbm>> -> memref<10000x128xf32, #tpu.memory_space<hbm>>
    tpu.wait_indirect_dma semaphore(%arg11 : memref<!tpu.dma_semaphore, #tpu.memory_space<semaphore_mem>>) src(%dma_wait3A_73 : memref<10000x128xf32, #tpu.memory_space<hbm>>) dst(%arg8 : memref<80x128xf32, #tpu.memory_space<vmem>>)
    %run_scoped3A_74 = arith.constant 22 : i32
    "tpu.region"() ({
      %run_scoped3A_108 = tpu.sem_alloc : memref<!tpu.dma_semaphore, #tpu.memory_space<semaphore_mem>>
      %dma_start3A_109 = arith.constant 0 : i32
      %dma_start3A_110 = tpu.memref_slice %arg7[%run_scoped3A_74, %dma_start3A_109] : memref<50x80xi32, #tpu.memory_space<vmem>> -> memref<1x80xi32, #tpu.memory_space<vmem>>
      %dma_start3A_111 = tpu.memref_squeeze %dma_start3A_110 : memref<1x80xi32, #tpu.memory_space<vmem>> -> memref<80xi32, #tpu.memory_space<vmem>>
      %dma_start3A_112 = arith.constant 0 : i32
      %dma_start3A_113 = arith.constant 0 : i32
      %dma_start3A_114 = tpu.memref_slice %arg10[%dma_start3A_112, %dma_start3A_113] : memref<10240x128xf32, #tpu.memory_space<vmem_shared>> -> memref<10240x128xf32, #tpu.memory_space<vmem_shared>>
      tpu.enqueue_indirect_dma source(%arg8 : memref<80x128xf32, #tpu.memory_space<vmem>>) target(%dma_start3A_114 : memref<10240x128xf32, #tpu.memory_space<vmem_shared>>) offsets(%dma_start3A_111 : memref<80xi32, #tpu.memory_space<vmem>>) semaphore(%run_scoped3A_108 : memref<!tpu.dma_semaphore, #tpu.memory_space<semaphore_mem>>) {add = true}
      %dma_wait3A_115 = arith.constant 0 : i32
      %dma_wait3A_116 = tpu.memref_slice %arg7[%run_scoped3A_74, %dma_wait3A_115] : memref<50x80xi32, #tpu.memory_space<vmem>> -> memref<1x80xi32, #tpu.memory_space<vmem>>
      %dma_wait3A_117 = tpu.memref_squeeze %dma_wait3A_116 : memref<1x80xi32, #tpu.memory_space<vmem>> -> memref<80xi32, #tpu.memory_space<vmem>>
      %dma_wait3A_118 = arith.constant 0 : i32
      %dma_wait3A_119 = arith.constant 0 : i32
      %dma_wait3A_120 = tpu.memref_slice %arg10[%dma_wait3A_118, %dma_wait3A_119] : memref<10240x128xf32, #tpu.memory_space<vmem_shared>> -> memref<10240x128xf32, #tpu.memory_space<vmem_shared>>
      tpu.wait_indirect_dma semaphore(%run_scoped3A_108 : memref<!tpu.dma_semaphore, #tpu.memory_space<semaphore_mem>>) src(%arg8 : memref<80x128xf32, #tpu.memory_space<vmem>>) dst(%dma_wait3A_120 : memref<10240x128xf32, #tpu.memory_space<vmem_shared>>)
      tpu.yield
    }) : () -> ()
    %dma_start3A_75 = arith.constant 124 : i32
    %dma_start3A_76 = arith.constant 0 : i32
    %dma_start3A_77 = tpu.memref_slice %arg6[%dma_start3A_75, %dma_start3A_76] : memref<125x80xi32, #tpu.memory_space<vmem>> -> memref<1x80xi32, #tpu.memory_space<vmem>>
    %dma_start3A_78 = tpu.memref_squeeze %dma_start3A_77 : memref<1x80xi32, #tpu.memory_space<vmem>> -> memref<80xi32, #tpu.memory_space<vmem>>
    %dma_start3A_79 = arith.constant 0 : i32
    %dma_start3A_80 = arith.constant 0 : i32
    %dma_start3A_81 = tpu.memref_slice %arg2[%dma_start3A_79, %dma_start3A_80] : memref<10000x128xf32, #tpu.memory_space<hbm>> -> memref<10000x128xf32, #tpu.memory_space<hbm>>
    tpu.enqueue_indirect_dma source(%dma_start3A_81 : memref<10000x128xf32, #tpu.memory_space<hbm>>) target(%arg8 : memref<80x128xf32, #tpu.memory_space<vmem>>) offsets(%dma_start3A_78 : memref<80xi32, #tpu.memory_space<vmem>>) semaphore(%arg11 : memref<!tpu.dma_semaphore, #tpu.memory_space<semaphore_mem>>)
    %and3A = arith.constant false
    %and3A_82 = arith.constant true
    %and3A_83 = arith.andi %and3A, %and3A_82 : i1
    %convert_element_type3A = arith.extui %and3A_83 : i1 to i32
    %cond3A = arith.constant 0 : i32
    %cond3A_84 = arith.cmpi ne, %convert_element_type3A, %cond3A : i32
    scf.if %cond3A_84 {
      %dma_wait3A_108 = arith.constant 4 : i32
      %dma_wait3A_109 = arith.constant 0 : i32
      %dma_wait3A_110 = arith.constant 0 : i32
      %dma_wait3A_111 = tpu.memref_slice %arg7[%dma_wait3A_109, %dma_wait3A_110] : memref<50x80xi32, #tpu.memory_space<vmem>> -> memref<25x80xi32, #tpu.memory_space<vmem>>
      %dma_wait3A_112 = arith.constant 0 : i32
      %dma_wait3A_113 = arith.constant 0 : i32
      %dma_wait3A_114 = tpu.memref_slice %arg4[%add3A, %dma_wait3A_108, %dma_wait3A_112, %dma_wait3A_113] : memref<32x5x25x80xi32, #tpu.memory_space<hbm>> -> memref<1x1x25x80xi32, #tpu.memory_space<hbm>>
      %dma_wait3A_115 = tpu.memref_squeeze %dma_wait3A_114 : memref<1x1x25x80xi32, #tpu.memory_space<hbm>> -> memref<25x80xi32, #tpu.memory_space<hbm>>
      %dma_wait3A_116 = arith.constant 0 : i32
      %dma_wait3A_117 = arith.constant 0 : i32
      %dma_wait3A_118 = tpu.memref_slice %arg7[%dma_wait3A_116, %dma_wait3A_117] : memref<50x80xi32, #tpu.memory_space<vmem>> -> memref<25x80xi32, #tpu.memory_space<vmem>>
      %dma_wait3A_119 = arith.constant 0 : i32
      %dma_wait3A_120 = arith.constant 0 : i32
      %dma_wait3A_121 = tpu.memref_slice %arg4[%add3A, %dma_wait3A_108, %dma_wait3A_119, %dma_wait3A_120] : memref<32x5x25x80xi32, #tpu.memory_space<hbm>> -> memref<1x1x25x80xi32, #tpu.memory_space<hbm>>
      %dma_wait3A_122 = tpu.memref_squeeze %dma_wait3A_121 : memref<1x1x25x80xi32, #tpu.memory_space<hbm>> -> memref<25x80xi32, #tpu.memory_space<hbm>>
      tpu.wait_dma2 semaphore(%arg13 : memref<!tpu.dma_semaphore, #tpu.memory_space<semaphore_mem>>) src(%dma_wait3A_122 : memref<25x80xi32, #tpu.memory_space<hbm>>) dst(%dma_wait3A_118 : memref<25x80xi32, #tpu.memory_space<vmem>>)
    } else {
    }
    %dma_wait3A_85 = arith.constant 123 : i32
    %dma_wait3A_86 = arith.constant 0 : i32
    %dma_wait3A_87 = tpu.memref_slice %arg6[%dma_wait3A_85, %dma_wait3A_86] : memref<125x80xi32, #tpu.memory_space<vmem>> -> memref<1x80xi32, #tpu.memory_space<vmem>>
    %dma_wait3A_88 = tpu.memref_squeeze %dma_wait3A_87 : memref<1x80xi32, #tpu.memory_space<vmem>> -> memref<80xi32, #tpu.memory_space<vmem>>
    %dma_wait3A_89 = arith.constant 0 : i32
    %dma_wait3A_90 = arith.constant 0 : i32
    %dma_wait3A_91 = tpu.memref_slice %arg2[%dma_wait3A_89, %dma_wait3A_90] : memref<10000x128xf32, #tpu.memory_space<hbm>> -> memref<10000x128xf32, #tpu.memory_space<hbm>>
    tpu.wait_indirect_dma semaphore(%arg12 : memref<!tpu.dma_semaphore, #tpu.memory_space<semaphore_mem>>) src(%dma_wait3A_91 : memref<10000x128xf32, #tpu.memory_space<hbm>>) dst(%arg9 : memref<80x128xf32, #tpu.memory_space<vmem>>)
    %run_scoped3A_92 = arith.constant 23 : i32
    "tpu.region"() ({
      %run_scoped3A_108 = tpu.sem_alloc : memref<!tpu.dma_semaphore, #tpu.memory_space<semaphore_mem>>
      %dma_start3A_109 = arith.constant 0 : i32
      %dma_start3A_110 = tpu.memref_slice %arg7[%run_scoped3A_92, %dma_start3A_109] : memref<50x80xi32, #tpu.memory_space<vmem>> -> memref<1x80xi32, #tpu.memory_space<vmem>>
      %dma_start3A_111 = tpu.memref_squeeze %dma_start3A_110 : memref<1x80xi32, #tpu.memory_space<vmem>> -> memref<80xi32, #tpu.memory_space<vmem>>
      %dma_start3A_112 = arith.constant 0 : i32
      %dma_start3A_113 = arith.constant 0 : i32
      %dma_start3A_114 = tpu.memref_slice %arg10[%dma_start3A_112, %dma_start3A_113] : memref<10240x128xf32, #tpu.memory_space<vmem_shared>> -> memref<10240x128xf32, #tpu.memory_space<vmem_shared>>
      tpu.enqueue_indirect_dma source(%arg9 : memref<80x128xf32, #tpu.memory_space<vmem>>) target(%dma_start3A_114 : memref<10240x128xf32, #tpu.memory_space<vmem_shared>>) offsets(%dma_start3A_111 : memref<80xi32, #tpu.memory_space<vmem>>) semaphore(%run_scoped3A_108 : memref<!tpu.dma_semaphore, #tpu.memory_space<semaphore_mem>>) {add = true}
      %dma_wait3A_115 = arith.constant 0 : i32
      %dma_wait3A_116 = tpu.memref_slice %arg7[%run_scoped3A_92, %dma_wait3A_115] : memref<50x80xi32, #tpu.memory_space<vmem>> -> memref<1x80xi32, #tpu.memory_space<vmem>>
      %dma_wait3A_117 = tpu.memref_squeeze %dma_wait3A_116 : memref<1x80xi32, #tpu.memory_space<vmem>> -> memref<80xi32, #tpu.memory_space<vmem>>
      %dma_wait3A_118 = arith.constant 0 : i32
      %dma_wait3A_119 = arith.constant 0 : i32
      %dma_wait3A_120 = tpu.memref_slice %arg10[%dma_wait3A_118, %dma_wait3A_119] : memref<10240x128xf32, #tpu.memory_space<vmem_shared>> -> memref<10240x128xf32, #tpu.memory_space<vmem_shared>>
      tpu.wait_indirect_dma semaphore(%run_scoped3A_108 : memref<!tpu.dma_semaphore, #tpu.memory_space<semaphore_mem>>) src(%arg9 : memref<80x128xf32, #tpu.memory_space<vmem>>) dst(%dma_wait3A_120 : memref<10240x128xf32, #tpu.memory_space<vmem_shared>>)
      tpu.yield
    }) : () -> ()
    %dma_wait3A_93 = arith.constant 124 : i32
    %dma_wait3A_94 = arith.constant 0 : i32
    %dma_wait3A_95 = tpu.memref_slice %arg6[%dma_wait3A_93, %dma_wait3A_94] : memref<125x80xi32, #tpu.memory_space<vmem>> -> memref<1x80xi32, #tpu.memory_space<vmem>>
    %dma_wait3A_96 = tpu.memref_squeeze %dma_wait3A_95 : memref<1x80xi32, #tpu.memory_space<vmem>> -> memref<80xi32, #tpu.memory_space<vmem>>
    %dma_wait3A_97 = arith.constant 0 : i32
    %dma_wait3A_98 = arith.constant 0 : i32
    %dma_wait3A_99 = tpu.memref_slice %arg2[%dma_wait3A_97, %dma_wait3A_98] : memref<10000x128xf32, #tpu.memory_space<hbm>> -> memref<10000x128xf32, #tpu.memory_space<hbm>>
    tpu.wait_indirect_dma semaphore(%arg11 : memref<!tpu.dma_semaphore, #tpu.memory_space<semaphore_mem>>) src(%dma_wait3A_99 : memref<10000x128xf32, #tpu.memory_space<hbm>>) dst(%arg8 : memref<80x128xf32, #tpu.memory_space<vmem>>)
    %run_scoped3A_100 = arith.constant 24 : i32
    "tpu.region"() ({
      %run_scoped3A_108 = tpu.sem_alloc : memref<!tpu.dma_semaphore, #tpu.memory_space<semaphore_mem>>
      %dma_start3A_109 = arith.constant 0 : i32
      %dma_start3A_110 = tpu.memref_slice %arg7[%run_scoped3A_100, %dma_start3A_109] : memref<50x80xi32, #tpu.memory_space<vmem>> -> memref<1x80xi32, #tpu.memory_space<vmem>>
      %dma_start3A_111 = tpu.memref_squeeze %dma_start3A_110 : memref<1x80xi32, #tpu.memory_space<vmem>> -> memref<80xi32, #tpu.memory_space<vmem>>
      %dma_start3A_112 = arith.constant 0 : i32
      %dma_start3A_113 = arith.constant 0 : i32
      %dma_start3A_114 = tpu.memref_slice %arg10[%dma_start3A_112, %dma_start3A_113] : memref<10240x128xf32, #tpu.memory_space<vmem_shared>> -> memref<10240x128xf32, #tpu.memory_space<vmem_shared>>
      tpu.enqueue_indirect_dma source(%arg8 : memref<80x128xf32, #tpu.memory_space<vmem>>) target(%dma_start3A_114 : memref<10240x128xf32, #tpu.memory_space<vmem_shared>>) offsets(%dma_start3A_111 : memref<80xi32, #tpu.memory_space<vmem>>) semaphore(%run_scoped3A_108 : memref<!tpu.dma_semaphore, #tpu.memory_space<semaphore_mem>>) {add = true}
      %dma_wait3A_115 = arith.constant 0 : i32
      %dma_wait3A_116 = tpu.memref_slice %arg7[%run_scoped3A_100, %dma_wait3A_115] : memref<50x80xi32, #tpu.memory_space<vmem>> -> memref<1x80xi32, #tpu.memory_space<vmem>>
      %dma_wait3A_117 = tpu.memref_squeeze %dma_wait3A_116 : memref<1x80xi32, #tpu.memory_space<vmem>> -> memref<80xi32, #tpu.memory_space<vmem>>
      %dma_wait3A_118 = arith.constant 0 : i32
      %dma_wait3A_119 = arith.constant 0 : i32
      %dma_wait3A_120 = tpu.memref_slice %arg10[%dma_wait3A_118, %dma_wait3A_119] : memref<10240x128xf32, #tpu.memory_space<vmem_shared>> -> memref<10240x128xf32, #tpu.memory_space<vmem_shared>>
      tpu.wait_indirect_dma semaphore(%run_scoped3A_108 : memref<!tpu.dma_semaphore, #tpu.memory_space<semaphore_mem>>) src(%arg8 : memref<80x128xf32, #tpu.memory_space<vmem>>) dst(%dma_wait3A_120 : memref<10240x128xf32, #tpu.memory_space<vmem_shared>>)
      tpu.yield
    }) : () -> ()
    %barrier3A_101 = arith.constant 0 : index
    tpu.barrier barrier_id(%barrier3A_101)
    %scan3A_102 = arith.constant 0 : i32
    %scan3A_103 = arith.constant 0 : i32
    %scan3A_104 = arith.constant 8 : i32
    %scan3A_105 = arith.addi %scan3A_103, %scan3A_104 : i32
    %scan3A_106 = arith.constant 1 : i32
    scf.for %scan3A_108 = %scan3A_103 to %scan3A_105 step %scan3A_106  : i32 {
      %mul3A_109 = arith.constant 640 : i32
      %mul3A_110 = arith.muli %arg1, %mul3A_109 : i32
      %mul3A_111 = arith.constant 80 : i32
      %mul3A_112 = arith.muli %scan3A_108, %mul3A_111 : i32
      %add3A_113 = arith.addi %mul3A_110, %mul3A_112 : i32
      "tpu.region"() ({
        %run_scoped3A_114 = tpu.sem_alloc : memref<!tpu.dma_semaphore, #tpu.memory_space<semaphore_mem>>
        %dma_start3A_115 = arith.constant 0 : i32
        %dma_start3A_116 = tpu.memref_slice %arg5[%arg0, %add3A_113, %dma_start3A_115] : memref<2x10240x128xf32, #tpu.memory_space<hbm>> -> memref<1x80x128xf32, #tpu.memory_space<hbm>>
        %dma_start3A_117 = tpu.memref_squeeze %dma_start3A_116 : memref<1x80x128xf32, #tpu.memory_space<hbm>> -> memref<80x128xf32, #tpu.memory_space<hbm>>
        %dma_start3A_118 = arith.constant 0 : i32
        %dma_start3A_119 = tpu.memref_slice %arg10[%add3A_113, %dma_start3A_118] : memref<10240x128xf32, #tpu.memory_space<vmem_shared>> -> memref<80x128xf32, #tpu.memory_space<vmem_shared>>
        tpu.enqueue_dma source(%dma_start3A_119 : memref<80x128xf32, #tpu.memory_space<vmem_shared>>) target(%dma_start3A_117 : memref<80x128xf32, #tpu.memory_space<hbm>>) target_semaphore(%run_scoped3A_114 : memref<!tpu.dma_semaphore, #tpu.memory_space<semaphore_mem>>)
        %dma_wait3A_120 = arith.constant 0 : i32
        %dma_wait3A_121 = tpu.memref_slice %arg5[%arg0, %add3A_113, %dma_wait3A_120] : memref<2x10240x128xf32, #tpu.memory_space<hbm>> -> memref<1x80x128xf32, #tpu.memory_space<hbm>>
        %dma_wait3A_122 = tpu.memref_squeeze %dma_wait3A_121 : memref<1x80x128xf32, #tpu.memory_space<hbm>> -> memref<80x128xf32, #tpu.memory_space<hbm>>
        %dma_wait3A_123 = arith.constant 0 : i32
        %dma_wait3A_124 = tpu.memref_slice %arg10[%add3A_113, %dma_wait3A_123] : memref<10240x128xf32, #tpu.memory_space<vmem_shared>> -> memref<80x128xf32, #tpu.memory_space<vmem_shared>>
        tpu.wait_dma2 semaphore(%run_scoped3A_114 : memref<!tpu.dma_semaphore, #tpu.memory_space<semaphore_mem>>) src(%dma_wait3A_124 : memref<80x128xf32, #tpu.memory_space<vmem_shared>>) dst(%dma_wait3A_122 : memref<80x128xf32, #tpu.memory_space<hbm>>)
        tpu.yield
      }) : () -> ()
    }
    %scan3A_107 = arith.constant 8 : i32
    return
  }
}

#map = affine_map<(d0, d1) -> (0, 0)>
#map1 = affine_map<(d0, d1) -> (0, 0, 0)>
#map2 = affine_map<(d0, d1) -> (0, 0, 0, 0)>
module attributes {stable_mosaic.version = 14 : i64} {
  func.func @_seg_body(%arg0: i32, %arg1: i32, %arg2: memref<10000x128xf32, #tpu.memory_space<hbm>>, %arg3: memref<32x125x80xi32, #tpu.memory_space<hbm>>, %arg4: memref<32x5x25x80xi32, #tpu.memory_space<hbm>>, %arg5: memref<2x10240x128xf32, #tpu.memory_space<hbm>>, %arg6: memref<125x80xi32, #tpu.memory_space<vmem>>, %arg7: memref<50x80xi32, #tpu.memory_space<vmem>>, %arg8: memref<80x128xf32, #tpu.memory_space<vmem>>, %arg9: memref<80x128xf32, #tpu.memory_space<vmem>>, %arg10: memref<10240x128xf32, #tpu.memory_space<vmem_shared>>, %arg11: memref<!tpu.dma_semaphore, #tpu.memory_space<semaphore_mem>>, %arg12: memref<!tpu.dma_semaphore, #tpu.memory_space<semaphore_mem>>, %arg13: memref<!tpu.dma_semaphore, #tpu.memory_space<semaphore_mem>>) attributes {dimension_semantics = [#tpu.dimension_semantics<core_parallel>, #tpu.dimension_semantics<subcore_parallel>], iteration_bounds = array<i64: 2, 16>, scalar_prefetch = 0 : i64, scratch_operands = 8 : i64, tpu.core_type = #tpu.core_type<sc_vector_subcore>, window_params = [{transform_indices = #map}, {transform_indices = #map1}, {transform_indices = #map2}, {transform_indices = #map1}]} {
    %mul3A = arith.constant 16 : i32
    %mul3A_0 = arith.muli %arg0, %mul3A : i32
    %add3A = arith.addi %mul3A_0, %arg1 : i32
    %dma_start3A = arith.constant 0 : i32
    %dma_start3A_1 = arith.constant 0 : i32
    %dma_start3A_2 = tpu.memref_slice %arg3[%add3A, %dma_start3A, %dma_start3A_1] : memref<32x125x80xi32, #tpu.memory_space<hbm>> -> memref<1x125x80xi32, #tpu.memory_space<hbm>>
    %dma_start3A_3 = tpu.memref_squeeze %dma_start3A_2 : memref<1x125x80xi32, #tpu.memory_space<hbm>> -> memref<125x80xi32, #tpu.memory_space<hbm>>
    %dma_start3A_4 = arith.constant 0 : i32
    %dma_start3A_5 = arith.constant 0 : i32
    %dma_start3A_6 = tpu.memref_slice %arg3[%add3A, %dma_start3A_4, %dma_start3A_5] : memref<32x125x80xi32, #tpu.memory_space<hbm>> -> memref<1x125x80xi32, #tpu.memory_space<hbm>>
    %dma_start3A_7 = tpu.memref_squeeze %dma_start3A_6 : memref<1x125x80xi32, #tpu.memory_space<hbm>> -> memref<125x80xi32, #tpu.memory_space<hbm>>
    tpu.enqueue_dma source(%dma_start3A_7 : memref<125x80xi32, #tpu.memory_space<hbm>>) target(%arg6 : memref<125x80xi32, #tpu.memory_space<vmem>>) target_semaphore(%arg11 : memref<!tpu.dma_semaphore, #tpu.memory_space<semaphore_mem>>)
    %scan3A = arith.constant 0 : i32
    %scan3A_8 = arith.constant 0 : i32
    %scan3A_9 = arith.constant 80 : i32
    %scan3A_10 = arith.addi %scan3A_8, %scan3A_9 : i32
    %scan3A_11 = arith.constant 1 : i32
    scf.for %scan3A_108 = %scan3A_8 to %scan3A_10 step %scan3A_11  : i32 {
      %broadcast_in_dim3A = arith.constant 0.000000e+00 : f32
      %broadcast_in_dim3A_109 = vector.broadcast %broadcast_in_dim3A : f32 to vector<16xf32>
      %swap3A = arith.index_cast %scan3A_108 : i32 to index
      %swap3A_110 = arith.constant 0 : index
      %swap3A_111 = tpu.vector_load %arg8[%swap3A, %swap3A_110] {strides = array<i32>} : memref<80x128xf32, #tpu.memory_space<vmem>>, vector<1x16xf32>,
      %swap3A_112 = vector.shape_cast %swap3A_111 : vector<1x16xf32> to vector<16xf32>
      %swap3A_113 = vector.shape_cast %broadcast_in_dim3A_109 : vector<16xf32> to vector<1x16xf32>
      tpu.vector_store %arg8[%swap3A, %swap3A_110], %swap3A_113 {strides = array<i32>} : memref<80x128xf32, #tpu.memory_space<vmem>>, vector<1x16xf32>,
      %broadcast_in_dim3A_114 = arith.constant 0.000000e+00 : f32
      %broadcast_in_dim3A_115 = vector.broadcast %broadcast_in_dim3A_114 : f32 to vector<16xf32>
      %swap3A_116 = arith.index_cast %scan3A_108 : i32 to index
      %swap3A_117 = arith.constant 16 : index
      %swap3A_118 = tpu.vector_load %arg8[%swap3A_116, %swap3A_117] {strides = array<i32>} : memref<80x128xf32, #tpu.memory_space<vmem>>, vector<1x16xf32>,
      %swap3A_119 = vector.shape_cast %swap3A_118 : vector<1x16xf32> to vector<16xf32>
      %swap3A_120 = vector.shape_cast %broadcast_in_dim3A_115 : vector<16xf32> to vector<1x16xf32>
      tpu.vector_store %arg8[%swap3A_116, %swap3A_117], %swap3A_120 {strides = array<i32>} : memref<80x128xf32, #tpu.memory_space<vmem>>, vector<1x16xf32>,
      %broadcast_in_dim3A_121 = arith.constant 0.000000e+00 : f32
      %broadcast_in_dim3A_122 = vector.broadcast %broadcast_in_dim3A_121 : f32 to vector<16xf32>
      %swap3A_123 = arith.index_cast %scan3A_108 : i32 to index
      %swap3A_124 = arith.constant 32 : index
      %swap3A_125 = tpu.vector_load %arg8[%swap3A_123, %swap3A_124] {strides = array<i32>} : memref<80x128xf32, #tpu.memory_space<vmem>>, vector<1x16xf32>,
      %swap3A_126 = vector.shape_cast %swap3A_125 : vector<1x16xf32> to vector<16xf32>
      %swap3A_127 = vector.shape_cast %broadcast_in_dim3A_122 : vector<16xf32> to vector<1x16xf32>
      tpu.vector_store %arg8[%swap3A_123, %swap3A_124], %swap3A_127 {strides = array<i32>} : memref<80x128xf32, #tpu.memory_space<vmem>>, vector<1x16xf32>,
      %broadcast_in_dim3A_128 = arith.constant 0.000000e+00 : f32
      %broadcast_in_dim3A_129 = vector.broadcast %broadcast_in_dim3A_128 : f32 to vector<16xf32>
      %swap3A_130 = arith.index_cast %scan3A_108 : i32 to index
      %swap3A_131 = arith.constant 48 : index
      %swap3A_132 = tpu.vector_load %arg8[%swap3A_130, %swap3A_131] {strides = array<i32>} : memref<80x128xf32, #tpu.memory_space<vmem>>, vector<1x16xf32>,
      %swap3A_133 = vector.shape_cast %swap3A_132 : vector<1x16xf32> to vector<16xf32>
      %swap3A_134 = vector.shape_cast %broadcast_in_dim3A_129 : vector<16xf32> to vector<1x16xf32>
      tpu.vector_store %arg8[%swap3A_130, %swap3A_131], %swap3A_134 {strides = array<i32>} : memref<80x128xf32, #tpu.memory_space<vmem>>, vector<1x16xf32>,
      %broadcast_in_dim3A_135 = arith.constant 0.000000e+00 : f32
      %broadcast_in_dim3A_136 = vector.broadcast %broadcast_in_dim3A_135 : f32 to vector<16xf32>
      %swap3A_137 = arith.index_cast %scan3A_108 : i32 to index
      %swap3A_138 = arith.constant 64 : index
      %swap3A_139 = tpu.vector_load %arg8[%swap3A_137, %swap3A_138] {strides = array<i32>} : memref<80x128xf32, #tpu.memory_space<vmem>>, vector<1x16xf32>,
      %swap3A_140 = vector.shape_cast %swap3A_139 : vector<1x16xf32> to vector<16xf32>
      %swap3A_141 = vector.shape_cast %broadcast_in_dim3A_136 : vector<16xf32> to vector<1x16xf32>
      tpu.vector_store %arg8[%swap3A_137, %swap3A_138], %swap3A_141 {strides = array<i32>} : memref<80x128xf32, #tpu.memory_space<vmem>>, vector<1x16xf32>,
      %broadcast_in_dim3A_142 = arith.constant 0.000000e+00 : f32
      %broadcast_in_dim3A_143 = vector.broadcast %broadcast_in_dim3A_142 : f32 to vector<16xf32>
      %swap3A_144 = arith.index_cast %scan3A_108 : i32 to index
      %swap3A_145 = arith.constant 80 : index
      %swap3A_146 = tpu.vector_load %arg8[%swap3A_144, %swap3A_145] {strides = array<i32>} : memref<80x128xf32, #tpu.memory_space<vmem>>, vector<1x16xf32>,
      %swap3A_147 = vector.shape_cast %swap3A_146 : vector<1x16xf32> to vector<16xf32>
      %swap3A_148 = vector.shape_cast %broadcast_in_dim3A_143 : vector<16xf32> to vector<1x16xf32>
      tpu.vector_store %arg8[%swap3A_144, %swap3A_145], %swap3A_148 {strides = array<i32>} : memref<80x128xf32, #tpu.memory_space<vmem>>, vector<1x16xf32>,
      %broadcast_in_dim3A_149 = arith.constant 0.000000e+00 : f32
      %broadcast_in_dim3A_150 = vector.broadcast %broadcast_in_dim3A_149 : f32 to vector<16xf32>
      %swap3A_151 = arith.index_cast %scan3A_108 : i32 to index
      %swap3A_152 = arith.constant 96 : index
      %swap3A_153 = tpu.vector_load %arg8[%swap3A_151, %swap3A_152] {strides = array<i32>} : memref<80x128xf32, #tpu.memory_space<vmem>>, vector<1x16xf32>,
      %swap3A_154 = vector.shape_cast %swap3A_153 : vector<1x16xf32> to vector<16xf32>
      %swap3A_155 = vector.shape_cast %broadcast_in_dim3A_150 : vector<16xf32> to vector<1x16xf32>
      tpu.vector_store %arg8[%swap3A_151, %swap3A_152], %swap3A_155 {strides = array<i32>} : memref<80x128xf32, #tpu.memory_space<vmem>>, vector<1x16xf32>,
      %broadcast_in_dim3A_156 = arith.constant 0.000000e+00 : f32
      %broadcast_in_dim3A_157 = vector.broadcast %broadcast_in_dim3A_156 : f32 to vector<16xf32>
      %swap3A_158 = arith.index_cast %scan3A_108 : i32 to index
      %swap3A_159 = arith.constant 112 : index
      %swap3A_160 = tpu.vector_load %arg8[%swap3A_158, %swap3A_159] {strides = array<i32>} : memref<80x128xf32, #tpu.memory_space<vmem>>, vector<1x16xf32>,
      %swap3A_161 = vector.shape_cast %swap3A_160 : vector<1x16xf32> to vector<16xf32>
      %swap3A_162 = vector.shape_cast %broadcast_in_dim3A_157 : vector<16xf32> to vector<1x16xf32>
      tpu.vector_store %arg8[%swap3A_158, %swap3A_159], %swap3A_162 {strides = array<i32>} : memref<80x128xf32, #tpu.memory_space<vmem>>, vector<1x16xf32>,
    }
    %scan3A_12 = arith.constant 80 : i32
    %scan3A_13 = arith.constant 0 : i32
    %scan3A_14 = arith.constant 0 : i32
    %scan3A_15 = arith.constant 8 : i32
    %scan3A_16 = arith.addi %scan3A_14, %scan3A_15 : i32
    %scan3A_17 = arith.constant 1 : i32
    scf.for %scan3A_108 = %scan3A_14 to %scan3A_16 step %scan3A_17  : i32 {
      %mul3A_109 = arith.constant 640 : i32
      %mul3A_110 = arith.muli %arg1, %mul3A_109 : i32
      %mul3A_111 = arith.constant 80 : i32
      %mul3A_112 = arith.muli %scan3A_108, %mul3A_111 : i32
      %add3A_113 = arith.addi %mul3A_110, %mul3A_112 : i32
      %dma_start3A_114 = arith.constant 0 : i32
      %dma_start3A_115 = tpu.memref_slice %arg10[%add3A_113, %dma_start3A_114] : memref<10240x128xf32, #tpu.memory_space<vmem_shared>> -> memref<80x128xf32, #tpu.memory_space<vmem_shared>>
      %dma_start3A_116 = arith.constant 0 : i32
      %dma_start3A_117 = tpu.memref_slice %arg10[%add3A_113, %dma_start3A_116] : memref<10240x128xf32, #tpu.memory_space<vmem_shared>> -> memref<80x128xf32, #tpu.memory_space<vmem_shared>>
      tpu.enqueue_dma source(%arg8 : memref<80x128xf32, #tpu.memory_space<vmem>>) target(%dma_start3A_117 : memref<80x128xf32, #tpu.memory_space<vmem_shared>>) target_semaphore(%arg12 : memref<!tpu.dma_semaphore, #tpu.memory_space<semaphore_mem>>)
    }
    %scan3A_18 = arith.constant 8 : i32
    %scan3A_19 = arith.constant 0 : i32
    %scan3A_20 = arith.constant 0 : i32
    %scan3A_21 = arith.constant 8 : i32
    %scan3A_22 = arith.addi %scan3A_20, %scan3A_21 : i32
    %scan3A_23 = arith.constant 1 : i32
    scf.for %scan3A_108 = %scan3A_20 to %scan3A_22 step %scan3A_23  : i32 {
      %mul3A_109 = arith.constant 640 : i32
      %mul3A_110 = arith.muli %arg1, %mul3A_109 : i32
      %mul3A_111 = arith.constant 80 : i32
      %mul3A_112 = arith.muli %scan3A_108, %mul3A_111 : i32
      %add3A_113 = arith.addi %mul3A_110, %mul3A_112 : i32
      %dma_wait3A_114 = arith.constant 0 : i32
      %dma_wait3A_115 = tpu.memref_slice %arg10[%add3A_113, %dma_wait3A_114] : memref<10240x128xf32, #tpu.memory_space<vmem_shared>> -> memref<80x128xf32, #tpu.memory_space<vmem_shared>>
      %dma_wait3A_116 = arith.constant 0 : i32
      %dma_wait3A_117 = tpu.memref_slice %arg10[%add3A_113, %dma_wait3A_116] : memref<10240x128xf32, #tpu.memory_space<vmem_shared>> -> memref<80x128xf32, #tpu.memory_space<vmem_shared>>
      tpu.wait_dma2 semaphore(%arg12 : memref<!tpu.dma_semaphore, #tpu.memory_space<semaphore_mem>>) src(%arg8 : memref<80x128xf32, #tpu.memory_space<vmem>>) dst(%dma_wait3A_117 : memref<80x128xf32, #tpu.memory_space<vmem_shared>>)
    }
    %scan3A_24 = arith.constant 8 : i32
    %dma_wait3A = arith.constant 0 : i32
    %dma_wait3A_25 = arith.constant 0 : i32
    %dma_wait3A_26 = tpu.memref_slice %arg3[%add3A, %dma_wait3A, %dma_wait3A_25] : memref<32x125x80xi32, #tpu.memory_space<hbm>> -> memref<1x125x80xi32, #tpu.memory_space<hbm>>
    %dma_wait3A_27 = tpu.memref_squeeze %dma_wait3A_26 : memref<1x125x80xi32, #tpu.memory_space<hbm>> -> memref<125x80xi32, #tpu.memory_space<hbm>>
    %dma_wait3A_28 = arith.constant 0 : i32
    %dma_wait3A_29 = arith.constant 0 : i32
    %dma_wait3A_30 = tpu.memref_slice %arg3[%add3A, %dma_wait3A_28, %dma_wait3A_29] : memref<32x125x80xi32, #tpu.memory_space<hbm>> -> memref<1x125x80xi32, #tpu.memory_space<hbm>>
    %dma_wait3A_31 = tpu.memref_squeeze %dma_wait3A_30 : memref<1x125x80xi32, #tpu.memory_space<hbm>> -> memref<125x80xi32, #tpu.memory_space<hbm>>
    tpu.wait_dma2 semaphore(%arg11 : memref<!tpu.dma_semaphore, #tpu.memory_space<semaphore_mem>>) src(%dma_wait3A_31 : memref<125x80xi32, #tpu.memory_space<hbm>>) dst(%arg6 : memref<125x80xi32, #tpu.memory_space<vmem>>)
    %run_scoped3A = arith.constant 0 : i32
    "tpu.region"() ({
      %run_scoped3A_108 = tpu.sem_alloc : memref<!tpu.dma_semaphore, #tpu.memory_space<semaphore_mem>>
      %dma_start3A_109 = arith.constant 0 : i32
      %dma_start3A_110 = arith.constant 0 : i32
      %dma_start3A_111 = tpu.memref_slice %arg7[%dma_start3A_109, %dma_start3A_110] : memref<50x80xi32, #tpu.memory_space<vmem>> -> memref<25x80xi32, #tpu.memory_space<vmem>>
      %dma_start3A_112 = arith.constant 0 : i32
      %dma_start3A_113 = arith.constant 0 : i32
      %dma_start3A_114 = tpu.memref_slice %arg4[%add3A, %run_scoped3A, %dma_start3A_112, %dma_start3A_113] : memref<32x5x25x80xi32, #tpu.memory_space<hbm>> -> memref<1x1x25x80xi32, #tpu.memory_space<hbm>>
      %dma_start3A_115 = tpu.memref_squeeze %dma_start3A_114 : memref<1x1x25x80xi32, #tpu.memory_space<hbm>> -> memref<25x80xi32, #tpu.memory_space<hbm>>
      %dma_start3A_116 = arith.constant 0 : i32
      %dma_start3A_117 = arith.constant 0 : i32
      %dma_start3A_118 = tpu.memref_slice %arg7[%dma_start3A_116, %dma_start3A_117] : memref<50x80xi32, #tpu.memory_space<vmem>> -> memref<25x80xi32, #tpu.memory_space<vmem>>
      %dma_start3A_119 = arith.constant 0 : i32
      %dma_start3A_120 = arith.constant 0 : i32
      %dma_start3A_121 = tpu.memref_slice %arg4[%add3A, %run_scoped3A, %dma_start3A_119, %dma_start3A_120] : memref<32x5x25x80xi32, #tpu.memory_space<hbm>> -> memref<1x1x25x80xi32, #tpu.memory_space<hbm>>
      %dma_start3A_122 = tpu.memref_squeeze %dma_start3A_121 : memref<1x1x25x80xi32, #tpu.memory_space<hbm>> -> memref<25x80xi32, #tpu.memory_space<hbm>>
      tpu.enqueue_dma source(%dma_start3A_122 : memref<25x80xi32, #tpu.memory_space<hbm>>) target(%dma_start3A_118 : memref<25x80xi32, #tpu.memory_space<vmem>>) target_semaphore(%run_scoped3A_108 : memref<!tpu.dma_semaphore, #tpu.memory_space<semaphore_mem>>)
      %dma_wait3A_123 = arith.constant 0 : i32
      %dma_wait3A_124 = arith.constant 0 : i32
      %dma_wait3A_125 = tpu.memref_slice %arg7[%dma_wait3A_123, %dma_wait3A_124] : memref<50x80xi32, #tpu.memory_space<vmem>> -> memref<25x80xi32, #tpu.memory_space<vmem>>
      %dma_wait3A_126 = arith.constant 0 : i32
      %dma_wait3A_127 = arith.constant 0 : i32
      %dma_wait3A_128 = tpu.memref_slice %arg4[%add3A, %run_scoped3A, %dma_wait3A_126, %dma_wait3A_127] : memref<32x5x25x80xi32, #tpu.memory_space<hbm>> -> memref<1x1x25x80xi32, #tpu.memory_space<hbm>>
      %dma_wait3A_129 = tpu.memref_squeeze %dma_wait3A_128 : memref<1x1x25x80xi32, #tpu.memory_space<hbm>> -> memref<25x80xi32, #tpu.memory_space<hbm>>
      %dma_wait3A_130 = arith.constant 0 : i32
      %dma_wait3A_131 = arith.constant 0 : i32
      %dma_wait3A_132 = tpu.memref_slice %arg7[%dma_wait3A_130, %dma_wait3A_131] : memref<50x80xi32, #tpu.memory_space<vmem>> -> memref<25x80xi32, #tpu.memory_space<vmem>>
      %dma_wait3A_133 = arith.constant 0 : i32
      %dma_wait3A_134 = arith.constant 0 : i32
      %dma_wait3A_135 = tpu.memref_slice %arg4[%add3A, %run_scoped3A, %dma_wait3A_133, %dma_wait3A_134] : memref<32x5x25x80xi32, #tpu.memory_space<hbm>> -> memref<1x1x25x80xi32, #tpu.memory_space<hbm>>
      %dma_wait3A_136 = tpu.memref_squeeze %dma_wait3A_135 : memref<1x1x25x80xi32, #tpu.memory_space<hbm>> -> memref<25x80xi32, #tpu.memory_space<hbm>>
      tpu.wait_dma2 semaphore(%run_scoped3A_108 : memref<!tpu.dma_semaphore, #tpu.memory_space<semaphore_mem>>) src(%dma_wait3A_136 : memref<25x80xi32, #tpu.memory_space<hbm>>) dst(%dma_wait3A_132 : memref<25x80xi32, #tpu.memory_space<vmem>>)
      tpu.yield
    }) : () -> ()
    %dma_start3A_32 = arith.constant 1 : i32
    %dma_start3A_33 = arith.constant 25 : i32
    %dma_start3A_34 = arith.constant 0 : i32
    %dma_start3A_35 = tpu.memref_slice %arg7[%dma_start3A_33, %dma_start3A_34] : memref<50x80xi32, #tpu.memory_space<vmem>> -> memref<25x80xi32, #tpu.memory_space<vmem>>
    %dma_start3A_36 = arith.constant 0 : i32
    %dma_start3A_37 = arith.constant 0 : i32
    %dma_start3A_38 = tpu.memref_slice %arg4[%add3A, %dma_start3A_32, %dma_start3A_36, %dma_start3A_37] : memref<32x5x25x80xi32, #tpu.memory_space<hbm>> -> memref<1x1x25x80xi32, #tpu.memory_space<hbm>>
    %dma_start3A_39 = tpu.memref_squeeze %dma_start3A_38 : memref<1x1x25x80xi32, #tpu.memory_space<hbm>> -> memref<25x80xi32, #tpu.memory_space<hbm>>
    %dma_start3A_40 = arith.constant 25 : i32
    %dma_start3A_41 = arith.constant 0 : i32
    %dma_start3A_42 = tpu.memref_slice %arg7[%dma_start3A_40, %dma_start3A_41] : memref<50x80xi32, #tpu.memory_space<vmem>> -> memref<25x80xi32, #tpu.memory_space<vmem>>
    %dma_start3A_43 = arith.constant 0 : i32
    %dma_start3A_44 = arith.constant 0 : i32
    %dma_start3A_45 = tpu.memref_slice %arg4[%add3A, %dma_start3A_32, %dma_start3A_43, %dma_start3A_44] : memref<32x5x25x80xi32, #tpu.memory_space<hbm>> -> memref<1x1x25x80xi32, #tpu.memory_space<hbm>>
    %dma_start3A_46 = tpu.memref_squeeze %dma_start3A_45 : memref<1x1x25x80xi32, #tpu.memory_space<hbm>> -> memref<25x80xi32, #tpu.memory_space<hbm>>
    tpu.enqueue_dma source(%dma_start3A_46 : memref<25x80xi32, #tpu.memory_space<hbm>>) target(%dma_start3A_42 : memref<25x80xi32, #tpu.memory_space<vmem>>) target_semaphore(%arg13 : memref<!tpu.dma_semaphore, #tpu.memory_space<semaphore_mem>>)
    %barrier3A = arith.constant 0 : index
    tpu.barrier barrier_id(%barrier3A)
    %dma_start3A_47 = arith.constant 0 : i32
    %dma_start3A_48 = arith.constant 0 : i32
    %dma_start3A_49 = tpu.memref_slice %arg6[%dma_start3A_47, %dma_start3A_48] : memref<125x80xi32, #tpu.memory_space<vmem>> -> memref<1x80xi32, #tpu.memory_space<vmem>>
    %dma_start3A_50 = tpu.memref_squeeze %dma_start3A_49 : memref<1x80xi32, #tpu.memory_space<vmem>> -> memref<80xi32, #tpu.memory_space<vmem>>
    %dma_start3A_51 = arith.constant 0 : i32
    %dma_start3A_52 = arith.constant 0 : i32
    %dma_start3A_53 = tpu.memref_slice %arg2[%dma_start3A_51, %dma_start3A_52] : memref<10000x128xf32, #tpu.memory_space<hbm>> -> memref<10000x128xf32, #tpu.memory_space<hbm>>
    tpu.enqueue_indirect_dma source(%dma_start3A_53 : memref<10000x128xf32, #tpu.memory_space<hbm>>) target(%arg8 : memref<80x128xf32, #tpu.memory_space<vmem>>) offsets(%dma_start3A_50 : memref<80xi32, #tpu.memory_space<vmem>>) semaphore(%arg11 : memref<!tpu.dma_semaphore, #tpu.memory_space<semaphore_mem>>)
    %scan3A_54 = arith.constant 0 : i32
    %scan3A_55 = arith.constant 0 : i32
    %scan3A_56 = arith.constant 61 : i32
    %scan3A_57 = arith.addi %scan3A_55, %scan3A_56 : i32
    %scan3A_58 = arith.constant 1 : i32
    scf.for %scan3A_108 = %scan3A_55 to %scan3A_57 step %scan3A_58  : i32 {
      %mul3A_109 = arith.constant 2 : i32
      %mul3A_110 = arith.muli %scan3A_108, %mul3A_109 : i32
      %add3A_111 = arith.constant 1 : i32
      %add3A_112 = arith.addi %mul3A_110, %add3A_111 : i32
      %dma_start3A_113 = arith.constant 0 : i32
      %dma_start3A_114 = tpu.memref_slice %arg6[%add3A_112, %dma_start3A_113] : memref<125x80xi32, #tpu.memory_space<vmem>> -> memref<1x80xi32, #tpu.memory_space<vmem>>
      %dma_start3A_115 = tpu.memref_squeeze %dma_start3A_114 : memref<1x80xi32, #tpu.memory_space<vmem>> -> memref<80xi32, #tpu.memory_space<vmem>>
      %dma_start3A_116 = arith.constant 0 : i32
      %dma_start3A_117 = arith.constant 0 : i32
      %dma_start3A_118 = tpu.memref_slice %arg2[%dma_start3A_116, %dma_start3A_117] : memref<10000x128xf32, #tpu.memory_space<hbm>> -> memref<10000x128xf32, #tpu.memory_space<hbm>>
      tpu.enqueue_indirect_dma source(%dma_start3A_118 : memref<10000x128xf32, #tpu.memory_space<hbm>>) target(%arg9 : memref<80x128xf32, #tpu.memory_space<vmem>>) offsets(%dma_start3A_115 : memref<80xi32, #tpu.memory_space<vmem>>) semaphore(%arg12 : memref<!tpu.dma_semaphore, #tpu.memory_space<semaphore_mem>>)
      %jit3A = arith.constant 25 : i32
      %div3A = arith.divsi %mul3A_110, %jit3A : i32
      %sign3A = arith.constant 0 : i32
      %sign3A_119 = arith.cmpi sgt, %mul3A_110, %sign3A : i32
      %sign3A_120 = arith.extui %sign3A_119 : i1 to i32
      %sign3A_121 = arith.constant 0 : i32
      %sign3A_122 = arith.cmpi slt, %mul3A_110, %sign3A_121 : i32
      %sign3A_123 = arith.extui %sign3A_122 : i1 to i32
      %sign3A_124 = arith.subi %sign3A_120, %sign3A_123 : i32
      %sign3A_125 = arith.constant 0 : i32
      %sign3A_126 = arith.cmpi sgt, %jit3A, %sign3A_125 : i32
      %sign3A_127 = arith.extui %sign3A_126 : i1 to i32
      %sign3A_128 = arith.constant 0 : i32
      %sign3A_129 = arith.cmpi slt, %jit3A, %sign3A_128 : i32
      %sign3A_130 = arith.extui %sign3A_129 : i1 to i32
      %sign3A_131 = arith.subi %sign3A_127, %sign3A_130 : i32
      %ne3A = arith.cmpi ne, %sign3A_124, %sign3A_131 : i32
      %rem3A = arith.remsi %mul3A_110, %jit3A : i32
      %ne3A_132 = arith.constant 0 : i32
      %ne3A_133 = arith.cmpi ne, %rem3A, %ne3A_132 : i32
      %and3A_134 = arith.andi %ne3A, %ne3A_133 : i1
      %sub3A = arith.constant 1 : i32
      %sub3A_135 = arith.subi %div3A, %sub3A : i32
      %select_n3A = arith.select %and3A_134, %sub3A_135, %div3A : i32
      %jit3A_136 = arith.constant 25 : i32
      %eq3A = arith.constant 0 : i32
      %eq3A_137 = arith.cmpi eq, %jit3A_136, %eq3A : i32
      %jit3A_138 = arith.constant 1 : i32
      %select_n3A_139 = arith.select %eq3A_137, %jit3A_138, %jit3A_136 : i32
      %rem3A_140 = arith.remsi %mul3A_110, %select_n3A_139 : i32
      %ne3A_141 = arith.constant 0 : i32
      %ne3A_142 = arith.cmpi ne, %rem3A_140, %ne3A_141 : i32
      %lt3A = arith.constant 0 : i32
      %lt3A_143 = arith.cmpi slt, %rem3A_140, %lt3A : i32
      %lt3A_144 = arith.constant 0 : i32
      %lt3A_145 = arith.cmpi slt, %select_n3A_139, %lt3A_144 : i32
      %ne3A_146 = arith.xori %lt3A_143, %lt3A_145 : i1
      %and3A_147 = arith.andi %ne3A_146, %ne3A_142 : i1
      %add3A_148 = arith.addi %rem3A_140, %select_n3A_139 : i32
      %select_n3A_149 = arith.select %and3A_147, %add3A_148, %rem3A_140 : i32
      %eq3A_150 = arith.constant 0 : i32
      %eq3A_151 = arith.cmpi eq, %select_n3A_149, %eq3A_150 : i32
      %gt3A = arith.constant 0 : i32
      %gt3A_152 = arith.cmpi sgt, %select_n3A, %gt3A : i32
      %and3A_153 = arith.andi %eq3A_151, %gt3A_152 : i1
      %convert_element_type3A_154 = arith.extui %and3A_153 : i1 to i32
      %cond3A_155 = arith.constant 0 : i32
      %cond3A_156 = arith.cmpi ne, %convert_element_type3A_154, %cond3A_155 : i32
      scf.if %cond3A_156 {
        %jit3A_349 = arith.constant 2 : i32
        %eq3A_350 = arith.constant 0 : i32
        %eq3A_351 = arith.cmpi eq, %jit3A_349, %eq3A_350 : i32
        %jit3A_352 = arith.constant 1 : i32
        %select_n3A_353 = arith.select %eq3A_351, %jit3A_352, %jit3A_349 : i32
        %rem3A_354 = arith.remsi %select_n3A, %select_n3A_353 : i32
        %ne3A_355 = arith.constant 0 : i32
        %ne3A_356 = arith.cmpi ne, %rem3A_354, %ne3A_355 : i32
        %lt3A_357 = arith.constant 0 : i32
        %lt3A_358 = arith.cmpi slt, %rem3A_354, %lt3A_357 : i32
        %lt3A_359 = arith.constant 0 : i32
        %lt3A_360 = arith.cmpi slt, %select_n3A_353, %lt3A_359 : i32
        %ne3A_361 = arith.xori %lt3A_358, %lt3A_360 : i1
        %and3A_362 = arith.andi %ne3A_361, %ne3A_356 : i1
        %add3A_363 = arith.addi %rem3A_354, %select_n3A_353 : i32
        %select_n3A_364 = arith.select %and3A_362, %add3A_363, %rem3A_354 : i32
        %mul3A_365 = arith.constant 25 : i32
        %mul3A_366 = arith.muli %select_n3A_364, %mul3A_365 : i32
        %dma_wait3A_367 = arith.constant 0 : i32
        %dma_wait3A_368 = tpu.memref_slice %arg7[%mul3A_366, %dma_wait3A_367] : memref<50x80xi32, #tpu.memory_space<vmem>> -> memref<25x80xi32, #tpu.memory_space<vmem>>
        %dma_wait3A_369 = arith.constant 0 : i32
        %dma_wait3A_370 = arith.constant 0 : i32
        %dma_wait3A_371 = tpu.memref_slice %arg4[%add3A, %select_n3A, %dma_wait3A_369, %dma_wait3A_370] : memref<32x5x25x80xi32, #tpu.memory_space<hbm>> -> memref<1x1x25x80xi32, #tpu.memory_space<hbm>>
        %dma_wait3A_372 = tpu.memref_squeeze %dma_wait3A_371 : memref<1x1x25x80xi32, #tpu.memory_space<hbm>> -> memref<25x80xi32, #tpu.memory_space<hbm>>
        %dma_wait3A_373 = arith.constant 0 : i32
        %dma_wait3A_374 = tpu.memref_slice %arg7[%mul3A_366, %dma_wait3A_373] : memref<50x80xi32, #tpu.memory_space<vmem>> -> memref<25x80xi32, #tpu.memory_space<vmem>>
        %dma_wait3A_375 = arith.constant 0 : i32
        %dma_wait3A_376 = arith.constant 0 : i32
        %dma_wait3A_377 = tpu.memref_slice %arg4[%add3A, %select_n3A, %dma_wait3A_375, %dma_wait3A_376] : memref<32x5x25x80xi32, #tpu.memory_space<hbm>> -> memref<1x1x25x80xi32, #tpu.memory_space<hbm>>
        %dma_wait3A_378 = tpu.memref_squeeze %dma_wait3A_377 : memref<1x1x25x80xi32, #tpu.memory_space<hbm>> -> memref<25x80xi32, #tpu.memory_space<hbm>>
        tpu.wait_dma2 semaphore(%arg13 : memref<!tpu.dma_semaphore, #tpu.memory_space<semaphore_mem>>) src(%dma_wait3A_378 : memref<25x80xi32, #tpu.memory_space<hbm>>) dst(%dma_wait3A_374 : memref<25x80xi32, #tpu.memory_space<vmem>>)
        %add3A_379 = arith.constant 1 : i32
        %add3A_380 = arith.addi %select_n3A, %add3A_379 : i32
        %lt3A_381 = arith.constant 5 : i32
        %lt3A_382 = arith.cmpi slt, %add3A_380, %lt3A_381 : i32
        %convert_element_type3A_383 = arith.extui %lt3A_382 : i1 to i32
        %cond3A_384 = arith.constant 0 : i32
        %cond3A_385 = arith.cmpi ne, %convert_element_type3A_383, %cond3A_384 : i32
        scf.if %cond3A_385 {
          %add3A_386 = arith.constant 1 : i32
          %add3A_387 = arith.addi %select_n3A, %add3A_386 : i32
          %add3A_388 = arith.constant 1 : i32
          %add3A_389 = arith.addi %select_n3A, %add3A_388 : i32
          %jit3A_390 = arith.constant 2 : i32
          %eq3A_391 = arith.constant 0 : i32
          %eq3A_392 = arith.cmpi eq, %jit3A_390, %eq3A_391 : i32
          %jit3A_393 = arith.constant 1 : i32
          %select_n3A_394 = arith.select %eq3A_392, %jit3A_393, %jit3A_390 : i32
          %rem3A_395 = arith.remsi %add3A_389, %select_n3A_394 : i32
          %ne3A_396 = arith.constant 0 : i32
          %ne3A_397 = arith.cmpi ne, %rem3A_395, %ne3A_396 : i32
          %lt3A_398 = arith.constant 0 : i32
          %lt3A_399 = arith.cmpi slt, %rem3A_395, %lt3A_398 : i32
          %lt3A_400 = arith.constant 0 : i32
          %lt3A_401 = arith.cmpi slt, %select_n3A_394, %lt3A_400 : i32
          %ne3A_402 = arith.xori %lt3A_399, %lt3A_401 : i1
          %and3A_403 = arith.andi %ne3A_402, %ne3A_397 : i1
          %add3A_404 = arith.addi %rem3A_395, %select_n3A_394 : i32
          %select_n3A_405 = arith.select %and3A_403, %add3A_404, %rem3A_395 : i32
          %mul3A_406 = arith.constant 25 : i32
          %mul3A_407 = arith.muli %select_n3A_405, %mul3A_406 : i32
          %dma_start3A_408 = arith.constant 0 : i32
          %dma_start3A_409 = tpu.memref_slice %arg7[%mul3A_407, %dma_start3A_408] : memref<50x80xi32, #tpu.memory_space<vmem>> -> memref<25x80xi32, #tpu.memory_space<vmem>>
          %dma_start3A_410 = arith.constant 0 : i32
          %dma_start3A_411 = arith.constant 0 : i32
          %dma_start3A_412 = tpu.memref_slice %arg4[%add3A, %add3A_387, %dma_start3A_410, %dma_start3A_411] : memref<32x5x25x80xi32, #tpu.memory_space<hbm>> -> memref<1x1x25x80xi32, #tpu.memory_space<hbm>>
          %dma_start3A_413 = tpu.memref_squeeze %dma_start3A_412 : memref<1x1x25x80xi32, #tpu.memory_space<hbm>> -> memref<25x80xi32, #tpu.memory_space<hbm>>
          %dma_start3A_414 = arith.constant 0 : i32
          %dma_start3A_415 = tpu.memref_slice %arg7[%mul3A_407, %dma_start3A_414] : memref<50x80xi32, #tpu.memory_space<vmem>> -> memref<25x80xi32, #tpu.memory_space<vmem>>
          %dma_start3A_416 = arith.constant 0 : i32
          %dma_start3A_417 = arith.constant 0 : i32
          %dma_start3A_418 = tpu.memref_slice %arg4[%add3A, %add3A_387, %dma_start3A_416, %dma_start3A_417] : memref<32x5x25x80xi32, #tpu.memory_space<hbm>> -> memref<1x1x25x80xi32, #tpu.memory_space<hbm>>
          %dma_start3A_419 = tpu.memref_squeeze %dma_start3A_418 : memref<1x1x25x80xi32, #tpu.memory_space<hbm>> -> memref<25x80xi32, #tpu.memory_space<hbm>>
          tpu.enqueue_dma source(%dma_start3A_419 : memref<25x80xi32, #tpu.memory_space<hbm>>) target(%dma_start3A_415 : memref<25x80xi32, #tpu.memory_space<vmem>>) target_semaphore(%arg13 : memref<!tpu.dma_semaphore, #tpu.memory_space<semaphore_mem>>)
        } else {
        }
      } else {
      }
      %dma_wait3A_157 = arith.constant 0 : i32
      %dma_wait3A_158 = tpu.memref_slice %arg6[%mul3A_110, %dma_wait3A_157] : memref<125x80xi32, #tpu.memory_space<vmem>> -> memref<1x80xi32, #tpu.memory_space<vmem>>
      %dma_wait3A_159 = tpu.memref_squeeze %dma_wait3A_158 : memref<1x80xi32, #tpu.memory_space<vmem>> -> memref<80xi32, #tpu.memory_space<vmem>>
      %dma_wait3A_160 = arith.constant 0 : i32
      %dma_wait3A_161 = arith.constant 0 : i32
      %dma_wait3A_162 = tpu.memref_slice %arg2[%dma_wait3A_160, %dma_wait3A_161] : memref<10000x128xf32, #tpu.memory_space<hbm>> -> memref<10000x128xf32, #tpu.memory_space<hbm>>
      tpu.wait_indirect_dma semaphore(%arg11 : memref<!tpu.dma_semaphore, #tpu.memory_space<semaphore_mem>>) src(%dma_wait3A_162 : memref<10000x128xf32, #tpu.memory_space<hbm>>) dst(%arg8 : memref<80x128xf32, #tpu.memory_space<vmem>>)
      %jit3A_163 = arith.constant 25 : i32
      %div3A_164 = arith.divsi %mul3A_110, %jit3A_163 : i32
      %sign3A_165 = arith.constant 0 : i32
      %sign3A_166 = arith.cmpi sgt, %mul3A_110, %sign3A_165 : i32
      %sign3A_167 = arith.extui %sign3A_166 : i1 to i32
      %sign3A_168 = arith.constant 0 : i32
      %sign3A_169 = arith.cmpi slt, %mul3A_110, %sign3A_168 : i32
      %sign3A_170 = arith.extui %sign3A_169 : i1 to i32
      %sign3A_171 = arith.subi %sign3A_167, %sign3A_170 : i32
      %sign3A_172 = arith.constant 0 : i32
      %sign3A_173 = arith.cmpi sgt, %jit3A_163, %sign3A_172 : i32
      %sign3A_174 = arith.extui %sign3A_173 : i1 to i32
      %sign3A_175 = arith.constant 0 : i32
      %sign3A_176 = arith.cmpi slt, %jit3A_163, %sign3A_175 : i32
      %sign3A_177 = arith.extui %sign3A_176 : i1 to i32
      %sign3A_178 = arith.subi %sign3A_174, %sign3A_177 : i32
      %ne3A_179 = arith.cmpi ne, %sign3A_171, %sign3A_178 : i32
      %rem3A_180 = arith.remsi %mul3A_110, %jit3A_163 : i32
      %ne3A_181 = arith.constant 0 : i32
      %ne3A_182 = arith.cmpi ne, %rem3A_180, %ne3A_181 : i32
      %and3A_183 = arith.andi %ne3A_179, %ne3A_182 : i1
      %sub3A_184 = arith.constant 1 : i32
      %sub3A_185 = arith.subi %div3A_164, %sub3A_184 : i32
      %select_n3A_186 = arith.select %and3A_183, %sub3A_185, %div3A_164 : i32
      %jit3A_187 = arith.constant 2 : i32
      %eq3A_188 = arith.constant 0 : i32
      %eq3A_189 = arith.cmpi eq, %jit3A_187, %eq3A_188 : i32
      %jit3A_190 = arith.constant 1 : i32
      %select_n3A_191 = arith.select %eq3A_189, %jit3A_190, %jit3A_187 : i32
      %rem3A_192 = arith.remsi %select_n3A_186, %select_n3A_191 : i32
      %ne3A_193 = arith.constant 0 : i32
      %ne3A_194 = arith.cmpi ne, %rem3A_192, %ne3A_193 : i32
      %lt3A_195 = arith.constant 0 : i32
      %lt3A_196 = arith.cmpi slt, %rem3A_192, %lt3A_195 : i32
      %lt3A_197 = arith.constant 0 : i32
      %lt3A_198 = arith.cmpi slt, %select_n3A_191, %lt3A_197 : i32
      %ne3A_199 = arith.xori %lt3A_196, %lt3A_198 : i1
      %and3A_200 = arith.andi %ne3A_199, %ne3A_194 : i1
      %add3A_201 = arith.addi %rem3A_192, %select_n3A_191 : i32
      %select_n3A_202 = arith.select %and3A_200, %add3A_201, %rem3A_192 : i32
      %mul3A_203 = arith.constant 25 : i32
      %mul3A_204 = arith.muli %select_n3A_202, %mul3A_203 : i32
      %jit3A_205 = arith.constant 25 : i32
      %eq3A_206 = arith.constant 0 : i32
      %eq3A_207 = arith.cmpi eq, %jit3A_205, %eq3A_206 : i32
      %jit3A_208 = arith.constant 1 : i32
      %select_n3A_209 = arith.select %eq3A_207, %jit3A_208, %jit3A_205 : i32
      %rem3A_210 = arith.remsi %mul3A_110, %select_n3A_209 : i32
      %ne3A_211 = arith.constant 0 : i32
      %ne3A_212 = arith.cmpi ne, %rem3A_210, %ne3A_211 : i32
      %lt3A_213 = arith.constant 0 : i32
      %lt3A_214 = arith.cmpi slt, %rem3A_210, %lt3A_213 : i32
      %lt3A_215 = arith.constant 0 : i32
      %lt3A_216 = arith.cmpi slt, %select_n3A_209, %lt3A_215 : i32
      %ne3A_217 = arith.xori %lt3A_214, %lt3A_216 : i1
      %and3A_218 = arith.andi %ne3A_217, %ne3A_212 : i1
      %add3A_219 = arith.addi %rem3A_210, %select_n3A_209 : i32
      %select_n3A_220 = arith.select %and3A_218, %add3A_219, %rem3A_210 : i32
      %add3A_221 = arith.addi %mul3A_204, %select_n3A_220 : i32
      "tpu.region"() ({
        %run_scoped3A_349 = tpu.sem_alloc : memref<!tpu.dma_semaphore, #tpu.memory_space<semaphore_mem>>
        %dma_start3A_350 = arith.constant 0 : i32
        %dma_start3A_351 = tpu.memref_slice %arg7[%add3A_221, %dma_start3A_350] : memref<50x80xi32, #tpu.memory_space<vmem>> -> memref<1x80xi32, #tpu.memory_space<vmem>>
        %dma_start3A_352 = tpu.memref_squeeze %dma_start3A_351 : memref<1x80xi32, #tpu.memory_space<vmem>> -> memref<80xi32, #tpu.memory_space<vmem>>
        %dma_start3A_353 = arith.constant 0 : i32
        %dma_start3A_354 = arith.constant 0 : i32
        %dma_start3A_355 = tpu.memref_slice %arg10[%dma_start3A_353, %dma_start3A_354] : memref<10240x128xf32, #tpu.memory_space<vmem_shared>> -> memref<10240x128xf32, #tpu.memory_space<vmem_shared>>
        tpu.enqueue_indirect_dma source(%arg8 : memref<80x128xf32, #tpu.memory_space<vmem>>) target(%dma_start3A_355 : memref<10240x128xf32, #tpu.memory_space<vmem_shared>>) offsets(%dma_start3A_352 : memref<80xi32, #tpu.memory_space<vmem>>) semaphore(%run_scoped3A_349 : memref<!tpu.dma_semaphore, #tpu.memory_space<semaphore_mem>>) {add = true}
        %dma_wait3A_356 = arith.constant 0 : i32
        %dma_wait3A_357 = tpu.memref_slice %arg7[%add3A_221, %dma_wait3A_356] : memref<50x80xi32, #tpu.memory_space<vmem>> -> memref<1x80xi32, #tpu.memory_space<vmem>>
        %dma_wait3A_358 = tpu.memref_squeeze %dma_wait3A_357 : memref<1x80xi32, #tpu.memory_space<vmem>> -> memref<80xi32, #tpu.memory_space<vmem>>
        %dma_wait3A_359 = arith.constant 0 : i32
        %dma_wait3A_360 = arith.constant 0 : i32
        %dma_wait3A_361 = tpu.memref_slice %arg10[%dma_wait3A_359, %dma_wait3A_360] : memref<10240x128xf32, #tpu.memory_space<vmem_shared>> -> memref<10240x128xf32, #tpu.memory_space<vmem_shared>>
        tpu.wait_indirect_dma semaphore(%run_scoped3A_349 : memref<!tpu.dma_semaphore, #tpu.memory_space<semaphore_mem>>) src(%arg8 : memref<80x128xf32, #tpu.memory_space<vmem>>) dst(%dma_wait3A_361 : memref<10240x128xf32, #tpu.memory_space<vmem_shared>>)
        tpu.yield
      }) : () -> ()
      %add3A_222 = arith.constant 2 : i32
      %add3A_223 = arith.addi %mul3A_110, %add3A_222 : i32
      %dma_start3A_224 = arith.constant 0 : i32
      %dma_start3A_225 = tpu.memref_slice %arg6[%add3A_223, %dma_start3A_224] : memref<125x80xi32, #tpu.memory_space<vmem>> -> memref<1x80xi32, #tpu.memory_space<vmem>>
      %dma_start3A_226 = tpu.memref_squeeze %dma_start3A_225 : memref<1x80xi32, #tpu.memory_space<vmem>> -> memref<80xi32, #tpu.memory_space<vmem>>
      %dma_start3A_227 = arith.constant 0 : i32
      %dma_start3A_228 = arith.constant 0 : i32
      %dma_start3A_229 = tpu.memref_slice %arg2[%dma_start3A_227, %dma_start3A_228] : memref<10000x128xf32, #tpu.memory_space<hbm>> -> memref<10000x128xf32, #tpu.memory_space<hbm>>
      tpu.enqueue_indirect_dma source(%dma_start3A_229 : memref<10000x128xf32, #tpu.memory_space<hbm>>) target(%arg8 : memref<80x128xf32, #tpu.memory_space<vmem>>) offsets(%dma_start3A_226 : memref<80xi32, #tpu.memory_space<vmem>>) semaphore(%arg11 : memref<!tpu.dma_semaphore, #tpu.memory_space<semaphore_mem>>)
      %add3A_230 = arith.constant 1 : i32
      %add3A_231 = arith.addi %mul3A_110, %add3A_230 : i32
      %jit3A_232 = arith.constant 25 : i32
      %div3A_233 = arith.divsi %add3A_231, %jit3A_232 : i32
      %sign3A_234 = arith.constant 0 : i32
      %sign3A_235 = arith.cmpi sgt, %add3A_231, %sign3A_234 : i32
      %sign3A_236 = arith.extui %sign3A_235 : i1 to i32
      %sign3A_237 = arith.constant 0 : i32
      %sign3A_238 = arith.cmpi slt, %add3A_231, %sign3A_237 : i32
      %sign3A_239 = arith.extui %sign3A_238 : i1 to i32
      %sign3A_240 = arith.subi %sign3A_236, %sign3A_239 : i32
      %sign3A_241 = arith.constant 0 : i32
      %sign3A_242 = arith.cmpi sgt, %jit3A_232, %sign3A_241 : i32
      %sign3A_243 = arith.extui %sign3A_242 : i1 to i32
      %sign3A_244 = arith.constant 0 : i32
      %sign3A_245 = arith.cmpi slt, %jit3A_232, %sign3A_244 : i32
      %sign3A_246 = arith.extui %sign3A_245 : i1 to i32
      %sign3A_247 = arith.subi %sign3A_243, %sign3A_246 : i32
      %ne3A_248 = arith.cmpi ne, %sign3A_240, %sign3A_247 : i32
      %rem3A_249 = arith.remsi %add3A_231, %jit3A_232 : i32
      %ne3A_250 = arith.constant 0 : i32
      %ne3A_251 = arith.cmpi ne, %rem3A_249, %ne3A_250 : i32
      %and3A_252 = arith.andi %ne3A_248, %ne3A_251 : i1
      %sub3A_253 = arith.constant 1 : i32
      %sub3A_254 = arith.subi %div3A_233, %sub3A_253 : i32
      %select_n3A_255 = arith.select %and3A_252, %sub3A_254, %div3A_233 : i32
      %jit3A_256 = arith.constant 25 : i32
      %eq3A_257 = arith.constant 0 : i32
      %eq3A_258 = arith.cmpi eq, %jit3A_256, %eq3A_257 : i32
      %jit3A_259 = arith.constant 1 : i32
      %select_n3A_260 = arith.select %eq3A_258, %jit3A_259, %jit3A_256 : i32
      %rem3A_261 = arith.remsi %add3A_231, %select_n3A_260 : i32
      %ne3A_262 = arith.constant 0 : i32
      %ne3A_263 = arith.cmpi ne, %rem3A_261, %ne3A_262 : i32
      %lt3A_264 = arith.constant 0 : i32
      %lt3A_265 = arith.cmpi slt, %rem3A_261, %lt3A_264 : i32
      %lt3A_266 = arith.constant 0 : i32
      %lt3A_267 = arith.cmpi slt, %select_n3A_260, %lt3A_266 : i32
      %ne3A_268 = arith.xori %lt3A_265, %lt3A_267 : i1
      %and3A_269 = arith.andi %ne3A_268, %ne3A_263 : i1
      %add3A_270 = arith.addi %rem3A_261, %select_n3A_260 : i32
      %select_n3A_271 = arith.select %and3A_269, %add3A_270, %rem3A_261 : i32
      %eq3A_272 = arith.constant 0 : i32
      %eq3A_273 = arith.cmpi eq, %select_n3A_271, %eq3A_272 : i32
      %gt3A_274 = arith.constant 0 : i32
      %gt3A_275 = arith.cmpi sgt, %select_n3A_255, %gt3A_274 : i32
      %and3A_276 = arith.andi %eq3A_273, %gt3A_275 : i1
      %convert_element_type3A_277 = arith.extui %and3A_276 : i1 to i32
      %cond3A_278 = arith.constant 0 : i32
      %cond3A_279 = arith.cmpi ne, %convert_element_type3A_277, %cond3A_278 : i32
      scf.if %cond3A_279 {
        %jit3A_349 = arith.constant 2 : i32
        %eq3A_350 = arith.constant 0 : i32
        %eq3A_351 = arith.cmpi eq, %jit3A_349, %eq3A_350 : i32
        %jit3A_352 = arith.constant 1 : i32
        %select_n3A_353 = arith.select %eq3A_351, %jit3A_352, %jit3A_349 : i32
        %rem3A_354 = arith.remsi %select_n3A_255, %select_n3A_353 : i32
        %ne3A_355 = arith.constant 0 : i32
        %ne3A_356 = arith.cmpi ne, %rem3A_354, %ne3A_355 : i32
        %lt3A_357 = arith.constant 0 : i32
        %lt3A_358 = arith.cmpi slt, %rem3A_354, %lt3A_357 : i32
        %lt3A_359 = arith.constant 0 : i32
        %lt3A_360 = arith.cmpi slt, %select_n3A_353, %lt3A_359 : i32
        %ne3A_361 = arith.xori %lt3A_358, %lt3A_360 : i1
        %and3A_362 = arith.andi %ne3A_361, %ne3A_356 : i1
        %add3A_363 = arith.addi %rem3A_354, %select_n3A_353 : i32
        %select_n3A_364 = arith.select %and3A_362, %add3A_363, %rem3A_354 : i32
        %mul3A_365 = arith.constant 25 : i32
        %mul3A_366 = arith.muli %select_n3A_364, %mul3A_365 : i32
        %dma_wait3A_367 = arith.constant 0 : i32
        %dma_wait3A_368 = tpu.memref_slice %arg7[%mul3A_366, %dma_wait3A_367] : memref<50x80xi32, #tpu.memory_space<vmem>> -> memref<25x80xi32, #tpu.memory_space<vmem>>
        %dma_wait3A_369 = arith.constant 0 : i32
        %dma_wait3A_370 = arith.constant 0 : i32
        %dma_wait3A_371 = tpu.memref_slice %arg4[%add3A, %select_n3A_255, %dma_wait3A_369, %dma_wait3A_370] : memref<32x5x25x80xi32, #tpu.memory_space<hbm>> -> memref<1x1x25x80xi32, #tpu.memory_space<hbm>>
        %dma_wait3A_372 = tpu.memref_squeeze %dma_wait3A_371 : memref<1x1x25x80xi32, #tpu.memory_space<hbm>> -> memref<25x80xi32, #tpu.memory_space<hbm>>
        %dma_wait3A_373 = arith.constant 0 : i32
        %dma_wait3A_374 = tpu.memref_slice %arg7[%mul3A_366, %dma_wait3A_373] : memref<50x80xi32, #tpu.memory_space<vmem>> -> memref<25x80xi32, #tpu.memory_space<vmem>>
        %dma_wait3A_375 = arith.constant 0 : i32
        %dma_wait3A_376 = arith.constant 0 : i32
        %dma_wait3A_377 = tpu.memref_slice %arg4[%add3A, %select_n3A_255, %dma_wait3A_375, %dma_wait3A_376] : memref<32x5x25x80xi32, #tpu.memory_space<hbm>> -> memref<1x1x25x80xi32, #tpu.memory_space<hbm>>
        %dma_wait3A_378 = tpu.memref_squeeze %dma_wait3A_377 : memref<1x1x25x80xi32, #tpu.memory_space<hbm>> -> memref<25x80xi32, #tpu.memory_space<hbm>>
        tpu.wait_dma2 semaphore(%arg13 : memref<!tpu.dma_semaphore, #tpu.memory_space<semaphore_mem>>) src(%dma_wait3A_378 : memref<25x80xi32, #tpu.memory_space<hbm>>) dst(%dma_wait3A_374 : memref<25x80xi32, #tpu.memory_space<vmem>>)
        %add3A_379 = arith.constant 1 : i32
        %add3A_380 = arith.addi %select_n3A_255, %add3A_379 : i32
        %lt3A_381 = arith.constant 5 : i32
        %lt3A_382 = arith.cmpi slt, %add3A_380, %lt3A_381 : i32
        %convert_element_type3A_383 = arith.extui %lt3A_382 : i1 to i32
        %cond3A_384 = arith.constant 0 : i32
        %cond3A_385 = arith.cmpi ne, %convert_element_type3A_383, %cond3A_384 : i32
        scf.if %cond3A_385 {
          %add3A_386 = arith.constant 1 : i32
          %add3A_387 = arith.addi %select_n3A_255, %add3A_386 : i32
          %add3A_388 = arith.constant 1 : i32
          %add3A_389 = arith.addi %select_n3A_255, %add3A_388 : i32
          %jit3A_390 = arith.constant 2 : i32
          %eq3A_391 = arith.constant 0 : i32
          %eq3A_392 = arith.cmpi eq, %jit3A_390, %eq3A_391 : i32
          %jit3A_393 = arith.constant 1 : i32
          %select_n3A_394 = arith.select %eq3A_392, %jit3A_393, %jit3A_390 : i32
          %rem3A_395 = arith.remsi %add3A_389, %select_n3A_394 : i32
          %ne3A_396 = arith.constant 0 : i32
          %ne3A_397 = arith.cmpi ne, %rem3A_395, %ne3A_396 : i32
          %lt3A_398 = arith.constant 0 : i32
          %lt3A_399 = arith.cmpi slt, %rem3A_395, %lt3A_398 : i32
          %lt3A_400 = arith.constant 0 : i32
          %lt3A_401 = arith.cmpi slt, %select_n3A_394, %lt3A_400 : i32
          %ne3A_402 = arith.xori %lt3A_399, %lt3A_401 : i1
          %and3A_403 = arith.andi %ne3A_402, %ne3A_397 : i1
          %add3A_404 = arith.addi %rem3A_395, %select_n3A_394 : i32
          %select_n3A_405 = arith.select %and3A_403, %add3A_404, %rem3A_395 : i32
          %mul3A_406 = arith.constant 25 : i32
          %mul3A_407 = arith.muli %select_n3A_405, %mul3A_406 : i32
          %dma_start3A_408 = arith.constant 0 : i32
          %dma_start3A_409 = tpu.memref_slice %arg7[%mul3A_407, %dma_start3A_408] : memref<50x80xi32, #tpu.memory_space<vmem>> -> memref<25x80xi32, #tpu.memory_space<vmem>>
          %dma_start3A_410 = arith.constant 0 : i32
          %dma_start3A_411 = arith.constant 0 : i32
          %dma_start3A_412 = tpu.memref_slice %arg4[%add3A, %add3A_387, %dma_start3A_410, %dma_start3A_411] : memref<32x5x25x80xi32, #tpu.memory_space<hbm>> -> memref<1x1x25x80xi32, #tpu.memory_space<hbm>>
          %dma_start3A_413 = tpu.memref_squeeze %dma_start3A_412 : memref<1x1x25x80xi32, #tpu.memory_space<hbm>> -> memref<25x80xi32, #tpu.memory_space<hbm>>
          %dma_start3A_414 = arith.constant 0 : i32
          %dma_start3A_415 = tpu.memref_slice %arg7[%mul3A_407, %dma_start3A_414] : memref<50x80xi32, #tpu.memory_space<vmem>> -> memref<25x80xi32, #tpu.memory_space<vmem>>
          %dma_start3A_416 = arith.constant 0 : i32
          %dma_start3A_417 = arith.constant 0 : i32
          %dma_start3A_418 = tpu.memref_slice %arg4[%add3A, %add3A_387, %dma_start3A_416, %dma_start3A_417] : memref<32x5x25x80xi32, #tpu.memory_space<hbm>> -> memref<1x1x25x80xi32, #tpu.memory_space<hbm>>
          %dma_start3A_419 = tpu.memref_squeeze %dma_start3A_418 : memref<1x1x25x80xi32, #tpu.memory_space<hbm>> -> memref<25x80xi32, #tpu.memory_space<hbm>>
          tpu.enqueue_dma source(%dma_start3A_419 : memref<25x80xi32, #tpu.memory_space<hbm>>) target(%dma_start3A_415 : memref<25x80xi32, #tpu.memory_space<vmem>>) target_semaphore(%arg13 : memref<!tpu.dma_semaphore, #tpu.memory_space<semaphore_mem>>)
        } else {
        }
      } else {
      }
      %add3A_280 = arith.constant 1 : i32
      %add3A_281 = arith.addi %mul3A_110, %add3A_280 : i32
      %dma_wait3A_282 = arith.constant 0 : i32
      %dma_wait3A_283 = tpu.memref_slice %arg6[%add3A_281, %dma_wait3A_282] : memref<125x80xi32, #tpu.memory_space<vmem>> -> memref<1x80xi32, #tpu.memory_space<vmem>>
      %dma_wait3A_284 = tpu.memref_squeeze %dma_wait3A_283 : memref<1x80xi32, #tpu.memory_space<vmem>> -> memref<80xi32, #tpu.memory_space<vmem>>
      %dma_wait3A_285 = arith.constant 0 : i32
      %dma_wait3A_286 = arith.constant 0 : i32
      %dma_wait3A_287 = tpu.memref_slice %arg2[%dma_wait3A_285, %dma_wait3A_286] : memref<10000x128xf32, #tpu.memory_space<hbm>> -> memref<10000x128xf32, #tpu.memory_space<hbm>>
      tpu.wait_indirect_dma semaphore(%arg12 : memref<!tpu.dma_semaphore, #tpu.memory_space<semaphore_mem>>) src(%dma_wait3A_287 : memref<10000x128xf32, #tpu.memory_space<hbm>>) dst(%arg9 : memref<80x128xf32, #tpu.memory_space<vmem>>)
      %add3A_288 = arith.constant 1 : i32
      %add3A_289 = arith.addi %mul3A_110, %add3A_288 : i32
      %jit3A_290 = arith.constant 25 : i32
      %div3A_291 = arith.divsi %add3A_289, %jit3A_290 : i32
      %sign3A_292 = arith.constant 0 : i32
      %sign3A_293 = arith.cmpi sgt, %add3A_289, %sign3A_292 : i32
      %sign3A_294 = arith.extui %sign3A_293 : i1 to i32
      %sign3A_295 = arith.constant 0 : i32
      %sign3A_296 = arith.cmpi slt, %add3A_289, %sign3A_295 : i32
      %sign3A_297 = arith.extui %sign3A_296 : i1 to i32
      %sign3A_298 = arith.subi %sign3A_294, %sign3A_297 : i32
      %sign3A_299 = arith.constant 0 : i32
      %sign3A_300 = arith.cmpi sgt, %jit3A_290, %sign3A_299 : i32
      %sign3A_301 = arith.extui %sign3A_300 : i1 to i32
      %sign3A_302 = arith.constant 0 : i32
      %sign3A_303 = arith.cmpi slt, %jit3A_290, %sign3A_302 : i32
      %sign3A_304 = arith.extui %sign3A_303 : i1 to i32
      %sign3A_305 = arith.subi %sign3A_301, %sign3A_304 : i32
      %ne3A_306 = arith.cmpi ne, %sign3A_298, %sign3A_305 : i32
      %rem3A_307 = arith.remsi %add3A_289, %jit3A_290 : i32
      %ne3A_308 = arith.constant 0 : i32
      %ne3A_309 = arith.cmpi ne, %rem3A_307, %ne3A_308 : i32
      %and3A_310 = arith.andi %ne3A_306, %ne3A_309 : i1
      %sub3A_311 = arith.constant 1 : i32
      %sub3A_312 = arith.subi %div3A_291, %sub3A_311 : i32
      %select_n3A_313 = arith.select %and3A_310, %sub3A_312, %div3A_291 : i32
      %jit3A_314 = arith.constant 2 : i32
      %eq3A_315 = arith.constant 0 : i32
      %eq3A_316 = arith.cmpi eq, %jit3A_314, %eq3A_315 : i32
      %jit3A_317 = arith.constant 1 : i32
      %select_n3A_318 = arith.select %eq3A_316, %jit3A_317, %jit3A_314 : i32
      %rem3A_319 = arith.remsi %select_n3A_313, %select_n3A_318 : i32
      %ne3A_320 = arith.constant 0 : i32
      %ne3A_321 = arith.cmpi ne, %rem3A_319, %ne3A_320 : i32
      %lt3A_322 = arith.constant 0 : i32
      %lt3A_323 = arith.cmpi slt, %rem3A_319, %lt3A_322 : i32
      %lt3A_324 = arith.constant 0 : i32
      %lt3A_325 = arith.cmpi slt, %select_n3A_318, %lt3A_324 : i32
      %ne3A_326 = arith.xori %lt3A_323, %lt3A_325 : i1
      %and3A_327 = arith.andi %ne3A_326, %ne3A_321 : i1
      %add3A_328 = arith.addi %rem3A_319, %select_n3A_318 : i32
      %select_n3A_329 = arith.select %and3A_327, %add3A_328, %rem3A_319 : i32
      %mul3A_330 = arith.constant 25 : i32
      %mul3A_331 = arith.muli %select_n3A_329, %mul3A_330 : i32
      %jit3A_332 = arith.constant 25 : i32
      %eq3A_333 = arith.constant 0 : i32
      %eq3A_334 = arith.cmpi eq, %jit3A_332, %eq3A_333 : i32
      %jit3A_335 = arith.constant 1 : i32
      %select_n3A_336 = arith.select %eq3A_334, %jit3A_335, %jit3A_332 : i32
      %rem3A_337 = arith.remsi %add3A_289, %select_n3A_336 : i32
      %ne3A_338 = arith.constant 0 : i32
      %ne3A_339 = arith.cmpi ne, %rem3A_337, %ne3A_338 : i32
      %lt3A_340 = arith.constant 0 : i32
      %lt3A_341 = arith.cmpi slt, %rem3A_337, %lt3A_340 : i32
      %lt3A_342 = arith.constant 0 : i32
      %lt3A_343 = arith.cmpi slt, %select_n3A_336, %lt3A_342 : i32
      %ne3A_344 = arith.xori %lt3A_341, %lt3A_343 : i1
      %and3A_345 = arith.andi %ne3A_344, %ne3A_339 : i1
      %add3A_346 = arith.addi %rem3A_337, %select_n3A_336 : i32
      %select_n3A_347 = arith.select %and3A_345, %add3A_346, %rem3A_337 : i32
      %add3A_348 = arith.addi %mul3A_331, %select_n3A_347 : i32
      "tpu.region"() ({
        %run_scoped3A_349 = tpu.sem_alloc : memref<!tpu.dma_semaphore, #tpu.memory_space<semaphore_mem>>
        %dma_start3A_350 = arith.constant 0 : i32
        %dma_start3A_351 = tpu.memref_slice %arg7[%add3A_348, %dma_start3A_350] : memref<50x80xi32, #tpu.memory_space<vmem>> -> memref<1x80xi32, #tpu.memory_space<vmem>>
        %dma_start3A_352 = tpu.memref_squeeze %dma_start3A_351 : memref<1x80xi32, #tpu.memory_space<vmem>> -> memref<80xi32, #tpu.memory_space<vmem>>
        %dma_start3A_353 = arith.constant 0 : i32
        %dma_start3A_354 = arith.constant 0 : i32
        %dma_start3A_355 = tpu.memref_slice %arg10[%dma_start3A_353, %dma_start3A_354] : memref<10240x128xf32, #tpu.memory_space<vmem_shared>> -> memref<10240x128xf32, #tpu.memory_space<vmem_shared>>
        tpu.enqueue_indirect_dma source(%arg9 : memref<80x128xf32, #tpu.memory_space<vmem>>) target(%dma_start3A_355 : memref<10240x128xf32, #tpu.memory_space<vmem_shared>>) offsets(%dma_start3A_352 : memref<80xi32, #tpu.memory_space<vmem>>) semaphore(%run_scoped3A_349 : memref<!tpu.dma_semaphore, #tpu.memory_space<semaphore_mem>>) {add = true}
        %dma_wait3A_356 = arith.constant 0 : i32
        %dma_wait3A_357 = tpu.memref_slice %arg7[%add3A_348, %dma_wait3A_356] : memref<50x80xi32, #tpu.memory_space<vmem>> -> memref<1x80xi32, #tpu.memory_space<vmem>>
        %dma_wait3A_358 = tpu.memref_squeeze %dma_wait3A_357 : memref<1x80xi32, #tpu.memory_space<vmem>> -> memref<80xi32, #tpu.memory_space<vmem>>
        %dma_wait3A_359 = arith.constant 0 : i32
        %dma_wait3A_360 = arith.constant 0 : i32
        %dma_wait3A_361 = tpu.memref_slice %arg10[%dma_wait3A_359, %dma_wait3A_360] : memref<10240x128xf32, #tpu.memory_space<vmem_shared>> -> memref<10240x128xf32, #tpu.memory_space<vmem_shared>>
        tpu.wait_indirect_dma semaphore(%run_scoped3A_349 : memref<!tpu.dma_semaphore, #tpu.memory_space<semaphore_mem>>) src(%arg9 : memref<80x128xf32, #tpu.memory_space<vmem>>) dst(%dma_wait3A_361 : memref<10240x128xf32, #tpu.memory_space<vmem_shared>>)
        tpu.yield
      }) : () -> ()
    }
    %scan3A_59 = arith.constant 61 : i32
    %dma_start3A_60 = arith.constant 123 : i32
    %dma_start3A_61 = arith.constant 0 : i32
    %dma_start3A_62 = tpu.memref_slice %arg6[%dma_start3A_60, %dma_start3A_61] : memref<125x80xi32, #tpu.memory_space<vmem>> -> memref<1x80xi32, #tpu.memory_space<vmem>>
    %dma_start3A_63 = tpu.memref_squeeze %dma_start3A_62 : memref<1x80xi32, #tpu.memory_space<vmem>> -> memref<80xi32, #tpu.memory_space<vmem>>
    %dma_start3A_64 = arith.constant 0 : i32
    %dma_start3A_65 = arith.constant 0 : i32
    %dma_start3A_66 = tpu.memref_slice %arg2[%dma_start3A_64, %dma_start3A_65] : memref<10000x128xf32, #tpu.memory_space<hbm>> -> memref<10000x128xf32, #tpu.memory_space<hbm>>
    tpu.enqueue_indirect_dma source(%dma_start3A_66 : memref<10000x128xf32, #tpu.memory_space<hbm>>) target(%arg9 : memref<80x128xf32, #tpu.memory_space<vmem>>) offsets(%dma_start3A_63 : memref<80xi32, #tpu.memory_space<vmem>>) semaphore(%arg12 : memref<!tpu.dma_semaphore, #tpu.memory_space<semaphore_mem>>)
    %dma_wait3A_67 = arith.constant 122 : i32
    %dma_wait3A_68 = arith.constant 0 : i32
    %dma_wait3A_69 = tpu.memref_slice %arg6[%dma_wait3A_67, %dma_wait3A_68] : memref<125x80xi32, #tpu.memory_space<vmem>> -> memref<1x80xi32, #tpu.memory_space<vmem>>
    %dma_wait3A_70 = tpu.memref_squeeze %dma_wait3A_69 : memref<1x80xi32, #tpu.memory_space<vmem>> -> memref<80xi32, #tpu.memory_space<vmem>>
    %dma_wait3A_71 = arith.constant 0 : i32
    %dma_wait3A_72 = arith.constant 0 : i32
    %dma_wait3A_73 = tpu.memref_slice %arg2[%dma_wait3A_71, %dma_wait3A_72] : memref<10000x128xf32, #tpu.memory_space<hbm>> -> memref<10000x128xf32, #tpu.memory_space<hbm>>
    tpu.wait_indirect_dma semaphore(%arg11 : memref<!tpu.dma_semaphore, #tpu.memory_space<semaphore_mem>>) src(%dma_wait3A_73 : memref<10000x128xf32, #tpu.memory_space<hbm>>) dst(%arg8 : memref<80x128xf32, #tpu.memory_space<vmem>>)
    %run_scoped3A_74 = arith.constant 22 : i32
    "tpu.region"() ({
      %run_scoped3A_108 = tpu.sem_alloc : memref<!tpu.dma_semaphore, #tpu.memory_space<semaphore_mem>>
      %dma_start3A_109 = arith.constant 0 : i32
      %dma_start3A_110 = tpu.memref_slice %arg7[%run_scoped3A_74, %dma_start3A_109] : memref<50x80xi32, #tpu.memory_space<vmem>> -> memref<1x80xi32, #tpu.memory_space<vmem>>
      %dma_start3A_111 = tpu.memref_squeeze %dma_start3A_110 : memref<1x80xi32, #tpu.memory_space<vmem>> -> memref<80xi32, #tpu.memory_space<vmem>>
      %dma_start3A_112 = arith.constant 0 : i32
      %dma_start3A_113 = arith.constant 0 : i32
      %dma_start3A_114 = tpu.memref_slice %arg10[%dma_start3A_112, %dma_start3A_113] : memref<10240x128xf32, #tpu.memory_space<vmem_shared>> -> memref<10240x128xf32, #tpu.memory_space<vmem_shared>>
      tpu.enqueue_indirect_dma source(%arg8 : memref<80x128xf32, #tpu.memory_space<vmem>>) target(%dma_start3A_114 : memref<10240x128xf32, #tpu.memory_space<vmem_shared>>) offsets(%dma_start3A_111 : memref<80xi32, #tpu.memory_space<vmem>>) semaphore(%run_scoped3A_108 : memref<!tpu.dma_semaphore, #tpu.memory_space<semaphore_mem>>) {add = true}
      %dma_wait3A_115 = arith.constant 0 : i32
      %dma_wait3A_116 = tpu.memref_slice %arg7[%run_scoped3A_74, %dma_wait3A_115] : memref<50x80xi32, #tpu.memory_space<vmem>> -> memref<1x80xi32, #tpu.memory_space<vmem>>
      %dma_wait3A_117 = tpu.memref_squeeze %dma_wait3A_116 : memref<1x80xi32, #tpu.memory_space<vmem>> -> memref<80xi32, #tpu.memory_space<vmem>>
      %dma_wait3A_118 = arith.constant 0 : i32
      %dma_wait3A_119 = arith.constant 0 : i32
      %dma_wait3A_120 = tpu.memref_slice %arg10[%dma_wait3A_118, %dma_wait3A_119] : memref<10240x128xf32, #tpu.memory_space<vmem_shared>> -> memref<10240x128xf32, #tpu.memory_space<vmem_shared>>
      tpu.wait_indirect_dma semaphore(%run_scoped3A_108 : memref<!tpu.dma_semaphore, #tpu.memory_space<semaphore_mem>>) src(%arg8 : memref<80x128xf32, #tpu.memory_space<vmem>>) dst(%dma_wait3A_120 : memref<10240x128xf32, #tpu.memory_space<vmem_shared>>)
      tpu.yield
    }) : () -> ()
    %dma_start3A_75 = arith.constant 124 : i32
    %dma_start3A_76 = arith.constant 0 : i32
    %dma_start3A_77 = tpu.memref_slice %arg6[%dma_start3A_75, %dma_start3A_76] : memref<125x80xi32, #tpu.memory_space<vmem>> -> memref<1x80xi32, #tpu.memory_space<vmem>>
    %dma_start3A_78 = tpu.memref_squeeze %dma_start3A_77 : memref<1x80xi32, #tpu.memory_space<vmem>> -> memref<80xi32, #tpu.memory_space<vmem>>
    %dma_start3A_79 = arith.constant 0 : i32
    %dma_start3A_80 = arith.constant 0 : i32
    %dma_start3A_81 = tpu.memref_slice %arg2[%dma_start3A_79, %dma_start3A_80] : memref<10000x128xf32, #tpu.memory_space<hbm>> -> memref<10000x128xf32, #tpu.memory_space<hbm>>
    tpu.enqueue_indirect_dma source(%dma_start3A_81 : memref<10000x128xf32, #tpu.memory_space<hbm>>) target(%arg8 : memref<80x128xf32, #tpu.memory_space<vmem>>) offsets(%dma_start3A_78 : memref<80xi32, #tpu.memory_space<vmem>>) semaphore(%arg11 : memref<!tpu.dma_semaphore, #tpu.memory_space<semaphore_mem>>)
    %and3A = arith.constant false
    %and3A_82 = arith.constant true
    %and3A_83 = arith.andi %and3A, %and3A_82 : i1
    %convert_element_type3A = arith.extui %and3A_83 : i1 to i32
    %cond3A = arith.constant 0 : i32
    %cond3A_84 = arith.cmpi ne, %convert_element_type3A, %cond3A : i32
    scf.if %cond3A_84 {
      %dma_wait3A_108 = arith.constant 4 : i32
      %dma_wait3A_109 = arith.constant 0 : i32
      %dma_wait3A_110 = arith.constant 0 : i32
      %dma_wait3A_111 = tpu.memref_slice %arg7[%dma_wait3A_109, %dma_wait3A_110] : memref<50x80xi32, #tpu.memory_space<vmem>> -> memref<25x80xi32, #tpu.memory_space<vmem>>
      %dma_wait3A_112 = arith.constant 0 : i32
      %dma_wait3A_113 = arith.constant 0 : i32
      %dma_wait3A_114 = tpu.memref_slice %arg4[%add3A, %dma_wait3A_108, %dma_wait3A_112, %dma_wait3A_113] : memref<32x5x25x80xi32, #tpu.memory_space<hbm>> -> memref<1x1x25x80xi32, #tpu.memory_space<hbm>>
      %dma_wait3A_115 = tpu.memref_squeeze %dma_wait3A_114 : memref<1x1x25x80xi32, #tpu.memory_space<hbm>> -> memref<25x80xi32, #tpu.memory_space<hbm>>
      %dma_wait3A_116 = arith.constant 0 : i32
      %dma_wait3A_117 = arith.constant 0 : i32
      %dma_wait3A_118 = tpu.memref_slice %arg7[%dma_wait3A_116, %dma_wait3A_117] : memref<50x80xi32, #tpu.memory_space<vmem>> -> memref<25x80xi32, #tpu.memory_space<vmem>>
      %dma_wait3A_119 = arith.constant 0 : i32
      %dma_wait3A_120 = arith.constant 0 : i32
      %dma_wait3A_121 = tpu.memref_slice %arg4[%add3A, %dma_wait3A_108, %dma_wait3A_119, %dma_wait3A_120] : memref<32x5x25x80xi32, #tpu.memory_space<hbm>> -> memref<1x1x25x80xi32, #tpu.memory_space<hbm>>
      %dma_wait3A_122 = tpu.memref_squeeze %dma_wait3A_121 : memref<1x1x25x80xi32, #tpu.memory_space<hbm>> -> memref<25x80xi32, #tpu.memory_space<hbm>>
      tpu.wait_dma2 semaphore(%arg13 : memref<!tpu.dma_semaphore, #tpu.memory_space<semaphore_mem>>) src(%dma_wait3A_122 : memref<25x80xi32, #tpu.memory_space<hbm>>) dst(%dma_wait3A_118 : memref<25x80xi32, #tpu.memory_space<vmem>>)
    } else {
    }
    %dma_wait3A_85 = arith.constant 123 : i32
    %dma_wait3A_86 = arith.constant 0 : i32
    %dma_wait3A_87 = tpu.memref_slice %arg6[%dma_wait3A_85, %dma_wait3A_86] : memref<125x80xi32, #tpu.memory_space<vmem>> -> memref<1x80xi32, #tpu.memory_space<vmem>>
    %dma_wait3A_88 = tpu.memref_squeeze %dma_wait3A_87 : memref<1x80xi32, #tpu.memory_space<vmem>> -> memref<80xi32, #tpu.memory_space<vmem>>
    %dma_wait3A_89 = arith.constant 0 : i32
    %dma_wait3A_90 = arith.constant 0 : i32
    %dma_wait3A_91 = tpu.memref_slice %arg2[%dma_wait3A_89, %dma_wait3A_90] : memref<10000x128xf32, #tpu.memory_space<hbm>> -> memref<10000x128xf32, #tpu.memory_space<hbm>>
    tpu.wait_indirect_dma semaphore(%arg12 : memref<!tpu.dma_semaphore, #tpu.memory_space<semaphore_mem>>) src(%dma_wait3A_91 : memref<10000x128xf32, #tpu.memory_space<hbm>>) dst(%arg9 : memref<80x128xf32, #tpu.memory_space<vmem>>)
    %run_scoped3A_92 = arith.constant 23 : i32
    "tpu.region"() ({
      %run_scoped3A_108 = tpu.sem_alloc : memref<!tpu.dma_semaphore, #tpu.memory_space<semaphore_mem>>
      %dma_start3A_109 = arith.constant 0 : i32
      %dma_start3A_110 = tpu.memref_slice %arg7[%run_scoped3A_92, %dma_start3A_109] : memref<50x80xi32, #tpu.memory_space<vmem>> -> memref<1x80xi32, #tpu.memory_space<vmem>>
      %dma_start3A_111 = tpu.memref_squeeze %dma_start3A_110 : memref<1x80xi32, #tpu.memory_space<vmem>> -> memref<80xi32, #tpu.memory_space<vmem>>
      %dma_start3A_112 = arith.constant 0 : i32
      %dma_start3A_113 = arith.constant 0 : i32
      %dma_start3A_114 = tpu.memref_slice %arg10[%dma_start3A_112, %dma_start3A_113] : memref<10240x128xf32, #tpu.memory_space<vmem_shared>> -> memref<10240x128xf32, #tpu.memory_space<vmem_shared>>
      tpu.enqueue_indirect_dma source(%arg9 : memref<80x128xf32, #tpu.memory_space<vmem>>) target(%dma_start3A_114 : memref<10240x128xf32, #tpu.memory_space<vmem_shared>>) offsets(%dma_start3A_111 : memref<80xi32, #tpu.memory_space<vmem>>) semaphore(%run_scoped3A_108 : memref<!tpu.dma_semaphore, #tpu.memory_space<semaphore_mem>>) {add = true}
      %dma_wait3A_115 = arith.constant 0 : i32
      %dma_wait3A_116 = tpu.memref_slice %arg7[%run_scoped3A_92, %dma_wait3A_115] : memref<50x80xi32, #tpu.memory_space<vmem>> -> memref<1x80xi32, #tpu.memory_space<vmem>>
      %dma_wait3A_117 = tpu.memref_squeeze %dma_wait3A_116 : memref<1x80xi32, #tpu.memory_space<vmem>> -> memref<80xi32, #tpu.memory_space<vmem>>
      %dma_wait3A_118 = arith.constant 0 : i32
      %dma_wait3A_119 = arith.constant 0 : i32
      %dma_wait3A_120 = tpu.memref_slice %arg10[%dma_wait3A_118, %dma_wait3A_119] : memref<10240x128xf32, #tpu.memory_space<vmem_shared>> -> memref<10240x128xf32, #tpu.memory_space<vmem_shared>>
      tpu.wait_indirect_dma semaphore(%run_scoped3A_108 : memref<!tpu.dma_semaphore, #tpu.memory_space<semaphore_mem>>) src(%arg9 : memref<80x128xf32, #tpu.memory_space<vmem>>) dst(%dma_wait3A_120 : memref<10240x128xf32, #tpu.memory_space<vmem_shared>>)
      tpu.yield
    }) : () -> ()
    %dma_wait3A_93 = arith.constant 124 : i32
    %dma_wait3A_94 = arith.constant 0 : i32
    %dma_wait3A_95 = tpu.memref_slice %arg6[%dma_wait3A_93, %dma_wait3A_94] : memref<125x80xi32, #tpu.memory_space<vmem>> -> memref<1x80xi32, #tpu.memory_space<vmem>>
    %dma_wait3A_96 = tpu.memref_squeeze %dma_wait3A_95 : memref<1x80xi32, #tpu.memory_space<vmem>> -> memref<80xi32, #tpu.memory_space<vmem>>
    %dma_wait3A_97 = arith.constant 0 : i32
    %dma_wait3A_98 = arith.constant 0 : i32
    %dma_wait3A_99 = tpu.memref_slice %arg2[%dma_wait3A_97, %dma_wait3A_98] : memref<10000x128xf32, #tpu.memory_space<hbm>> -> memref<10000x128xf32, #tpu.memory_space<hbm>>
    tpu.wait_indirect_dma semaphore(%arg11 : memref<!tpu.dma_semaphore, #tpu.memory_space<semaphore_mem>>) src(%dma_wait3A_99 : memref<10000x128xf32, #tpu.memory_space<hbm>>) dst(%arg8 : memref<80x128xf32, #tpu.memory_space<vmem>>)
    %run_scoped3A_100 = arith.constant 24 : i32
    "tpu.region"() ({
      %run_scoped3A_108 = tpu.sem_alloc : memref<!tpu.dma_semaphore, #tpu.memory_space<semaphore_mem>>
      %dma_start3A_109 = arith.constant 0 : i32
      %dma_start3A_110 = tpu.memref_slice %arg7[%run_scoped3A_100, %dma_start3A_109] : memref<50x80xi32, #tpu.memory_space<vmem>> -> memref<1x80xi32, #tpu.memory_space<vmem>>
      %dma_start3A_111 = tpu.memref_squeeze %dma_start3A_110 : memref<1x80xi32, #tpu.memory_space<vmem>> -> memref<80xi32, #tpu.memory_space<vmem>>
      %dma_start3A_112 = arith.constant 0 : i32
      %dma_start3A_113 = arith.constant 0 : i32
      %dma_start3A_114 = tpu.memref_slice %arg10[%dma_start3A_112, %dma_start3A_113] : memref<10240x128xf32, #tpu.memory_space<vmem_shared>> -> memref<10240x128xf32, #tpu.memory_space<vmem_shared>>
      tpu.enqueue_indirect_dma source(%arg8 : memref<80x128xf32, #tpu.memory_space<vmem>>) target(%dma_start3A_114 : memref<10240x128xf32, #tpu.memory_space<vmem_shared>>) offsets(%dma_start3A_111 : memref<80xi32, #tpu.memory_space<vmem>>) semaphore(%run_scoped3A_108 : memref<!tpu.dma_semaphore, #tpu.memory_space<semaphore_mem>>) {add = true}
      %dma_wait3A_115 = arith.constant 0 : i32
      %dma_wait3A_116 = tpu.memref_slice %arg7[%run_scoped3A_100, %dma_wait3A_115] : memref<50x80xi32, #tpu.memory_space<vmem>> -> memref<1x80xi32, #tpu.memory_space<vmem>>
      %dma_wait3A_117 = tpu.memref_squeeze %dma_wait3A_116 : memref<1x80xi32, #tpu.memory_space<vmem>> -> memref<80xi32, #tpu.memory_space<vmem>>
      %dma_wait3A_118 = arith.constant 0 : i32
      %dma_wait3A_119 = arith.constant 0 : i32
      %dma_wait3A_120 = tpu.memref_slice %arg10[%dma_wait3A_118, %dma_wait3A_119] : memref<10240x128xf32, #tpu.memory_space<vmem_shared>> -> memref<10240x128xf32, #tpu.memory_space<vmem_shared>>
      tpu.wait_indirect_dma semaphore(%run_scoped3A_108 : memref<!tpu.dma_semaphore, #tpu.memory_space<semaphore_mem>>) src(%arg8 : memref<80x128xf32, #tpu.memory_space<vmem>>) dst(%dma_wait3A_120 : memref<10240x128xf32, #tpu.memory_space<vmem_shared>>)
      tpu.yield
    }) : () -> ()
    %barrier3A_101 = arith.constant 0 : index
    tpu.barrier barrier_id(%barrier3A_101)
    %scan3A_102 = arith.constant 0 : i32
    %scan3A_103 = arith.constant 0 : i32
    %scan3A_104 = arith.constant 8 : i32
    %scan3A_105 = arith.addi %scan3A_103, %scan3A_104 : i32
    %scan3A_106 = arith.constant 1 : i32
    scf.for %scan3A_108 = %scan3A_103 to %scan3A_105 step %scan3A_106  : i32 {
      %mul3A_109 = arith.constant 640 : i32
      %mul3A_110 = arith.muli %arg1, %mul3A_109 : i32
      %mul3A_111 = arith.constant 80 : i32
      %mul3A_112 = arith.muli %scan3A_108, %mul3A_111 : i32
      %add3A_113 = arith.addi %mul3A_110, %mul3A_112 : i32
      "tpu.region"() ({
        %run_scoped3A_114 = tpu.sem_alloc : memref<!tpu.dma_semaphore, #tpu.memory_space<semaphore_mem>>
        %dma_start3A_115 = arith.constant 0 : i32
        %dma_start3A_116 = tpu.memref_slice %arg5[%arg0, %add3A_113, %dma_start3A_115] : memref<2x10240x128xf32, #tpu.memory_space<hbm>> -> memref<1x80x128xf32, #tpu.memory_space<hbm>>
        %dma_start3A_117 = tpu.memref_squeeze %dma_start3A_116 : memref<1x80x128xf32, #tpu.memory_space<hbm>> -> memref<80x128xf32, #tpu.memory_space<hbm>>
        %dma_start3A_118 = arith.constant 0 : i32
        %dma_start3A_119 = tpu.memref_slice %arg10[%add3A_113, %dma_start3A_118] : memref<10240x128xf32, #tpu.memory_space<vmem_shared>> -> memref<80x128xf32, #tpu.memory_space<vmem_shared>>
        tpu.enqueue_dma source(%dma_start3A_119 : memref<80x128xf32, #tpu.memory_space<vmem_shared>>) target(%dma_start3A_117 : memref<80x128xf32, #tpu.memory_space<hbm>>) target_semaphore(%run_scoped3A_114 : memref<!tpu.dma_semaphore, #tpu.memory_space<semaphore_mem>>)
        %dma_wait3A_120 = arith.constant 0 : i32
        %dma_wait3A_121 = tpu.memref_slice %arg5[%arg0, %add3A_113, %dma_wait3A_120] : memref<2x10240x128xf32, #tpu.memory_space<hbm>> -> memref<1x80x128xf32, #tpu.memory_space<hbm>>
        %dma_wait3A_122 = tpu.memref_squeeze %dma_wait3A_121 : memref<1x80x128xf32, #tpu.memory_space<hbm>> -> memref<80x128xf32, #tpu.memory_space<hbm>>
        %dma_wait3A_123 = arith.constant 0 : i32
        %dma_wait3A_124 = tpu.memref_slice %arg10[%add3A_113, %dma_wait3A_123] : memref<10240x128xf32, #tpu.memory_space<vmem_shared>> -> memref<80x128xf32, #tpu.memory_space<vmem_shared>>
        tpu.wait_dma2 semaphore(%run_scoped3A_114 : memref<!tpu.dma_semaphore, #tpu.memory_space<semaphore_mem>>) src(%dma_wait3A_124 : memref<80x128xf32, #tpu.memory_space<vmem_shared>>) dst(%dma_wait3A_122 : memref<80x128xf32, #tpu.memory_space<hbm>>)
        tpu.yield
      }) : () -> ()
    }
    %scan3A_107 = arith.constant 8 : i32
    return
  }
}

module attributes {stable_mosaic.version = 14 : i64} {
  func.func @_mm_body(%arg0: i32, %arg1: memref<2000x128xf32, #tpu.memory_space<vmem>>, %arg2: memref<128x128xf32, #tpu.memory_space<vmem>>, %arg3: memref<2000x128xf32, #tpu.memory_space<vmem>>) attributes {dimension_semantics = [#tpu.dimension_semantics<arbitrary>], iteration_bounds = array<i64: 5>, scalar_prefetch = 0 : i64, scratch_operands = 0 : i64, tpu.core_type = #tpu.core_type<tc>, window_params = [{transform_indices = @transform_0, window_bounds = array<i64: 2000, 128>}, {pipeline_mode = #tpu.pipeline_mode<synchronous>, transform_indices = @transform_1, window_bounds = array<i64: 128, 128>}, {transform_indices = @transform_2, window_bounds = array<i64: 2000, 128>}]} {
    %get3A = arith.constant 0 : index
    %get3A_0 = arith.constant 0 : index
    %get3A_1 = vector.load %arg1[%get3A, %get3A_0] : memref<2000x128xf32, #tpu.memory_space<vmem>>, vector<2000x128xf32>
    %get3A_2 = arith.constant 0 : index
    %get3A_3 = arith.constant 0 : index
    %get3A_4 = vector.load %arg2[%get3A_2, %get3A_3] : memref<128x128xf32, #tpu.memory_space<vmem>>, vector<128x128xf32>
    %dot_general3A = arith.constant dense<0.000000e+00> : vector<2000x128xf32>
    %dot_general3A_5 = tpu.matmul %get3A_1, %get3A_4, %dot_general3A {dimension_numbers = #tpu.dot_dimension_numbers<[1], [0], [0], [1], [0, 0, 1, 1], [], []>, transpose_lhs_hint = false} : vector<2000x128xf32>, vector<128x128xf32>, vector<2000x128xf32> -> vector<2000x128xf32>
    %swap3A = arith.constant 0 : index
    %swap3A_6 = arith.constant 0 : index
    %swap3A_7 = vector.load %arg3[%swap3A, %swap3A_6] : memref<2000x128xf32, #tpu.memory_space<vmem>>, vector<2000x128xf32>
    tpu.vector_store %arg3[%swap3A, %swap3A_6], %dot_general3A_5 {strides = array<i32>} : memref<2000x128xf32, #tpu.memory_space<vmem>>, vector<2000x128xf32>,
    return
  }
  func.func @transform_0(%arg0: i32) -> (i32, i32) {
    %c0_i32 = arith.constant 0 : i32
    %c0_i32_0 = arith.constant 0 : i32
    return %arg0, %c0_i32 : i32, i32
  }
  func.func @transform_1(%arg0: i32) -> (i32, i32) {
    %c0_i32 = arith.constant 0 : i32
    %c0_i32_0 = arith.constant 0 : i32
    %c0_i32_1 = arith.constant 0 : i32
    return %c0_i32, %c0_i32_0 : i32, i32
  }
  func.func @transform_2(%arg0: i32) -> (i32, i32) {
    %c0_i32 = arith.constant 0 : i32
    %c0_i32_0 = arith.constant 0 : i32
    return %arg0, %c0_i32 : i32, i32
  }
}

module attributes {stable_mosaic.version = 14 : i64} {
  func.func @_gru_mid_body(%arg0: i32, %arg1: memref<2x2000x128xf32, #tpu.memory_space<vmem>>, %arg2: memref<2000x128xf32, #tpu.memory_space<vmem>>, %arg3: memref<128x384xf32, #tpu.memory_space<vmem>>, %arg4: memref<128x384xf32, #tpu.memory_space<vmem>>, %arg5: memref<1x384xf32, #tpu.memory_space<vmem>>, %arg6: memref<1x384xf32, #tpu.memory_space<vmem>>, %arg7: memref<128x128xf32, #tpu.memory_space<vmem>>, %arg8: memref<2000x128xf32, #tpu.memory_space<vmem>>, %arg9: memref<2000x128xf32, #tpu.memory_space<vmem>>) attributes {dimension_semantics = [#tpu.dimension_semantics<arbitrary>], iteration_bounds = array<i64: 5>, scalar_prefetch = 0 : i64, scratch_operands = 0 : i64, tpu.core_type = #tpu.core_type<tc>, window_params = [{transform_indices = @transform_0, window_bounds = array<i64: 2, 2000, 128>}, {transform_indices = @transform_1, window_bounds = array<i64: 2000, 128>}, {pipeline_mode = #tpu.pipeline_mode<synchronous>, transform_indices = @transform_2, window_bounds = array<i64: 128, 384>}, {pipeline_mode = #tpu.pipeline_mode<synchronous>, transform_indices = @transform_3, window_bounds = array<i64: 128, 384>}, {pipeline_mode = #tpu.pipeline_mode<synchronous>, transform_indices = @transform_4, window_bounds = array<i64: 1, 384>}, {pipeline_mode = #tpu.pipeline_mode<synchronous>, transform_indices = @transform_5, window_bounds = array<i64: 1, 384>}, {pipeline_mode = #tpu.pipeline_mode<synchronous>, transform_indices = @transform_6, window_bounds = array<i64: 128, 128>}, {transform_indices = @transform_7, window_bounds = array<i64: 2000, 128>}, {transform_indices = @transform_8, window_bounds = array<i64: 2000, 128>}]} {
    %get3A = arith.constant 0 : index
    %get3A_0 = arith.constant 0 : index
    %get3A_1 = vector.load %arg2[%get3A, %get3A_0] : memref<2000x128xf32, #tpu.memory_space<vmem>>, vector<2000x128xf32>
    %get3A_2 = arith.constant 0 : index
    %get3A_3 = arith.constant 0 : index
    %get3A_4 = vector.load %arg3[%get3A_2, %get3A_3] : memref<128x384xf32, #tpu.memory_space<vmem>>, vector<128x384xf32>
    %get3A_5 = arith.constant 0 : index
    %get3A_6 = arith.constant 0 : index
    %get3A_7 = vector.load %arg4[%get3A_5, %get3A_6] : memref<128x384xf32, #tpu.memory_space<vmem>>, vector<128x384xf32>
    %get3A_8 = arith.constant 0 : index
    %get3A_9 = arith.constant 0 : index
    %get3A_10 = vector.load %arg5[%get3A_8, %get3A_9] : memref<1x384xf32, #tpu.memory_space<vmem>>, vector<1x384xf32>
    %get3A_11 = arith.constant 0 : index
    %get3A_12 = arith.constant 0 : index
    %get3A_13 = vector.load %arg6[%get3A_11, %get3A_12] : memref<1x384xf32, #tpu.memory_space<vmem>>, vector<1x384xf32>
    %get3A_14 = arith.constant 0 : index
    %get3A_15 = arith.constant 0 : index
    %get3A_16 = arith.constant 0 : index
    %get3A_17 = vector.load %arg1[%get3A_14, %get3A_15, %get3A_16] : memref<2x2000x128xf32, #tpu.memory_space<vmem>>, vector<1x2000x128xf32>
    %get3A_18 = vector.shape_cast %get3A_17 : vector<1x2000x128xf32> to vector<2000x128xf32>
    %get3A_19 = arith.constant 1 : index
    %get3A_20 = arith.constant 0 : index
    %get3A_21 = arith.constant 0 : index
    %get3A_22 = vector.load %arg1[%get3A_19, %get3A_20, %get3A_21] : memref<2x2000x128xf32, #tpu.memory_space<vmem>>, vector<1x2000x128xf32>
    %get3A_23 = vector.shape_cast %get3A_22 : vector<1x2000x128xf32> to vector<2000x128xf32>
    %add3A = arith.addf %get3A_18, %get3A_23 : vector<2000x128xf32>
    %dot_general3A = arith.constant dense<0.000000e+00> : vector<2000x384xf32>
    %dot_general3A_24 = tpu.matmul %add3A, %get3A_4, %dot_general3A {dimension_numbers = #tpu.dot_dimension_numbers<[1], [0], [0], [1], [0, 0, 1, 1], [], []>, transpose_lhs_hint = false} : vector<2000x128xf32>, vector<128x384xf32>, vector<2000x384xf32> -> vector<2000x384xf32>
    %add3A_25 = vector.broadcast %get3A_10 : vector<1x384xf32> to vector<2000x384xf32>
    %add3A_26 = arith.addf %dot_general3A_24, %add3A_25 : vector<2000x384xf32>
    %dot_general3A_27 = arith.constant dense<0.000000e+00> : vector<2000x384xf32>
    %dot_general3A_28 = tpu.matmul %get3A_1, %get3A_7, %dot_general3A_27 {dimension_numbers = #tpu.dot_dimension_numbers<[1], [0], [0], [1], [0, 0, 1, 1], [], []>, transpose_lhs_hint = false} : vector<2000x128xf32>, vector<128x384xf32>, vector<2000x384xf32> -> vector<2000x384xf32>
    %add3A_29 = vector.broadcast %get3A_13 : vector<1x384xf32> to vector<2000x384xf32>
    %add3A_30 = arith.addf %dot_general3A_28, %add3A_29 : vector<2000x384xf32>
    %slice3A = vector.extract_strided_slice %add3A_26 {offsets = [0, 0], sizes = [2000, 128], strides = [1, 1]} : vector<2000x384xf32> to vector<2000x128xf32>
    %slice3A_31 = vector.extract_strided_slice %add3A_30 {offsets = [0, 0], sizes = [2000, 128], strides = [1, 1]} : vector<2000x384xf32> to vector<2000x128xf32>
    %add3A_32 = arith.addf %slice3A, %slice3A_31 : vector<2000x128xf32>
    %logistic3A = arith.negf %add3A_32 : vector<2000x128xf32>
    %logistic3A_33 = math.exp %logistic3A : vector<2000x128xf32>
    %logistic3A_34 = arith.constant 1.000000e+00 : f32
    %logistic3A_35 = vector.broadcast %logistic3A_34 : f32 to vector<2000x128xf32>
    %logistic3A_36 = arith.addf %logistic3A_35, %logistic3A_33 : vector<2000x128xf32>
    %logistic3A_37 = arith.divf %logistic3A_35, %logistic3A_36 : vector<2000x128xf32>
    %slice3A_38 = vector.extract_strided_slice %add3A_26 {offsets = [0, 128], sizes = [2000, 128], strides = [1, 1]} : vector<2000x384xf32> to vector<2000x128xf32>
    %slice3A_39 = vector.extract_strided_slice %add3A_30 {offsets = [0, 128], sizes = [2000, 128], strides = [1, 1]} : vector<2000x384xf32> to vector<2000x128xf32>
    %add3A_40 = arith.addf %slice3A_38, %slice3A_39 : vector<2000x128xf32>
    %logistic3A_41 = arith.negf %add3A_40 : vector<2000x128xf32>
    %logistic3A_42 = math.exp %logistic3A_41 : vector<2000x128xf32>
    %logistic3A_43 = arith.constant 1.000000e+00 : f32
    %logistic3A_44 = vector.broadcast %logistic3A_43 : f32 to vector<2000x128xf32>
    %logistic3A_45 = arith.addf %logistic3A_44, %logistic3A_42 : vector<2000x128xf32>
    %logistic3A_46 = arith.divf %logistic3A_44, %logistic3A_45 : vector<2000x128xf32>
    %slice3A_47 = vector.extract_strided_slice %add3A_26 {offsets = [0, 256], sizes = [2000, 128], strides = [1, 1]} : vector<2000x384xf32> to vector<2000x128xf32>
    %slice3A_48 = vector.extract_strided_slice %add3A_30 {offsets = [0, 256], sizes = [2000, 128], strides = [1, 1]} : vector<2000x384xf32> to vector<2000x128xf32>
    %mul3A = arith.mulf %logistic3A_37, %slice3A_48 : vector<2000x128xf32>
    %add3A_49 = arith.addf %slice3A_47, %mul3A : vector<2000x128xf32>
    %tanh3A = math.tanh %add3A_49 : vector<2000x128xf32>
    %sub3A = arith.constant 1.000000e+00 : f32
    %sub3A_50 = vector.broadcast %sub3A : f32 to vector<2000x128xf32>
    %sub3A_51 = arith.subf %sub3A_50, %logistic3A_46 : vector<2000x128xf32>
    %mul3A_52 = arith.mulf %sub3A_51, %tanh3A : vector<2000x128xf32>
    %mul3A_53 = arith.mulf %logistic3A_46, %get3A_1 : vector<2000x128xf32>
    %add3A_54 = arith.addf %mul3A_52, %mul3A_53 : vector<2000x128xf32>
    %swap3A = arith.constant 0 : index
    %swap3A_55 = arith.constant 0 : index
    %swap3A_56 = vector.load %arg8[%swap3A, %swap3A_55] : memref<2000x128xf32, #tpu.memory_space<vmem>>, vector<2000x128xf32>
    tpu.vector_store %arg8[%swap3A, %swap3A_55], %add3A_54 {strides = array<i32>} : memref<2000x128xf32, #tpu.memory_space<vmem>>, vector<2000x128xf32>,
    %get3A_57 = arith.constant 0 : index
    %get3A_58 = arith.constant 0 : index
    %get3A_59 = vector.load %arg7[%get3A_57, %get3A_58] : memref<128x128xf32, #tpu.memory_space<vmem>>, vector<128x128xf32>
    %dot_general3A_60 = arith.constant dense<0.000000e+00> : vector<2000x128xf32>
    %dot_general3A_61 = tpu.matmul %add3A_54, %get3A_59, %dot_general3A_60 {dimension_numbers = #tpu.dot_dimension_numbers<[1], [0], [0], [1], [0, 0, 1, 1], [], []>, transpose_lhs_hint = false} : vector<2000x128xf32>, vector<128x128xf32>, vector<2000x128xf32> -> vector<2000x128xf32>
    %swap3A_62 = arith.constant 0 : index
    %swap3A_63 = arith.constant 0 : index
    %swap3A_64 = vector.load %arg9[%swap3A_62, %swap3A_63] : memref<2000x128xf32, #tpu.memory_space<vmem>>, vector<2000x128xf32>
    tpu.vector_store %arg9[%swap3A_62, %swap3A_63], %dot_general3A_61 {strides = array<i32>} : memref<2000x128xf32, #tpu.memory_space<vmem>>, vector<2000x128xf32>,
    return
  }
  func.func @transform_0(%arg0: i32) -> (i32, i32, i32) {
    %c0_i32 = arith.constant 0 : i32
    %c0_i32_0 = arith.constant 0 : i32
    %c0_i32_1 = arith.constant 0 : i32
    return %c0_i32, %arg0, %c0_i32_0 : i32, i32, i32
  }
  func.func @transform_1(%arg0: i32) -> (i32, i32) {
    %c0_i32 = arith.constant 0 : i32
    %c0_i32_0 = arith.constant 0 : i32
    return %arg0, %c0_i32 : i32, i32
  }
  func.func @transform_2(%arg0: i32) -> (i32, i32) {
    %c0_i32 = arith.constant 0 : i32
    %c0_i32_0 = arith.constant 0 : i32
    %c0_i32_1 = arith.constant 0 : i32
    return %c0_i32, %c0_i32_0 : i32, i32
  }
  func.func @transform_3(%arg0: i32) -> (i32, i32) {
    %c0_i32 = arith.constant 0 : i32
    %c0_i32_0 = arith.constant 0 : i32
    %c0_i32_1 = arith.constant 0 : i32
    return %c0_i32, %c0_i32_0 : i32, i32
  }
  func.func @transform_4(%arg0: i32) -> (i32, i32) {
    %c0_i32 = arith.constant 0 : i32
    %c0_i32_0 = arith.constant 0 : i32
    %c0_i32_1 = arith.constant 0 : i32
    return %c0_i32, %c0_i32_0 : i32, i32
  }
  func.func @transform_5(%arg0: i32) -> (i32, i32) {
    %c0_i32 = arith.constant 0 : i32
    %c0_i32_0 = arith.constant 0 : i32
    %c0_i32_1 = arith.constant 0 : i32
    return %c0_i32, %c0_i32_0 : i32, i32
  }
  func.func @transform_6(%arg0: i32) -> (i32, i32) {
    %c0_i32 = arith.constant 0 : i32
    %c0_i32_0 = arith.constant 0 : i32
    %c0_i32_1 = arith.constant 0 : i32
    return %c0_i32, %c0_i32_0 : i32, i32
  }
  func.func @transform_7(%arg0: i32) -> (i32, i32) {
    %c0_i32 = arith.constant 0 : i32
    %c0_i32_0 = arith.constant 0 : i32
    return %arg0, %c0_i32 : i32, i32
  }
  func.func @transform_8(%arg0: i32) -> (i32, i32) {
    %c0_i32 = arith.constant 0 : i32
    %c0_i32_0 = arith.constant 0 : i32
    return %arg0, %c0_i32 : i32, i32
  }
}

module attributes {stable_mosaic.version = 14 : i64} {
  func.func @_gru_last_body(%arg0: i32, %arg1: memref<2x2000x128xf32, #tpu.memory_space<vmem>>, %arg2: memref<2000x128xf32, #tpu.memory_space<vmem>>, %arg3: memref<128x384xf32, #tpu.memory_space<vmem>>, %arg4: memref<128x384xf32, #tpu.memory_space<vmem>>, %arg5: memref<1x384xf32, #tpu.memory_space<vmem>>, %arg6: memref<1x384xf32, #tpu.memory_space<vmem>>, %arg7: memref<128x128xf32, #tpu.memory_space<vmem>>, %arg8: memref<1x128xf32, #tpu.memory_space<vmem>>, %arg9: memref<2000x128xf32, #tpu.memory_space<vmem>>) attributes {dimension_semantics = [#tpu.dimension_semantics<arbitrary>], iteration_bounds = array<i64: 5>, scalar_prefetch = 0 : i64, scratch_operands = 0 : i64, tpu.core_type = #tpu.core_type<tc>, window_params = [{transform_indices = @transform_0, window_bounds = array<i64: 2, 2000, 128>}, {transform_indices = @transform_1, window_bounds = array<i64: 2000, 128>}, {pipeline_mode = #tpu.pipeline_mode<synchronous>, transform_indices = @transform_2, window_bounds = array<i64: 128, 384>}, {pipeline_mode = #tpu.pipeline_mode<synchronous>, transform_indices = @transform_3, window_bounds = array<i64: 128, 384>}, {pipeline_mode = #tpu.pipeline_mode<synchronous>, transform_indices = @transform_4, window_bounds = array<i64: 1, 384>}, {pipeline_mode = #tpu.pipeline_mode<synchronous>, transform_indices = @transform_5, window_bounds = array<i64: 1, 384>}, {pipeline_mode = #tpu.pipeline_mode<synchronous>, transform_indices = @transform_6, window_bounds = array<i64: 128, 128>}, {pipeline_mode = #tpu.pipeline_mode<synchronous>, transform_indices = @transform_7, window_bounds = array<i64: 1, 128>}, {transform_indices = @transform_8, window_bounds = array<i64: 2000, 128>}]} {
    %get3A = arith.constant 0 : index
    %get3A_0 = arith.constant 0 : index
    %get3A_1 = vector.load %arg2[%get3A, %get3A_0] : memref<2000x128xf32, #tpu.memory_space<vmem>>, vector<2000x128xf32>
    %get3A_2 = arith.constant 0 : index
    %get3A_3 = arith.constant 0 : index
    %get3A_4 = vector.load %arg3[%get3A_2, %get3A_3] : memref<128x384xf32, #tpu.memory_space<vmem>>, vector<128x384xf32>
    %get3A_5 = arith.constant 0 : index
    %get3A_6 = arith.constant 0 : index
    %get3A_7 = vector.load %arg4[%get3A_5, %get3A_6] : memref<128x384xf32, #tpu.memory_space<vmem>>, vector<128x384xf32>
    %get3A_8 = arith.constant 0 : index
    %get3A_9 = arith.constant 0 : index
    %get3A_10 = vector.load %arg5[%get3A_8, %get3A_9] : memref<1x384xf32, #tpu.memory_space<vmem>>, vector<1x384xf32>
    %get3A_11 = arith.constant 0 : index
    %get3A_12 = arith.constant 0 : index
    %get3A_13 = vector.load %arg6[%get3A_11, %get3A_12] : memref<1x384xf32, #tpu.memory_space<vmem>>, vector<1x384xf32>
    %get3A_14 = arith.constant 0 : index
    %get3A_15 = arith.constant 0 : index
    %get3A_16 = arith.constant 0 : index
    %get3A_17 = vector.load %arg1[%get3A_14, %get3A_15, %get3A_16] : memref<2x2000x128xf32, #tpu.memory_space<vmem>>, vector<1x2000x128xf32>
    %get3A_18 = vector.shape_cast %get3A_17 : vector<1x2000x128xf32> to vector<2000x128xf32>
    %get3A_19 = arith.constant 1 : index
    %get3A_20 = arith.constant 0 : index
    %get3A_21 = arith.constant 0 : index
    %get3A_22 = vector.load %arg1[%get3A_19, %get3A_20, %get3A_21] : memref<2x2000x128xf32, #tpu.memory_space<vmem>>, vector<1x2000x128xf32>
    %get3A_23 = vector.shape_cast %get3A_22 : vector<1x2000x128xf32> to vector<2000x128xf32>
    %add3A = arith.addf %get3A_18, %get3A_23 : vector<2000x128xf32>
    %dot_general3A = arith.constant dense<0.000000e+00> : vector<2000x384xf32>
    %dot_general3A_24 = tpu.matmul %add3A, %get3A_4, %dot_general3A {dimension_numbers = #tpu.dot_dimension_numbers<[1], [0], [0], [1], [0, 0, 1, 1], [], []>, transpose_lhs_hint = false} : vector<2000x128xf32>, vector<128x384xf32>, vector<2000x384xf32> -> vector<2000x384xf32>
    %add3A_25 = vector.broadcast %get3A_10 : vector<1x384xf32> to vector<2000x384xf32>
    %add3A_26 = arith.addf %dot_general3A_24, %add3A_25 : vector<2000x384xf32>
    %dot_general3A_27 = arith.constant dense<0.000000e+00> : vector<2000x384xf32>
    %dot_general3A_28 = tpu.matmul %get3A_1, %get3A_7, %dot_general3A_27 {dimension_numbers = #tpu.dot_dimension_numbers<[1], [0], [0], [1], [0, 0, 1, 1], [], []>, transpose_lhs_hint = false} : vector<2000x128xf32>, vector<128x384xf32>, vector<2000x384xf32> -> vector<2000x384xf32>
    %add3A_29 = vector.broadcast %get3A_13 : vector<1x384xf32> to vector<2000x384xf32>
    %add3A_30 = arith.addf %dot_general3A_28, %add3A_29 : vector<2000x384xf32>
    %slice3A = vector.extract_strided_slice %add3A_26 {offsets = [0, 0], sizes = [2000, 128], strides = [1, 1]} : vector<2000x384xf32> to vector<2000x128xf32>
    %slice3A_31 = vector.extract_strided_slice %add3A_30 {offsets = [0, 0], sizes = [2000, 128], strides = [1, 1]} : vector<2000x384xf32> to vector<2000x128xf32>
    %add3A_32 = arith.addf %slice3A, %slice3A_31 : vector<2000x128xf32>
    %logistic3A = arith.negf %add3A_32 : vector<2000x128xf32>
    %logistic3A_33 = math.exp %logistic3A : vector<2000x128xf32>
    %logistic3A_34 = arith.constant 1.000000e+00 : f32
    %logistic3A_35 = vector.broadcast %logistic3A_34 : f32 to vector<2000x128xf32>
    %logistic3A_36 = arith.addf %logistic3A_35, %logistic3A_33 : vector<2000x128xf32>
    %logistic3A_37 = arith.divf %logistic3A_35, %logistic3A_36 : vector<2000x128xf32>
    %slice3A_38 = vector.extract_strided_slice %add3A_26 {offsets = [0, 128], sizes = [2000, 128], strides = [1, 1]} : vector<2000x384xf32> to vector<2000x128xf32>
    %slice3A_39 = vector.extract_strided_slice %add3A_30 {offsets = [0, 128], sizes = [2000, 128], strides = [1, 1]} : vector<2000x384xf32> to vector<2000x128xf32>
    %add3A_40 = arith.addf %slice3A_38, %slice3A_39 : vector<2000x128xf32>
    %logistic3A_41 = arith.negf %add3A_40 : vector<2000x128xf32>
    %logistic3A_42 = math.exp %logistic3A_41 : vector<2000x128xf32>
    %logistic3A_43 = arith.constant 1.000000e+00 : f32
    %logistic3A_44 = vector.broadcast %logistic3A_43 : f32 to vector<2000x128xf32>
    %logistic3A_45 = arith.addf %logistic3A_44, %logistic3A_42 : vector<2000x128xf32>
    %logistic3A_46 = arith.divf %logistic3A_44, %logistic3A_45 : vector<2000x128xf32>
    %slice3A_47 = vector.extract_strided_slice %add3A_26 {offsets = [0, 256], sizes = [2000, 128], strides = [1, 1]} : vector<2000x384xf32> to vector<2000x128xf32>
    %slice3A_48 = vector.extract_strided_slice %add3A_30 {offsets = [0, 256], sizes = [2000, 128], strides = [1, 1]} : vector<2000x384xf32> to vector<2000x128xf32>
    %mul3A = arith.mulf %logistic3A_37, %slice3A_48 : vector<2000x128xf32>
    %add3A_49 = arith.addf %slice3A_47, %mul3A : vector<2000x128xf32>
    %tanh3A = math.tanh %add3A_49 : vector<2000x128xf32>
    %sub3A = arith.constant 1.000000e+00 : f32
    %sub3A_50 = vector.broadcast %sub3A : f32 to vector<2000x128xf32>
    %sub3A_51 = arith.subf %sub3A_50, %logistic3A_46 : vector<2000x128xf32>
    %mul3A_52 = arith.mulf %sub3A_51, %tanh3A : vector<2000x128xf32>
    %mul3A_53 = arith.mulf %logistic3A_46, %get3A_1 : vector<2000x128xf32>
    %add3A_54 = arith.addf %mul3A_52, %mul3A_53 : vector<2000x128xf32>
    %max3A = arith.constant 0.000000e+00 : f32
    %max3A_55 = vector.broadcast %max3A : f32 to vector<2000x128xf32>
    %max3A_56 = arith.maximumf %add3A_54, %max3A_55 : vector<2000x128xf32>
    %get3A_57 = arith.constant 0 : index
    %get3A_58 = arith.constant 0 : index
    %get3A_59 = vector.load %arg7[%get3A_57, %get3A_58] : memref<128x128xf32, #tpu.memory_space<vmem>>, vector<128x128xf32>
    %dot_general3A_60 = arith.constant dense<0.000000e+00> : vector<2000x128xf32>
    %dot_general3A_61 = tpu.matmul %max3A_56, %get3A_59, %dot_general3A_60 {dimension_numbers = #tpu.dot_dimension_numbers<[1], [0], [0], [1], [0, 0, 1, 1], [], []>, transpose_lhs_hint = false} : vector<2000x128xf32>, vector<128x128xf32>, vector<2000x128xf32> -> vector<2000x128xf32>
    %get3A_62 = arith.constant 0 : index
    %get3A_63 = arith.constant 0 : index
    %get3A_64 = vector.load %arg8[%get3A_62, %get3A_63] : memref<1x128xf32, #tpu.memory_space<vmem>>, vector<1x128xf32>
    %add3A_65 = vector.broadcast %get3A_64 : vector<1x128xf32> to vector<2000x128xf32>
    %add3A_66 = arith.addf %dot_general3A_61, %add3A_65 : vector<2000x128xf32>
    %swap3A = arith.constant 0 : index
    %swap3A_67 = arith.constant 0 : index
    %swap3A_68 = vector.load %arg9[%swap3A, %swap3A_67] : memref<2000x128xf32, #tpu.memory_space<vmem>>, vector<2000x128xf32>
    tpu.vector_store %arg9[%swap3A, %swap3A_67], %add3A_66 {strides = array<i32>} : memref<2000x128xf32, #tpu.memory_space<vmem>>, vector<2000x128xf32>,
    return
  }
  func.func @transform_0(%arg0: i32) -> (i32, i32, i32) {
    %c0_i32 = arith.constant 0 : i32
    %c0_i32_0 = arith.constant 0 : i32
    %c0_i32_1 = arith.constant 0 : i32
    return %c0_i32, %arg0, %c0_i32_0 : i32, i32, i32
  }
  func.func @transform_1(%arg0: i32) -> (i32, i32) {
    %c0_i32 = arith.constant 0 : i32
    %c0_i32_0 = arith.constant 0 : i32
    return %arg0, %c0_i32 : i32, i32
  }
  func.func @transform_2(%arg0: i32) -> (i32, i32) {
    %c0_i32 = arith.constant 0 : i32
    %c0_i32_0 = arith.constant 0 : i32
    %c0_i32_1 = arith.constant 0 : i32
    return %c0_i32, %c0_i32_0 : i32, i32
  }
  func.func @transform_3(%arg0: i32) -> (i32, i32) {
    %c0_i32 = arith.constant 0 : i32
    %c0_i32_0 = arith.constant 0 : i32
    %c0_i32_1 = arith.constant 0 : i32
    return %c0_i32, %c0_i32_0 : i32, i32
  }
  func.func @transform_4(%arg0: i32) -> (i32, i32) {
    %c0_i32 = arith.constant 0 : i32
    %c0_i32_0 = arith.constant 0 : i32
    %c0_i32_1 = arith.constant 0 : i32
    return %c0_i32, %c0_i32_0 : i32, i32
  }
  func.func @transform_5(%arg0: i32) -> (i32, i32) {
    %c0_i32 = arith.constant 0 : i32
    %c0_i32_0 = arith.constant 0 : i32
    %c0_i32_1 = arith.constant 0 : i32
    return %c0_i32, %c0_i32_0 : i32, i32
  }
  func.func @transform_6(%arg0: i32) -> (i32, i32) {
    %c0_i32 = arith.constant 0 : i32
    %c0_i32_0 = arith.constant 0 : i32
    %c0_i32_1 = arith.constant 0 : i32
    return %c0_i32, %c0_i32_0 : i32, i32
  }
  func.func @transform_7(%arg0: i32) -> (i32, i32) {
    %c0_i32 = arith.constant 0 : i32
    %c0_i32_0 = arith.constant 0 : i32
    %c0_i32_1 = arith.constant 0 : i32
    return %c0_i32, %c0_i32_0 : i32, i32
  }
  func.func @transform_8(%arg0: i32) -> (i32, i32) {
    %c0_i32 = arith.constant 0 : i32
    %c0_i32_0 = arith.constant 0 : i32
    return %arg0, %c0_i32 : i32, i32
  }
}

</mosaic_0001>

<sc_bundles>
// kernel: kernel.12.cloned.1.call-start
scs
__scs_entry_jumppad:
0x0: {  	(pc) =	sbr.rel $0x88, $3  }
0x1: {  	(tag) =	ssettag $0x0;
	lr =	simm.s32 $0x1  }
0x2: {  	[smem:$0x3F98] =	sst lr;
	_ =	strace $0xD0000000  }
0x3: {  	_ = 	snop  }
0x4: {  	_ = 	snop  }
0x5: {  	_ = 	snop  }
0x6: {  	_ = 	snop  }
0x7: {  	_ = 	snop  }
__scs_overlays_trampoline_lowered:
0x8: {  	[smem:$0x3FA7] =	sst s0  }
0x9: {  	[smem:$0x3FA8] =	sst s1  }
0xa: {  	[smem:$0x3FA9] =	sst s2  }
0xb: {  	[smem:$0x3FAA] =	sst s3  }
0xc: {  	[smem:$0x3FAB] =	sst s4  }
0xd: {  	[smem:$0x3FAC] =	sst s5  }
0xe: {  	[smem:$0x3FAD] =	sst s6  }
0xf: {  	[smem:$0x3FAE] =	sst s7  }
0x10: {  	[smem:$0x3FAF] =	sst s8  }
0x11: {  	[smem:$0x3FB0] =	sst s9;
	s0 =	simm.s32 @!p0 $0x0  }
0x12: {  	s1 =	sld [smem:$0x3F96];
	s0 =	simm.s32 @p0 $0x1  }
0x13: {  	[smem:$0x3FB1] =	sst s0;
	s0 =	simm.s32 @!p1 $0x0  }
0x14: {  	s2 =	sld [smem:$0x3F95];
	s0 =	simm.s32 @p1 $0x1  }
0x15: {  	[smem:$0x3FB2] =	sst s0;
	s0 =	simm.s32 @!p2 $0x0  }
0x16: {  	s3 =	sld [smem:$0x3FDB];
	s0 =	simm.s32 @p2 $0x1  }
0x17: {  	s4 =	simm.s32 $0x1BF5;
	[smem:$0x3FB4] =	sst s0  }
0x18: {  	s0 =	sld [smem:$0x3F97];
	_ =	swait.ge [sflag:s4], $0x0  }
0x19: {  	s7 =	sld [smem:$0x3F98]  }
0x1a: {  	s8 =	sadd.s32 $0xFFFFE003, lr  }
0x1b: {  	s9 =	sadd.s32 $0xFFFFFEF7, lr;
	s5 =	simm.s32 $0xFFFFFFFF;
	p2 =	slt.u32 s8, $0xFFFFF086  }
0x1c: {  	p1 =	slt.u32 s9, $0xF7A;
	s5 =	simm.s32 @!p2 $0x0  }
0x1d: {  	s5 =	simm.s32 @p1 $0x1;
	p0 =	seq.s32 s7, s2  }
0x1e: {  	s7 =	smul.u32 @!p0 $0xF7A, s2;
	p2 =	seq.s32 @!p0 s5, $0x0  }
0x1f: {  	s9 =	smul.u32 $0xF7A, s1;
	s8 =	simm.s32 @!p0 $0x1BF5;
	p2 =	por !p2, p0  }
0x20: {  	[sflag:s8] =	ssyncset.s32 @!p0 $0xFFFFF086;
	s6 =	sadd.s32 @!p0 s3, s7;
	s7 =	simm.s32 @!p0 $0x108  }
0x21: {  	s3 =	sadd.s32 s3, s9;
	s6 =	sadd.s32 @!p0 $0x88, s6;
	s7 =	simm.s32 @p2 $0x1082  }
0x22: {  	[simem:s7], [sflag:s8] =	dma.local @!p0 [hbm:s6], $0xF7A  }
0x23: {  	s9 =	sor.u32 $0xD0000000, s2;
	s6 =	simm.s32 $0x108;
	_ =	swait.ge @!p0 [sflag:s8], $0x0  }
0x24: {  	s3 =	sadd.s32 $0x88, s3;
	s6 =	simm.s32 @!p1 $0x1082;
	[sflag:s4] =	ssyncset.s32 $0xFFFFF086  }
0x25: {  	[simem:s6], [sflag:s4] =	dma.local [hbm:s3], $0xF7A  }
0x26: {  	[smem:$0x3F98] =	sst s1;
	(tag) =	ssettag s2;
	_ =	strace s9  }
0x27: {  	s1 =	sld [smem:$0x3FA8]  }
0x28: {  	s2 =	sld [smem:$0x3FA9]  }
0x29: {  	s4 =	sld [smem:$0x3FAB]  }
0x2a: {  	p0 =	seq.s32 s5, $0x0;
	s5 =	sld [smem:$0x3FAC]  }
0x2b: {  	s6 =	sld [smem:$0x3FAD]  }
0x2c: {  	s7 =	sld [smem:$0x3FAE]  }
0x2d: {  	s3 =	simm.s32 $0x108;
	s8 =	sld [smem:$0x3FAF]  }
0x2e: {  	s3 =	simm.s32 @!p0 $0x1082;
	s9 =	sld [smem:$0x3FB0]  }
0x2f: {  	lr =	sadd.s32 s0, s3;
	s0 =	sld [smem:$0x3FA7]  }
0x30: {  	s3 =	sld [smem:$0x3FAA]  }
0x31: {  	[smem:$0x3FB3] =	sst s10  }
0x32: {  	s10 =	sld [smem:$0x3FB1];
	_ =	sdelay $0x3  }
0x33: {  	p0 =	seq.s32 s10, $0x1;
	s10 =	sld [smem:$0x3FB3];
	_ =	sdelay $0x3  }
0x34: {  	[smem:$0x3FB3] =	sst s10  }
0x35: {  	s10 =	sld [smem:$0x3FB2];
	_ =	sdelay $0x3  }
0x36: {  	p1 =	seq.s32 s10, $0x1;
	s10 =	sld [smem:$0x3FB3];
	_ =	sdelay $0x3  }
0x37: {  	[smem:$0x3FB3] =	sst s10  }
0x38: {  	s10 =	sld [smem:$0x3FB4]  }
0x39: {  	_ = 	snop;
	(pc) =	sbr.ind lr, $3  }
0x3a: {  	_ = 	snop  }
0x3b: {  	_ = 	snop  }
0x3c: {  	p2 =	seq.s32 s10, $0x1;
	s10 =	sld [smem:$0x3FB3]  }
0x3d: {  	_ =	shalt  }
0x3e: {  	_ =	shalt  }
0x3f: {  	_ =	shalt  }
0x40: {  	_ =	shalt  }
0x41: {  	_ =	shalt  }
0x42: {  	_ =	shalt  }
0x43: {  	_ =	shalt  }
0x44: {  	_ =	shalt  }
0x45: {  	_ =	shalt  }
0x46: {  	_ =	shalt  }
0x47: {  	_ =	shalt  }
0x48: {  	_ =	shalt  }
0x49: {  	_ =	shalt  }
0x4a: {  	_ =	shalt  }
0x4b: {  	_ =	shalt  }
0x4c: {  	_ =	shalt  }
0x4d: {  	_ =	shalt  }
0x4e: {  	_ =	shalt  }
0x4f: {  	_ =	shalt  }
0x50: {  	_ =	shalt  }
0x51: {  	_ =	shalt  }
0x52: {  	_ =	shalt  }
0x53: {  	_ =	shalt  }
0x54: {  	_ =	shalt  }
0x55: {  	_ =	shalt  }
0x56: {  	_ =	shalt  }
0x57: {  	_ =	shalt  }
0x58: {  	_ =	shalt  }
0x59: {  	_ =	shalt  }
0x5a: {  	_ =	shalt  }
0x5b: {  	_ =	shalt  }
0x5c: {  	_ =	shalt  }
0x5d: {  	_ =	shalt  }
0x5e: {  	_ =	shalt  }
0x5f: {  	_ =	shalt  }
0x60: {  	_ =	shalt  }
0x61: {  	_ =	shalt  }
0x62: {  	_ =	shalt  }
0x63: {  	_ =	shalt  }
0x64: {  	_ =	shalt  }
0x65: {  	_ =	shalt  }
0x66: {  	_ =	shalt  }
0x67: {  	_ =	shalt  }
0x68: {  	_ =	shalt  }
0x69: {  	_ =	shalt  }
0x6a: {  	_ =	shalt  }
0x6b: {  	_ =	shalt  }
0x6c: {  	_ =	shalt  }
0x6d: {  	_ =	shalt  }
0x6e: {  	_ =	shalt  }
0x6f: {  	_ =	shalt  }
0x70: {  	_ =	shalt  }
0x71: {  	_ =	shalt  }
0x72: {  	_ =	shalt  }
0x73: {  	_ =	shalt  }
0x74: {  	_ =	shalt  }
0x75: {  	_ =	shalt  }
0x76: {  	_ =	shalt  }
0x77: {  	_ =	shalt  }
0x78: {  	_ =	shalt  }
0x79: {  	_ =	shalt  }
0x7a: {  	_ =	shalt  }
0x7b: {  	_ =	shalt  }
0x7c: {  	_ =	shalt  }
0x7d: {  	_ =	shalt  }
0x7e: {  	_ =	shalt  }
0x7f: {  	_ =	shalt  }
0x80: {  	_ =	shalt  }
0x81: {  	_ =	shalt  }
0x82: {  	_ =	shalt  }
0x83: {  	_ =	shalt  }
0x84: {  	_ =	shalt  }
0x85: {  	_ =	shalt  }
0x86: {  	_ =	shalt  }
0x87: {  	_ =	shalt  }
.Lfunc_end0:
.L_simem_size_0:
called_computation.1_lowered:
.L_overlay_start_0:
0x88: {  	s2 =	sld [smem:$0x3FD9]  }
0x89: {  	s3 =	sld [smem:$0x3FFE];
	_ =	sdelay $0x1  }
0x8a: {  	s1 =	srdreg.scid  }
0x8b: {  	s0 =	sand.u32 $0x1, s1  }
0x8c: {  	s17 =	sshll.u32 s0, $0xA;
	s2 =	sadd.s32 s3, s2  }
0x8d: {  	s2 =	sadd.s32 s2, s17  }
0x8e: {  	[smem:$0x3FBF] =	sst s2  }
0x8f: {  	_ = 	snop  }
0x90: {  	s2 =	sld [smem:$0x3FD0];
	(tm) =	ssettm $0x1  }
0x91: {  	s18 =	sld [smem:$0x3FFB];
	_ =	sdelay $0x3  }
0x92: {  	_ =	strace s18  }
0x93: {  	s3 =	sld [smem:$0x3FFC];
	_ =	sdelay $0x3  }
0x94: {  	_ =	strace s3  }
0x95: {  	s3 =	sld [smem:$0x3FFD];
	_ =	sdelay $0x3  }
0x96: {  	_ =	strace s3  }
0x97: {  	_ =	strace $0x8FFFFFFF  }
0x98: {  	s19 =	sld [smem:$0x3FDB];
	_ =	sdelay $0x1  }
0x99: {  	s4 =	simm.s32 $_scs_section_size  }
0x9a: {  	s5 =	simm.s32 $_size__tile_overlayer_lowered;
	s6 =	simm.s32 $_tile_overlayer_lowered  }
0x9b: {  	s22 =	simm.s32 $0x1BFF;
	s21 =	sshll.u32 s6, $0x1;
	s3 =	sadd.s32 s4, s19  }
0x9c: {  	s7 =	simm.s32 $0x0;
	s20 =	sshll.u32 s5, $0x1;
	s5 =	sadd.s32 s21, s3  }
0x9d: {  	[timem:s7], [sflag:s22] =	dma.local [hbm:s5], s20  }
0x9e: {  	_ =	swait.ge [sflag:s22], s20  }
0x9f: {  	s4 =	ssub.s32 $0x0, s20;
	[sflag:s22] =	ssyncset.done $0x0  }
0xa0: {  	[sflag:s22] =	ssyncadd.s32 s4;
	_ =	sdelay $0x1  }
0xa1: {  	s23 =	simm.s32 $0x1B8B  }
0xa2: {  	_ =	swait.ge [sflag:s23], $0x1  }
0xa3: {  	[sflag:s23] =	ssyncset.done $0x0  }
0xa4: {  	s25 =	simm.s32 $0x1B8E;
	s24 =	sld [smem:$0x3FFE];
	[sflag:s23] =	ssyncadd.s32 $0xFFFFFFFF  }
0xa5: {  	s26 =	simm.s32 $execute0_lowered;
	[smem:$0x3FD2] =	sst s25  }
0xa6: {  	s5 =	sshll.u32 s26, $0x1;
	_ =	strace $0x80000049;
	[dreg:$0x1] =	wrdreg $0xFFFFFFFF  }
0xa7: {  	s28 =	simm.s32 $_size_execute0_lowered;
	s3 =	sadd.s32 s3, s5;
	[dreg:$0x0] =	wrdreg $0x0  }
0xa8: {  	s5 =	sshll.u32 s28, $0x1;
	[dreg:$0x2] =	wrdreg s3  }
0xa9: {  	[dreg:$0x3] =	wrdreg s5  }
0xaa: {  	[dreg:$0x4] =	wrdreg $0xC0  }
0xab: {  	_ =	task [dreg:s7], $0x5FFFF  }
0xac: {  	[dreg:$0x1] =	wrdreg $0xFFFFFFFF  }
0xad: {  	[dreg:$0x0] =	wrdreg $0x60  }
0xae: {  	[dreg:$0x2] =	wrdreg s2  }
0xaf: {  	[dreg:$0x3] =	wrdreg s24  }
0xb0: {  	[dreg:$0x4] =	wrdreg $0xAC000  }
0xb1: {  	[dreg:$0x5] =	wrdreg $0x9  }
0xb2: {  	_ =	task.clear_ibuf [dreg:s7], $0x6FFFF;
	_ =	strace $0x90000049  }
0xb3: {  	s29 =	simm.s32 $0x9;
	_ =	strace $0x8000004B  }
0xb4: {  	_ =	swait.ge [sflag:s29], $0x1  }
0xb5: {  	[sflag:s29] =	ssyncadd.s32 $0xFFFFFFFF  }
0xb6: {  	_ =	strace $0x9000004B  }
0xb7: {  	_ =	sfence  }
0xb8: {  	s30 =	sld [smem:$0x0];
	_ =	sdelay $0x2  }
0xb9: {  	s31 =	sshll.u32 s1, $0xD;
	s1 =	sshrl.u32 s1, $0x2  }
0xba: {  	s3 =	sand.u32 $0x4000, s31;
	s1 =	sadd.s32 s1, s30  }
0xbb: {  	s0 =	sor.u32 s3, s0;
	s1 =	sshll.u32 s1, $0x11  }
0xbc: {  	s0 =	sor.u32 s1, s0  }
0xbd: {  	s0 =	sadd.s32 $0x8F2B, s0  }
0xbe: {  	[sflag:s0] =	ssyncadd.remote.s32 $0x1  }
0xbf: {  	_ =	sfence.sel $0xFFFF  }
0xc0: {  	[dreg:$0x0] =	wrdreg $0xFFFFFFFF;
	(pc) =	sbr.abs _section_cstart, $3  }
0xc1: {  	[dreg:$0x1] =	wrdreg $0xFFFFFFFF  }
0xc2: {  	_ =	task.clear_ibuf [dreg:s7], $0x2FFFF;
	_ =	strace $0x9FFFFFFF  }
0xc3: {  	(tm) =	ssettm $0x7FFFFFFF  }
tec
execute0_lowered:
.L_overlay_start_1:
0x0: {  	(tag) =	ssettag $0x1  }
0x1: {  	s1 =	rddreg [dreg:$0x0]  }
0x2: {  	s0 =	rddreg [dreg:$0x1]  }
0x3: {  	s2 =	srdreg.scid;
	s3 =	rddreg [dreg:$0x2]  }
0x4: {  	s12 =	stileid.u32;
	s5 =	simm.s32 $0x0;
	s28 =	simm.s32 $0x5C00  }
0x5: {  	s29 =	simm.s32 $0x2;
	s30 =	simm.s32 $0x1;
	s31 =	simm.s32 $0x8400  }
0x6: {  	s2 =	sand.u32 $0x1, s2;
	[smem:$0x7FF] =	sst s5;
	s8 =	smul.u32 $0x14000, s12  }
0x7: {  	s5 =	sadd.s32 $0x2800, s0;
	s4 =	sshll.u32 s2, $0x4;
	s7 =	smul.u32 $0x140000, s2  }
0x8: {  	_ =	strace $0x8000004A;
	s2 =	ssub.s32 $0x2, s2;
	s4 =	sor.u32 s12, s4  }
0x9: {  	s10 =	sshrl.u32 s2, $0x1;
	s13 =	sadd.s32 $0xA000, s8;
	s15 =	sadd.s32 $0xC800, s8  }
0xa: {  	s17 =	sadd.s32 $0xF000, s8;
	s22 =	sshll.u32 s4, $0xB;
	s6 =	sadd.s32 s7, s8  }
0xb: {  	s2 =	ssub.s32 s2, s10;
	s10 =	sor.u32 $0x2800, s8;
	s18 =	sadd.s32 s7, s13  }
0xc: {  	s19 =	sadd.s32 s7, s15;
	s20 =	sadd.s32 s7, s17;
	s13 =	sadd.s32 s13, s3  }
0xd: {  	s15 =	sadd.s32 s15, s3;
	s11 =	sshrl.u32 s6, $0x3;
	s6 =	smul.u32 $0x5000, s4  }
0xe: {  	s9 =	sadd.s32 s22, s0;
	s0 =	sadd.s32 $0x26800, s0;
	s4 =	smul.u32 $0x50000, s12  }
0xf: {  	s12 =	sadd.s32 $0x7800, s8;
	s14 =	sadd.s32 s7, s10;
	s26 =	sshrl.u32 s18, $0x3  }
0x10: {  	s21 =	sshrl.u32 s20, $0x3;
	s2 =	smax.u32 s2, $0x1;
	[dreg:$0x10] =	wrdreg s13  }
0x11: {  	s10 =	sadd.s32 s10, s3;
	[dreg:$0x11] =	wrdreg s15;
	s23 =	sadd.s32 s0, s11  }
0x12: {  	s11 =	sadd.s32 $0x5000, s8;
	s14 =	sshrl.u32 s14, $0x3;
	[dreg:$0xe] =	wrdreg s2  }
0x13: {  	s8 =	sadd.s32 $0x11800, s8;
	s18 =	sadd.s32 s0, s26;
	[dreg:$0x4] =	wrdreg s23  }
0x14: {  	s16 =	sadd.s32 s7, s12;
	s12 =	sadd.s32 s12, s3;
	[dreg:$0x8] =	wrdreg s18  }
0x15: {  	s2 =	simm.s32 $0x50;
	s14 =	sadd.s32 s0, s14;
	[dreg:$0xf] =	wrdreg s12  }
0x16: {  	s24 =	sadd.s32 s7, s11;
	s23 =	sadd.s32 $0x16800, s9;
	[dreg:$0x5] =	wrdreg s14  }
0x17: {  	s25 =	sshrl.u32 s16, $0x3;
	s16 =	sadd.s32 s17, s3;
	[dreg:$0xc] =	wrdreg s23  }
0x18: {  	s22 =	sshrl.u32 s6, $0x3;
	s17 =	sadd.s32 s8, s3;
	[dreg:$0x12] =	wrdreg s16  }
0x19: {  	s14 =	sshrl.u32 s24, $0x3;
	s24 =	sadd.s32 s5, s22;
	[dreg:$0x13] =	wrdreg s17  }
0x1a: {  	s7 =	sadd.s32 s7, s8;
	s14 =	sadd.s32 s0, s14;
	[dreg:$0xd] =	wrdreg s24  }
0x1b: {  	s11 =	sadd.s32 s11, s3;
	[dreg:$0x6] =	wrdreg s14;
	s14 =	sadd.s32 s0, s25  }
0x1c: {  	s26 =	sadd.s32 $0x200, s24;
	[dreg:$0x7] =	wrdreg s14;
	s14 =	sshrl.u32 s19, $0x3  }
0x1d: {  	s7 =	sshrl.u32 s7, $0x3;
	[dreg:$0x14] =	wrdreg s26;
	s14 =	sadd.s32 s0, s14  }
0x1e: {  	s25 =	sshrl.u32 s4, $0x2;
	[dreg:$0x9] =	wrdreg s14;
	s14 =	sadd.s32 s0, s21  }
0x1f: {  	s4 =	simm.s32 $0x0;
	s0 =	sadd.s32 s0, s7;
	[dreg:$0xa] =	wrdreg s14  }
0x20: {  	v0 =	vimm.f32 $0.0e+00;
	[dreg:$0xb] =	wrdreg s0;
	s14 =	sadd.s32 s25, s3;
	s0 =	simm.s32 $0x4  }
.LBB2_1:
0x21: {  	s7 =	simm.s32 $0x0;
	s8 =	rddreg [dreg:$0xc]  }
0x22: {  	[tilespmem:s7], [sflag:$0x1] =	stream.linear.gather [hbm4b:s8+s7], $0x3E80, $0x38;
	[tilespmem:$0x1EC00] =	vst v63  }
0x23: {  	s7 =	simm.s32 $0x0;
	s8 =	simm.s32 $0x200  }
.LBB2_2:
0x24: {  	p0 =	sne.s32 s8, $0x9E00;
	[tilespmem:s7+$0x5C70] =	vst v0  }
0x25: {  	[tilespmem:s7+$0x5C00] =	vst v0  }
0x26: {  	[tilespmem:s7+$0x5C10] =	vst v0  }
.Ltmp0:
0x27: {  	[tilespmem:s7+$0x5C20] =	vst v0;
	(pc) =	sbr.rel @p0 .LBB2_2-.Ltmp0, $4  }
0x28: {  	[tilespmem:s7+$0x5C30] =	vst v0  }
0x29: {  	[tilespmem:s7+$0x5C40] =	vst v0  }
0x2a: {  	[tilespmem:s7+$0x5C50] =	vst v0  }
0x2b: {  	[tilespmem:s7+$0x5C60] =	vst v0;
	s7 =	sshra.s32 s8, $0x2;
	s8 =	sadd.s32 $0x200, s8  }
0x2c: {  	[tilespmem:s7+$0x5C70] =	vst v0  }
0x2d: {  	[tilespmem:s7+$0x5C00] =	vst v0  }
0x2e: {  	[tilespmem:s7+$0x5C10] =	vst v0  }
0x2f: {  	[tilespmem:s7+$0x5C20] =	vst v0  }
0x30: {  	[tilespmem:s7+$0x5C30] =	vst v0  }
0x31: {  	[tilespmem:s7+$0x5C40] =	vst v0  }
0x32: {  	[tilespmem:s7+$0x5C50] =	vst v0  }
0x33: {  	[tilespmem:s7+$0x5C60] =	vst v0  }
0x34: {  	[spmem:s14] =	stream.linear.scatter [tilespmem:s28], [sflag:$0x2], $0x2800, $0x38;
	[tilespmem:$0x1EC00] =	vst v63  }
0x35: {  	_ = 	snop  }
0x36: {  	[spmem:s10] =	stream.linear.scatter [tilespmem:s28], [sflag:$0x2], $0x2800, $0x38;
	[tilespmem:$0x1EC00] =	vst v63  }
0x37: {  	_ = 	snop  }
0x38: {  	[spmem:s11] =	stream.linear.scatter [tilespmem:s28], [sflag:$0x2], $0x2800, $0x38;
	[tilespmem:$0x1EC00] =	vst v63  }
0x39: {  	_ = 	snop  }
0x3a: {  	[spmem:s12] =	stream.linear.scatter [tilespmem:s28], [sflag:$0x2], $0x2800, $0x38;
	[tilespmem:$0x1EC00] =	vst v63  }
0x3b: {  	_ = 	snop  }
0x3c: {  	[spmem:s13] =	stream.linear.scatter [tilespmem:s28], [sflag:$0x2], $0x2800, $0x38;
	[tilespmem:$0x1EC00] =	vst v63  }
0x3d: {  	_ = 	snop  }
0x3e: {  	[spmem:s15] =	stream.linear.scatter [tilespmem:s28], [sflag:$0x2], $0x2800, $0x38;
	[tilespmem:$0x1EC00] =	vst v63  }
0x3f: {  	_ = 	snop  }
0x40: {  	[spmem:s16] =	stream.linear.scatter [tilespmem:s28], [sflag:$0x2], $0x2800, $0x38;
	[tilespmem:$0x1EC00] =	vst v63  }
0x41: {  	_ = 	snop  }
0x42: {  	[spmem:s17] =	stream.linear.scatter [tilespmem:s28], [sflag:$0x2], $0x2800, $0x38;
	[tilespmem:$0x1EC00] =	vst v63  }
0x43: {  	_ =	swait.ge [sflag:s29], $0x2800  }
0x44: {  	[sflag:s29] =	ssyncset.done $0x0  }
0x45: {  	[sflag:s29] =	ssyncadd.s32 $0xFFFFD800  }
0x46: {  	_ =	swait.ge [sflag:s29], $0x2800  }
0x47: {  	[sflag:s29] =	ssyncset.done $0x0  }
0x48: {  	[sflag:s29] =	ssyncadd.s32 $0xFFFFD800  }
0x49: {  	_ =	swait.ge [sflag:s29], $0x2800  }
0x4a: {  	[sflag:s29] =	ssyncset.done $0x0  }
0x4b: {  	[sflag:s29] =	ssyncadd.s32 $0xFFFFD800  }
0x4c: {  	_ =	swait.ge [sflag:s29], $0x2800  }
0x4d: {  	[sflag:s29] =	ssyncset.done $0x0  }
0x4e: {  	[sflag:s29] =	ssyncadd.s32 $0xFFFFD800  }
0x4f: {  	_ =	swait.ge [sflag:s29], $0x2800  }
0x50: {  	[sflag:s29] =	ssyncset.done $0x0  }
0x51: {  	[sflag:s29] =	ssyncadd.s32 $0xFFFFD800  }
0x52: {  	_ =	swait.ge [sflag:s29], $0x2800  }
0x53: {  	[sflag:s29] =	ssyncset.done $0x0  }
0x54: {  	[sflag:s29] =	ssyncadd.s32 $0xFFFFD800  }
0x55: {  	_ =	swait.ge [sflag:s29], $0x2800  }
0x56: {  	[sflag:s29] =	ssyncset.done $0x0  }
0x57: {  	[sflag:s29] =	ssyncadd.s32 $0xFFFFD800  }
0x58: {  	_ =	swait.ge [sflag:s29], $0x2800  }
0x59: {  	[sflag:s29] =	ssyncset.done $0x0  }
0x5a: {  	s23 =	smov.u32 s14;
	[sflag:s29] =	ssyncadd.s32 $0xFFFFD800  }
0x5b: {  	s24 =	smov.u32 s10;
	s9 =	simm.s32 $0x4000;
	_ =	swait.ge [sflag:s30], $0x3E80  }
0x5c: {  	s19 =	simm.s32 $0x1;
	s14 =	simm.s32 $0x0;
	[sflag:s30] =	ssyncset.done $0x0  }
0x5d: {  	s15 =	smul.u32 $0x29, s14;
	s8 =	rddreg [dreg:$0xd];
	[sflag:s30] =	ssyncadd.s32 $0xFFFFC180  }
0x5e: {  	[tilespmem:s9], [sflag:$0x4] =	stream.linear.gather [hbm4b:s8+s14], $0xC80, $0x38;
	[tilespmem:$0x1EC00] =	vst v63  }
0x5f: {  	s10 =	smul.u32 $0x29, s19;
	s8 =	sshrl.u32 s15, $0xA;
	_ =	swait.ge [sflag:s0], $0xC80  }
0x60: {  	s17 =	simm.s32 $0x4C80;
	s8 =	sand.u32 $0x3F, s8;
	[sflag:s0] =	ssyncset.done $0x0  }
0x61: {  	s16 =	rddreg [dreg:$0x14];
	s18 =	smul.u32 $0x19, s8;
	[sflag:s0] =	ssyncadd.s32 $0xFFFFF380  }
0x62: {  	[tilespmem:s17], [sflag:$0x3] =	stream.linear.gather [hbm4b:s16+s14], $0xC80, $0x38;
	[tilespmem:$0x1EC00] =	vst v63  }
0x63: {  	s25 =	smov.u32 s11;
	p1 =	por $0x1, $0x1;
	s7 =	ssub.s32 $0x0, s18  }
0x64: {  	s21 =	sshrl.u32 s10, $0xA;
	[bflag:$0x0] =	sbarrier.arrive $0xFFFF;
	s9 =	sand.u32 @!p1 $0xFF, s7  }
0x65: {  	[tilespmem:s28], [sflag:$0x1] =	stream.indirect.gather [hbm4b:s1+s2], $0x80, s14, s2, $0xb8;
	[tilespmem:$0x1EC00] =	vst v63  }
0x66: {  	s20 =	simm.s32 $0x80;
	p0 =	sne.s32 @!p1 s9, $0x0;
	s9 =	sand.u32 $0x3F, s21  }
0x67: {  	s26 =	simm.s32 $0x100;
	p5 =	por p0, p1;
	s22 =	smul.u32 $0x19, s9  }
0x68: {  	[tilespmem:s31], [sflag:$0x2] =	stream.indirect.gather [hbm4b:s1+s2], $0x80, s20, s2, $0xb8;
	[tilespmem:$0x1EC00] =	vst v63  }
0x69: {  	s7 =	sand.u32 $0xFF, s7;
	p4 =	por @!p5 $0x0, $0x0;
	s12 =	simm.s32 @!p5 $0x3  }
0x6a: {  	p2 =	por @!p1 p4, p0;
	s11 =	ssub.s32 $0x1, s22;
	_ =	swait.ge @!p5 [sflag:s12], $0xC80  }
0x6b: {  	p3 =	por p2, p1;
	p2 =	por $0x1, $0x1;
	[sflag:s12] =	ssyncset.done @!p5 $0x0  }
0x6c: {  	s10 =	sadd.s32 @!p3 $0x1, s8;
	s13 =	sand.u32 @!p2 $0xFF, s11;
	[sflag:s12] =	ssyncadd.s32 @!p5 $0xFFFFF380  }
0x6d: {  	s12 =	simm.s32 @!p3 $0x0;
	s8 =	sand.u32 $0x1, s8;
	s14 =	sand.u32 @!p3 $0x1, s10  }
0x6e: {  	s11 =	sand.u32 $0xFF, s11;
	s10 =	sshll.u32 @!p3 s10, $0xC;
	p6 =	seq.s32 @!p3 s14, $0x1  }
0x6f: {  	s14 =	simm.s32 @!p3 $0x4C80;
	p6 =	por @!p5 !p6, p4;
	p4 =	sne.s32 @!p2 s13, $0x0  }
0x70: {  	s10 =	sadd.s32 @!p3 s6, s10;
	p5 =	por @!p1 !p6, p0;
	p0 =	por p4, p2  }
0x71: {  	s10 =	sshrl.u32 @!p3 s10, $0x3;
	p1 =	por !p5, p1;
	p5 =	por @!p0 $0x0, $0x0  }
0x72: {  	s10 =	sadd.s32 @!p3 s5, s10;
	s14 =	simm.s32 @p1 $0x4000;
	p1 =	por @!p2 p5, p4  }
0x73: {  	[tilespmem:s14], [sflag:$0x3] =	stream.linear.gather @!p3 [hbm4b:s10+s12], $0xC80, $0x38;
	[tilespmem:$0x1EC00] =	vst v63  }
0x74: {  	s15 =	simm.s32 @!p0 $0x3;
	p1 =	por p1, p2;
	p3 =	seq.s32 s8, $0x1  }
0x75: {  	s8 =	simm.s32 $0x19;
	s14 =	simm.s32 $0x19;
	s12 =	sadd.s32 @!p1 $0x1, s9  }
0x76: {  	s8 =	simm.s32 @!p3 $0x0;
	s9 =	sand.u32 $0x1, s9;
	_ =	swait.ge [sflag:s30], $0x2800  }
0x77: {  	s10 =	sand.u32 @!p1 $0x1, s12;
	s7 =	sadd.s32 s7, s8;
	s8 =	simm.s32 $0x1  }
0x78: {  	[sflag:s30] =	ssyncset.done $0x0;
	s12 =	sshll.u32 @!p1 s12, $0xC;
	p6 =	seq.s32 @!p1 s10, $0x1  }
0x79: {  	s7 =	sshll.u32 s7, $0x7;
	[sflag:s30] =	ssyncadd.s32 $0xFFFFD800;
	s10 =	simm.s32 $0x2  }
0x7a: {  	s12 =	sadd.s32 @!p1 s6, s12;
	p3 =	por @!p0 !p6, p5;
	s7 =	sadd.s32 $0x4000, s7  }
0x7b: {  	p3 =	por @!p2 !p3, p4;
	p4 =	seq.s32 s9, $0x1;
	s9 =	simm.s32 $0x2  }
0x7c: {  	[spmem:s3] =	stream.indirect.scatter.add.f32 [tilespmem:s28], [sflag:$0x4], $0x80, s7, s2, $0xb8;
	[tilespmem:$0x1EC00] =	vst v63  }
0x7d: {  	s7 =	simm.s32 $0x200;
	s14 =	simm.s32 @!p4 $0x0;
	_ =	swait.ge [sflag:s0], $0x2800  }
0x7e: {  	p4 =	por !p3, p2;
	s13 =	smul.u32 $0x29, s9;
	[sflag:s0] =	ssyncset.done $0x0  }
0x7f: {  	s14 =	sadd.s32 s11, s14;
	s11 =	sshrl.u32 @!p1 s12, $0x3;
	[sflag:s0] =	ssyncadd.s32 $0xFFFFD800  }
0x80: {  	[tilespmem:s28], [sflag:$0x1] =	stream.indirect.gather [hbm4b:s1+s2], $0x80, s26, s2, $0xb8;
	[tilespmem:$0x1EC00] =	vst v63  }
0x81: {  	s17 =	sshll.u32 s14, $0x7;
	s26 =	sadd.s32 @!p1 s5, s11;
	s11 =	simm.s32 $0x4  }
.LBB2_4:
0x82: {  	s16 =	smul.u32 $0x29, s11  }
0x83: {  	s14 =	smov.u32 s8;
	s8 =	smov.u32 s10;
	s10 =	sadd.s32 $0x1, s10  }
0x84: {  	_ =	swait.ge @!p0 [sflag:s15], $0xC80;
	s18 =	simm.s32 @!p1 $0x0;
	s13 =	sshrl.u32 s13, $0xA  }
0x85: {  	s19 =	simm.s32 @!p1 $0x4C80;
	s22 =	sadd.s32 $0xFFFFFF80, s7;
	p3 =	slt.u32 s14, $0xD  }
0x86: {  	[sflag:s15] =	ssyncset.done @!p0 $0x0;
	s20 =	sand.u32 $0x3F, s13;
	s19 =	simm.s32 @p4 $0x4000  }
0x87: {  	p4 =	slt.u32 s14, $0xC;
	[sflag:s15] =	ssyncadd.s32 @!p0 $0xFFFFF380;
	s13 =	smul.u32 $0x19, s20  }
0x88: {  	[tilespmem:s19], [sflag:$0x3] =	stream.linear.gather @!p1 [hbm4b:s26+s18], $0xC80, $0x38;
	[tilespmem:$0x1EC00] =	vst v63  }
0x89: {  	s26 =	sand.u32 $0x1, s20;
	s18 =	sadd.s32 $0x4000, s17;
	s17 =	simm.s32 $0x19  }
0x8a: {  	_ =	swait.ge [sflag:s29], $0x2800;
	p0 =	seq.s32 s26, $0x1;
	s13 =	ssub.s32 s9, s13  }
0x8b: {  	[sflag:s29] =	ssyncset.done $0x0;
	s17 =	simm.s32 @!p0 $0x0;
	s19 =	sand.u32 $0xFF, s13  }
0x8c: {  	s13 =	sand.u32 @!p3 $0xFF, s13;
	p0 =	sne.s32 s10, $0x3D;
	[sflag:s29] =	ssyncadd.s32 $0xFFFFD800  }
0x8d: {  	p1 =	sne.s32 @!p3 s13, $0x0;
	s21 =	sadd.s32 s19, s17;
	s15 =	simm.s32 @!p0 $0x0  }
0x8e: {  	[spmem:s3] =	stream.indirect.scatter.add.f32 [tilespmem:s31], [sflag:$0x4], $0x80, s18, s2, $0xb8;
	[tilespmem:$0x1EC00] =	vst v63  }
0x8f: {  	s17 =	sadd.s32 $0x1, s9;
	s13 =	smov.u32 s16;
	s15 =	simm.s32 @p0 $0x1  }
0x90: {  	s26 =	smul.u32 $0x29, s17;
	s18 =	simm.s32 @!p1 $0x0;
	p6 =	por p1, p3  }
0x91: {  	_ =	swait.ge [sflag:s0], $0x2800;
	s18 =	simm.s32 @p1 $0x1;
	p2 =	sgt.u32 @!p6 s14, $0x31  }
0x92: {  	[sflag:s0] =	ssyncset.done $0x0;
	[smem:$0x7FD] =	sst s15;
	s15 =	sshll.u32 s21, $0x7  }
0x93: {  	s19 =	sshrl.u32 s26, $0xA;
	[smem:$0x7FC] =	sst s18;
	p1 =	por @!p3 p2, p1  }
0x94: {  	s26 =	simm.s32 $0x19;
	[sflag:s0] =	ssyncadd.s32 $0xFFFFD800;
	s16 =	sand.u32 $0x3F, s19  }
0x95: {  	s19 =	simm.s32 @!p6 $0x3;
	p1 =	por p1, p3;
	s21 =	smul.u32 $0x19, s16  }
0x96: {  	[tilespmem:s31], [sflag:$0x2] =	stream.indirect.gather [hbm4b:s1+s2], $0x80, s22, s2, $0xb8;
	[tilespmem:$0x1EC00] =	vst v63  }
0x97: {  	s22 =	sand.u32 $0x1, s16;
	s18 =	sadd.s32 @!p1 $0x1, s20;
	s17 =	ssub.s32 s17, s21  }
0x98: {  	p5 =	seq.s32 s22, $0x1;
	_ =	swait.ge @!p6 [sflag:s19], $0xC80;
	s20 =	sand.u32 @!p4 $0xFF, s17  }
0x99: {  	s26 =	simm.s32 @!p5 $0x0;
	p5 =	sne.s32 @!p4 s20, $0x0;
	s20 =	sld [smem:$0x7FC]  }
0x9a: {  	s21 =	sshll.u32 @!p1 s18, $0xC;
	s18 =	sand.u32 @!p1 $0x1, s18  }
0x9b: {  	s22 =	simm.s32 @!p1 $0x4C80;
	[sflag:s19] =	ssyncset.done @!p6 $0x0;
	p0 =	seq.s32 @!p1 s18, $0x1  }
0x9c: {  	s18 =	sadd.s32 @!p1 s6, s21;
	p0 =	por @!p6 !p0, p2;
	p2 =	seq.s32 s20, $0x1  }
0x9d: {  	[sflag:s19] =	ssyncadd.s32 @!p6 $0xFFFFF380;
	s18 =	sshrl.u32 @!p1 s18, $0x3;
	p2 =	por @!p3 !p0, p2  }
0x9e: {  	s18 =	sadd.s32 @!p1 s5, s18;
	p0 =	por p5, p4;
	p3 =	por !p2, p3  }
0x9f: {  	p2 =	sgt.u32 @!p0 s14, $0x31;
	s14 =	simm.s32 @!p1 $0x0;
	s22 =	simm.s32 @p3 $0x4000  }
0xa0: {  	[tilespmem:s22], [sflag:$0x3] =	stream.linear.gather @!p1 [hbm4b:s18+s14], $0xC80, $0x38;
	[tilespmem:$0x1EC00] =	vst v63  }
0xa1: {  	p3 =	por @!p4 p2, p5;
	_ =	swait.ge [sflag:s30], $0x2800  }
0xa2: {  	p1 =	por p3, p4;
	[sflag:s30] =	ssyncset.done $0x0  }
0xa3: {  	s21 =	sadd.s32 $0x4000, s15;
	s16 =	sadd.s32 @!p1 $0x1, s16;
	[sflag:s30] =	ssyncadd.s32 $0xFFFFD800  }
0xa4: {  	[spmem:s3] =	stream.indirect.scatter.add.f32 [tilespmem:s28], [sflag:$0x4], $0x80, s21, s2, $0xb8;
	[tilespmem:$0x1EC00] =	vst v63  }
0xa5: {  	s18 =	sshll.u32 @!p1 s16, $0xC;
	s16 =	sand.u32 @!p1 $0x1, s16;
	_ =	swait.ge [sflag:s0], $0x2800  }
0xa6: {  	p3 =	seq.s32 @!p1 s16, $0x1;
	s22 =	sld [smem:$0x7FD]  }
0xa7: {  	p2 =	por @!p0 !p3, p2  }
0xa8: {  	s12 =	smov.u32 s7;
	p2 =	por @!p4 !p2, p5  }
0xa9: {  	s7 =	sadd.s32 $0x100, s7;
	p4 =	por !p2, p4;
	p2 =	seq.s32 s22, $0x1  }
.Ltmp1:
0xaa: {  	s9 =	smov.u32 s11;
	s17 =	sand.u32 $0xFF, s17;
	(pc) =	sbr.rel @p2 .LBB2_4-.Ltmp1, $4  }
0xab: {  	s11 =	sadd.s32 $0x2, s11;
	s17 =	sadd.s32 s17, s26;
	s14 =	sadd.s32 @!p1 s6, s18  }
0xac: {  	s17 =	sshll.u32 s17, $0x7;
	s14 =	sshrl.u32 @!p1 s14, $0x3;
	[sflag:s0] =	ssyncset.done $0x0  }
0xad: {  	s15 =	simm.s32 @!p0 $0x3;
	s26 =	sadd.s32 @!p1 s5, s14;
	[sflag:s0] =	ssyncadd.s32 $0xFFFFD800  }
0xae: {  	[tilespmem:s28], [sflag:$0x1] =	stream.indirect.gather [hbm4b:s1+s2], $0x80, s12, s2, $0xb8;
	[tilespmem:$0x1EC00] =	vst v63  }
0xaf: {  	_ =	swait.ge @!p0 [sflag:s15], $0xC80  }
0xb0: {  	s10 =	simm.s32 @!p1 $0x4C80;
	s11 =	simm.s32 @!p1 $0x0;
	[sflag:s15] =	ssyncset.done @!p0 $0x0  }
0xb1: {  	s20 =	sshrl.u32 s13, $0xA;
	s10 =	simm.s32 @p4 $0x4000;
	[sflag:s15] =	ssyncadd.s32 @!p0 $0xFFFFF380  }
0xb2: {  	[tilespmem:s10], [sflag:$0x3] =	stream.linear.gather @!p1 [hbm4b:s26+s11], $0xC80, $0x38;
	[tilespmem:$0x1EC00] =	vst v63  }
0xb3: {  	s10 =	sand.u32 $0x3F, s20  }
0xb4: {  	_ =	swait.ge [sflag:s29], $0x2800;
	s21 =	smul.u32 $0x19, s10  }
0xb5: {  	s12 =	sadd.s32 $0x4000, s17;
	[sflag:s29] =	ssyncset.done $0x0  }
0xb6: {  	p0 =	slt.u32 s8, $0xD;
	[sflag:s29] =	ssyncadd.s32 $0xFFFFD800;
	s11 =	ssub.s32 s9, s21  }
0xb7: {  	[spmem:s3] =	stream.indirect.scatter.add.f32 [tilespmem:s31], [sflag:$0x4], $0x80, s12, s2, $0xb8;
	[tilespmem:$0x1EC00] =	vst v63  }
0xb8: {  	s12 =	sand.u32 @!p0 $0xFF, s11  }
0xb9: {  	s22 =	sadd.s32 $0xFFFFFF80, s7;
	_ =	swait.ge [sflag:s0], $0x2800;
	p1 =	sne.s32 @!p0 s12, $0x0  }
0xba: {  	s26 =	sadd.s32 $0x1, s9;
	[sflag:s0] =	ssyncset.done $0x0;
	p3 =	por p1, p0  }
0xbb: {  	s15 =	smul.u32 $0x29, s26;
	[sflag:s0] =	ssyncadd.s32 $0xFFFFD800;
	p4 =	sgt.u32 @!p3 s8, $0x31  }
0xbc: {  	[tilespmem:s31], [sflag:$0x2] =	stream.indirect.gather [hbm4b:s1+s2], $0x80, s22, s2, $0xb8;
	[tilespmem:$0x1EC00] =	vst v63  }
0xbd: {  	s12 =	sshrl.u32 s15, $0xA;
	p2 =	por @!p0 p4, p1  }
0xbe: {  	s12 =	sand.u32 $0x3F, s12;
	p2 =	por p2, p0  }
0xbf: {  	s14 =	smul.u32 $0x19, s12;
	s16 =	simm.s32 @!p3 $0x3;
	s13 =	sadd.s32 @!p2 $0x1, s10  }
0xc0: {  	_ =	swait.ge @!p3 [sflag:s16], $0xC80;
	s15 =	sand.u32 @!p2 $0x1, s13  }
0xc1: {  	s9 =	ssub.s32 s26, s14;
	[sflag:s16] =	ssyncset.done @!p3 $0x0;
	p5 =	seq.s32 @!p2 s15, $0x1  }
0xc2: {  	s13 =	sshll.u32 @!p2 s13, $0xC;
	[sflag:s16] =	ssyncadd.s32 @!p3 $0xFFFFF380;
	p4 =	por @!p3 !p5, p4  }
0xc3: {  	s16 =	simm.s32 @!p2 $0x0;
	s13 =	sadd.s32 @!p2 s6, s13;
	p1 =	por @!p0 !p4, p1  }
0xc4: {  	s15 =	simm.s32 @!p2 $0x4C80;
	s13 =	sshrl.u32 @!p2 s13, $0x3;
	p0 =	por !p1, p0  }
0xc5: {  	s13 =	sadd.s32 @!p2 s5, s13;
	s15 =	simm.s32 @p0 $0x4000;
	p0 =	slt.u32 s8, $0xC  }
0xc6: {  	[tilespmem:s15], [sflag:$0x3] =	stream.linear.gather @!p2 [hbm4b:s13+s16], $0xC80, $0x38;
	[tilespmem:$0x1EC00] =	vst v63  }
0xc7: {  	s13 =	sand.u32 @!p0 $0xFF, s9  }
0xc8: {  	s10 =	sand.u32 $0x1, s10;
	p2 =	sne.s32 @!p0 s13, $0x0  }
0xc9: {  	p3 =	seq.s32 s10, $0x1;
	s10 =	simm.s32 $0x19;
	p1 =	por p2, p0  }
0xca: {  	s10 =	simm.s32 @!p3 $0x0;
	s16 =	sand.u32 $0xFF, s11;
	p4 =	sgt.u32 @!p1 s8, $0x31  }
0xcb: {  	_ =	swait.ge [sflag:s30], $0x2800;
	s8 =	sadd.s32 s16, s10;
	p3 =	por @!p0 p4, p2  }
0xcc: {  	[sflag:s30] =	ssyncset.done $0x0;
	s8 =	sshll.u32 s8, $0x7;
	p3 =	por p3, p0  }
0xcd: {  	[sflag:s30] =	ssyncadd.s32 $0xFFFFD800;
	s8 =	sadd.s32 $0x4000, s8;
	s10 =	sadd.s32 @!p3 $0x1, s12  }
0xce: {  	[spmem:s3] =	stream.indirect.scatter.add.f32 [tilespmem:s28], [sflag:$0x4], $0x80, s8, s2, $0xb8;
	[tilespmem:$0x1EC00] =	vst v63  }
0xcf: {  	s8 =	sand.u32 @!p3 $0x1, s10;
	_ =	swait.ge [sflag:s0], $0x2800  }
0xd0: {  	s17 =	sand.u32 $0x1, s12;
	p5 =	seq.s32 @!p3 s8, $0x1;
	[sflag:s0] =	ssyncset.done $0x0  }
0xd1: {  	s8 =	simm.s32 @!p1 $0x3;
	p4 =	por @!p1 !p5, p4;
	[sflag:s0] =	ssyncadd.s32 $0xFFFFD800  }
0xd2: {  	[tilespmem:s28], [sflag:$0x1] =	stream.indirect.gather [hbm4b:s1+s2], $0x80, s7, s2, $0xb8;
	[tilespmem:$0x1EC00] =	vst v63  }
0xd3: {  	p2 =	por @!p0 !p4, p2;
	s7 =	sshll.u32 @!p3 s10, $0xC;
	_ =	swait.ge @!p1 [sflag:s8], $0xC80  }
0xd4: {  	p0 =	por !p2, p0;
	s7 =	sadd.s32 @!p3 s6, s7;
	[sflag:s8] =	ssyncset.done @!p1 $0x0  }
0xd5: {  	s7 =	sshrl.u32 @!p3 s7, $0x3;
	[sflag:s8] =	ssyncadd.s32 @!p1 $0xFFFFF380;
	s8 =	simm.s32 @!p3 $0x4C80  }
0xd6: {  	s10 =	simm.s32 @!p3 $0x0;
	s7 =	sadd.s32 @!p3 s5, s7;
	s8 =	simm.s32 @p0 $0x4000  }
0xd7: {  	[tilespmem:s8], [sflag:$0x3] =	stream.linear.gather @!p3 [hbm4b:s7+s10], $0xC80, $0x38;
	[tilespmem:$0x1EC00] =	vst v63  }
0xd8: {  	p0 =	seq.s32 s17, $0x1;
	s7 =	simm.s32 $0x19  }
0xd9: {  	s18 =	sand.u32 $0xFF, s9;
	s7 =	simm.s32 @!p0 $0x0  }
0xda: {  	_ =	swait.ge [sflag:s29], $0x2800;
	s7 =	sadd.s32 s18, s7  }
0xdb: {  	[sflag:s29] =	ssyncset.done $0x0;
	s7 =	sshll.u32 s7, $0x7  }
0xdc: {  	[sflag:s29] =	ssyncadd.s32 $0xFFFFD800;
	s7 =	sadd.s32 $0x4000, s7  }
0xdd: {  	[spmem:s3] =	stream.indirect.scatter.add.f32 [tilespmem:s31], [sflag:$0x4], $0x80, s7, s2, $0xb8;
	[tilespmem:$0x1EC00] =	vst v63  }
0xde: {  	_ =	swait.ge [sflag:s0], $0x2800  }
0xdf: {  	[sflag:s0] =	ssyncset.done $0x0  }
0xe0: {  	s19 =	simm.s32 $0x3D80;
	[sflag:s0] =	ssyncadd.s32 $0xFFFFD800  }
0xe1: {  	[tilespmem:s31], [sflag:$0x2] =	stream.indirect.gather [hbm4b:s1+s2], $0x80, s19, s2, $0xb8;
	[tilespmem:$0x1EC00] =	vst v63  }
0xe2: {  	_ =	swait.ge [sflag:s30], $0x2800  }
0xe3: {  	[sflag:s30] =	ssyncset.done $0x0  }
0xe4: {  	s20 =	simm.s32 $0x4B00;
	[sflag:s30] =	ssyncadd.s32 $0xFFFFD800  }
0xe5: {  	[spmem:s3] =	stream.indirect.scatter.add.f32 [tilespmem:s28], [sflag:$0x4], $0x80, s20, s2, $0xb8;
	[tilespmem:$0x1EC00] =	vst v63  }
0xe6: {  	_ =	swait.ge [sflag:s0], $0x2800  }
0xe7: {  	[sflag:s0] =	ssyncset.done $0x0  }
0xe8: {  	s21 =	simm.s32 $0x3E00;
	[sflag:s0] =	ssyncadd.s32 $0xFFFFD800  }
0xe9: {  	[tilespmem:s28], [sflag:$0x1] =	stream.indirect.gather [hbm4b:s1+s2], $0x80, s21, s2, $0xb8;
	[tilespmem:$0x1EC00] =	vst v63  }
0xea: {  	_ =	swait.ge [sflag:s29], $0x2800  }
0xeb: {  	[sflag:s29] =	ssyncset.done $0x0  }
0xec: {  	s22 =	simm.s32 $0x4B80;
	[sflag:s29] =	ssyncadd.s32 $0xFFFFD800  }
0xed: {  	[spmem:s3] =	stream.indirect.scatter.add.f32 [tilespmem:s31], [sflag:$0x4], $0x80, s22, s2, $0xb8;
	[tilespmem:$0x1EC00] =	vst v63  }
0xee: {  	_ =	swait.ge [sflag:s0], $0x2800  }
0xef: {  	[sflag:s0] =	ssyncset.done $0x0  }
0xf0: {  	[sflag:s0] =	ssyncadd.s32 $0xFFFFD800  }
0xf1: {  	_ =	swait.ge [sflag:s30], $0x2800  }
0xf2: {  	[sflag:s30] =	ssyncset.done $0x0  }
0xf3: {  	s26 =	simm.s32 $0x4C00;
	[sflag:s30] =	ssyncadd.s32 $0xFFFFD800  }
0xf4: {  	[spmem:s3] =	stream.indirect.scatter.add.f32 [tilespmem:s28], [sflag:$0x4], $0x80, s26, s2, $0xb8;
	[tilespmem:$0x1EC00] =	vst v63  }
0xf5: {  	_ =	swait.ge [sflag:s0], $0x2800  }
0xf6: {  	[sflag:s0] =	ssyncset.done $0x0  }
0xf7: {  	s8 =	stileid.u32;
	[sflag:s0] =	ssyncadd.s32 $0xFFFFD800  }
0xf8: {  	s7 =	sshll.u32 s8, $0x6;
	[bflag:$0x0] =	sbarrier.arrive $0xFFFF  }
0xf9: {  	s9 =	sshrl.u32 s23, $0x3;
	s7 =	sor.u32 $0x1C04, s7;
	s10 =	rddreg [dreg:$0x4]  }
0xfa: {  	[hbm:s10], [sflag:s7] =	dma.local [spmem:s9], $0x500  }
0xfb: {  	_ =	swait.ge [sflag:s0], $0x500  }
0xfc: {  	[sflag:s0] =	ssyncset.done $0x0  }
0xfd: {  	s11 =	sshrl.u32 s24, $0x3;
	s12 =	rddreg [dreg:$0x5];
	[sflag:s0] =	ssyncadd.s32 $0xFFFFFB00  }
0xfe: {  	[hbm:s12], [sflag:s7] =	dma.local [spmem:s11], $0x500  }
0xff: {  	_ =	swait.ge [sflag:s0], $0x500  }
0x100: {  	[sflag:s0] =	ssyncset.done $0x0  }
0x101: {  	s13 =	sshrl.u32 s25, $0x3;
	s15 =	rddreg [dreg:$0x6];
	[sflag:s0] =	ssyncadd.s32 $0xFFFFFB00  }
0x102: {  	[hbm:s15], [sflag:s7] =	dma.local [spmem:s13], $0x500  }
0x103: {  	_ =	swait.ge [sflag:s0], $0x500  }
0x104: {  	[sflag:s0] =	ssyncset.done $0x0;
	s12 =	rddreg [dreg:$0xf]  }
0x105: {  	s17 =	rddreg [dreg:$0x7];
	[sflag:s0] =	ssyncadd.s32 $0xFFFFFB00;
	s16 =	sshrl.u32 s12, $0x3  }
0x106: {  	[hbm:s17], [sflag:s7] =	dma.local [spmem:s16], $0x500  }
0x107: {  	_ =	swait.ge [sflag:s0], $0x500  }
0x108: {  	[sflag:s0] =	ssyncset.done $0x0;
	s13 =	rddreg [dreg:$0x10]  }
0x109: {  	s19 =	rddreg [dreg:$0x8];
	[sflag:s0] =	ssyncadd.s32 $0xFFFFFB00;
	s18 =	sshrl.u32 s13, $0x3  }
0x10a: {  	[hbm:s19], [sflag:s7] =	dma.local [spmem:s18], $0x500  }
0x10b: {  	_ =	swait.ge [sflag:s0], $0x500  }
0x10c: {  	[sflag:s0] =	ssyncset.done $0x0;
	s15 =	rddreg [dreg:$0x11]  }
0x10d: {  	s21 =	rddreg [dreg:$0x9];
	[sflag:s0] =	ssyncadd.s32 $0xFFFFFB00;
	s20 =	sshrl.u32 s15, $0x3  }
0x10e: {  	[hbm:s21], [sflag:s7] =	dma.local [spmem:s20], $0x500  }
0x10f: {  	_ =	swait.ge [sflag:s0], $0x500  }
0x110: {  	s14 =	smov.u32 s23;
	[sflag:s0] =	ssyncset.done $0x0;
	s16 =	rddreg [dreg:$0x12]  }
0x111: {  	s23 =	rddreg [dreg:$0xa];
	[sflag:s0] =	ssyncadd.s32 $0xFFFFFB00;
	s22 =	sshrl.u32 s16, $0x3  }
0x112: {  	[hbm:s23], [sflag:s7] =	dma.local [spmem:s22], $0x500  }
0x113: {  	s10 =	smov.u32 s24;
	_ =	swait.ge [sflag:s0], $0x500  }
0x114: {  	s11 =	smov.u32 s25;
	[sflag:s0] =	ssyncset.done $0x0;
	s17 =	rddreg [dreg:$0x13]  }
0x115: {  	s25 =	rddreg [dreg:$0xb];
	[sflag:s0] =	ssyncadd.s32 $0xFFFFFB00;
	s24 =	sshrl.u32 s17, $0x3  }
0x116: {  	[hbm:s25], [sflag:s7] =	dma.local [spmem:s24], $0x500  }
0x117: {  	_ =	swait.ge [sflag:s0], $0x500  }
0x118: {  	s4 =	sadd.s32 $0x1, s4;
	s26 =	rddreg [dreg:$0xe]  }
0x119: {  	p0 =	sne.s32 s4, s26  }
.Ltmp2:
0x11a: {  	_ = 	snop;
	(pc) =	sbr.rel @p0 .LBB2_1-.Ltmp2, $3  }
0x11b: {  	_ =	sdelay $0x1  }
0x11c: {  	[sflag:s0] =	ssyncset.done $0x0  }
0x11d: {  	[sflag:s0] =	ssyncadd.s32 $0xFFFFFB00  }
0x11e: {  	_ =	sfence.sel $0x180000  }
0x11f: {  	[bflag:$0x0] =	sbarrier.arrive $0xFFFF  }
0x120: {  	_ =	strace $0x9000004A  }
0x121: {  	s0 =	stileid.u32;
	[bflag:$0x2] =	sbarrier.arrive $0xFFFF  }
0x122: {  	p0 =	sne.s32 s0, $0x0;
	s0 =	rddreg [dreg:$0x3]  }
0x123: {  	s0 =	sadd.s32 @!p0 $0x100000, s0  }
0x124: {  	[sflag:s0] =	ssyncadd.tile.s32 @!p0 $0x1;
	_ =	shalt  }
.Lfunc_end2:
_tile_overlayer_lowered:
.L_overlay_start_2:
0x125: {  	(tag) =	ssettag $0x2  }
0x126: {  	s0 =	rddreg [dreg:$0x0];
	s2 =	stileid.u32  }
0x127: {  	s1 =	rddreg [dreg:$0x1];
	p0 =	sne.s32 s2, $0x0  }
0x128: {  	s3 =	rddreg [dreg:$0x2];
	[bflag:$0x3] =	sbarrier.arrive $0xFFFF;
	s2 =	simm.s32 @!p0 $0x1C04  }
0x129: {  	[timem:s3], [sflag:s2] =	dma.local @!p0 [hbm:s0], s1  }
0x12a: {  	s0 =	simm.s32 @!p0 $0x4  }
0x12b: {  	_ =	swait.ge @!p0 [sflag:s0], s1  }
0x12c: {  	s1 =	ssub.s32 @!p0 $0x0, s1;
	[sflag:s0] =	ssyncset.done @!p0 $0x0  }
0x12d: {  	[sflag:s0] =	ssyncadd.s32 @!p0 s1  }
0x12e: {  	[bflag:$0x3] =	sbarrier.arrive $0xFFFF  }
0x12f: {  	_ =	shalt  }

// kernel: kernel.15.cloned.1.call-start
scs
__scs_entry_jumppad:
0x0: {  	(pc) =	sbr.rel $0x88, $3  }
0x1: {  	(tag) =	ssettag $0x0;
	lr =	simm.s32 $0x1  }
0x2: {  	[smem:$0x3F98] =	sst lr;
	_ =	strace $0xD0000000  }
0x3: {  	_ = 	snop  }
0x4: {  	_ = 	snop  }
0x5: {  	_ = 	snop  }
0x6: {  	_ = 	snop  }
0x7: {  	_ = 	snop  }
__scs_overlays_trampoline_lowered:
0x8: {  	[smem:$0x3FA7] =	sst s0  }
0x9: {  	[smem:$0x3FA8] =	sst s1  }
0xa: {  	[smem:$0x3FA9] =	sst s2  }
0xb: {  	[smem:$0x3FAA] =	sst s3  }
0xc: {  	[smem:$0x3FAB] =	sst s4  }
0xd: {  	[smem:$0x3FAC] =	sst s5  }
0xe: {  	[smem:$0x3FAD] =	sst s6  }
0xf: {  	[smem:$0x3FAE] =	sst s7  }
0x10: {  	[smem:$0x3FAF] =	sst s8  }
0x11: {  	[smem:$0x3FB0] =	sst s9;
	s0 =	simm.s32 @!p0 $0x0  }
0x12: {  	s1 =	sld [smem:$0x3F96];
	s0 =	simm.s32 @p0 $0x1  }
0x13: {  	[smem:$0x3FB1] =	sst s0;
	s0 =	simm.s32 @!p1 $0x0  }
0x14: {  	s2 =	sld [smem:$0x3F95];
	s0 =	simm.s32 @p1 $0x1  }
0x15: {  	[smem:$0x3FB2] =	sst s0;
	s0 =	simm.s32 @!p2 $0x0  }
0x16: {  	s3 =	sld [smem:$0x3FDB];
	s0 =	simm.s32 @p2 $0x1  }
0x17: {  	s4 =	simm.s32 $0x1BF5;
	[smem:$0x3FB4] =	sst s0  }
0x18: {  	s0 =	sld [smem:$0x3F97];
	_ =	swait.ge [sflag:s4], $0x0  }
0x19: {  	s7 =	sld [smem:$0x3F98]  }
0x1a: {  	s8 =	sadd.s32 $0xFFFFE003, lr  }
0x1b: {  	s9 =	sadd.s32 $0xFFFFFEF7, lr;
	s5 =	simm.s32 $0xFFFFFFFF;
	p2 =	slt.u32 s8, $0xFFFFF086  }
0x1c: {  	p1 =	slt.u32 s9, $0xF7A;
	s5 =	simm.s32 @!p2 $0x0  }
0x1d: {  	s5 =	simm.s32 @p1 $0x1;
	p0 =	seq.s32 s7, s2  }
0x1e: {  	s7 =	smul.u32 @!p0 $0xF7A, s2;
	p2 =	seq.s32 @!p0 s5, $0x0  }
0x1f: {  	s9 =	smul.u32 $0xF7A, s1;
	s8 =	simm.s32 @!p0 $0x1BF5;
	p2 =	por !p2, p0  }
0x20: {  	[sflag:s8] =	ssyncset.s32 @!p0 $0xFFFFF086;
	s6 =	sadd.s32 @!p0 s3, s7;
	s7 =	simm.s32 @!p0 $0x108  }
0x21: {  	s3 =	sadd.s32 s3, s9;
	s6 =	sadd.s32 @!p0 $0x88, s6;
	s7 =	simm.s32 @p2 $0x1082  }
0x22: {  	[simem:s7], [sflag:s8] =	dma.local @!p0 [hbm:s6], $0xF7A  }
0x23: {  	s9 =	sor.u32 $0xD0000000, s2;
	s6 =	simm.s32 $0x108;
	_ =	swait.ge @!p0 [sflag:s8], $0x0  }
0x24: {  	s3 =	sadd.s32 $0x88, s3;
	s6 =	simm.s32 @!p1 $0x1082;
	[sflag:s4] =	ssyncset.s32 $0xFFFFF086  }
0x25: {  	[simem:s6], [sflag:s4] =	dma.local [hbm:s3], $0xF7A  }
0x26: {  	[smem:$0x3F98] =	sst s1;
	(tag) =	ssettag s2;
	_ =	strace s9  }
0x27: {  	s1 =	sld [smem:$0x3FA8]  }
0x28: {  	s2 =	sld [smem:$0x3FA9]  }
0x29: {  	s4 =	sld [smem:$0x3FAB]  }
0x2a: {  	p0 =	seq.s32 s5, $0x0;
	s5 =	sld [smem:$0x3FAC]  }
0x2b: {  	s6 =	sld [smem:$0x3FAD]  }
0x2c: {  	s7 =	sld [smem:$0x3FAE]  }
0x2d: {  	s3 =	simm.s32 $0x108;
	s8 =	sld [smem:$0x3FAF]  }
0x2e: {  	s3 =	simm.s32 @!p0 $0x1082;
	s9 =	sld [smem:$0x3FB0]  }
0x2f: {  	lr =	sadd.s32 s0, s3;
	s0 =	sld [smem:$0x3FA7]  }
0x30: {  	s3 =	sld [smem:$0x3FAA]  }
0x31: {  	[smem:$0x3FB3] =	sst s10  }
0x32: {  	s10 =	sld [smem:$0x3FB1];
	_ =	sdelay $0x3  }
0x33: {  	p0 =	seq.s32 s10, $0x1;
	s10 =	sld [smem:$0x3FB3];
	_ =	sdelay $0x3  }
0x34: {  	[smem:$0x3FB3] =	sst s10  }
0x35: {  	s10 =	sld [smem:$0x3FB2];
	_ =	sdelay $0x3  }
0x36: {  	p1 =	seq.s32 s10, $0x1;
	s10 =	sld [smem:$0x3FB3];
	_ =	sdelay $0x3  }
0x37: {  	[smem:$0x3FB3] =	sst s10  }
0x38: {  	s10 =	sld [smem:$0x3FB4]  }
0x39: {  	_ = 	snop;
	(pc) =	sbr.ind lr, $3  }
0x3a: {  	_ = 	snop  }
0x3b: {  	_ = 	snop  }
0x3c: {  	p2 =	seq.s32 s10, $0x1;
	s10 =	sld [smem:$0x3FB3]  }
0x3d: {  	_ =	shalt  }
0x3e: {  	_ =	shalt  }
0x3f: {  	_ =	shalt  }
0x40: {  	_ =	shalt  }
0x41: {  	_ =	shalt  }
0x42: {  	_ =	shalt  }
0x43: {  	_ =	shalt  }
0x44: {  	_ =	shalt  }
0x45: {  	_ =	shalt  }
0x46: {  	_ =	shalt  }
0x47: {  	_ =	shalt  }
0x48: {  	_ =	shalt  }
0x49: {  	_ =	shalt  }
0x4a: {  	_ =	shalt  }
0x4b: {  	_ =	shalt  }
0x4c: {  	_ =	shalt  }
0x4d: {  	_ =	shalt  }
0x4e: {  	_ =	shalt  }
0x4f: {  	_ =	shalt  }
0x50: {  	_ =	shalt  }
0x51: {  	_ =	shalt  }
0x52: {  	_ =	shalt  }
0x53: {  	_ =	shalt  }
0x54: {  	_ =	shalt  }
0x55: {  	_ =	shalt  }
0x56: {  	_ =	shalt  }
0x57: {  	_ =	shalt  }
0x58: {  	_ =	shalt  }
0x59: {  	_ =	shalt  }
0x5a: {  	_ =	shalt  }
0x5b: {  	_ =	shalt  }
0x5c: {  	_ =	shalt  }
0x5d: {  	_ =	shalt  }
0x5e: {  	_ =	shalt  }
0x5f: {  	_ =	shalt  }
0x60: {  	_ =	shalt  }
0x61: {  	_ =	shalt  }
0x62: {  	_ =	shalt  }
0x63: {  	_ =	shalt  }
0x64: {  	_ =	shalt  }
0x65: {  	_ =	shalt  }
0x66: {  	_ =	shalt  }
0x67: {  	_ =	shalt  }
0x68: {  	_ =	shalt  }
0x69: {  	_ =	shalt  }
0x6a: {  	_ =	shalt  }
0x6b: {  	_ =	shalt  }
0x6c: {  	_ =	shalt  }
0x6d: {  	_ =	shalt  }
0x6e: {  	_ =	shalt  }
0x6f: {  	_ =	shalt  }
0x70: {  	_ =	shalt  }
0x71: {  	_ =	shalt  }
0x72: {  	_ =	shalt  }
0x73: {  	_ =	shalt  }
0x74: {  	_ =	shalt  }
0x75: {  	_ =	shalt  }
0x76: {  	_ =	shalt  }
0x77: {  	_ =	shalt  }
0x78: {  	_ =	shalt  }
0x79: {  	_ =	shalt  }
0x7a: {  	_ =	shalt  }
0x7b: {  	_ =	shalt  }
0x7c: {  	_ =	shalt  }
0x7d: {  	_ =	shalt  }
0x7e: {  	_ =	shalt  }
0x7f: {  	_ =	shalt  }
0x80: {  	_ =	shalt  }
0x81: {  	_ =	shalt  }
0x82: {  	_ =	shalt  }
0x83: {  	_ =	shalt  }
0x84: {  	_ =	shalt  }
0x85: {  	_ =	shalt  }
0x86: {  	_ =	shalt  }
0x87: {  	_ =	shalt  }
.Lfunc_end0:
.L_simem_size_0:
called_computation.2_lowered:
.L_overlay_start_0:
0x88: {  	s2 =	sld [smem:$0x3FD9]  }
0x89: {  	s3 =	sld [smem:$0x3FFE];
	_ =	sdelay $0x1  }
0x8a: {  	s1 =	srdreg.scid  }
0x8b: {  	s0 =	sand.u32 $0x1, s1  }
0x8c: {  	s17 =	sshll.u32 s0, $0xA;
	s2 =	sadd.s32 s3, s2  }
0x8d: {  	s2 =	sadd.s32 s2, s17  }
0x8e: {  	[smem:$0x3FBF] =	sst s2  }
0x8f: {  	_ = 	snop  }
0x90: {  	s2 =	sld [smem:$0x3FD0];
	(tm) =	ssettm $0x1  }
0x91: {  	s18 =	sld [smem:$0x3FFB];
	_ =	sdelay $0x3  }
0x92: {  	_ =	strace s18  }
0x93: {  	s3 =	sld [smem:$0x3FFC];
	_ =	sdelay $0x3  }
0x94: {  	_ =	strace s3  }
0x95: {  	s3 =	sld [smem:$0x3FFD];
	_ =	sdelay $0x3  }
0x96: {  	_ =	strace s3  }
0x97: {  	_ =	strace $0x8FFFFFFF  }
0x98: {  	s19 =	sld [smem:$0x3FDB];
	_ =	sdelay $0x1  }
0x99: {  	s4 =	simm.s32 $_scs_section_size  }
0x9a: {  	s5 =	simm.s32 $_size__tile_overlayer_lowered;
	s6 =	simm.s32 $_tile_overlayer_lowered  }
0x9b: {  	s22 =	simm.s32 $0x1BFF;
	s21 =	sshll.u32 s6, $0x1;
	s3 =	sadd.s32 s4, s19  }
0x9c: {  	s7 =	simm.s32 $0x0;
	s20 =	sshll.u32 s5, $0x1;
	s5 =	sadd.s32 s21, s3  }
0x9d: {  	[timem:s7], [sflag:s22] =	dma.local [hbm:s5], s20  }
0x9e: {  	_ =	swait.ge [sflag:s22], s20  }
0x9f: {  	s4 =	ssub.s32 $0x0, s20;
	[sflag:s22] =	ssyncset.done $0x0  }
0xa0: {  	[sflag:s22] =	ssyncadd.s32 s4;
	_ =	sdelay $0x1  }
0xa1: {  	s23 =	simm.s32 $0x1B8B  }
0xa2: {  	_ =	swait.ge [sflag:s23], $0x1  }
0xa3: {  	[sflag:s23] =	ssyncset.done $0x0  }
0xa4: {  	s25 =	simm.s32 $0x1B8E;
	s24 =	sld [smem:$0x3FFE];
	[sflag:s23] =	ssyncadd.s32 $0xFFFFFFFF  }
0xa5: {  	s26 =	simm.s32 $execute0_lowered;
	[smem:$0x3FD2] =	sst s25  }
0xa6: {  	s5 =	sshll.u32 s26, $0x1;
	_ =	strace $0x8000004C;
	[dreg:$0x1] =	wrdreg $0xFFFFFFFF  }
0xa7: {  	s28 =	simm.s32 $_size_execute0_lowered;
	s3 =	sadd.s32 s3, s5;
	[dreg:$0x0] =	wrdreg $0x0  }
0xa8: {  	s5 =	sshll.u32 s28, $0x1;
	[dreg:$0x2] =	wrdreg s3  }
0xa9: {  	[dreg:$0x3] =	wrdreg s5  }
0xaa: {  	[dreg:$0x4] =	wrdreg $0xC0  }
0xab: {  	_ =	task [dreg:s7], $0x5FFFF  }
0xac: {  	[dreg:$0x1] =	wrdreg $0xFFFFFFFF  }
0xad: {  	[dreg:$0x0] =	wrdreg $0x60  }
0xae: {  	[dreg:$0x2] =	wrdreg s2  }
0xaf: {  	[dreg:$0x3] =	wrdreg s24  }
0xb0: {  	[dreg:$0x4] =	wrdreg $0xAC000  }
0xb1: {  	[dreg:$0x5] =	wrdreg $0x9  }
0xb2: {  	_ =	task.clear_ibuf [dreg:s7], $0x6FFFF;
	_ =	strace $0x9000004C  }
0xb3: {  	s29 =	simm.s32 $0x9;
	_ =	strace $0x8000004E  }
0xb4: {  	_ =	swait.ge [sflag:s29], $0x1  }
0xb5: {  	[sflag:s29] =	ssyncadd.s32 $0xFFFFFFFF  }
0xb6: {  	_ =	strace $0x9000004E  }
0xb7: {  	_ =	sfence  }
0xb8: {  	s30 =	sld [smem:$0x0];
	_ =	sdelay $0x2  }
0xb9: {  	s31 =	sshll.u32 s1, $0xD;
	s1 =	sshrl.u32 s1, $0x2  }
0xba: {  	s3 =	sand.u32 $0x4000, s31;
	s1 =	sadd.s32 s1, s30  }
0xbb: {  	s0 =	sor.u32 s3, s0;
	s1 =	sshll.u32 s1, $0x11  }
0xbc: {  	s0 =	sor.u32 s1, s0  }
0xbd: {  	s0 =	sadd.s32 $0x8F2B, s0  }
0xbe: {  	[sflag:s0] =	ssyncadd.remote.s32 $0x1  }
0xbf: {  	_ =	sfence.sel $0xFFFF  }
0xc0: {  	[dreg:$0x0] =	wrdreg $0xFFFFFFFF;
	(pc) =	sbr.abs _section_cstart, $3  }
0xc1: {  	[dreg:$0x1] =	wrdreg $0xFFFFFFFF  }
0xc2: {  	_ =	task.clear_ibuf [dreg:s7], $0x2FFFF;
	_ =	strace $0x9FFFFFFF  }
0xc3: {  	(tm) =	ssettm $0x7FFFFFFF  }
tec
execute0_lowered:
.L_overlay_start_1:
0x0: {  	(tag) =	ssettag $0x1  }
0x1: {  	s1 =	rddreg [dreg:$0x0]  }
0x2: {  	s0 =	rddreg [dreg:$0x1]  }
0x3: {  	s2 =	srdreg.scid;
	s3 =	rddreg [dreg:$0x2]  }
0x4: {  	s12 =	stileid.u32;
	s5 =	simm.s32 $0x0;
	s28 =	simm.s32 $0x5C00  }
0x5: {  	s29 =	simm.s32 $0x2;
	s30 =	simm.s32 $0x1;
	s31 =	simm.s32 $0x8400  }
0x6: {  	s2 =	sand.u32 $0x1, s2;
	[smem:$0x7FF] =	sst s5;
	s8 =	smul.u32 $0x14000, s12  }
0x7: {  	s5 =	sadd.s32 $0x2800, s0;
	s4 =	sshll.u32 s2, $0x4;
	s7 =	smul.u32 $0x140000, s2  }
0x8: {  	_ =	strace $0x8000004D;
	s2 =	ssub.s32 $0x2, s2;
	s4 =	sor.u32 s12, s4  }
0x9: {  	s10 =	sshrl.u32 s2, $0x1;
	s13 =	sadd.s32 $0xA000, s8;
	s15 =	sadd.s32 $0xC800, s8  }
0xa: {  	s17 =	sadd.s32 $0xF000, s8;
	s22 =	sshll.u32 s4, $0xB;
	s6 =	sadd.s32 s7, s8  }
0xb: {  	s2 =	ssub.s32 s2, s10;
	s10 =	sor.u32 $0x2800, s8;
	s18 =	sadd.s32 s7, s13  }
0xc: {  	s19 =	sadd.s32 s7, s15;
	s20 =	sadd.s32 s7, s17;
	s13 =	sadd.s32 s13, s3  }
0xd: {  	s15 =	sadd.s32 s15, s3;
	s11 =	sshrl.u32 s6, $0x3;
	s6 =	smul.u32 $0x5000, s4  }
0xe: {  	s9 =	sadd.s32 s22, s0;
	s0 =	sadd.s32 $0x26800, s0;
	s4 =	smul.u32 $0x50000, s12  }
0xf: {  	s12 =	sadd.s32 $0x7800, s8;
	s14 =	sadd.s32 s7, s10;
	s26 =	sshrl.u32 s18, $0x3  }
0x10: {  	s21 =	sshrl.u32 s20, $0x3;
	s2 =	smax.u32 s2, $0x1;
	[dreg:$0x10] =	wrdreg s13  }
0x11: {  	s10 =	sadd.s32 s10, s3;
	[dreg:$0x11] =	wrdreg s15;
	s23 =	sadd.s32 s0, s11  }
0x12: {  	s11 =	sadd.s32 $0x5000, s8;
	s14 =	sshrl.u32 s14, $0x3;
	[dreg:$0xe] =	wrdreg s2  }
0x13: {  	s8 =	sadd.s32 $0x11800, s8;
	s18 =	sadd.s32 s0, s26;
	[dreg:$0x4] =	wrdreg s23  }
0x14: {  	s16 =	sadd.s32 s7, s12;
	s12 =	sadd.s32 s12, s3;
	[dreg:$0x8] =	wrdreg s18  }
0x15: {  	s2 =	simm.s32 $0x50;
	s14 =	sadd.s32 s0, s14;
	[dreg:$0xf] =	wrdreg s12  }
0x16: {  	s24 =	sadd.s32 s7, s11;
	s23 =	sadd.s32 $0x16800, s9;
	[dreg:$0x5] =	wrdreg s14  }
0x17: {  	s25 =	sshrl.u32 s16, $0x3;
	s16 =	sadd.s32 s17, s3;
	[dreg:$0xc] =	wrdreg s23  }
0x18: {  	s22 =	sshrl.u32 s6, $0x3;
	s17 =	sadd.s32 s8, s3;
	[dreg:$0x12] =	wrdreg s16  }
0x19: {  	s14 =	sshrl.u32 s24, $0x3;
	s24 =	sadd.s32 s5, s22;
	[dreg:$0x13] =	wrdreg s17  }
0x1a: {  	s7 =	sadd.s32 s7, s8;
	s14 =	sadd.s32 s0, s14;
	[dreg:$0xd] =	wrdreg s24  }
0x1b: {  	s11 =	sadd.s32 s11, s3;
	[dreg:$0x6] =	wrdreg s14;
	s14 =	sadd.s32 s0, s25  }
0x1c: {  	s26 =	sadd.s32 $0x200, s24;
	[dreg:$0x7] =	wrdreg s14;
	s14 =	sshrl.u32 s19, $0x3  }
0x1d: {  	s7 =	sshrl.u32 s7, $0x3;
	[dreg:$0x14] =	wrdreg s26;
	s14 =	sadd.s32 s0, s14  }
0x1e: {  	s25 =	sshrl.u32 s4, $0x2;
	[dreg:$0x9] =	wrdreg s14;
	s14 =	sadd.s32 s0, s21  }
0x1f: {  	s4 =	simm.s32 $0x0;
	s0 =	sadd.s32 s0, s7;
	[dreg:$0xa] =	wrdreg s14  }
0x20: {  	v0 =	vimm.f32 $0.0e+00;
	[dreg:$0xb] =	wrdreg s0;
	s14 =	sadd.s32 s25, s3;
	s0 =	simm.s32 $0x4  }
.LBB2_1:
0x21: {  	s7 =	simm.s32 $0x0;
	s8 =	rddreg [dreg:$0xc]  }
0x22: {  	[tilespmem:s7], [sflag:$0x1] =	stream.linear.gather [hbm4b:s8+s7], $0x3E80, $0x38;
	[tilespmem:$0x1EC00] =	vst v63  }
0x23: {  	s7 =	simm.s32 $0x0;
	s8 =	simm.s32 $0x200  }
.LBB2_2:
0x24: {  	p0 =	sne.s32 s8, $0x9E00;
	[tilespmem:s7+$0x5C70] =	vst v0  }
0x25: {  	[tilespmem:s7+$0x5C00] =	vst v0  }
0x26: {  	[tilespmem:s7+$0x5C10] =	vst v0  }
.Ltmp0:
0x27: {  	[tilespmem:s7+$0x5C20] =	vst v0;
	(pc) =	sbr.rel @p0 .LBB2_2-.Ltmp0, $4  }
0x28: {  	[tilespmem:s7+$0x5C30] =	vst v0  }
0x29: {  	[tilespmem:s7+$0x5C40] =	vst v0  }
0x2a: {  	[tilespmem:s7+$0x5C50] =	vst v0  }
0x2b: {  	[tilespmem:s7+$0x5C60] =	vst v0;
	s7 =	sshra.s32 s8, $0x2;
	s8 =	sadd.s32 $0x200, s8  }
0x2c: {  	[tilespmem:s7+$0x5C70] =	vst v0  }
0x2d: {  	[tilespmem:s7+$0x5C00] =	vst v0  }
0x2e: {  	[tilespmem:s7+$0x5C10] =	vst v0  }
0x2f: {  	[tilespmem:s7+$0x5C20] =	vst v0  }
0x30: {  	[tilespmem:s7+$0x5C30] =	vst v0  }
0x31: {  	[tilespmem:s7+$0x5C40] =	vst v0  }
0x32: {  	[tilespmem:s7+$0x5C50] =	vst v0  }
0x33: {  	[tilespmem:s7+$0x5C60] =	vst v0  }
0x34: {  	[spmem:s14] =	stream.linear.scatter [tilespmem:s28], [sflag:$0x2], $0x2800, $0x38;
	[tilespmem:$0x1EC00] =	vst v63  }
0x35: {  	_ = 	snop  }
0x36: {  	[spmem:s10] =	stream.linear.scatter [tilespmem:s28], [sflag:$0x2], $0x2800, $0x38;
	[tilespmem:$0x1EC00] =	vst v63  }
0x37: {  	_ = 	snop  }
0x38: {  	[spmem:s11] =	stream.linear.scatter [tilespmem:s28], [sflag:$0x2], $0x2800, $0x38;
	[tilespmem:$0x1EC00] =	vst v63  }
0x39: {  	_ = 	snop  }
0x3a: {  	[spmem:s12] =	stream.linear.scatter [tilespmem:s28], [sflag:$0x2], $0x2800, $0x38;
	[tilespmem:$0x1EC00] =	vst v63  }
0x3b: {  	_ = 	snop  }
0x3c: {  	[spmem:s13] =	stream.linear.scatter [tilespmem:s28], [sflag:$0x2], $0x2800, $0x38;
	[tilespmem:$0x1EC00] =	vst v63  }
0x3d: {  	_ = 	snop  }
0x3e: {  	[spmem:s15] =	stream.linear.scatter [tilespmem:s28], [sflag:$0x2], $0x2800, $0x38;
	[tilespmem:$0x1EC00] =	vst v63  }
0x3f: {  	_ = 	snop  }
0x40: {  	[spmem:s16] =	stream.linear.scatter [tilespmem:s28], [sflag:$0x2], $0x2800, $0x38;
	[tilespmem:$0x1EC00] =	vst v63  }
0x41: {  	_ = 	snop  }
0x42: {  	[spmem:s17] =	stream.linear.scatter [tilespmem:s28], [sflag:$0x2], $0x2800, $0x38;
	[tilespmem:$0x1EC00] =	vst v63  }
0x43: {  	_ =	swait.ge [sflag:s29], $0x2800  }
0x44: {  	[sflag:s29] =	ssyncset.done $0x0  }
0x45: {  	[sflag:s29] =	ssyncadd.s32 $0xFFFFD800  }
0x46: {  	_ =	swait.ge [sflag:s29], $0x2800  }
0x47: {  	[sflag:s29] =	ssyncset.done $0x0  }
0x48: {  	[sflag:s29] =	ssyncadd.s32 $0xFFFFD800  }
0x49: {  	_ =	swait.ge [sflag:s29], $0x2800  }
0x4a: {  	[sflag:s29] =	ssyncset.done $0x0  }
0x4b: {  	[sflag:s29] =	ssyncadd.s32 $0xFFFFD800  }
0x4c: {  	_ =	swait.ge [sflag:s29], $0x2800  }
0x4d: {  	[sflag:s29] =	ssyncset.done $0x0  }
0x4e: {  	[sflag:s29] =	ssyncadd.s32 $0xFFFFD800  }
0x4f: {  	_ =	swait.ge [sflag:s29], $0x2800  }
0x50: {  	[sflag:s29] =	ssyncset.done $0x0  }
0x51: {  	[sflag:s29] =	ssyncadd.s32 $0xFFFFD800  }
0x52: {  	_ =	swait.ge [sflag:s29], $0x2800  }
0x53: {  	[sflag:s29] =	ssyncset.done $0x0  }
0x54: {  	[sflag:s29] =	ssyncadd.s32 $0xFFFFD800  }
0x55: {  	_ =	swait.ge [sflag:s29], $0x2800  }
0x56: {  	[sflag:s29] =	ssyncset.done $0x0  }
0x57: {  	[sflag:s29] =	ssyncadd.s32 $0xFFFFD800  }
0x58: {  	_ =	swait.ge [sflag:s29], $0x2800  }
0x59: {  	[sflag:s29] =	ssyncset.done $0x0  }
0x5a: {  	s23 =	smov.u32 s14;
	[sflag:s29] =	ssyncadd.s32 $0xFFFFD800  }
0x5b: {  	s24 =	smov.u32 s10;
	s9 =	simm.s32 $0x4000;
	_ =	swait.ge [sflag:s30], $0x3E80  }
0x5c: {  	s19 =	simm.s32 $0x1;
	s14 =	simm.s32 $0x0;
	[sflag:s30] =	ssyncset.done $0x0  }
0x5d: {  	s15 =	smul.u32 $0x29, s14;
	s8 =	rddreg [dreg:$0xd];
	[sflag:s30] =	ssyncadd.s32 $0xFFFFC180  }
0x5e: {  	[tilespmem:s9], [sflag:$0x4] =	stream.linear.gather [hbm4b:s8+s14], $0xC80, $0x38;
	[tilespmem:$0x1EC00] =	vst v63  }
0x5f: {  	s10 =	smul.u32 $0x29, s19;
	s8 =	sshrl.u32 s15, $0xA;
	_ =	swait.ge [sflag:s0], $0xC80  }
0x60: {  	s17 =	simm.s32 $0x4C80;
	s8 =	sand.u32 $0x3F, s8;
	[sflag:s0] =	ssyncset.done $0x0  }
0x61: {  	s16 =	rddreg [dreg:$0x14];
	s18 =	smul.u32 $0x19, s8;
	[sflag:s0] =	ssyncadd.s32 $0xFFFFF380  }
0x62: {  	[tilespmem:s17], [sflag:$0x3] =	stream.linear.gather [hbm4b:s16+s14], $0xC80, $0x38;
	[tilespmem:$0x1EC00] =	vst v63  }
0x63: {  	s25 =	smov.u32 s11;
	p1 =	por $0x1, $0x1;
	s7 =	ssub.s32 $0x0, s18  }
0x64: {  	s21 =	sshrl.u32 s10, $0xA;
	[bflag:$0x0] =	sbarrier.arrive $0xFFFF;
	s9 =	sand.u32 @!p1 $0xFF, s7  }
0x65: {  	[tilespmem:s28], [sflag:$0x1] =	stream.indirect.gather [hbm4b:s1+s2], $0x80, s14, s2, $0xb8;
	[tilespmem:$0x1EC00] =	vst v63  }
0x66: {  	s20 =	simm.s32 $0x80;
	p0 =	sne.s32 @!p1 s9, $0x0;
	s9 =	sand.u32 $0x3F, s21  }
0x67: {  	s26 =	simm.s32 $0x100;
	p5 =	por p0, p1;
	s22 =	smul.u32 $0x19, s9  }
0x68: {  	[tilespmem:s31], [sflag:$0x2] =	stream.indirect.gather [hbm4b:s1+s2], $0x80, s20, s2, $0xb8;
	[tilespmem:$0x1EC00] =	vst v63  }
0x69: {  	s7 =	sand.u32 $0xFF, s7;
	p4 =	por @!p5 $0x0, $0x0;
	s12 =	simm.s32 @!p5 $0x3  }
0x6a: {  	p2 =	por @!p1 p4, p0;
	s11 =	ssub.s32 $0x1, s22;
	_ =	swait.ge @!p5 [sflag:s12], $0xC80  }
0x6b: {  	p3 =	por p2, p1;
	p2 =	por $0x1, $0x1;
	[sflag:s12] =	ssyncset.done @!p5 $0x0  }
0x6c: {  	s10 =	sadd.s32 @!p3 $0x1, s8;
	s13 =	sand.u32 @!p2 $0xFF, s11;
	[sflag:s12] =	ssyncadd.s32 @!p5 $0xFFFFF380  }
0x6d: {  	s12 =	simm.s32 @!p3 $0x0;
	s8 =	sand.u32 $0x1, s8;
	s14 =	sand.u32 @!p3 $0x1, s10  }
0x6e: {  	s11 =	sand.u32 $0xFF, s11;
	s10 =	sshll.u32 @!p3 s10, $0xC;
	p6 =	seq.s32 @!p3 s14, $0x1  }
0x6f: {  	s14 =	simm.s32 @!p3 $0x4C80;
	p6 =	por @!p5 !p6, p4;
	p4 =	sne.s32 @!p2 s13, $0x0  }
0x70: {  	s10 =	sadd.s32 @!p3 s6, s10;
	p5 =	por @!p1 !p6, p0;
	p0 =	por p4, p2  }
0x71: {  	s10 =	sshrl.u32 @!p3 s10, $0x3;
	p1 =	por !p5, p1;
	p5 =	por @!p0 $0x0, $0x0  }
0x72: {  	s10 =	sadd.s32 @!p3 s5, s10;
	s14 =	simm.s32 @p1 $0x4000;
	p1 =	por @!p2 p5, p4  }
0x73: {  	[tilespmem:s14], [sflag:$0x3] =	stream.linear.gather @!p3 [hbm4b:s10+s12], $0xC80, $0x38;
	[tilespmem:$0x1EC00] =	vst v63  }
0x74: {  	s15 =	simm.s32 @!p0 $0x3;
	p1 =	por p1, p2;
	p3 =	seq.s32 s8, $0x1  }
0x75: {  	s8 =	simm.s32 $0x19;
	s14 =	simm.s32 $0x19;
	s12 =	sadd.s32 @!p1 $0x1, s9  }
0x76: {  	s8 =	simm.s32 @!p3 $0x0;
	s9 =	sand.u32 $0x1, s9;
	_ =	swait.ge [sflag:s30], $0x2800  }
0x77: {  	s10 =	sand.u32 @!p1 $0x1, s12;
	s7 =	sadd.s32 s7, s8;
	s8 =	simm.s32 $0x1  }
0x78: {  	[sflag:s30] =	ssyncset.done $0x0;
	s12 =	sshll.u32 @!p1 s12, $0xC;
	p6 =	seq.s32 @!p1 s10, $0x1  }
0x79: {  	s7 =	sshll.u32 s7, $0x7;
	[sflag:s30] =	ssyncadd.s32 $0xFFFFD800;
	s10 =	simm.s32 $0x2  }
0x7a: {  	s12 =	sadd.s32 @!p1 s6, s12;
	p3 =	por @!p0 !p6, p5;
	s7 =	sadd.s32 $0x4000, s7  }
0x7b: {  	p3 =	por @!p2 !p3, p4;
	p4 =	seq.s32 s9, $0x1;
	s9 =	simm.s32 $0x2  }
0x7c: {  	[spmem:s3] =	stream.indirect.scatter.add.f32 [tilespmem:s28], [sflag:$0x4], $0x80, s7, s2, $0xb8;
	[tilespmem:$0x1EC00] =	vst v63  }
0x7d: {  	s7 =	simm.s32 $0x200;
	s14 =	simm.s32 @!p4 $0x0;
	_ =	swait.ge [sflag:s0], $0x2800  }
0x7e: {  	p4 =	por !p3, p2;
	s13 =	smul.u32 $0x29, s9;
	[sflag:s0] =	ssyncset.done $0x0  }
0x7f: {  	s14 =	sadd.s32 s11, s14;
	s11 =	sshrl.u32 @!p1 s12, $0x3;
	[sflag:s0] =	ssyncadd.s32 $0xFFFFD800  }
0x80: {  	[tilespmem:s28], [sflag:$0x1] =	stream.indirect.gather [hbm4b:s1+s2], $0x80, s26, s2, $0xb8;
	[tilespmem:$0x1EC00] =	vst v63  }
0x81: {  	s17 =	sshll.u32 s14, $0x7;
	s26 =	sadd.s32 @!p1 s5, s11;
	s11 =	simm.s32 $0x4  }
.LBB2_4:
0x82: {  	s16 =	smul.u32 $0x29, s11  }
0x83: {  	s14 =	smov.u32 s8;
	s8 =	smov.u32 s10;
	s10 =	sadd.s32 $0x1, s10  }
0x84: {  	_ =	swait.ge @!p0 [sflag:s15], $0xC80;
	s18 =	simm.s32 @!p1 $0x0;
	s13 =	sshrl.u32 s13, $0xA  }
0x85: {  	s19 =	simm.s32 @!p1 $0x4C80;
	s22 =	sadd.s32 $0xFFFFFF80, s7;
	p3 =	slt.u32 s14, $0xD  }
0x86: {  	[sflag:s15] =	ssyncset.done @!p0 $0x0;
	s20 =	sand.u32 $0x3F, s13;
	s19 =	simm.s32 @p4 $0x4000  }
0x87: {  	p4 =	slt.u32 s14, $0xC;
	[sflag:s15] =	ssyncadd.s32 @!p0 $0xFFFFF380;
	s13 =	smul.u32 $0x19, s20  }
0x88: {  	[tilespmem:s19], [sflag:$0x3] =	stream.linear.gather @!p1 [hbm4b:s26+s18], $0xC80, $0x38;
	[tilespmem:$0x1EC00] =	vst v63  }
0x89: {  	s26 =	sand.u32 $0x1, s20;
	s18 =	sadd.s32 $0x4000, s17;
	s17 =	simm.s32 $0x19  }
0x8a: {  	_ =	swait.ge [sflag:s29], $0x2800;
	p0 =	seq.s32 s26, $0x1;
	s13 =	ssub.s32 s9, s13  }
0x8b: {  	[sflag:s29] =	ssyncset.done $0x0;
	s17 =	simm.s32 @!p0 $0x0;
	s19 =	sand.u32 $0xFF, s13  }
0x8c: {  	s13 =	sand.u32 @!p3 $0xFF, s13;
	p0 =	sne.s32 s10, $0x3D;
	[sflag:s29] =	ssyncadd.s32 $0xFFFFD800  }
0x8d: {  	p1 =	sne.s32 @!p3 s13, $0x0;
	s21 =	sadd.s32 s19, s17;
	s15 =	simm.s32 @!p0 $0x0  }
0x8e: {  	[spmem:s3] =	stream.indirect.scatter.add.f32 [tilespmem:s31], [sflag:$0x4], $0x80, s18, s2, $0xb8;
	[tilespmem:$0x1EC00] =	vst v63  }
0x8f: {  	s17 =	sadd.s32 $0x1, s9;
	s13 =	smov.u32 s16;
	s15 =	simm.s32 @p0 $0x1  }
0x90: {  	s26 =	smul.u32 $0x29, s17;
	s18 =	simm.s32 @!p1 $0x0;
	p6 =	por p1, p3  }
0x91: {  	_ =	swait.ge [sflag:s0], $0x2800;
	s18 =	simm.s32 @p1 $0x1;
	p2 =	sgt.u32 @!p6 s14, $0x31  }
0x92: {  	[sflag:s0] =	ssyncset.done $0x0;
	[smem:$0x7FD] =	sst s15;
	s15 =	sshll.u32 s21, $0x7  }
0x93: {  	s19 =	sshrl.u32 s26, $0xA;
	[smem:$0x7FC] =	sst s18;
	p1 =	por @!p3 p2, p1  }
0x94: {  	s26 =	simm.s32 $0x19;
	[sflag:s0] =	ssyncadd.s32 $0xFFFFD800;
	s16 =	sand.u32 $0x3F, s19  }
0x95: {  	s19 =	simm.s32 @!p6 $0x3;
	p1 =	por p1, p3;
	s21 =	smul.u32 $0x19, s16  }
0x96: {  	[tilespmem:s31], [sflag:$0x2] =	stream.indirect.gather [hbm4b:s1+s2], $0x80, s22, s2, $0xb8;
	[tilespmem:$0x1EC00] =	vst v63  }
0x97: {  	s22 =	sand.u32 $0x1, s16;
	s18 =	sadd.s32 @!p1 $0x1, s20;
	s17 =	ssub.s32 s17, s21  }
0x98: {  	p5 =	seq.s32 s22, $0x1;
	_ =	swait.ge @!p6 [sflag:s19], $0xC80;
	s20 =	sand.u32 @!p4 $0xFF, s17  }
0x99: {  	s26 =	simm.s32 @!p5 $0x0;
	p5 =	sne.s32 @!p4 s20, $0x0;
	s20 =	sld [smem:$0x7FC]  }
0x9a: {  	s21 =	sshll.u32 @!p1 s18, $0xC;
	s18 =	sand.u32 @!p1 $0x1, s18  }
0x9b: {  	s22 =	simm.s32 @!p1 $0x4C80;
	[sflag:s19] =	ssyncset.done @!p6 $0x0;
	p0 =	seq.s32 @!p1 s18, $0x1  }
0x9c: {  	s18 =	sadd.s32 @!p1 s6, s21;
	p0 =	por @!p6 !p0, p2;
	p2 =	seq.s32 s20, $0x1  }
0x9d: {  	[sflag:s19] =	ssyncadd.s32 @!p6 $0xFFFFF380;
	s18 =	sshrl.u32 @!p1 s18, $0x3;
	p2 =	por @!p3 !p0, p2  }
0x9e: {  	s18 =	sadd.s32 @!p1 s5, s18;
	p0 =	por p5, p4;
	p3 =	por !p2, p3  }
0x9f: {  	p2 =	sgt.u32 @!p0 s14, $0x31;
	s14 =	simm.s32 @!p1 $0x0;
	s22 =	simm.s32 @p3 $0x4000  }
0xa0: {  	[tilespmem:s22], [sflag:$0x3] =	stream.linear.gather @!p1 [hbm4b:s18+s14], $0xC80, $0x38;
	[tilespmem:$0x1EC00] =	vst v63  }
0xa1: {  	p3 =	por @!p4 p2, p5;
	_ =	swait.ge [sflag:s30], $0x2800  }
0xa2: {  	p1 =	por p3, p4;
	[sflag:s30] =	ssyncset.done $0x0  }
0xa3: {  	s21 =	sadd.s32 $0x4000, s15;
	s16 =	sadd.s32 @!p1 $0x1, s16;
	[sflag:s30] =	ssyncadd.s32 $0xFFFFD800  }
0xa4: {  	[spmem:s3] =	stream.indirect.scatter.add.f32 [tilespmem:s28], [sflag:$0x4], $0x80, s21, s2, $0xb8;
	[tilespmem:$0x1EC00] =	vst v63  }
0xa5: {  	s18 =	sshll.u32 @!p1 s16, $0xC;
	s16 =	sand.u32 @!p1 $0x1, s16;
	_ =	swait.ge [sflag:s0], $0x2800  }
0xa6: {  	p3 =	seq.s32 @!p1 s16, $0x1;
	s22 =	sld [smem:$0x7FD]  }
0xa7: {  	p2 =	por @!p0 !p3, p2  }
0xa8: {  	s12 =	smov.u32 s7;
	p2 =	por @!p4 !p2, p5  }
0xa9: {  	s7 =	sadd.s32 $0x100, s7;
	p4 =	por !p2, p4;
	p2 =	seq.s32 s22, $0x1  }
.Ltmp1:
0xaa: {  	s9 =	smov.u32 s11;
	s17 =	sand.u32 $0xFF, s17;
	(pc) =	sbr.rel @p2 .LBB2_4-.Ltmp1, $4  }
0xab: {  	s11 =	sadd.s32 $0x2, s11;
	s17 =	sadd.s32 s17, s26;
	s14 =	sadd.s32 @!p1 s6, s18  }
0xac: {  	s17 =	sshll.u32 s17, $0x7;
	s14 =	sshrl.u32 @!p1 s14, $0x3;
	[sflag:s0] =	ssyncset.done $0x0  }
0xad: {  	s15 =	simm.s32 @!p0 $0x3;
	s26 =	sadd.s32 @!p1 s5, s14;
	[sflag:s0] =	ssyncadd.s32 $0xFFFFD800  }
0xae: {  	[tilespmem:s28], [sflag:$0x1] =	stream.indirect.gather [hbm4b:s1+s2], $0x80, s12, s2, $0xb8;
	[tilespmem:$0x1EC00] =	vst v63  }
0xaf: {  	_ =	swait.ge @!p0 [sflag:s15], $0xC80  }
0xb0: {  	s10 =	simm.s32 @!p1 $0x4C80;
	s11 =	simm.s32 @!p1 $0x0;
	[sflag:s15] =	ssyncset.done @!p0 $0x0  }
0xb1: {  	s20 =	sshrl.u32 s13, $0xA;
	s10 =	simm.s32 @p4 $0x4000;
	[sflag:s15] =	ssyncadd.s32 @!p0 $0xFFFFF380  }
0xb2: {  	[tilespmem:s10], [sflag:$0x3] =	stream.linear.gather @!p1 [hbm4b:s26+s11], $0xC80, $0x38;
	[tilespmem:$0x1EC00] =	vst v63  }
0xb3: {  	s10 =	sand.u32 $0x3F, s20  }
0xb4: {  	_ =	swait.ge [sflag:s29], $0x2800;
	s21 =	smul.u32 $0x19, s10  }
0xb5: {  	s12 =	sadd.s32 $0x4000, s17;
	[sflag:s29] =	ssyncset.done $0x0  }
0xb6: {  	p0 =	slt.u32 s8, $0xD;
	[sflag:s29] =	ssyncadd.s32 $0xFFFFD800;
	s11 =	ssub.s32 s9, s21  }
0xb7: {  	[spmem:s3] =	stream.indirect.scatter.add.f32 [tilespmem:s31], [sflag:$0x4], $0x80, s12, s2, $0xb8;
	[tilespmem:$0x1EC00] =	vst v63  }
0xb8: {  	s12 =	sand.u32 @!p0 $0xFF, s11  }
0xb9: {  	s22 =	sadd.s32 $0xFFFFFF80, s7;
	_ =	swait.ge [sflag:s0], $0x2800;
	p1 =	sne.s32 @!p0 s12, $0x0  }
0xba: {  	s26 =	sadd.s32 $0x1, s9;
	[sflag:s0] =	ssyncset.done $0x0;
	p3 =	por p1, p0  }
0xbb: {  	s15 =	smul.u32 $0x29, s26;
	[sflag:s0] =	ssyncadd.s32 $0xFFFFD800;
	p4 =	sgt.u32 @!p3 s8, $0x31  }
0xbc: {  	[tilespmem:s31], [sflag:$0x2] =	stream.indirect.gather [hbm4b:s1+s2], $0x80, s22, s2, $0xb8;
	[tilespmem:$0x1EC00] =	vst v63  }
0xbd: {  	s12 =	sshrl.u32 s15, $0xA;
	p2 =	por @!p0 p4, p1  }
0xbe: {  	s12 =	sand.u32 $0x3F, s12;
	p2 =	por p2, p0  }
0xbf: {  	s14 =	smul.u32 $0x19, s12;
	s16 =	simm.s32 @!p3 $0x3;
	s13 =	sadd.s32 @!p2 $0x1, s10  }
0xc0: {  	_ =	swait.ge @!p3 [sflag:s16], $0xC80;
	s15 =	sand.u32 @!p2 $0x1, s13  }
0xc1: {  	s9 =	ssub.s32 s26, s14;
	[sflag:s16] =	ssyncset.done @!p3 $0x0;
	p5 =	seq.s32 @!p2 s15, $0x1  }
0xc2: {  	s13 =	sshll.u32 @!p2 s13, $0xC;
	[sflag:s16] =	ssyncadd.s32 @!p3 $0xFFFFF380;
	p4 =	por @!p3 !p5, p4  }
0xc3: {  	s16 =	simm.s32 @!p2 $0x0;
	s13 =	sadd.s32 @!p2 s6, s13;
	p1 =	por @!p0 !p4, p1  }
0xc4: {  	s15 =	simm.s32 @!p2 $0x4C80;
	s13 =	sshrl.u32 @!p2 s13, $0x3;
	p0 =	por !p1, p0  }
0xc5: {  	s13 =	sadd.s32 @!p2 s5, s13;
	s15 =	simm.s32 @p0 $0x4000;
	p0 =	slt.u32 s8, $0xC  }
0xc6: {  	[tilespmem:s15], [sflag:$0x3] =	stream.linear.gather @!p2 [hbm4b:s13+s16], $0xC80, $0x38;
	[tilespmem:$0x1EC00] =	vst v63  }
0xc7: {  	s13 =	sand.u32 @!p0 $0xFF, s9  }
0xc8: {  	s10 =	sand.u32 $0x1, s10;
	p2 =	sne.s32 @!p0 s13, $0x0  }
0xc9: {  	p3 =	seq.s32 s10, $0x1;
	s10 =	simm.s32 $0x19;
	p1 =	por p2, p0  }
0xca: {  	s10 =	simm.s32 @!p3 $0x0;
	s16 =	sand.u32 $0xFF, s11;
	p4 =	sgt.u32 @!p1 s8, $0x31  }
0xcb: {  	_ =	swait.ge [sflag:s30], $0x2800;
	s8 =	sadd.s32 s16, s10;
	p3 =	por @!p0 p4, p2  }
0xcc: {  	[sflag:s30] =	ssyncset.done $0x0;
	s8 =	sshll.u32 s8, $0x7;
	p3 =	por p3, p0  }
0xcd: {  	[sflag:s30] =	ssyncadd.s32 $0xFFFFD800;
	s8 =	sadd.s32 $0x4000, s8;
	s10 =	sadd.s32 @!p3 $0x1, s12  }
0xce: {  	[spmem:s3] =	stream.indirect.scatter.add.f32 [tilespmem:s28], [sflag:$0x4], $0x80, s8, s2, $0xb8;
	[tilespmem:$0x1EC00] =	vst v63  }
0xcf: {  	s8 =	sand.u32 @!p3 $0x1, s10;
	_ =	swait.ge [sflag:s0], $0x2800  }
0xd0: {  	s17 =	sand.u32 $0x1, s12;
	p5 =	seq.s32 @!p3 s8, $0x1;
	[sflag:s0] =	ssyncset.done $0x0  }
0xd1: {  	s8 =	simm.s32 @!p1 $0x3;
	p4 =	por @!p1 !p5, p4;
	[sflag:s0] =	ssyncadd.s32 $0xFFFFD800  }
0xd2: {  	[tilespmem:s28], [sflag:$0x1] =	stream.indirect.gather [hbm4b:s1+s2], $0x80, s7, s2, $0xb8;
	[tilespmem:$0x1EC00] =	vst v63  }
0xd3: {  	p2 =	por @!p0 !p4, p2;
	s7 =	sshll.u32 @!p3 s10, $0xC;
	_ =	swait.ge @!p1 [sflag:s8], $0xC80  }
0xd4: {  	p0 =	por !p2, p0;
	s7 =	sadd.s32 @!p3 s6, s7;
	[sflag:s8] =	ssyncset.done @!p1 $0x0  }
0xd5: {  	s7 =	sshrl.u32 @!p3 s7, $0x3;
	[sflag:s8] =	ssyncadd.s32 @!p1 $0xFFFFF380;
	s8 =	simm.s32 @!p3 $0x4C80  }
0xd6: {  	s10 =	simm.s32 @!p3 $0x0;
	s7 =	sadd.s32 @!p3 s5, s7;
	s8 =	simm.s32 @p0 $0x4000  }
0xd7: {  	[tilespmem:s8], [sflag:$0x3] =	stream.linear.gather @!p3 [hbm4b:s7+s10], $0xC80, $0x38;
	[tilespmem:$0x1EC00] =	vst v63  }
0xd8: {  	p0 =	seq.s32 s17, $0x1;
	s7 =	simm.s32 $0x19  }
0xd9: {  	s18 =	sand.u32 $0xFF, s9;
	s7 =	simm.s32 @!p0 $0x0  }
0xda: {  	_ =	swait.ge [sflag:s29], $0x2800;
	s7 =	sadd.s32 s18, s7  }
0xdb: {  	[sflag:s29] =	ssyncset.done $0x0;
	s7 =	sshll.u32 s7, $0x7  }
0xdc: {  	[sflag:s29] =	ssyncadd.s32 $0xFFFFD800;
	s7 =	sadd.s32 $0x4000, s7  }
0xdd: {  	[spmem:s3] =	stream.indirect.scatter.add.f32 [tilespmem:s31], [sflag:$0x4], $0x80, s7, s2, $0xb8;
	[tilespmem:$0x1EC00] =	vst v63  }
0xde: {  	_ =	swait.ge [sflag:s0], $0x2800  }
0xdf: {  	[sflag:s0] =	ssyncset.done $0x0  }
0xe0: {  	s19 =	simm.s32 $0x3D80;
	[sflag:s0] =	ssyncadd.s32 $0xFFFFD800  }
0xe1: {  	[tilespmem:s31], [sflag:$0x2] =	stream.indirect.gather [hbm4b:s1+s2], $0x80, s19, s2, $0xb8;
	[tilespmem:$0x1EC00] =	vst v63  }
0xe2: {  	_ =	swait.ge [sflag:s30], $0x2800  }
0xe3: {  	[sflag:s30] =	ssyncset.done $0x0  }
0xe4: {  	s20 =	simm.s32 $0x4B00;
	[sflag:s30] =	ssyncadd.s32 $0xFFFFD800  }
0xe5: {  	[spmem:s3] =	stream.indirect.scatter.add.f32 [tilespmem:s28], [sflag:$0x4], $0x80, s20, s2, $0xb8;
	[tilespmem:$0x1EC00] =	vst v63  }
0xe6: {  	_ =	swait.ge [sflag:s0], $0x2800  }
0xe7: {  	[sflag:s0] =	ssyncset.done $0x0  }
0xe8: {  	s21 =	simm.s32 $0x3E00;
	[sflag:s0] =	ssyncadd.s32 $0xFFFFD800  }
0xe9: {  	[tilespmem:s28], [sflag:$0x1] =	stream.indirect.gather [hbm4b:s1+s2], $0x80, s21, s2, $0xb8;
	[tilespmem:$0x1EC00] =	vst v63  }
0xea: {  	_ =	swait.ge [sflag:s29], $0x2800  }
0xeb: {  	[sflag:s29] =	ssyncset.done $0x0  }
0xec: {  	s22 =	simm.s32 $0x4B80;
	[sflag:s29] =	ssyncadd.s32 $0xFFFFD800  }
0xed: {  	[spmem:s3] =	stream.indirect.scatter.add.f32 [tilespmem:s31], [sflag:$0x4], $0x80, s22, s2, $0xb8;
	[tilespmem:$0x1EC00] =	vst v63  }
0xee: {  	_ =	swait.ge [sflag:s0], $0x2800  }
0xef: {  	[sflag:s0] =	ssyncset.done $0x0  }
0xf0: {  	[sflag:s0] =	ssyncadd.s32 $0xFFFFD800  }
0xf1: {  	_ =	swait.ge [sflag:s30], $0x2800  }
0xf2: {  	[sflag:s30] =	ssyncset.done $0x0  }
0xf3: {  	s26 =	simm.s32 $0x4C00;
	[sflag:s30] =	ssyncadd.s32 $0xFFFFD800  }
0xf4: {  	[spmem:s3] =	stream.indirect.scatter.add.f32 [tilespmem:s28], [sflag:$0x4], $0x80, s26, s2, $0xb8;
	[tilespmem:$0x1EC00] =	vst v63  }
0xf5: {  	_ =	swait.ge [sflag:s0], $0x2800  }
0xf6: {  	[sflag:s0] =	ssyncset.done $0x0  }
0xf7: {  	s8 =	stileid.u32;
	[sflag:s0] =	ssyncadd.s32 $0xFFFFD800  }
0xf8: {  	s7 =	sshll.u32 s8, $0x6;
	[bflag:$0x0] =	sbarrier.arrive $0xFFFF  }
0xf9: {  	s9 =	sshrl.u32 s23, $0x3;
	s7 =	sor.u32 $0x1C04, s7;
	s10 =	rddreg [dreg:$0x4]  }
0xfa: {  	[hbm:s10], [sflag:s7] =	dma.local [spmem:s9], $0x500  }
0xfb: {  	_ =	swait.ge [sflag:s0], $0x500  }
0xfc: {  	[sflag:s0] =	ssyncset.done $0x0  }
0xfd: {  	s11 =	sshrl.u32 s24, $0x3;
	s12 =	rddreg [dreg:$0x5];
	[sflag:s0] =	ssyncadd.s32 $0xFFFFFB00  }
0xfe: {  	[hbm:s12], [sflag:s7] =	dma.local [spmem:s11], $0x500  }
0xff: {  	_ =	swait.ge [sflag:s0], $0x500  }
0x100: {  	[sflag:s0] =	ssyncset.done $0x0  }
0x101: {  	s13 =	sshrl.u32 s25, $0x3;
	s15 =	rddreg [dreg:$0x6];
	[sflag:s0] =	ssyncadd.s32 $0xFFFFFB00  }
0x102: {  	[hbm:s15], [sflag:s7] =	dma.local [spmem:s13], $0x500  }
0x103: {  	_ =	swait.ge [sflag:s0], $0x500  }
0x104: {  	[sflag:s0] =	ssyncset.done $0x0;
	s12 =	rddreg [dreg:$0xf]  }
0x105: {  	s17 =	rddreg [dreg:$0x7];
	[sflag:s0] =	ssyncadd.s32 $0xFFFFFB00;
	s16 =	sshrl.u32 s12, $0x3  }
0x106: {  	[hbm:s17], [sflag:s7] =	dma.local [spmem:s16], $0x500  }
0x107: {  	_ =	swait.ge [sflag:s0], $0x500  }
0x108: {  	[sflag:s0] =	ssyncset.done $0x0;
	s13 =	rddreg [dreg:$0x10]  }
0x109: {  	s19 =	rddreg [dreg:$0x8];
	[sflag:s0] =	ssyncadd.s32 $0xFFFFFB00;
	s18 =	sshrl.u32 s13, $0x3  }
0x10a: {  	[hbm:s19], [sflag:s7] =	dma.local [spmem:s18], $0x500  }
0x10b: {  	_ =	swait.ge [sflag:s0], $0x500  }
0x10c: {  	[sflag:s0] =	ssyncset.done $0x0;
	s15 =	rddreg [dreg:$0x11]  }
0x10d: {  	s21 =	rddreg [dreg:$0x9];
	[sflag:s0] =	ssyncadd.s32 $0xFFFFFB00;
	s20 =	sshrl.u32 s15, $0x3  }
0x10e: {  	[hbm:s21], [sflag:s7] =	dma.local [spmem:s20], $0x500  }
0x10f: {  	_ =	swait.ge [sflag:s0], $0x500  }
0x110: {  	s14 =	smov.u32 s23;
	[sflag:s0] =	ssyncset.done $0x0;
	s16 =	rddreg [dreg:$0x12]  }
0x111: {  	s23 =	rddreg [dreg:$0xa];
	[sflag:s0] =	ssyncadd.s32 $0xFFFFFB00;
	s22 =	sshrl.u32 s16, $0x3  }
0x112: {  	[hbm:s23], [sflag:s7] =	dma.local [spmem:s22], $0x500  }
0x113: {  	s10 =	smov.u32 s24;
	_ =	swait.ge [sflag:s0], $0x500  }
0x114: {  	s11 =	smov.u32 s25;
	[sflag:s0] =	ssyncset.done $0x0;
	s17 =	rddreg [dreg:$0x13]  }
0x115: {  	s25 =	rddreg [dreg:$0xb];
	[sflag:s0] =	ssyncadd.s32 $0xFFFFFB00;
	s24 =	sshrl.u32 s17, $0x3  }
0x116: {  	[hbm:s25], [sflag:s7] =	dma.local [spmem:s24], $0x500  }
0x117: {  	_ =	swait.ge [sflag:s0], $0x500  }
0x118: {  	s4 =	sadd.s32 $0x1, s4;
	s26 =	rddreg [dreg:$0xe]  }
0x119: {  	p0 =	sne.s32 s4, s26  }
.Ltmp2:
0x11a: {  	_ = 	snop;
	(pc) =	sbr.rel @p0 .LBB2_1-.Ltmp2, $3  }
0x11b: {  	_ =	sdelay $0x1  }
0x11c: {  	[sflag:s0] =	ssyncset.done $0x0  }
0x11d: {  	[sflag:s0] =	ssyncadd.s32 $0xFFFFFB00  }
0x11e: {  	_ =	sfence.sel $0x180000  }
0x11f: {  	[bflag:$0x0] =	sbarrier.arrive $0xFFFF  }
0x120: {  	_ =	strace $0x9000004D  }
0x121: {  	s0 =	stileid.u32;
	[bflag:$0x2] =	sbarrier.arrive $0xFFFF  }
0x122: {  	p0 =	sne.s32 s0, $0x0;
	s0 =	rddreg [dreg:$0x3]  }
0x123: {  	s0 =	sadd.s32 @!p0 $0x100000, s0  }
0x124: {  	[sflag:s0] =	ssyncadd.tile.s32 @!p0 $0x1;
	_ =	shalt  }
.Lfunc_end2:
_tile_overlayer_lowered:
.L_overlay_start_2:
0x125: {  	(tag) =	ssettag $0x2  }
0x126: {  	s0 =	rddreg [dreg:$0x0];
	s2 =	stileid.u32  }
0x127: {  	s1 =	rddreg [dreg:$0x1];
	p0 =	sne.s32 s2, $0x0  }
0x128: {  	s3 =	rddreg [dreg:$0x2];
	[bflag:$0x3] =	sbarrier.arrive $0xFFFF;
	s2 =	simm.s32 @!p0 $0x1C04  }
0x129: {  	[timem:s3], [sflag:s2] =	dma.local @!p0 [hbm:s0], s1  }
0x12a: {  	s0 =	simm.s32 @!p0 $0x4  }
0x12b: {  	_ =	swait.ge @!p0 [sflag:s0], s1  }
0x12c: {  	s1 =	ssub.s32 @!p0 $0x0, s1;
	[sflag:s0] =	ssyncset.done @!p0 $0x0  }
0x12d: {  	[sflag:s0] =	ssyncadd.s32 @!p0 s1  }
0x12e: {  	[bflag:$0x3] =	sbarrier.arrive $0xFFFF  }
0x12f: {  	_ =	shalt  }

// kernel: kernel.9.cloned.1.call-start
scs
__scs_entry_jumppad:
0x0: {  	(pc) =	sbr.rel $0x88, $3  }
0x1: {  	(tag) =	ssettag $0x0;
	lr =	simm.s32 $0x1  }
0x2: {  	[smem:$0x3F98] =	sst lr;
	_ =	strace $0xD0000000  }
0x3: {  	_ = 	snop  }
0x4: {  	_ = 	snop  }
0x5: {  	_ = 	snop  }
0x6: {  	_ = 	snop  }
0x7: {  	_ = 	snop  }
__scs_overlays_trampoline_lowered:
0x8: {  	[smem:$0x3FA7] =	sst s0  }
0x9: {  	[smem:$0x3FA8] =	sst s1  }
0xa: {  	[smem:$0x3FA9] =	sst s2  }
0xb: {  	[smem:$0x3FAA] =	sst s3  }
0xc: {  	[smem:$0x3FAB] =	sst s4  }
0xd: {  	[smem:$0x3FAC] =	sst s5  }
0xe: {  	[smem:$0x3FAD] =	sst s6  }
0xf: {  	[smem:$0x3FAE] =	sst s7  }
0x10: {  	[smem:$0x3FAF] =	sst s8  }
0x11: {  	[smem:$0x3FB0] =	sst s9;
	s0 =	simm.s32 @!p0 $0x0  }
0x12: {  	s1 =	sld [smem:$0x3F96];
	s0 =	simm.s32 @p0 $0x1  }
0x13: {  	[smem:$0x3FB1] =	sst s0;
	s0 =	simm.s32 @!p1 $0x0  }
0x14: {  	s2 =	sld [smem:$0x3F95];
	s0 =	simm.s32 @p1 $0x1  }
0x15: {  	[smem:$0x3FB2] =	sst s0;
	s0 =	simm.s32 @!p2 $0x0  }
0x16: {  	s3 =	sld [smem:$0x3FDB];
	s0 =	simm.s32 @p2 $0x1  }
0x17: {  	s4 =	simm.s32 $0x1BF5;
	[smem:$0x3FB4] =	sst s0  }
0x18: {  	s0 =	sld [smem:$0x3F97];
	_ =	swait.ge [sflag:s4], $0x0  }
0x19: {  	s7 =	sld [smem:$0x3F98]  }
0x1a: {  	s8 =	sadd.s32 $0xFFFFE003, lr  }
0x1b: {  	s9 =	sadd.s32 $0xFFFFFEF7, lr;
	s5 =	simm.s32 $0xFFFFFFFF;
	p2 =	slt.u32 s8, $0xFFFFF086  }
0x1c: {  	p1 =	slt.u32 s9, $0xF7A;
	s5 =	simm.s32 @!p2 $0x0  }
0x1d: {  	s5 =	simm.s32 @p1 $0x1;
	p0 =	seq.s32 s7, s2  }
0x1e: {  	s7 =	smul.u32 @!p0 $0xF7A, s2;
	p2 =	seq.s32 @!p0 s5, $0x0  }
0x1f: {  	s9 =	smul.u32 $0xF7A, s1;
	s8 =	simm.s32 @!p0 $0x1BF5;
	p2 =	por !p2, p0  }
0x20: {  	[sflag:s8] =	ssyncset.s32 @!p0 $0xFFFFF086;
	s6 =	sadd.s32 @!p0 s3, s7;
	s7 =	simm.s32 @!p0 $0x108  }
0x21: {  	s3 =	sadd.s32 s3, s9;
	s6 =	sadd.s32 @!p0 $0x88, s6;
	s7 =	simm.s32 @p2 $0x1082  }
0x22: {  	[simem:s7], [sflag:s8] =	dma.local @!p0 [hbm:s6], $0xF7A  }
0x23: {  	s9 =	sor.u32 $0xD0000000, s2;
	s6 =	simm.s32 $0x108;
	_ =	swait.ge @!p0 [sflag:s8], $0x0  }
0x24: {  	s3 =	sadd.s32 $0x88, s3;
	s6 =	simm.s32 @!p1 $0x1082;
	[sflag:s4] =	ssyncset.s32 $0xFFFFF086  }
0x25: {  	[simem:s6], [sflag:s4] =	dma.local [hbm:s3], $0xF7A  }
0x26: {  	[smem:$0x3F98] =	sst s1;
	(tag) =	ssettag s2;
	_ =	strace s9  }
0x27: {  	s1 =	sld [smem:$0x3FA8]  }
0x28: {  	s2 =	sld [smem:$0x3FA9]  }
0x29: {  	s4 =	sld [smem:$0x3FAB]  }
0x2a: {  	p0 =	seq.s32 s5, $0x0;
	s5 =	sld [smem:$0x3FAC]  }
0x2b: {  	s6 =	sld [smem:$0x3FAD]  }
0x2c: {  	s7 =	sld [smem:$0x3FAE]  }
0x2d: {  	s3 =	simm.s32 $0x108;
	s8 =	sld [smem:$0x3FAF]  }
0x2e: {  	s3 =	simm.s32 @!p0 $0x1082;
	s9 =	sld [smem:$0x3FB0]  }
0x2f: {  	lr =	sadd.s32 s0, s3;
	s0 =	sld [smem:$0x3FA7]  }
0x30: {  	s3 =	sld [smem:$0x3FAA]  }
0x31: {  	[smem:$0x3FB3] =	sst s10  }
0x32: {  	s10 =	sld [smem:$0x3FB1];
	_ =	sdelay $0x3  }
0x33: {  	p0 =	seq.s32 s10, $0x1;
	s10 =	sld [smem:$0x3FB3];
	_ =	sdelay $0x3  }
0x34: {  	[smem:$0x3FB3] =	sst s10  }
0x35: {  	s10 =	sld [smem:$0x3FB2];
	_ =	sdelay $0x3  }
0x36: {  	p1 =	seq.s32 s10, $0x1;
	s10 =	sld [smem:$0x3FB3];
	_ =	sdelay $0x3  }
0x37: {  	[smem:$0x3FB3] =	sst s10  }
0x38: {  	s10 =	sld [smem:$0x3FB4]  }
0x39: {  	_ = 	snop;
	(pc) =	sbr.ind lr, $3  }
0x3a: {  	_ = 	snop  }
0x3b: {  	_ = 	snop  }
0x3c: {  	p2 =	seq.s32 s10, $0x1;
	s10 =	sld [smem:$0x3FB3]  }
0x3d: {  	_ =	shalt  }
0x3e: {  	_ =	shalt  }
0x3f: {  	_ =	shalt  }
0x40: {  	_ =	shalt  }
0x41: {  	_ =	shalt  }
0x42: {  	_ =	shalt  }
0x43: {  	_ =	shalt  }
0x44: {  	_ =	shalt  }
0x45: {  	_ =	shalt  }
0x46: {  	_ =	shalt  }
0x47: {  	_ =	shalt  }
0x48: {  	_ =	shalt  }
0x49: {  	_ =	shalt  }
0x4a: {  	_ =	shalt  }
0x4b: {  	_ =	shalt  }
0x4c: {  	_ =	shalt  }
0x4d: {  	_ =	shalt  }
0x4e: {  	_ =	shalt  }
0x4f: {  	_ =	shalt  }
0x50: {  	_ =	shalt  }
0x51: {  	_ =	shalt  }
0x52: {  	_ =	shalt  }
0x53: {  	_ =	shalt  }
0x54: {  	_ =	shalt  }
0x55: {  	_ =	shalt  }
0x56: {  	_ =	shalt  }
0x57: {  	_ =	shalt  }
0x58: {  	_ =	shalt  }
0x59: {  	_ =	shalt  }
0x5a: {  	_ =	shalt  }
0x5b: {  	_ =	shalt  }
0x5c: {  	_ =	shalt  }
0x5d: {  	_ =	shalt  }
0x5e: {  	_ =	shalt  }
0x5f: {  	_ =	shalt  }
0x60: {  	_ =	shalt  }
0x61: {  	_ =	shalt  }
0x62: {  	_ =	shalt  }
0x63: {  	_ =	shalt  }
0x64: {  	_ =	shalt  }
0x65: {  	_ =	shalt  }
0x66: {  	_ =	shalt  }
0x67: {  	_ =	shalt  }
0x68: {  	_ =	shalt  }
0x69: {  	_ =	shalt  }
0x6a: {  	_ =	shalt  }
0x6b: {  	_ =	shalt  }
0x6c: {  	_ =	shalt  }
0x6d: {  	_ =	shalt  }
0x6e: {  	_ =	shalt  }
0x6f: {  	_ =	shalt  }
0x70: {  	_ =	shalt  }
0x71: {  	_ =	shalt  }
0x72: {  	_ =	shalt  }
0x73: {  	_ =	shalt  }
0x74: {  	_ =	shalt  }
0x75: {  	_ =	shalt  }
0x76: {  	_ =	shalt  }
0x77: {  	_ =	shalt  }
0x78: {  	_ =	shalt  }
0x79: {  	_ =	shalt  }
0x7a: {  	_ =	shalt  }
0x7b: {  	_ =	shalt  }
0x7c: {  	_ =	shalt  }
0x7d: {  	_ =	shalt  }
0x7e: {  	_ =	shalt  }
0x7f: {  	_ =	shalt  }
0x80: {  	_ =	shalt  }
0x81: {  	_ =	shalt  }
0x82: {  	_ =	shalt  }
0x83: {  	_ =	shalt  }
0x84: {  	_ =	shalt  }
0x85: {  	_ =	shalt  }
0x86: {  	_ =	shalt  }
0x87: {  	_ =	shalt  }
.Lfunc_end0:
.L_simem_size_0:
called_computation_lowered:
.L_overlay_start_0:
0x88: {  	s2 =	sld [smem:$0x3FD9]  }
0x89: {  	s3 =	sld [smem:$0x3FFE];
	_ =	sdelay $0x1  }
0x8a: {  	s1 =	srdreg.scid  }
0x8b: {  	s0 =	sand.u32 $0x1, s1  }
0x8c: {  	s17 =	sshll.u32 s0, $0xA;
	s2 =	sadd.s32 s3, s2  }
0x8d: {  	s2 =	sadd.s32 s2, s17  }
0x8e: {  	[smem:$0x3FBF] =	sst s2  }
0x8f: {  	_ = 	snop  }
0x90: {  	s2 =	sld [smem:$0x3FD0];
	(tm) =	ssettm $0x1  }
0x91: {  	s18 =	sld [smem:$0x3FFB];
	_ =	sdelay $0x3  }
0x92: {  	_ =	strace s18  }
0x93: {  	s3 =	sld [smem:$0x3FFC];
	_ =	sdelay $0x3  }
0x94: {  	_ =	strace s3  }
0x95: {  	s3 =	sld [smem:$0x3FFD];
	_ =	sdelay $0x3  }
0x96: {  	_ =	strace s3  }
0x97: {  	_ =	strace $0x8FFFFFFF  }
0x98: {  	s19 =	sld [smem:$0x3FDB];
	_ =	sdelay $0x1  }
0x99: {  	s4 =	simm.s32 $_scs_section_size  }
0x9a: {  	s5 =	simm.s32 $_size__tile_overlayer_lowered;
	s6 =	simm.s32 $_tile_overlayer_lowered  }
0x9b: {  	s22 =	simm.s32 $0x1BFF;
	s21 =	sshll.u32 s6, $0x1;
	s3 =	sadd.s32 s4, s19  }
0x9c: {  	s7 =	simm.s32 $0x0;
	s20 =	sshll.u32 s5, $0x1;
	s5 =	sadd.s32 s21, s3  }
0x9d: {  	[timem:s7], [sflag:s22] =	dma.local [hbm:s5], s20  }
0x9e: {  	_ =	swait.ge [sflag:s22], s20  }
0x9f: {  	s4 =	ssub.s32 $0x0, s20;
	[sflag:s22] =	ssyncset.done $0x0  }
0xa0: {  	[sflag:s22] =	ssyncadd.s32 s4;
	_ =	sdelay $0x1  }
0xa1: {  	s23 =	simm.s32 $0x1B8B  }
0xa2: {  	_ =	swait.ge [sflag:s23], $0x1  }
0xa3: {  	[sflag:s23] =	ssyncset.done $0x0  }
0xa4: {  	s25 =	simm.s32 $0x1B8E;
	s24 =	sld [smem:$0x3FFE];
	[sflag:s23] =	ssyncadd.s32 $0xFFFFFFFF  }
0xa5: {  	s26 =	simm.s32 $execute0_lowered;
	[smem:$0x3FD2] =	sst s25  }
0xa6: {  	s5 =	sshll.u32 s26, $0x1;
	_ =	strace $0x80000046;
	[dreg:$0x1] =	wrdreg $0xFFFFFFFF  }
0xa7: {  	s28 =	simm.s32 $_size_execute0_lowered;
	s3 =	sadd.s32 s3, s5;
	[dreg:$0x0] =	wrdreg $0x0  }
0xa8: {  	s5 =	sshll.u32 s28, $0x1;
	[dreg:$0x2] =	wrdreg s3  }
0xa9: {  	[dreg:$0x3] =	wrdreg s5  }
0xaa: {  	[dreg:$0x4] =	wrdreg $0xC0  }
0xab: {  	_ =	task [dreg:s7], $0x5FFFF  }
0xac: {  	[dreg:$0x1] =	wrdreg $0xFFFFFFFF  }
0xad: {  	[dreg:$0x0] =	wrdreg $0x60  }
0xae: {  	[dreg:$0x2] =	wrdreg s2  }
0xaf: {  	[dreg:$0x3] =	wrdreg s24  }
0xb0: {  	[dreg:$0x4] =	wrdreg $0xAC000  }
0xb1: {  	[dreg:$0x5] =	wrdreg $0x9  }
0xb2: {  	_ =	task.clear_ibuf [dreg:s7], $0x6FFFF;
	_ =	strace $0x90000046  }
0xb3: {  	s29 =	simm.s32 $0x9;
	_ =	strace $0x80000048  }
0xb4: {  	_ =	swait.ge [sflag:s29], $0x1  }
0xb5: {  	[sflag:s29] =	ssyncadd.s32 $0xFFFFFFFF  }
0xb6: {  	_ =	strace $0x90000048  }
0xb7: {  	_ =	sfence  }
0xb8: {  	s30 =	sld [smem:$0x0];
	_ =	sdelay $0x2  }
0xb9: {  	s31 =	sshll.u32 s1, $0xD;
	s1 =	sshrl.u32 s1, $0x2  }
0xba: {  	s3 =	sand.u32 $0x4000, s31;
	s1 =	sadd.s32 s1, s30  }
0xbb: {  	s0 =	sor.u32 s3, s0;
	s1 =	sshll.u32 s1, $0x11  }
0xbc: {  	s0 =	sor.u32 s1, s0  }
0xbd: {  	s0 =	sadd.s32 $0x8F2B, s0  }
0xbe: {  	[sflag:s0] =	ssyncadd.remote.s32 $0x1  }
0xbf: {  	_ =	sfence.sel $0xFFFF  }
0xc0: {  	[dreg:$0x0] =	wrdreg $0xFFFFFFFF;
	(pc) =	sbr.abs _section_cstart, $3  }
0xc1: {  	[dreg:$0x1] =	wrdreg $0xFFFFFFFF  }
0xc2: {  	_ =	task.clear_ibuf [dreg:s7], $0x2FFFF;
	_ =	strace $0x9FFFFFFF  }
0xc3: {  	(tm) =	ssettm $0x7FFFFFFF  }
tec
execute0_lowered:
.L_overlay_start_1:
0x0: {  	(tag) =	ssettag $0x1  }
0x1: {  	s1 =	rddreg [dreg:$0x0]  }
0x2: {  	s0 =	rddreg [dreg:$0x1]  }
0x3: {  	s2 =	srdreg.scid;
	s3 =	rddreg [dreg:$0x2]  }
0x4: {  	s12 =	stileid.u32;
	s5 =	simm.s32 $0x0;
	s28 =	simm.s32 $0x5C00  }
0x5: {  	s29 =	simm.s32 $0x2;
	s30 =	simm.s32 $0x1;
	s31 =	simm.s32 $0x8400  }
0x6: {  	s2 =	sand.u32 $0x1, s2;
	[smem:$0x7FF] =	sst s5;
	s8 =	smul.u32 $0x14000, s12  }
0x7: {  	s5 =	sadd.s32 $0x2800, s0;
	s4 =	sshll.u32 s2, $0x4;
	s7 =	smul.u32 $0x140000, s2  }
0x8: {  	_ =	strace $0x80000047;
	s2 =	ssub.s32 $0x2, s2;
	s4 =	sor.u32 s12, s4  }
0x9: {  	s10 =	sshrl.u32 s2, $0x1;
	s13 =	sadd.s32 $0xA000, s8;
	s15 =	sadd.s32 $0xC800, s8  }
0xa: {  	s17 =	sadd.s32 $0xF000, s8;
	s22 =	sshll.u32 s4, $0xB;
	s6 =	sadd.s32 s7, s8  }
0xb: {  	s2 =	ssub.s32 s2, s10;
	s10 =	sor.u32 $0x2800, s8;
	s18 =	sadd.s32 s7, s13  }
0xc: {  	s19 =	sadd.s32 s7, s15;
	s20 =	sadd.s32 s7, s17;
	s13 =	sadd.s32 s13, s3  }
0xd: {  	s15 =	sadd.s32 s15, s3;
	s11 =	sshrl.u32 s6, $0x3;
	s6 =	smul.u32 $0x5000, s4  }
0xe: {  	s9 =	sadd.s32 s22, s0;
	s0 =	sadd.s32 $0x26800, s0;
	s4 =	smul.u32 $0x50000, s12  }
0xf: {  	s12 =	sadd.s32 $0x7800, s8;
	s14 =	sadd.s32 s7, s10;
	s26 =	sshrl.u32 s18, $0x3  }
0x10: {  	s21 =	sshrl.u32 s20, $0x3;
	s2 =	smax.u32 s2, $0x1;
	[dreg:$0x10] =	wrdreg s13  }
0x11: {  	s10 =	sadd.s32 s10, s3;
	[dreg:$0x11] =	wrdreg s15;
	s23 =	sadd.s32 s0, s11  }
0x12: {  	s11 =	sadd.s32 $0x5000, s8;
	s14 =	sshrl.u32 s14, $0x3;
	[dreg:$0xe] =	wrdreg s2  }
0x13: {  	s8 =	sadd.s32 $0x11800, s8;
	s18 =	sadd.s32 s0, s26;
	[dreg:$0x4] =	wrdreg s23  }
0x14: {  	s16 =	sadd.s32 s7, s12;
	s12 =	sadd.s32 s12, s3;
	[dreg:$0x8] =	wrdreg s18  }
0x15: {  	s2 =	simm.s32 $0x50;
	s14 =	sadd.s32 s0, s14;
	[dreg:$0xf] =	wrdreg s12  }
0x16: {  	s24 =	sadd.s32 s7, s11;
	s23 =	sadd.s32 $0x16800, s9;
	[dreg:$0x5] =	wrdreg s14  }
0x17: {  	s25 =	sshrl.u32 s16, $0x3;
	s16 =	sadd.s32 s17, s3;
	[dreg:$0xc] =	wrdreg s23  }
0x18: {  	s22 =	sshrl.u32 s6, $0x3;
	s17 =	sadd.s32 s8, s3;
	[dreg:$0x12] =	wrdreg s16  }
0x19: {  	s14 =	sshrl.u32 s24, $0x3;
	s24 =	sadd.s32 s5, s22;
	[dreg:$0x13] =	wrdreg s17  }
0x1a: {  	s7 =	sadd.s32 s7, s8;
	s14 =	sadd.s32 s0, s14;
	[dreg:$0xd] =	wrdreg s24  }
0x1b: {  	s11 =	sadd.s32 s11, s3;
	[dreg:$0x6] =	wrdreg s14;
	s14 =	sadd.s32 s0, s25  }
0x1c: {  	s26 =	sadd.s32 $0x200, s24;
	[dreg:$0x7] =	wrdreg s14;
	s14 =	sshrl.u32 s19, $0x3  }
0x1d: {  	s7 =	sshrl.u32 s7, $0x3;
	[dreg:$0x14] =	wrdreg s26;
	s14 =	sadd.s32 s0, s14  }
0x1e: {  	s25 =	sshrl.u32 s4, $0x2;
	[dreg:$0x9] =	wrdreg s14;
	s14 =	sadd.s32 s0, s21  }
0x1f: {  	s4 =	simm.s32 $0x0;
	s0 =	sadd.s32 s0, s7;
	[dreg:$0xa] =	wrdreg s14  }
0x20: {  	v0 =	vimm.f32 $0.0e+00;
	[dreg:$0xb] =	wrdreg s0;
	s14 =	sadd.s32 s25, s3;
	s0 =	simm.s32 $0x4  }
.LBB2_1:
0x21: {  	s7 =	simm.s32 $0x0;
	s8 =	rddreg [dreg:$0xc]  }
0x22: {  	[tilespmem:s7], [sflag:$0x1] =	stream.linear.gather [hbm4b:s8+s7], $0x3E80, $0x38;
	[tilespmem:$0x1EC00] =	vst v63  }
0x23: {  	s7 =	simm.s32 $0x0;
	s8 =	simm.s32 $0x200  }
.LBB2_2:
0x24: {  	p0 =	sne.s32 s8, $0x9E00;
	[tilespmem:s7+$0x5C70] =	vst v0  }
0x25: {  	[tilespmem:s7+$0x5C00] =	vst v0  }
0x26: {  	[tilespmem:s7+$0x5C10] =	vst v0  }
.Ltmp0:
0x27: {  	[tilespmem:s7+$0x5C20] =	vst v0;
	(pc) =	sbr.rel @p0 .LBB2_2-.Ltmp0, $4  }
0x28: {  	[tilespmem:s7+$0x5C30] =	vst v0  }
0x29: {  	[tilespmem:s7+$0x5C40] =	vst v0  }
0x2a: {  	[tilespmem:s7+$0x5C50] =	vst v0  }
0x2b: {  	[tilespmem:s7+$0x5C60] =	vst v0;
	s7 =	sshra.s32 s8, $0x2;
	s8 =	sadd.s32 $0x200, s8  }
0x2c: {  	[tilespmem:s7+$0x5C70] =	vst v0  }
0x2d: {  	[tilespmem:s7+$0x5C00] =	vst v0  }
0x2e: {  	[tilespmem:s7+$0x5C10] =	vst v0  }
0x2f: {  	[tilespmem:s7+$0x5C20] =	vst v0  }
0x30: {  	[tilespmem:s7+$0x5C30] =	vst v0  }
0x31: {  	[tilespmem:s7+$0x5C40] =	vst v0  }
0x32: {  	[tilespmem:s7+$0x5C50] =	vst v0  }
0x33: {  	[tilespmem:s7+$0x5C60] =	vst v0  }
0x34: {  	[spmem:s14] =	stream.linear.scatter [tilespmem:s28], [sflag:$0x2], $0x2800, $0x38;
	[tilespmem:$0x1EC00] =	vst v63  }
0x35: {  	_ = 	snop  }
0x36: {  	[spmem:s10] =	stream.linear.scatter [tilespmem:s28], [sflag:$0x2], $0x2800, $0x38;
	[tilespmem:$0x1EC00] =	vst v63  }
0x37: {  	_ = 	snop  }
0x38: {  	[spmem:s11] =	stream.linear.scatter [tilespmem:s28], [sflag:$0x2], $0x2800, $0x38;
	[tilespmem:$0x1EC00] =	vst v63  }
0x39: {  	_ = 	snop  }
0x3a: {  	[spmem:s12] =	stream.linear.scatter [tilespmem:s28], [sflag:$0x2], $0x2800, $0x38;
	[tilespmem:$0x1EC00] =	vst v63  }
0x3b: {  	_ = 	snop  }
0x3c: {  	[spmem:s13] =	stream.linear.scatter [tilespmem:s28], [sflag:$0x2], $0x2800, $0x38;
	[tilespmem:$0x1EC00] =	vst v63  }
0x3d: {  	_ = 	snop  }
0x3e: {  	[spmem:s15] =	stream.linear.scatter [tilespmem:s28], [sflag:$0x2], $0x2800, $0x38;
	[tilespmem:$0x1EC00] =	vst v63  }
0x3f: {  	_ = 	snop  }
0x40: {  	[spmem:s16] =	stream.linear.scatter [tilespmem:s28], [sflag:$0x2], $0x2800, $0x38;
	[tilespmem:$0x1EC00] =	vst v63  }
0x41: {  	_ = 	snop  }
0x42: {  	[spmem:s17] =	stream.linear.scatter [tilespmem:s28], [sflag:$0x2], $0x2800, $0x38;
	[tilespmem:$0x1EC00] =	vst v63  }
0x43: {  	_ =	swait.ge [sflag:s29], $0x2800  }
0x44: {  	[sflag:s29] =	ssyncset.done $0x0  }
0x45: {  	[sflag:s29] =	ssyncadd.s32 $0xFFFFD800  }
0x46: {  	_ =	swait.ge [sflag:s29], $0x2800  }
0x47: {  	[sflag:s29] =	ssyncset.done $0x0  }
0x48: {  	[sflag:s29] =	ssyncadd.s32 $0xFFFFD800  }
0x49: {  	_ =	swait.ge [sflag:s29], $0x2800  }
0x4a: {  	[sflag:s29] =	ssyncset.done $0x0  }
0x4b: {  	[sflag:s29] =	ssyncadd.s32 $0xFFFFD800  }
0x4c: {  	_ =	swait.ge [sflag:s29], $0x2800  }
0x4d: {  	[sflag:s29] =	ssyncset.done $0x0  }
0x4e: {  	[sflag:s29] =	ssyncadd.s32 $0xFFFFD800  }
0x4f: {  	_ =	swait.ge [sflag:s29], $0x2800  }
0x50: {  	[sflag:s29] =	ssyncset.done $0x0  }
0x51: {  	[sflag:s29] =	ssyncadd.s32 $0xFFFFD800  }
0x52: {  	_ =	swait.ge [sflag:s29], $0x2800  }
0x53: {  	[sflag:s29] =	ssyncset.done $0x0  }
0x54: {  	[sflag:s29] =	ssyncadd.s32 $0xFFFFD800  }
0x55: {  	_ =	swait.ge [sflag:s29], $0x2800  }
0x56: {  	[sflag:s29] =	ssyncset.done $0x0  }
0x57: {  	[sflag:s29] =	ssyncadd.s32 $0xFFFFD800  }
0x58: {  	_ =	swait.ge [sflag:s29], $0x2800  }
0x59: {  	[sflag:s29] =	ssyncset.done $0x0  }
0x5a: {  	s23 =	smov.u32 s14;
	[sflag:s29] =	ssyncadd.s32 $0xFFFFD800  }
0x5b: {  	s24 =	smov.u32 s10;
	s9 =	simm.s32 $0x4000;
	_ =	swait.ge [sflag:s30], $0x3E80  }
0x5c: {  	s19 =	simm.s32 $0x1;
	s14 =	simm.s32 $0x0;
	[sflag:s30] =	ssyncset.done $0x0  }
0x5d: {  	s15 =	smul.u32 $0x29, s14;
	s8 =	rddreg [dreg:$0xd];
	[sflag:s30] =	ssyncadd.s32 $0xFFFFC180  }
0x5e: {  	[tilespmem:s9], [sflag:$0x4] =	stream.linear.gather [hbm4b:s8+s14], $0xC80, $0x38;
	[tilespmem:$0x1EC00] =	vst v63  }
0x5f: {  	s10 =	smul.u32 $0x29, s19;
	s8 =	sshrl.u32 s15, $0xA;
	_ =	swait.ge [sflag:s0], $0xC80  }
0x60: {  	s17 =	simm.s32 $0x4C80;
	s8 =	sand.u32 $0x3F, s8;
	[sflag:s0] =	ssyncset.done $0x0  }
0x61: {  	s16 =	rddreg [dreg:$0x14];
	s18 =	smul.u32 $0x19, s8;
	[sflag:s0] =	ssyncadd.s32 $0xFFFFF380  }
0x62: {  	[tilespmem:s17], [sflag:$0x3] =	stream.linear.gather [hbm4b:s16+s14], $0xC80, $0x38;
	[tilespmem:$0x1EC00] =	vst v63  }
0x63: {  	s25 =	smov.u32 s11;
	p1 =	por $0x1, $0x1;
	s7 =	ssub.s32 $0x0, s18  }
0x64: {  	s21 =	sshrl.u32 s10, $0xA;
	[bflag:$0x0] =	sbarrier.arrive $0xFFFF;
	s9 =	sand.u32 @!p1 $0xFF, s7  }
0x65: {  	[tilespmem:s28], [sflag:$0x1] =	stream.indirect.gather [hbm4b:s1+s2], $0x80, s14, s2, $0xb8;
	[tilespmem:$0x1EC00] =	vst v63  }
0x66: {  	s20 =	simm.s32 $0x80;
	p0 =	sne.s32 @!p1 s9, $0x0;
	s9 =	sand.u32 $0x3F, s21  }
0x67: {  	s26 =	simm.s32 $0x100;
	p5 =	por p0, p1;
	s22 =	smul.u32 $0x19, s9  }
0x68: {  	[tilespmem:s31], [sflag:$0x2] =	stream.indirect.gather [hbm4b:s1+s2], $0x80, s20, s2, $0xb8;
	[tilespmem:$0x1EC00] =	vst v63  }
0x69: {  	s7 =	sand.u32 $0xFF, s7;
	p4 =	por @!p5 $0x0, $0x0;
	s12 =	simm.s32 @!p5 $0x3  }
0x6a: {  	p2 =	por @!p1 p4, p0;
	s11 =	ssub.s32 $0x1, s22;
	_ =	swait.ge @!p5 [sflag:s12], $0xC80  }
0x6b: {  	p3 =	por p2, p1;
	p2 =	por $0x1, $0x1;
	[sflag:s12] =	ssyncset.done @!p5 $0x0  }
0x6c: {  	s10 =	sadd.s32 @!p3 $0x1, s8;
	s13 =	sand.u32 @!p2 $0xFF, s11;
	[sflag:s12] =	ssyncadd.s32 @!p5 $0xFFFFF380  }
0x6d: {  	s12 =	simm.s32 @!p3 $0x0;
	s8 =	sand.u32 $0x1, s8;
	s14 =	sand.u32 @!p3 $0x1, s10  }
0x6e: {  	s11 =	sand.u32 $0xFF, s11;
	s10 =	sshll.u32 @!p3 s10, $0xC;
	p6 =	seq.s32 @!p3 s14, $0x1  }
0x6f: {  	s14 =	simm.s32 @!p3 $0x4C80;
	p6 =	por @!p5 !p6, p4;
	p4 =	sne.s32 @!p2 s13, $0x0  }
0x70: {  	s10 =	sadd.s32 @!p3 s6, s10;
	p5 =	por @!p1 !p6, p0;
	p0 =	por p4, p2  }
0x71: {  	s10 =	sshrl.u32 @!p3 s10, $0x3;
	p1 =	por !p5, p1;
	p5 =	por @!p0 $0x0, $0x0  }
0x72: {  	s10 =	sadd.s32 @!p3 s5, s10;
	s14 =	simm.s32 @p1 $0x4000;
	p1 =	por @!p2 p5, p4  }
0x73: {  	[tilespmem:s14], [sflag:$0x3] =	stream.linear.gather @!p3 [hbm4b:s10+s12], $0xC80, $0x38;
	[tilespmem:$0x1EC00] =	vst v63  }
0x74: {  	s15 =	simm.s32 @!p0 $0x3;
	p1 =	por p1, p2;
	p3 =	seq.s32 s8, $0x1  }
0x75: {  	s8 =	simm.s32 $0x19;
	s14 =	simm.s32 $0x19;
	s12 =	sadd.s32 @!p1 $0x1, s9  }
0x76: {  	s8 =	simm.s32 @!p3 $0x0;
	s9 =	sand.u32 $0x1, s9;
	_ =	swait.ge [sflag:s30], $0x2800  }
0x77: {  	s10 =	sand.u32 @!p1 $0x1, s12;
	s7 =	sadd.s32 s7, s8;
	s8 =	simm.s32 $0x1  }
0x78: {  	[sflag:s30] =	ssyncset.done $0x0;
	s12 =	sshll.u32 @!p1 s12, $0xC;
	p6 =	seq.s32 @!p1 s10, $0x1  }
0x79: {  	s7 =	sshll.u32 s7, $0x7;
	[sflag:s30] =	ssyncadd.s32 $0xFFFFD800;
	s10 =	simm.s32 $0x2  }
0x7a: {  	s12 =	sadd.s32 @!p1 s6, s12;
	p3 =	por @!p0 !p6, p5;
	s7 =	sadd.s32 $0x4000, s7  }
0x7b: {  	p3 =	por @!p2 !p3, p4;
	p4 =	seq.s32 s9, $0x1;
	s9 =	simm.s32 $0x2  }
0x7c: {  	[spmem:s3] =	stream.indirect.scatter.add.f32 [tilespmem:s28], [sflag:$0x4], $0x80, s7, s2, $0xb8;
	[tilespmem:$0x1EC00] =	vst v63  }
0x7d: {  	s7 =	simm.s32 $0x200;
	s14 =	simm.s32 @!p4 $0x0;
	_ =	swait.ge [sflag:s0], $0x2800  }
0x7e: {  	p4 =	por !p3, p2;
	s13 =	smul.u32 $0x29, s9;
	[sflag:s0] =	ssyncset.done $0x0  }
0x7f: {  	s14 =	sadd.s32 s11, s14;
	s11 =	sshrl.u32 @!p1 s12, $0x3;
	[sflag:s0] =	ssyncadd.s32 $0xFFFFD800  }
0x80: {  	[tilespmem:s28], [sflag:$0x1] =	stream.indirect.gather [hbm4b:s1+s2], $0x80, s26, s2, $0xb8;
	[tilespmem:$0x1EC00] =	vst v63  }
0x81: {  	s17 =	sshll.u32 s14, $0x7;
	s26 =	sadd.s32 @!p1 s5, s11;
	s11 =	simm.s32 $0x4  }
.LBB2_4:
0x82: {  	s16 =	smul.u32 $0x29, s11  }
0x83: {  	s14 =	smov.u32 s8;
	s8 =	smov.u32 s10;
	s10 =	sadd.s32 $0x1, s10  }
0x84: {  	_ =	swait.ge @!p0 [sflag:s15], $0xC80;
	s18 =	simm.s32 @!p1 $0x0;
	s13 =	sshrl.u32 s13, $0xA  }
0x85: {  	s19 =	simm.s32 @!p1 $0x4C80;
	s22 =	sadd.s32 $0xFFFFFF80, s7;
	p3 =	slt.u32 s14, $0xD  }
0x86: {  	[sflag:s15] =	ssyncset.done @!p0 $0x0;
	s20 =	sand.u32 $0x3F, s13;
	s19 =	simm.s32 @p4 $0x4000  }
0x87: {  	p4 =	slt.u32 s14, $0xC;
	[sflag:s15] =	ssyncadd.s32 @!p0 $0xFFFFF380;
	s13 =	smul.u32 $0x19, s20  }
0x88: {  	[tilespmem:s19], [sflag:$0x3] =	stream.linear.gather @!p1 [hbm4b:s26+s18], $0xC80, $0x38;
	[tilespmem:$0x1EC00] =	vst v63  }
0x89: {  	s26 =	sand.u32 $0x1, s20;
	s18 =	sadd.s32 $0x4000, s17;
	s17 =	simm.s32 $0x19  }
0x8a: {  	_ =	swait.ge [sflag:s29], $0x2800;
	p0 =	seq.s32 s26, $0x1;
	s13 =	ssub.s32 s9, s13  }
0x8b: {  	[sflag:s29] =	ssyncset.done $0x0;
	s17 =	simm.s32 @!p0 $0x0;
	s19 =	sand.u32 $0xFF, s13  }
0x8c: {  	s13 =	sand.u32 @!p3 $0xFF, s13;
	p0 =	sne.s32 s10, $0x3D;
	[sflag:s29] =	ssyncadd.s32 $0xFFFFD800  }
0x8d: {  	p1 =	sne.s32 @!p3 s13, $0x0;
	s21 =	sadd.s32 s19, s17;
	s15 =	simm.s32 @!p0 $0x0  }
0x8e: {  	[spmem:s3] =	stream.indirect.scatter.add.f32 [tilespmem:s31], [sflag:$0x4], $0x80, s18, s2, $0xb8;
	[tilespmem:$0x1EC00] =	vst v63  }
0x8f: {  	s17 =	sadd.s32 $0x1, s9;
	s13 =	smov.u32 s16;
	s15 =	simm.s32 @p0 $0x1  }
0x90: {  	s26 =	smul.u32 $0x29, s17;
	s18 =	simm.s32 @!p1 $0x0;
	p6 =	por p1, p3  }
0x91: {  	_ =	swait.ge [sflag:s0], $0x2800;
	s18 =	simm.s32 @p1 $0x1;
	p2 =	sgt.u32 @!p6 s14, $0x31  }
0x92: {  	[sflag:s0] =	ssyncset.done $0x0;
	[smem:$0x7FD] =	sst s15;
	s15 =	sshll.u32 s21, $0x7  }
0x93: {  	s19 =	sshrl.u32 s26, $0xA;
	[smem:$0x7FC] =	sst s18;
	p1 =	por @!p3 p2, p1  }
0x94: {  	s26 =	simm.s32 $0x19;
	[sflag:s0] =	ssyncadd.s32 $0xFFFFD800;
	s16 =	sand.u32 $0x3F, s19  }
0x95: {  	s19 =	simm.s32 @!p6 $0x3;
	p1 =	por p1, p3;
	s21 =	smul.u32 $0x19, s16  }
0x96: {  	[tilespmem:s31], [sflag:$0x2] =	stream.indirect.gather [hbm4b:s1+s2], $0x80, s22, s2, $0xb8;
	[tilespmem:$0x1EC00] =	vst v63  }
0x97: {  	s22 =	sand.u32 $0x1, s16;
	s18 =	sadd.s32 @!p1 $0x1, s20;
	s17 =	ssub.s32 s17, s21  }
0x98: {  	p5 =	seq.s32 s22, $0x1;
	_ =	swait.ge @!p6 [sflag:s19], $0xC80;
	s20 =	sand.u32 @!p4 $0xFF, s17  }
0x99: {  	s26 =	simm.s32 @!p5 $0x0;
	p5 =	sne.s32 @!p4 s20, $0x0;
	s20 =	sld [smem:$0x7FC]  }
0x9a: {  	s21 =	sshll.u32 @!p1 s18, $0xC;
	s18 =	sand.u32 @!p1 $0x1, s18  }
0x9b: {  	s22 =	simm.s32 @!p1 $0x4C80;
	[sflag:s19] =	ssyncset.done @!p6 $0x0;
	p0 =	seq.s32 @!p1 s18, $0x1  }
0x9c: {  	s18 =	sadd.s32 @!p1 s6, s21;
	p0 =	por @!p6 !p0, p2;
	p2 =	seq.s32 s20, $0x1  }
0x9d: {  	[sflag:s19] =	ssyncadd.s32 @!p6 $0xFFFFF380;
	s18 =	sshrl.u32 @!p1 s18, $0x3;
	p2 =	por @!p3 !p0, p2  }
0x9e: {  	s18 =	sadd.s32 @!p1 s5, s18;
	p0 =	por p5, p4;
	p3 =	por !p2, p3  }
0x9f: {  	p2 =	sgt.u32 @!p0 s14, $0x31;
	s14 =	simm.s32 @!p1 $0x0;
	s22 =	simm.s32 @p3 $0x4000  }
0xa0: {  	[tilespmem:s22], [sflag:$0x3] =	stream.linear.gather @!p1 [hbm4b:s18+s14], $0xC80, $0x38;
	[tilespmem:$0x1EC00] =	vst v63  }
0xa1: {  	p3 =	por @!p4 p2, p5;
	_ =	swait.ge [sflag:s30], $0x2800  }
0xa2: {  	p1 =	por p3, p4;
	[sflag:s30] =	ssyncset.done $0x0  }
0xa3: {  	s21 =	sadd.s32 $0x4000, s15;
	s16 =	sadd.s32 @!p1 $0x1, s16;
	[sflag:s30] =	ssyncadd.s32 $0xFFFFD800  }
0xa4: {  	[spmem:s3] =	stream.indirect.scatter.add.f32 [tilespmem:s28], [sflag:$0x4], $0x80, s21, s2, $0xb8;
	[tilespmem:$0x1EC00] =	vst v63  }
0xa5: {  	s18 =	sshll.u32 @!p1 s16, $0xC;
	s16 =	sand.u32 @!p1 $0x1, s16;
	_ =	swait.ge [sflag:s0], $0x2800  }
0xa6: {  	p3 =	seq.s32 @!p1 s16, $0x1;
	s22 =	sld [smem:$0x7FD]  }
0xa7: {  	p2 =	por @!p0 !p3, p2  }
0xa8: {  	s12 =	smov.u32 s7;
	p2 =	por @!p4 !p2, p5  }
0xa9: {  	s7 =	sadd.s32 $0x100, s7;
	p4 =	por !p2, p4;
	p2 =	seq.s32 s22, $0x1  }
.Ltmp1:
0xaa: {  	s9 =	smov.u32 s11;
	s17 =	sand.u32 $0xFF, s17;
	(pc) =	sbr.rel @p2 .LBB2_4-.Ltmp1, $4  }
0xab: {  	s11 =	sadd.s32 $0x2, s11;
	s17 =	sadd.s32 s17, s26;
	s14 =	sadd.s32 @!p1 s6, s18  }
0xac: {  	s17 =	sshll.u32 s17, $0x7;
	s14 =	sshrl.u32 @!p1 s14, $0x3;
	[sflag:s0] =	ssyncset.done $0x0  }
0xad: {  	s15 =	simm.s32 @!p0 $0x3;
	s26 =	sadd.s32 @!p1 s5, s14;
	[sflag:s0] =	ssyncadd.s32 $0xFFFFD800  }
0xae: {  	[tilespmem:s28], [sflag:$0x1] =	stream.indirect.gather [hbm4b:s1+s2], $0x80, s12, s2, $0xb8;
	[tilespmem:$0x1EC00] =	vst v63  }
0xaf: {  	_ =	swait.ge @!p0 [sflag:s15], $0xC80  }
0xb0: {  	s10 =	simm.s32 @!p1 $0x4C80;
	s11 =	simm.s32 @!p1 $0x0;
	[sflag:s15] =	ssyncset.done @!p0 $0x0  }
0xb1: {  	s20 =	sshrl.u32 s13, $0xA;
	s10 =	simm.s32 @p4 $0x4000;
	[sflag:s15] =	ssyncadd.s32 @!p0 $0xFFFFF380  }
0xb2: {  	[tilespmem:s10], [sflag:$0x3] =	stream.linear.gather @!p1 [hbm4b:s26+s11], $0xC80, $0x38;
	[tilespmem:$0x1EC00] =	vst v63  }
0xb3: {  	s10 =	sand.u32 $0x3F, s20  }
0xb4: {  	_ =	swait.ge [sflag:s29], $0x2800;
	s21 =	smul.u32 $0x19, s10  }
0xb5: {  	s12 =	sadd.s32 $0x4000, s17;
	[sflag:s29] =	ssyncset.done $0x0  }
0xb6: {  	p0 =	slt.u32 s8, $0xD;
	[sflag:s29] =	ssyncadd.s32 $0xFFFFD800;
	s11 =	ssub.s32 s9, s21  }
0xb7: {  	[spmem:s3] =	stream.indirect.scatter.add.f32 [tilespmem:s31], [sflag:$0x4], $0x80, s12, s2, $0xb8;
	[tilespmem:$0x1EC00] =	vst v63  }
0xb8: {  	s12 =	sand.u32 @!p0 $0xFF, s11  }
0xb9: {  	s22 =	sadd.s32 $0xFFFFFF80, s7;
	_ =	swait.ge [sflag:s0], $0x2800;
	p1 =	sne.s32 @!p0 s12, $0x0  }
0xba: {  	s26 =	sadd.s32 $0x1, s9;
	[sflag:s0] =	ssyncset.done $0x0;
	p3 =	por p1, p0  }
0xbb: {  	s15 =	smul.u32 $0x29, s26;
	[sflag:s0] =	ssyncadd.s32 $0xFFFFD800;
	p4 =	sgt.u32 @!p3 s8, $0x31  }
0xbc: {  	[tilespmem:s31], [sflag:$0x2] =	stream.indirect.gather [hbm4b:s1+s2], $0x80, s22, s2, $0xb8;
	[tilespmem:$0x1EC00] =	vst v63  }
0xbd: {  	s12 =	sshrl.u32 s15, $0xA;
	p2 =	por @!p0 p4, p1  }
0xbe: {  	s12 =	sand.u32 $0x3F, s12;
	p2 =	por p2, p0  }
0xbf: {  	s14 =	smul.u32 $0x19, s12;
	s16 =	simm.s32 @!p3 $0x3;
	s13 =	sadd.s32 @!p2 $0x1, s10  }
0xc0: {  	_ =	swait.ge @!p3 [sflag:s16], $0xC80;
	s15 =	sand.u32 @!p2 $0x1, s13  }
0xc1: {  	s9 =	ssub.s32 s26, s14;
	[sflag:s16] =	ssyncset.done @!p3 $0x0;
	p5 =	seq.s32 @!p2 s15, $0x1  }
0xc2: {  	s13 =	sshll.u32 @!p2 s13, $0xC;
	[sflag:s16] =	ssyncadd.s32 @!p3 $0xFFFFF380;
	p4 =	por @!p3 !p5, p4  }
0xc3: {  	s16 =	simm.s32 @!p2 $0x0;
	s13 =	sadd.s32 @!p2 s6, s13;
	p1 =	por @!p0 !p4, p1  }
0xc4: {  	s15 =	simm.s32 @!p2 $0x4C80;
	s13 =	sshrl.u32 @!p2 s13, $0x3;
	p0 =	por !p1, p0  }
0xc5: {  	s13 =	sadd.s32 @!p2 s5, s13;
	s15 =	simm.s32 @p0 $0x4000;
	p0 =	slt.u32 s8, $0xC  }
0xc6: {  	[tilespmem:s15], [sflag:$0x3] =	stream.linear.gather @!p2 [hbm4b:s13+s16], $0xC80, $0x38;
	[tilespmem:$0x1EC00] =	vst v63  }
0xc7: {  	s13 =	sand.u32 @!p0 $0xFF, s9  }
0xc8: {  	s10 =	sand.u32 $0x1, s10;
	p2 =	sne.s32 @!p0 s13, $0x0  }
0xc9: {  	p3 =	seq.s32 s10, $0x1;
	s10 =	simm.s32 $0x19;
	p1 =	por p2, p0  }
0xca: {  	s10 =	simm.s32 @!p3 $0x0;
	s16 =	sand.u32 $0xFF, s11;
	p4 =	sgt.u32 @!p1 s8, $0x31  }
0xcb: {  	_ =	swait.ge [sflag:s30], $0x2800;
	s8 =	sadd.s32 s16, s10;
	p3 =	por @!p0 p4, p2  }
0xcc: {  	[sflag:s30] =	ssyncset.done $0x0;
	s8 =	sshll.u32 s8, $0x7;
	p3 =	por p3, p0  }
0xcd: {  	[sflag:s30] =	ssyncadd.s32 $0xFFFFD800;
	s8 =	sadd.s32 $0x4000, s8;
	s10 =	sadd.s32 @!p3 $0x1, s12  }
0xce: {  	[spmem:s3] =	stream.indirect.scatter.add.f32 [tilespmem:s28], [sflag:$0x4], $0x80, s8, s2, $0xb8;
	[tilespmem:$0x1EC00] =	vst v63  }
0xcf: {  	s8 =	sand.u32 @!p3 $0x1, s10;
	_ =	swait.ge [sflag:s0], $0x2800  }
0xd0: {  	s17 =	sand.u32 $0x1, s12;
	p5 =	seq.s32 @!p3 s8, $0x1;
	[sflag:s0] =	ssyncset.done $0x0  }
0xd1: {  	s8 =	simm.s32 @!p1 $0x3;
	p4 =	por @!p1 !p5, p4;
	[sflag:s0] =	ssyncadd.s32 $0xFFFFD800  }
0xd2: {  	[tilespmem:s28], [sflag:$0x1] =	stream.indirect.gather [hbm4b:s1+s2], $0x80, s7, s2, $0xb8;
	[tilespmem:$0x1EC00] =	vst v63  }
0xd3: {  	p2 =	por @!p0 !p4, p2;
	s7 =	sshll.u32 @!p3 s10, $0xC;
	_ =	swait.ge @!p1 [sflag:s8], $0xC80  }
0xd4: {  	p0 =	por !p2, p0;
	s7 =	sadd.s32 @!p3 s6, s7;
	[sflag:s8] =	ssyncset.done @!p1 $0x0  }
0xd5: {  	s7 =	sshrl.u32 @!p3 s7, $0x3;
	[sflag:s8] =	ssyncadd.s32 @!p1 $0xFFFFF380;
	s8 =	simm.s32 @!p3 $0x4C80  }
0xd6: {  	s10 =	simm.s32 @!p3 $0x0;
	s7 =	sadd.s32 @!p3 s5, s7;
	s8 =	simm.s32 @p0 $0x4000  }
0xd7: {  	[tilespmem:s8], [sflag:$0x3] =	stream.linear.gather @!p3 [hbm4b:s7+s10], $0xC80, $0x38;
	[tilespmem:$0x1EC00] =	vst v63  }
0xd8: {  	p0 =	seq.s32 s17, $0x1;
	s7 =	simm.s32 $0x19  }
0xd9: {  	s18 =	sand.u32 $0xFF, s9;
	s7 =	simm.s32 @!p0 $0x0  }
0xda: {  	_ =	swait.ge [sflag:s29], $0x2800;
	s7 =	sadd.s32 s18, s7  }
0xdb: {  	[sflag:s29] =	ssyncset.done $0x0;
	s7 =	sshll.u32 s7, $0x7  }
0xdc: {  	[sflag:s29] =	ssyncadd.s32 $0xFFFFD800;
	s7 =	sadd.s32 $0x4000, s7  }
0xdd: {  	[spmem:s3] =	stream.indirect.scatter.add.f32 [tilespmem:s31], [sflag:$0x4], $0x80, s7, s2, $0xb8;
	[tilespmem:$0x1EC00] =	vst v63  }
0xde: {  	_ =	swait.ge [sflag:s0], $0x2800  }
0xdf: {  	[sflag:s0] =	ssyncset.done $0x0  }
0xe0: {  	s19 =	simm.s32 $0x3D80;
	[sflag:s0] =	ssyncadd.s32 $0xFFFFD800  }
0xe1: {  	[tilespmem:s31], [sflag:$0x2] =	stream.indirect.gather [hbm4b:s1+s2], $0x80, s19, s2, $0xb8;
	[tilespmem:$0x1EC00] =	vst v63  }
0xe2: {  	_ =	swait.ge [sflag:s30], $0x2800  }
0xe3: {  	[sflag:s30] =	ssyncset.done $0x0  }
0xe4: {  	s20 =	simm.s32 $0x4B00;
	[sflag:s30] =	ssyncadd.s32 $0xFFFFD800  }
0xe5: {  	[spmem:s3] =	stream.indirect.scatter.add.f32 [tilespmem:s28], [sflag:$0x4], $0x80, s20, s2, $0xb8;
	[tilespmem:$0x1EC00] =	vst v63  }
0xe6: {  	_ =	swait.ge [sflag:s0], $0x2800  }
0xe7: {  	[sflag:s0] =	ssyncset.done $0x0  }
0xe8: {  	s21 =	simm.s32 $0x3E00;
	[sflag:s0] =	ssyncadd.s32 $0xFFFFD800  }
0xe9: {  	[tilespmem:s28], [sflag:$0x1] =	stream.indirect.gather [hbm4b:s1+s2], $0x80, s21, s2, $0xb8;
	[tilespmem:$0x1EC00] =	vst v63  }
0xea: {  	_ =	swait.ge [sflag:s29], $0x2800  }
0xeb: {  	[sflag:s29] =	ssyncset.done $0x0  }
0xec: {  	s22 =	simm.s32 $0x4B80;
	[sflag:s29] =	ssyncadd.s32 $0xFFFFD800  }
0xed: {  	[spmem:s3] =	stream.indirect.scatter.add.f32 [tilespmem:s31], [sflag:$0x4], $0x80, s22, s2, $0xb8;
	[tilespmem:$0x1EC00] =	vst v63  }
0xee: {  	_ =	swait.ge [sflag:s0], $0x2800  }
0xef: {  	[sflag:s0] =	ssyncset.done $0x0  }
0xf0: {  	[sflag:s0] =	ssyncadd.s32 $0xFFFFD800  }
0xf1: {  	_ =	swait.ge [sflag:s30], $0x2800  }
0xf2: {  	[sflag:s30] =	ssyncset.done $0x0  }
0xf3: {  	s26 =	simm.s32 $0x4C00;
	[sflag:s30] =	ssyncadd.s32 $0xFFFFD800  }
0xf4: {  	[spmem:s3] =	stream.indirect.scatter.add.f32 [tilespmem:s28], [sflag:$0x4], $0x80, s26, s2, $0xb8;
	[tilespmem:$0x1EC00] =	vst v63  }
0xf5: {  	_ =	swait.ge [sflag:s0], $0x2800  }
0xf6: {  	[sflag:s0] =	ssyncset.done $0x0  }
0xf7: {  	s8 =	stileid.u32;
	[sflag:s0] =	ssyncadd.s32 $0xFFFFD800  }
0xf8: {  	s7 =	sshll.u32 s8, $0x6;
	[bflag:$0x0] =	sbarrier.arrive $0xFFFF  }
0xf9: {  	s9 =	sshrl.u32 s23, $0x3;
	s7 =	sor.u32 $0x1C04, s7;
	s10 =	rddreg [dreg:$0x4]  }
0xfa: {  	[hbm:s10], [sflag:s7] =	dma.local [spmem:s9], $0x500  }
0xfb: {  	_ =	swait.ge [sflag:s0], $0x500  }
0xfc: {  	[sflag:s0] =	ssyncset.done $0x0  }
0xfd: {  	s11 =	sshrl.u32 s24, $0x3;
	s12 =	rddreg [dreg:$0x5];
	[sflag:s0] =	ssyncadd.s32 $0xFFFFFB00  }
0xfe: {  	[hbm:s12], [sflag:s7] =	dma.local [spmem:s11], $0x500  }
0xff: {  	_ =	swait.ge [sflag:s0], $0x500  }
0x100: {  	[sflag:s0] =	ssyncset.done $0x0  }
0x101: {  	s13 =	sshrl.u32 s25, $0x3;
	s15 =	rddreg [dreg:$0x6];
	[sflag:s0] =	ssyncadd.s32 $0xFFFFFB00  }
0x102: {  	[hbm:s15], [sflag:s7] =	dma.local [spmem:s13], $0x500  }
0x103: {  	_ =	swait.ge [sflag:s0], $0x500  }
0x104: {  	[sflag:s0] =	ssyncset.done $0x0;
	s12 =	rddreg [dreg:$0xf]  }
0x105: {  	s17 =	rddreg [dreg:$0x7];
	[sflag:s0] =	ssyncadd.s32 $0xFFFFFB00;
	s16 =	sshrl.u32 s12, $0x3  }
0x106: {  	[hbm:s17], [sflag:s7] =	dma.local [spmem:s16], $0x500  }
0x107: {  	_ =	swait.ge [sflag:s0], $0x500  }
0x108: {  	[sflag:s0] =	ssyncset.done $0x0;
	s13 =	rddreg [dreg:$0x10]  }
0x109: {  	s19 =	rddreg [dreg:$0x8];
	[sflag:s0] =	ssyncadd.s32 $0xFFFFFB00;
	s18 =	sshrl.u32 s13, $0x3  }
0x10a: {  	[hbm:s19], [sflag:s7] =	dma.local [spmem:s18], $0x500  }
0x10b: {  	_ =	swait.ge [sflag:s0], $0x500  }
0x10c: {  	[sflag:s0] =	ssyncset.done $0x0;
	s15 =	rddreg [dreg:$0x11]  }
0x10d: {  	s21 =	rddreg [dreg:$0x9];
	[sflag:s0] =	ssyncadd.s32 $0xFFFFFB00;
	s20 =	sshrl.u32 s15, $0x3  }
0x10e: {  	[hbm:s21], [sflag:s7] =	dma.local [spmem:s20], $0x500  }
0x10f: {  	_ =	swait.ge [sflag:s0], $0x500  }
0x110: {  	s14 =	smov.u32 s23;
	[sflag:s0] =	ssyncset.done $0x0;
	s16 =	rddreg [dreg:$0x12]  }
0x111: {  	s23 =	rddreg [dreg:$0xa];
	[sflag:s0] =	ssyncadd.s32 $0xFFFFFB00;
	s22 =	sshrl.u32 s16, $0x3  }
0x112: {  	[hbm:s23], [sflag:s7] =	dma.local [spmem:s22], $0x500  }
0x113: {  	s10 =	smov.u32 s24;
	_ =	swait.ge [sflag:s0], $0x500  }
0x114: {  	s11 =	smov.u32 s25;
	[sflag:s0] =	ssyncset.done $0x0;
	s17 =	rddreg [dreg:$0x13]  }
0x115: {  	s25 =	rddreg [dreg:$0xb];
	[sflag:s0] =	ssyncadd.s32 $0xFFFFFB00;
	s24 =	sshrl.u32 s17, $0x3  }
0x116: {  	[hbm:s25], [sflag:s7] =	dma.local [spmem:s24], $0x500  }
0x117: {  	_ =	swait.ge [sflag:s0], $0x500  }
0x118: {  	s4 =	sadd.s32 $0x1, s4;
	s26 =	rddreg [dreg:$0xe]  }
0x119: {  	p0 =	sne.s32 s4, s26  }
.Ltmp2:
0x11a: {  	_ = 	snop;
	(pc) =	sbr.rel @p0 .LBB2_1-.Ltmp2, $3  }
0x11b: {  	_ =	sdelay $0x1  }
0x11c: {  	[sflag:s0] =	ssyncset.done $0x0  }
0x11d: {  	[sflag:s0] =	ssyncadd.s32 $0xFFFFFB00  }
0x11e: {  	_ =	sfence.sel $0x180000  }
0x11f: {  	[bflag:$0x0] =	sbarrier.arrive $0xFFFF  }
0x120: {  	_ =	strace $0x90000047  }
0x121: {  	s0 =	stileid.u32;
	[bflag:$0x2] =	sbarrier.arrive $0xFFFF  }
0x122: {  	p0 =	sne.s32 s0, $0x0;
	s0 =	rddreg [dreg:$0x3]  }
0x123: {  	s0 =	sadd.s32 @!p0 $0x100000, s0  }
0x124: {  	[sflag:s0] =	ssyncadd.tile.s32 @!p0 $0x1;
	_ =	shalt  }
.Lfunc_end2:
_tile_overlayer_lowered:
.L_overlay_start_2:
0x125: {  	(tag) =	ssettag $0x2  }
0x126: {  	s0 =	rddreg [dreg:$0x0];
	s2 =	stileid.u32  }
0x127: {  	s1 =	rddreg [dreg:$0x1];
	p0 =	sne.s32 s2, $0x0  }
0x128: {  	s3 =	rddreg [dreg:$0x2];
	[bflag:$0x3] =	sbarrier.arrive $0xFFFF;
	s2 =	simm.s32 @!p0 $0x1C04  }
0x129: {  	[timem:s3], [sflag:s2] =	dma.local @!p0 [hbm:s0], s1  }
0x12a: {  	s0 =	simm.s32 @!p0 $0x4  }
0x12b: {  	_ =	swait.ge @!p0 [sflag:s0], s1  }
0x12c: {  	s1 =	ssub.s32 @!p0 $0x0, s1;
	[sflag:s0] =	ssyncset.done @!p0 $0x0  }
0x12d: {  	[sflag:s0] =	ssyncadd.s32 @!p0 s1  }
0x12e: {  	[bflag:$0x3] =	sbarrier.arrive $0xFFFF  }
0x12f: {  	_ =	shalt  }

</sc_bundles>
